<compile_context>
chip_gen: v7x
topology: tpu7x:2x2x1
jax: 0.10.2.dev20260603
libtpu: 0.0.44.dev20260713+nightly
codegen_flags: <defaults>
</compile_context>

<pallas_src>
import functools

import jax
import jax.numpy as jnp
from jax import lax
from jax.experimental import pallas as pl
from jax.experimental.pallas import tpu as pltpu
from jax.experimental.pallas import tpu_sc as plsc

N_NODES = 10000
N_EDGES = 320000
D_IN = 128
D_EDGE = 16
D = 64

NC = 2
NS = 16
NW = NC * NS
EPW = N_EDGES // NW
EB = 80
NBLK = EPW // EB
ACC_W = 80
RCH = 80
NCHT = N_NODES // RCH
NCH_LOOP = -(-NCHT // NS)



def _proj_body(x_ref, wq_ref, bq_ref, wk_ref, bk_ref, wv_ref, bv_ref,
               q_ref, kv_ref):
    xb = x_ref[...]
    q_ref[...] = (jnp.dot(xb, wq_ref[...], preferred_element_type=jnp.float32)
                  + bq_ref[...]) * 0.125
    kb = jnp.dot(xb, wk_ref[...], preferred_element_type=jnp.float32) + bk_ref[...]
    vb = jnp.dot(xb, wv_ref[...], preferred_element_type=jnp.float32) + bv_ref[...]
    kv_ref[...] = jnp.concatenate([kb, vb], axis=1)


def _proj(x, wq, bq, wk, bk, wv, bv):
    n, din = x.shape
    rb = 2000
    w_spec = pl.BlockSpec((din, D), lambda i: (0, 0))
    b_spec = pl.BlockSpec((1, D), lambda i: (0, 0))
    return pl.pallas_call(
        _proj_body,
        grid=(n // rb,),
        in_specs=[pl.BlockSpec((rb, din), lambda i: (i, 0)),
                  w_spec, b_spec, w_spec, b_spec, w_spec, b_spec],
        out_specs=[pl.BlockSpec((rb, D), lambda i: (i, 0)),
                   pl.BlockSpec((rb, 2 * D), lambda i: (i, 0))],
        out_shape=[jax.ShapeDtypeStruct((n, D), jnp.float32),
                   jax.ShapeDtypeStruct((n, 2 * D), jnp.float32)],
    )(x, wq, bq.reshape(1, D), wk, bk.reshape(1, D), wv, bv.reshape(1, D))


def _edge_body(a_ref, w0_ref, b0_ref, w1_ref, b1_ref, e0_ref, e1_ref):
    ab = a_ref[...]
    e0_ref[...] = jnp.dot(ab, w0_ref[...], preferred_element_type=jnp.float32) + b0_ref[...]
    e1_ref[...] = jnp.dot(ab, w1_ref[...], preferred_element_type=jnp.float32) + b1_ref[...]


def _edge_embed(edge_attr, w0, b0, w1, b1):
    ea2 = edge_attr.reshape(N_EDGES // 2, 2 * D_EDGE)
    z = jnp.zeros((D_EDGE, D), jnp.float32)
    w20 = jnp.concatenate(
        [jnp.concatenate([w0, z], axis=1), jnp.concatenate([z, w0], axis=1)],
        axis=0)
    w21 = jnp.concatenate(
        [jnp.concatenate([w1, z], axis=1), jnp.concatenate([z, w1], axis=1)],
        axis=0)
    b20 = jnp.concatenate([b0, b0]).reshape(1, 2 * D)
    b21 = jnp.concatenate([b1, b1]).reshape(1, 2 * D)
    rb = 4000
    w_spec = pl.BlockSpec((2 * D_EDGE, 2 * D), lambda i: (0, 0))
    b_spec = pl.BlockSpec((1, 2 * D), lambda i: (0, 0))
    return pl.pallas_call(
        _edge_body,
        grid=(N_EDGES // 2 // rb,),
        in_specs=[pl.BlockSpec((rb, 2 * D_EDGE), lambda i: (i, 0)),
                  w_spec, b_spec, w_spec, b_spec],
        out_specs=[pl.BlockSpec((rb, 2 * D), lambda i: (i, 0))] * 2,
        out_shape=[jax.ShapeDtypeStruct((N_EDGES // 2, 2 * D), jnp.float32)] * 2,
    )(ea2, w20, b20, w21, b21)


def _mid_body(p0_ref, p1_ref, wq_ref, bq_ref, wk_ref, bk_ref, wv_ref, bv_ref,
              q_ref, kv_ref):
    ps = p0_ref[...] + p1_ref[...]
    num = ps[:, :D]
    den = ps[:, D:D + 1]
    h = jnp.maximum(num / (den + 1e-16), 0.0)
    q_ref[...] = (jnp.dot(h, wq_ref[...], preferred_element_type=jnp.float32)
                  + bq_ref[...]) * 0.125
    kb = jnp.dot(h, wk_ref[...], preferred_element_type=jnp.float32) + bk_ref[...]
    vb = jnp.dot(h, wv_ref[...], preferred_element_type=jnp.float32) + bv_ref[...]
    kv_ref[...] = jnp.concatenate([kb, vb], axis=1)


def _mid(p, wq, bq, wk, bk, wv, bv):
    rb = 2000
    nb = N_NODES // rb
    w_spec = pl.BlockSpec((D, D), lambda i: (0, 0))
    b_spec = pl.BlockSpec((1, D), lambda i: (0, 0))
    return pl.pallas_call(
        _mid_body,
        grid=(nb,),
        in_specs=[pl.BlockSpec((rb, ACC_W), lambda i: (i, 0)),
                  pl.BlockSpec((rb, ACC_W), lambda i: (i + nb, 0)),
                  w_spec, b_spec, w_spec, b_spec, w_spec, b_spec],
        out_specs=[pl.BlockSpec((rb, D), lambda i: (i, 0)),
                   pl.BlockSpec((rb, 2 * D), lambda i: (i, 0))],
        out_shape=[jax.ShapeDtypeStruct((N_NODES, D), jnp.float32),
                   jax.ShapeDtypeStruct((N_NODES, 2 * D), jnp.float32)],
    )(p, p, wq, bq.reshape(1, D), wk, bk.reshape(1, D), wv, bv.reshape(1, D))


def _final_body(p0_ref, p1_ref, o_ref):
    ps = p0_ref[...] + p1_ref[...]
    o_ref[...] = ps[:, :D] / (ps[:, D:D + 1] + 1e-16)


def _final(p):
    rb = 2000
    nb = N_NODES // rb
    return pl.pallas_call(
        _final_body,
        grid=(nb,),
        in_specs=[pl.BlockSpec((rb, ACC_W), lambda i: (i, 0)),
                  pl.BlockSpec((rb, ACC_W), lambda i: (i + nb, 0))],
        out_specs=pl.BlockSpec((rb, D), lambda i: (i, 0)),
        out_shape=jax.ShapeDtypeStruct((N_NODES, D), jnp.float32),
    )(p, p)



_GATHER_DNUMS = lax.GatherDimensionNumbers(
    offset_dims=(), collapsed_slice_dims=(0,), start_index_map=(0,))


def _lane_shuffle(vv, idx):
    return lax.gather(vv, idx[:, None], _GATHER_DNUMS, (1,),
                      mode=lax.GatherScatterMode.PROMISE_IN_BOUNDS)

def _sc_attention(q, kv, e2, src3, dst3):
    mesh = plsc.VectorSubcoreMesh(core_axis_name="c", subcore_axis_name="s")

    @functools.partial(
        pl.kernel,
        out_type=jax.ShapeDtypeStruct((NC * N_NODES, ACC_W), jnp.float32),
        mesh=mesh,
        scratch_types=[
            pltpu.VMEM((NBLK, EB), jnp.int32),
            pltpu.VMEM((NBLK, EB), jnp.int32),
            pltpu.VMEM((EB, D), jnp.float32),
            pltpu.VMEM((EB, 2 * D), jnp.float32),
            pltpu.VMEM((EB // 2, 2 * D), jnp.float32),
            pltpu.VMEM((EB, D), jnp.float32),
            pltpu.VMEM((EB, 2 * D), jnp.float32),
            pltpu.VMEM((EB // 2, 2 * D), jnp.float32),
            pltpu.VMEM((EB, ACC_W), jnp.float32),
            pltpu.VMEM((EB, ACC_W), jnp.float32),
            pltpu.VMEM((RCH, ACC_W), jnp.float32),
            pltpu.VMEM_SHARED((N_NODES, ACC_W), jnp.float32),
            pltpu.SemaphoreType.DMA,
            pltpu.SemaphoreType.DMA,
            pltpu.SemaphoreType.DMA,
            pltpu.SemaphoreType.DMA,
            pltpu.SemaphoreType.DMA,
            pltpu.SemaphoreType.DMA,
            pltpu.SemaphoreType.DMA,
            pltpu.SemaphoreType.DMA,
        ],
        compiler_params=pltpu.CompilerParams(use_tc_tiling_on_sc=False),
    )
    def sc_kernel(q_hbm, kv_hbm, e_hbm, src_hbm, dst_hbm, out_hbm,
                  src2d, dst2d, qg0, kvg0, eg0, qg1, kvg1, eg1,
                  sbuf0, sbuf1, zbuf, acc,
                  sq0, skv0, se0, sq1, skv1, se1, ssc0, ssc1):
        c = lax.axis_index("c")
        s = lax.axis_index("s")
        wid = c * NS + s

        @pl.loop(0, RCH)
        def _zero_rows(i):
            for j in range(ACC_W // 16):
                zbuf[i, pl.ds(j * 16, 16)] = jnp.zeros((16,), jnp.float32)

        @pl.loop(0, NCH_LOOP)
        def _zero_acc(jc):
            m = s + jc * NS
            @pl.when(m < NCHT)
            def _():
                pltpu.sync_copy(zbuf, acc.at[pl.ds(m * RCH, RCH)])

        pltpu.sync_copy(src_hbm.at[wid], src2d)
        pltpu.sync_copy(dst_hbm.at[wid], dst2d)

        plsc.subcore_barrier()

        lane = lax.iota(jnp.int32, 16)
        onehot0 = jnp.where(lane == 0, 1.0, 0.0).astype(jnp.float32)
        ebase0 = wid * (EPW // 2)

        slots = ((qg0, kvg0, eg0, sq0, skv0, se0, sbuf0, ssc0),
                 (qg1, kvg1, eg1, sq1, skv1, se1, sbuf1, ssc1))

        def issue(b, slot):
            qg, kvg, eg, sq, skv, se, _, _ = slots[slot]
            pltpu.async_copy(q_hbm.at[dst2d.at[b]], qg, sq)
            pltpu.async_copy(kv_hbm.at[src2d.at[b]], kvg, skv)
            pltpu.async_copy(
                e_hbm.at[pl.ds(ebase0 + b * (EB // 2), EB // 2)], eg, se)

        def wait(slot):
            qg, kvg, eg, sq, skv, se, _, _ = slots[slot]
            pltpu.make_async_copy(q_hbm.at[dst2d.at[0]], qg, sq).wait()
            pltpu.make_async_copy(kv_hbm.at[src2d.at[0]], kvg, skv).wait()
            pltpu.make_async_copy(
                e_hbm.at[pl.ds(0, EB // 2)], eg, se).wait()

        def compute_and_scatter(b, slot):
            qg, kvg, eg, _, _, _, sbuf, ssc = slots[slot]

            @pl.when(b >= 2)
            def _():
                pltpu.make_async_copy(sbuf, acc.at[dst2d.at[0]], ssc).wait()

            @pl.loop(0, EB // 2, unroll=2)
            def _edge_pairs(j):
                for half in range(2):
                    i = 2 * j + half
                    eoff = half * D
                    ev = [eg[j, pl.ds(eoff + 16 * t, 16)] for t in range(4)]
                    prod = (qg[i, pl.ds(0, 16)] * (kvg[i, pl.ds(0, 16)] + ev[0])
                            + qg[i, pl.ds(16, 16)] * (kvg[i, pl.ds(16, 16)] + ev[1])
                            + qg[i, pl.ds(32, 16)] * (kvg[i, pl.ds(32, 16)] + ev[2])
                            + qg[i, pl.ds(48, 16)] * (kvg[i, pl.ds(48, 16)] + ev[3]))
                    for sh in (8, 4, 2, 1):
                        idx = lane ^ sh
                        prod = prod + _lane_shuffle(prod, idx)
                    ew = jnp.exp(prod)
                    for t in range(4):
                        sbuf[i, pl.ds(16 * t, 16)] = ew * (
                            kvg[i, pl.ds(D + 16 * t, 16)] + ev[t])
                    sbuf[i, pl.ds(D, 16)] = ew * onehot0

            pltpu.async_copy(sbuf, acc.at[dst2d.at[b]], ssc, add=True)

        issue(0, 0)

        @pl.loop(0, (NBLK + 1) // 2)
        def _pairs(p):
            b0 = 2 * p
            b1 = b0 + 1

            @pl.when(b1 < NBLK)
            def _():
                issue(b1, 1)

            wait(0)
            compute_and_scatter(b0, 0)

            @pl.when(b1 < NBLK)
            def _():
                @pl.when(b1 + 1 < NBLK)
                def _():
                    issue(b1 + 1, 0)

                wait(1)
                compute_and_scatter(b1, 1)

        pltpu.make_async_copy(sbuf0, acc.at[dst2d.at[0]], ssc0).wait()
        pltpu.make_async_copy(sbuf1, acc.at[dst2d.at[0]], ssc1).wait()

        plsc.subcore_barrier()

        @pl.loop(0, NCH_LOOP)
        def _copy_out(jc):
            m = s + jc * NS
            @pl.when(m < NCHT)
            def _():
                off = m * RCH
                pltpu.sync_copy(acc.at[pl.ds(off, RCH)], zbuf)
                pltpu.sync_copy(zbuf, out_hbm.at[pl.ds(c * N_NODES + off, RCH)])

    return sc_kernel(q, kv, e2, src3, dst3)



def kernel(x, edge_index, edge_attr, Wq0, bq0, Wk0, bk0, Wv0, bv0, We0, be0,
           Wq1, bq1, Wk1, bk1, Wv1, bv1, We1, be1):
    src3 = edge_index[0].reshape(NW, NBLK, EB)
    dst3 = edge_index[1].reshape(NW, NBLK, EB)
    q0, kv0 = _proj(x, Wq0, bq0, Wk0, bk0, Wv0, bv0)
    e0, e1 = _edge_embed(edge_attr, We0, be0, We1, be1)
    p0 = _sc_attention(q0, kv0, e0, src3, dst3)
    q1, kv1 = _mid(p0, Wq1, bq1, Wk1, bk1, Wv1, bv1)
    p1 = _sc_attention(q1, kv1, e1, src3, dst3)
    return _final(p1)

# --- scband reference (transcript-rebuilt; emitter-appended) ---
"""Pipeline reference for scband-net-71829033058511 (READ-ONLY COPY).

The authoritative reference and input builder live on the scoring server;
editing this copy changes nothing except your own understanding.
"""

import jax, jax.numpy as jnp
import numpy as np

N_NODES = 10000
N_EDGES = 320000
D_IN = 128
D_EDGE = 16
D = 64


def _transformer_conv(x, src, dst, edge_attr, Wq, bq, Wk, bk, Wv, bv, We, be):
    # Single-head PyG-style TransformerConv with edge features.
    N = x.shape[0]
    q = x @ Wq + bq
    k = x @ Wk + bk
    v = x @ Wv + bv
    e = edge_attr @ We + be
    qi = q[dst]            # gather destination queries per edge
    kj = k[src] + e        # gather source keys per edge, add edge embed
    vj = v[src] + e        # gather source values per edge, add edge embed
    dh = q.shape[1]
    alpha = jnp.sum(qi * kj, axis=-1) / jnp.sqrt(jnp.float32(dh))
    # segment softmax over incoming edges of each dst node
    m = jax.ops.segment_max(alpha, dst, num_segments=N)
    m = jnp.where(jnp.isfinite(m), m, 0.0)
    ex = jnp.exp(alpha - m[dst])
    denom = jax.ops.segment_sum(ex, dst, num_segments=N)
    w = ex / (denom[dst] + 1e-16)
    out = jax.ops.segment_sum(w[:, None] * vj, dst, num_segments=N)
    return out


def setup_inputs(seed: int = 0) -> dict:
    key = jax.random.key(seed)
    ks = [jax.random.fold_in(key, i) for i in range(20)]
    x = jax.random.normal(ks[0], (N_NODES, D_IN), dtype=jnp.float32)
    edge_index = jax.random.randint(ks[1], (2, N_EDGES), 0, N_NODES, dtype=jnp.int32)
    edge_attr = jax.random.normal(ks[2], (N_EDGES, D_EDGE), dtype=jnp.float32)
    s_in = 1.0 / np.sqrt(D_IN)
    s_e = 1.0 / np.sqrt(D_EDGE)
    s_d = 1.0 / np.sqrt(D)
    params = {
        'Wq0': jax.random.normal(ks[3], (D_IN, D), dtype=jnp.float32) * s_in,
        'bq0': jnp.zeros((D,), dtype=jnp.float32),
        'Wk0': jax.random.normal(ks[4], (D_IN, D), dtype=jnp.float32) * s_in,
        'bk0': jnp.zeros((D,), dtype=jnp.float32),
        'Wv0': jax.random.normal(ks[5], (D_IN, D), dtype=jnp.float32) * s_in,
        'bv0': jnp.zeros((D,), dtype=jnp.float32),
        'We0': jax.random.normal(ks[6], (D_EDGE, D), dtype=jnp.float32) * s_e,
        'be0': jnp.zeros((D,), dtype=jnp.float32),
        'Wq1': jax.random.normal(ks[7], (D, D), dtype=jnp.float32) * s_d,
        'bq1': jnp.zeros((D,), dtype=jnp.float32),
        'Wk1': jax.random.normal(ks[8], (D, D), dtype=jnp.float32) * s_d,
        'bk1': jnp.zeros((D,), dtype=jnp.float32),
        'Wv1': jax.random.normal(ks[9], (D, D), dtype=jnp.float32) * s_d,
        'bv1': jnp.zeros((D,), dtype=jnp.float32),
        'We1': jax.random.normal(ks[10], (D_EDGE, D), dtype=jnp.float32) * s_e,
        'be1': jnp.zeros((D,), dtype=jnp.float32),
    }
    inp = {'x': x, 'edge_index': edge_index, 'edge_attr': edge_attr}
    inp.update(params)
    return inp


def reference(x, edge_index, edge_attr, Wq0, bq0, Wk0, bk0, Wv0, bv0, We0, be0,
              Wq1, bq1, Wk1, bk1, Wv1, bv1, We1, be1):
    src = edge_index[0]
    dst = edge_index[1]
    h = _transformer_conv(x, src, dst, edge_attr, Wq0, bq0, Wk0, bk0, Wv0, bv0, We0, be0)
    h = jax.nn.relu(h)
    out = _transformer_conv(h, src, dst, edge_attr, Wq1, bq1, Wk1, bk1, Wv1, bv1, We1, be1)
    return out

if __name__ == "__main__":
    import jax
    _d = setup_inputs()
    print(jax.jit(kernel)(*tuple(_d.values())))

</pallas_src>

<mosaic_0001>
#map = affine_map<(d0, d1) -> (0, 0)>
#map1 = affine_map<(d0, d1) -> (0, 0, 0)>
module attributes {stable_mosaic.version = 14 : i64} {
  func.func @sc_kernel(%arg0: i32, %arg1: i32, %arg2: memref<10000x64xf32, #tpu.memory_space<hbm>>, %arg3: memref<10000x128xf32, #tpu.memory_space<hbm>>, %arg4: memref<160000x128xf32, #tpu.memory_space<hbm>>, %arg5: memref<32x125x80xi32, #tpu.memory_space<hbm>>, %arg6: memref<32x125x80xi32, #tpu.memory_space<hbm>>, %arg7: memref<20000x80xf32, #tpu.memory_space<hbm>>, %arg8: memref<125x80xi32, #tpu.memory_space<vmem>>, %arg9: memref<125x80xi32, #tpu.memory_space<vmem>>, %arg10: memref<80x64xf32, #tpu.memory_space<vmem>>, %arg11: memref<80x128xf32, #tpu.memory_space<vmem>>, %arg12: memref<40x128xf32, #tpu.memory_space<vmem>>, %arg13: memref<80x64xf32, #tpu.memory_space<vmem>>, %arg14: memref<80x128xf32, #tpu.memory_space<vmem>>, %arg15: memref<40x128xf32, #tpu.memory_space<vmem>>, %arg16: memref<80x80xf32, #tpu.memory_space<vmem>>, %arg17: memref<80x80xf32, #tpu.memory_space<vmem>>, %arg18: memref<80x80xf32, #tpu.memory_space<vmem>>, %arg19: memref<10000x80xf32, #tpu.memory_space<vmem_shared>>, %arg20: memref<!tpu.dma_semaphore, #tpu.memory_space<semaphore_mem>>, %arg21: memref<!tpu.dma_semaphore, #tpu.memory_space<semaphore_mem>>, %arg22: memref<!tpu.dma_semaphore, #tpu.memory_space<semaphore_mem>>, %arg23: memref<!tpu.dma_semaphore, #tpu.memory_space<semaphore_mem>>, %arg24: memref<!tpu.dma_semaphore, #tpu.memory_space<semaphore_mem>>, %arg25: memref<!tpu.dma_semaphore, #tpu.memory_space<semaphore_mem>>, %arg26: memref<!tpu.dma_semaphore, #tpu.memory_space<semaphore_mem>>, %arg27: memref<!tpu.dma_semaphore, #tpu.memory_space<semaphore_mem>>) attributes {dimension_semantics = [#tpu.dimension_semantics<core_parallel>, #tpu.dimension_semantics<subcore_parallel>], iteration_bounds = array<i64: 2, 16>, scalar_prefetch = 0 : i64, scratch_operands = 20 : i64, tpu.core_type = #tpu.core_type<sc_vector_subcore>, window_params = [{transform_indices = #map}, {transform_indices = #map}, {transform_indices = #map}, {transform_indices = #map1}, {transform_indices = #map1}, {transform_indices = #map}]} {
    %mul3A = arith.constant 16 : i32
    %mul3A_0 = arith.muli %arg0, %mul3A : i32
    %add3A = arith.addi %mul3A_0, %arg1 : i32
    %scan3A = arith.constant 0 : i32
    %scan3A_1 = arith.constant 80 : i32
    %scan3A_2 = arith.addi %scan3A, %scan3A_1 : i32
    %scan3A_3 = arith.constant 1 : i32
    scf.for %scan3A_59 = %scan3A to %scan3A_2 step %scan3A_3  : i32 {
      %mul3A_60 = arith.constant 1 : i32
      %mul3A_61 = arith.muli %scan3A_59, %mul3A_60 : i32
      %add3A_62 = arith.constant 0 : i32
      %add3A_63 = arith.addi %add3A_62, %mul3A_61 : i32
      %broadcast_in_dim3A_64 = arith.constant 0.000000e+00 : f32
      %broadcast_in_dim3A_65 = vector.broadcast %broadcast_in_dim3A_64 : f32 to vector<16xf32>
      %swap3A = arith.index_cast %add3A_63 : i32 to index
      %swap3A_66 = arith.constant 0 : index
      %swap3A_67 = tpu.vector_load %arg18[%swap3A, %swap3A_66] {strides = array<i32>} : memref<80x80xf32, #tpu.memory_space<vmem>>, vector<1x16xf32>,
      %swap3A_68 = vector.shape_cast %swap3A_67 : vector<1x16xf32> to vector<16xf32>
      %swap3A_69 = vector.shape_cast %broadcast_in_dim3A_65 : vector<16xf32> to vector<1x16xf32>
      tpu.vector_store %arg18[%swap3A, %swap3A_66], %swap3A_69 {strides = array<i32>} : memref<80x80xf32, #tpu.memory_space<vmem>>, vector<1x16xf32>,
      %broadcast_in_dim3A_70 = arith.constant 0.000000e+00 : f32
      %broadcast_in_dim3A_71 = vector.broadcast %broadcast_in_dim3A_70 : f32 to vector<16xf32>
      %swap3A_72 = arith.index_cast %add3A_63 : i32 to index
      %swap3A_73 = arith.constant 16 : index
      %swap3A_74 = tpu.vector_load %arg18[%swap3A_72, %swap3A_73] {strides = array<i32>} : memref<80x80xf32, #tpu.memory_space<vmem>>, vector<1x16xf32>,
      %swap3A_75 = vector.shape_cast %swap3A_74 : vector<1x16xf32> to vector<16xf32>
      %swap3A_76 = vector.shape_cast %broadcast_in_dim3A_71 : vector<16xf32> to vector<1x16xf32>
      tpu.vector_store %arg18[%swap3A_72, %swap3A_73], %swap3A_76 {strides = array<i32>} : memref<80x80xf32, #tpu.memory_space<vmem>>, vector<1x16xf32>,
      %broadcast_in_dim3A_77 = arith.constant 0.000000e+00 : f32
      %broadcast_in_dim3A_78 = vector.broadcast %broadcast_in_dim3A_77 : f32 to vector<16xf32>
      %swap3A_79 = arith.index_cast %add3A_63 : i32 to index
      %swap3A_80 = arith.constant 32 : index
      %swap3A_81 = tpu.vector_load %arg18[%swap3A_79, %swap3A_80] {strides = array<i32>} : memref<80x80xf32, #tpu.memory_space<vmem>>, vector<1x16xf32>,
      %swap3A_82 = vector.shape_cast %swap3A_81 : vector<1x16xf32> to vector<16xf32>
      %swap3A_83 = vector.shape_cast %broadcast_in_dim3A_78 : vector<16xf32> to vector<1x16xf32>
      tpu.vector_store %arg18[%swap3A_79, %swap3A_80], %swap3A_83 {strides = array<i32>} : memref<80x80xf32, #tpu.memory_space<vmem>>, vector<1x16xf32>,
      %broadcast_in_dim3A_84 = arith.constant 0.000000e+00 : f32
      %broadcast_in_dim3A_85 = vector.broadcast %broadcast_in_dim3A_84 : f32 to vector<16xf32>
      %swap3A_86 = arith.index_cast %add3A_63 : i32 to index
      %swap3A_87 = arith.constant 48 : index
      %swap3A_88 = tpu.vector_load %arg18[%swap3A_86, %swap3A_87] {strides = array<i32>} : memref<80x80xf32, #tpu.memory_space<vmem>>, vector<1x16xf32>,
      %swap3A_89 = vector.shape_cast %swap3A_88 : vector<1x16xf32> to vector<16xf32>
      %swap3A_90 = vector.shape_cast %broadcast_in_dim3A_85 : vector<16xf32> to vector<1x16xf32>
      tpu.vector_store %arg18[%swap3A_86, %swap3A_87], %swap3A_90 {strides = array<i32>} : memref<80x80xf32, #tpu.memory_space<vmem>>, vector<1x16xf32>,
      %broadcast_in_dim3A_91 = arith.constant 0.000000e+00 : f32
      %broadcast_in_dim3A_92 = vector.broadcast %broadcast_in_dim3A_91 : f32 to vector<16xf32>
      %swap3A_93 = arith.index_cast %add3A_63 : i32 to index
      %swap3A_94 = arith.constant 64 : index
      %swap3A_95 = tpu.vector_load %arg18[%swap3A_93, %swap3A_94] {strides = array<i32>} : memref<80x80xf32, #tpu.memory_space<vmem>>, vector<1x16xf32>,
      %swap3A_96 = vector.shape_cast %swap3A_95 : vector<1x16xf32> to vector<16xf32>
      %swap3A_97 = vector.shape_cast %broadcast_in_dim3A_92 : vector<16xf32> to vector<1x16xf32>
      tpu.vector_store %arg18[%swap3A_93, %swap3A_94], %swap3A_97 {strides = array<i32>} : memref<80x80xf32, #tpu.memory_space<vmem>>, vector<1x16xf32>,
    }
    %scan3A_4 = arith.constant 80 : i32
    %scan3A_5 = arith.constant 0 : i32
    %scan3A_6 = arith.constant 8 : i32
    %scan3A_7 = arith.addi %scan3A_5, %scan3A_6 : i32
    %scan3A_8 = arith.constant 1 : i32
    scf.for %scan3A_59 = %scan3A_5 to %scan3A_7 step %scan3A_8  : i32 {
      %mul3A_60 = arith.constant 1 : i32
      %mul3A_61 = arith.muli %scan3A_59, %mul3A_60 : i32
      %add3A_62 = arith.constant 0 : i32
      %add3A_63 = arith.addi %add3A_62, %mul3A_61 : i32
      %mul3A_64 = arith.constant 16 : i32
      %mul3A_65 = arith.muli %add3A_63, %mul3A_64 : i32
      %add3A_66 = arith.addi %arg1, %mul3A_65 : i32
      %lt3A = arith.constant 125 : i32
      %lt3A_67 = arith.cmpi slt, %add3A_66, %lt3A : i32
      %convert_element_type3A = arith.extui %lt3A_67 : i1 to i32
      %cond3A = arith.constant 0 : i32
      %cond3A_68 = arith.cmpi ne, %convert_element_type3A, %cond3A : i32
      scf.if %cond3A_68 {
        %mul3A_69 = arith.constant 80 : i32
        %mul3A_70 = arith.muli %add3A_66, %mul3A_69 : i32
        "tpu.region"() ({
          %run_scoped3A = tpu.sem_alloc : memref<!tpu.dma_semaphore, #tpu.memory_space<semaphore_mem>>
          %dma_start3A_71 = arith.constant 0 : i32
          %dma_start3A_72 = tpu.memref_slice %arg19[%mul3A_70, %dma_start3A_71] : memref<10000x80xf32, #tpu.memory_space<vmem_shared>> -> memref<80x80xf32, #tpu.memory_space<vmem_shared>>
          %dma_start3A_73 = arith.constant 0 : i32
          %dma_start3A_74 = tpu.memref_slice %arg19[%mul3A_70, %dma_start3A_73] : memref<10000x80xf32, #tpu.memory_space<vmem_shared>> -> memref<80x80xf32, #tpu.memory_space<vmem_shared>>
          tpu.enqueue_dma source(%arg18 : memref<80x80xf32, #tpu.memory_space<vmem>>) target(%dma_start3A_74 : memref<80x80xf32, #tpu.memory_space<vmem_shared>>) target_semaphore(%run_scoped3A : memref<!tpu.dma_semaphore, #tpu.memory_space<semaphore_mem>>)
          %dma_wait3A_75 = arith.constant 0 : i32
          %dma_wait3A_76 = tpu.memref_slice %arg19[%mul3A_70, %dma_wait3A_75] : memref<10000x80xf32, #tpu.memory_space<vmem_shared>> -> memref<80x80xf32, #tpu.memory_space<vmem_shared>>
          %dma_wait3A_77 = arith.constant 0 : i32
          %dma_wait3A_78 = tpu.memref_slice %arg19[%mul3A_70, %dma_wait3A_77] : memref<10000x80xf32, #tpu.memory_space<vmem_shared>> -> memref<80x80xf32, #tpu.memory_space<vmem_shared>>
          tpu.wait_dma2 semaphore(%run_scoped3A : memref<!tpu.dma_semaphore, #tpu.memory_space<semaphore_mem>>) src(%arg18 : memref<80x80xf32, #tpu.memory_space<vmem>>) dst(%dma_wait3A_78 : memref<80x80xf32, #tpu.memory_space<vmem_shared>>)
          tpu.yield
        }) : () -> ()
      } else {
      }
    }
    %scan3A_9 = arith.constant 8 : i32
    "tpu.region"() ({
      %run_scoped3A = tpu.sem_alloc : memref<!tpu.dma_semaphore, #tpu.memory_space<semaphore_mem>>
      %dma_start3A_59 = arith.constant 0 : i32
      %dma_start3A_60 = arith.constant 0 : i32
      %dma_start3A_61 = tpu.memref_slice %arg5[%add3A, %dma_start3A_59, %dma_start3A_60] : memref<32x125x80xi32, #tpu.memory_space<hbm>> -> memref<1x125x80xi32, #tpu.memory_space<hbm>>
      %dma_start3A_62 = tpu.memref_squeeze %dma_start3A_61 : memref<1x125x80xi32, #tpu.memory_space<hbm>> -> memref<125x80xi32, #tpu.memory_space<hbm>>
      %dma_start3A_63 = arith.constant 0 : i32
      %dma_start3A_64 = arith.constant 0 : i32
      %dma_start3A_65 = tpu.memref_slice %arg5[%add3A, %dma_start3A_63, %dma_start3A_64] : memref<32x125x80xi32, #tpu.memory_space<hbm>> -> memref<1x125x80xi32, #tpu.memory_space<hbm>>
      %dma_start3A_66 = tpu.memref_squeeze %dma_start3A_65 : memref<1x125x80xi32, #tpu.memory_space<hbm>> -> memref<125x80xi32, #tpu.memory_space<hbm>>
      tpu.enqueue_dma source(%dma_start3A_66 : memref<125x80xi32, #tpu.memory_space<hbm>>) target(%arg8 : memref<125x80xi32, #tpu.memory_space<vmem>>) target_semaphore(%run_scoped3A : memref<!tpu.dma_semaphore, #tpu.memory_space<semaphore_mem>>)
      %dma_wait3A_67 = arith.constant 0 : i32
      %dma_wait3A_68 = arith.constant 0 : i32
      %dma_wait3A_69 = tpu.memref_slice %arg5[%add3A, %dma_wait3A_67, %dma_wait3A_68] : memref<32x125x80xi32, #tpu.memory_space<hbm>> -> memref<1x125x80xi32, #tpu.memory_space<hbm>>
      %dma_wait3A_70 = tpu.memref_squeeze %dma_wait3A_69 : memref<1x125x80xi32, #tpu.memory_space<hbm>> -> memref<125x80xi32, #tpu.memory_space<hbm>>
      %dma_wait3A_71 = arith.constant 0 : i32
      %dma_wait3A_72 = arith.constant 0 : i32
      %dma_wait3A_73 = tpu.memref_slice %arg5[%add3A, %dma_wait3A_71, %dma_wait3A_72] : memref<32x125x80xi32, #tpu.memory_space<hbm>> -> memref<1x125x80xi32, #tpu.memory_space<hbm>>
      %dma_wait3A_74 = tpu.memref_squeeze %dma_wait3A_73 : memref<1x125x80xi32, #tpu.memory_space<hbm>> -> memref<125x80xi32, #tpu.memory_space<hbm>>
      tpu.wait_dma2 semaphore(%run_scoped3A : memref<!tpu.dma_semaphore, #tpu.memory_space<semaphore_mem>>) src(%dma_wait3A_74 : memref<125x80xi32, #tpu.memory_space<hbm>>) dst(%arg8 : memref<125x80xi32, #tpu.memory_space<vmem>>)
      tpu.yield
    }) : () -> ()
    "tpu.region"() ({
      %run_scoped3A = tpu.sem_alloc : memref<!tpu.dma_semaphore, #tpu.memory_space<semaphore_mem>>
      %dma_start3A_59 = arith.constant 0 : i32
      %dma_start3A_60 = arith.constant 0 : i32
      %dma_start3A_61 = tpu.memref_slice %arg6[%add3A, %dma_start3A_59, %dma_start3A_60] : memref<32x125x80xi32, #tpu.memory_space<hbm>> -> memref<1x125x80xi32, #tpu.memory_space<hbm>>
      %dma_start3A_62 = tpu.memref_squeeze %dma_start3A_61 : memref<1x125x80xi32, #tpu.memory_space<hbm>> -> memref<125x80xi32, #tpu.memory_space<hbm>>
      %dma_start3A_63 = arith.constant 0 : i32
      %dma_start3A_64 = arith.constant 0 : i32
      %dma_start3A_65 = tpu.memref_slice %arg6[%add3A, %dma_start3A_63, %dma_start3A_64] : memref<32x125x80xi32, #tpu.memory_space<hbm>> -> memref<1x125x80xi32, #tpu.memory_space<hbm>>
      %dma_start3A_66 = tpu.memref_squeeze %dma_start3A_65 : memref<1x125x80xi32, #tpu.memory_space<hbm>> -> memref<125x80xi32, #tpu.memory_space<hbm>>
      tpu.enqueue_dma source(%dma_start3A_66 : memref<125x80xi32, #tpu.memory_space<hbm>>) target(%arg9 : memref<125x80xi32, #tpu.memory_space<vmem>>) target_semaphore(%run_scoped3A : memref<!tpu.dma_semaphore, #tpu.memory_space<semaphore_mem>>)
      %dma_wait3A_67 = arith.constant 0 : i32
      %dma_wait3A_68 = arith.constant 0 : i32
      %dma_wait3A_69 = tpu.memref_slice %arg6[%add3A, %dma_wait3A_67, %dma_wait3A_68] : memref<32x125x80xi32, #tpu.memory_space<hbm>> -> memref<1x125x80xi32, #tpu.memory_space<hbm>>
      %dma_wait3A_70 = tpu.memref_squeeze %dma_wait3A_69 : memref<1x125x80xi32, #tpu.memory_space<hbm>> -> memref<125x80xi32, #tpu.memory_space<hbm>>
      %dma_wait3A_71 = arith.constant 0 : i32
      %dma_wait3A_72 = arith.constant 0 : i32
      %dma_wait3A_73 = tpu.memref_slice %arg6[%add3A, %dma_wait3A_71, %dma_wait3A_72] : memref<32x125x80xi32, #tpu.memory_space<hbm>> -> memref<1x125x80xi32, #tpu.memory_space<hbm>>
      %dma_wait3A_74 = tpu.memref_squeeze %dma_wait3A_73 : memref<1x125x80xi32, #tpu.memory_space<hbm>> -> memref<125x80xi32, #tpu.memory_space<hbm>>
      tpu.wait_dma2 semaphore(%run_scoped3A : memref<!tpu.dma_semaphore, #tpu.memory_space<semaphore_mem>>) src(%dma_wait3A_74 : memref<125x80xi32, #tpu.memory_space<hbm>>) dst(%arg9 : memref<125x80xi32, #tpu.memory_space<vmem>>)
      tpu.yield
    }) : () -> ()
    %barrier3A = arith.constant 0 : index
    tpu.barrier barrier_id(%barrier3A)
    %iota3A = tpu.iota {dimensions = array<i32: 0>} : vector<16xi32>
    %eq3A = arith.constant 0 : i32
    %eq3A_10 = vector.broadcast %eq3A : i32 to vector<16xi32>
    %eq3A_11 = arith.cmpi eq, %iota3A, %eq3A_10 : vector<16xi32>
    %jit3A = arith.constant 1.000000e+00 : f32
    %jit3A_12 = arith.constant 0.000000e+00 : f32
    %broadcast_in_dim3A = vector.broadcast %jit3A : f32 to vector<16xf32>
    %broadcast_in_dim3A_13 = vector.broadcast %jit3A_12 : f32 to vector<16xf32>
    %select_n3A = arith.select %eq3A_11, %broadcast_in_dim3A, %broadcast_in_dim3A_13 : vector<16xi1>, vector<16xf32>
    %mul3A_14 = arith.constant 5000 : i32
    %mul3A_15 = arith.muli %add3A, %mul3A_14 : i32
    %dma_start3A = arith.constant 0 : i32
    %dma_start3A_16 = arith.constant 0 : i32
    %dma_start3A_17 = tpu.memref_slice %arg9[%dma_start3A, %dma_start3A_16] : memref<125x80xi32, #tpu.memory_space<vmem>> -> memref<1x80xi32, #tpu.memory_space<vmem>>
    %dma_start3A_18 = tpu.memref_squeeze %dma_start3A_17 : memref<1x80xi32, #tpu.memory_space<vmem>> -> memref<80xi32, #tpu.memory_space<vmem>>
    %dma_start3A_19 = arith.constant 0 : i32
    %dma_start3A_20 = arith.constant 0 : i32
    %dma_start3A_21 = tpu.memref_slice %arg2[%dma_start3A_19, %dma_start3A_20] : memref<10000x64xf32, #tpu.memory_space<hbm>> -> memref<10000x64xf32, #tpu.memory_space<hbm>>
    tpu.enqueue_indirect_dma source(%dma_start3A_21 : memref<10000x64xf32, #tpu.memory_space<hbm>>) target(%arg10 : memref<80x64xf32, #tpu.memory_space<vmem>>) offsets(%dma_start3A_18 : memref<80xi32, #tpu.memory_space<vmem>>) semaphore(%arg20 : memref<!tpu.dma_semaphore, #tpu.memory_space<semaphore_mem>>)
    %dma_start3A_22 = arith.constant 0 : i32
    %dma_start3A_23 = arith.constant 0 : i32
    %dma_start3A_24 = tpu.memref_slice %arg8[%dma_start3A_22, %dma_start3A_23] : memref<125x80xi32, #tpu.memory_space<vmem>> -> memref<1x80xi32, #tpu.memory_space<vmem>>
    %dma_start3A_25 = tpu.memref_squeeze %dma_start3A_24 : memref<1x80xi32, #tpu.memory_space<vmem>> -> memref<80xi32, #tpu.memory_space<vmem>>
    %dma_start3A_26 = arith.constant 0 : i32
    %dma_start3A_27 = arith.constant 0 : i32
    %dma_start3A_28 = tpu.memref_slice %arg3[%dma_start3A_26, %dma_start3A_27] : memref<10000x128xf32, #tpu.memory_space<hbm>> -> memref<10000x128xf32, #tpu.memory_space<hbm>>
    tpu.enqueue_indirect_dma source(%dma_start3A_28 : memref<10000x128xf32, #tpu.memory_space<hbm>>) target(%arg11 : memref<80x128xf32, #tpu.memory_space<vmem>>) offsets(%dma_start3A_25 : memref<80xi32, #tpu.memory_space<vmem>>) semaphore(%arg21 : memref<!tpu.dma_semaphore, #tpu.memory_space<semaphore_mem>>)
    %add3A_29 = arith.constant 0 : i32
    %add3A_30 = arith.addi %mul3A_15, %add3A_29 : i32
    %dma_start3A_31 = arith.constant 0 : i32
    %dma_start3A_32 = tpu.memref_slice %arg4[%add3A_30, %dma_start3A_31] : memref<160000x128xf32, #tpu.memory_space<hbm>> -> memref<40x128xf32, #tpu.memory_space<hbm>>
    %dma_start3A_33 = arith.constant 0 : i32
    %dma_start3A_34 = tpu.memref_slice %arg4[%add3A_30, %dma_start3A_33] : memref<160000x128xf32, #tpu.memory_space<hbm>> -> memref<40x128xf32, #tpu.memory_space<hbm>>
    tpu.enqueue_dma source(%dma_start3A_34 : memref<40x128xf32, #tpu.memory_space<hbm>>) target(%arg12 : memref<40x128xf32, #tpu.memory_space<vmem>>) target_semaphore(%arg22 : memref<!tpu.dma_semaphore, #tpu.memory_space<semaphore_mem>>)
    %scan3A_35 = arith.constant 0 : i32
    %scan3A_36 = arith.constant 63 : i32
    %scan3A_37 = arith.addi %scan3A_35, %scan3A_36 : i32
    %scan3A_38 = arith.constant 1 : i32
    scf.for %scan3A_59 = %scan3A_35 to %scan3A_37 step %scan3A_38  : i32 {
      %mul3A_60 = arith.constant 1 : i32
      %mul3A_61 = arith.muli %scan3A_59, %mul3A_60 : i32
      %add3A_62 = arith.constant 0 : i32
      %add3A_63 = arith.addi %add3A_62, %mul3A_61 : i32
      %mul3A_64 = arith.constant 2 : i32
      %mul3A_65 = arith.muli %mul3A_64, %add3A_63 : i32
      %add3A_66 = arith.constant 1 : i32
      %add3A_67 = arith.addi %mul3A_65, %add3A_66 : i32
      %lt3A = arith.constant 125 : i32
      %lt3A_68 = arith.cmpi slt, %add3A_67, %lt3A : i32
      %convert_element_type3A = arith.extui %lt3A_68 : i1 to i32
      %cond3A = arith.constant 0 : i32
      %cond3A_69 = arith.cmpi ne, %convert_element_type3A, %cond3A : i32
      scf.if %cond3A_69 {
        %dma_start3A_110 = arith.constant 0 : i32
        %dma_start3A_111 = tpu.memref_slice %arg9[%add3A_67, %dma_start3A_110] : memref<125x80xi32, #tpu.memory_space<vmem>> -> memref<1x80xi32, #tpu.memory_space<vmem>>
        %dma_start3A_112 = tpu.memref_squeeze %dma_start3A_111 : memref<1x80xi32, #tpu.memory_space<vmem>> -> memref<80xi32, #tpu.memory_space<vmem>>
        %dma_start3A_113 = arith.constant 0 : i32
        %dma_start3A_114 = arith.constant 0 : i32
        %dma_start3A_115 = tpu.memref_slice %arg2[%dma_start3A_113, %dma_start3A_114] : memref<10000x64xf32, #tpu.memory_space<hbm>> -> memref<10000x64xf32, #tpu.memory_space<hbm>>
        tpu.enqueue_indirect_dma source(%dma_start3A_115 : memref<10000x64xf32, #tpu.memory_space<hbm>>) target(%arg13 : memref<80x64xf32, #tpu.memory_space<vmem>>) offsets(%dma_start3A_112 : memref<80xi32, #tpu.memory_space<vmem>>) semaphore(%arg23 : memref<!tpu.dma_semaphore, #tpu.memory_space<semaphore_mem>>)
        %dma_start3A_116 = arith.constant 0 : i32
        %dma_start3A_117 = tpu.memref_slice %arg8[%add3A_67, %dma_start3A_116] : memref<125x80xi32, #tpu.memory_space<vmem>> -> memref<1x80xi32, #tpu.memory_space<vmem>>
        %dma_start3A_118 = tpu.memref_squeeze %dma_start3A_117 : memref<1x80xi32, #tpu.memory_space<vmem>> -> memref<80xi32, #tpu.memory_space<vmem>>
        %dma_start3A_119 = arith.constant 0 : i32
        %dma_start3A_120 = arith.constant 0 : i32
        %dma_start3A_121 = tpu.memref_slice %arg3[%dma_start3A_119, %dma_start3A_120] : memref<10000x128xf32, #tpu.memory_space<hbm>> -> memref<10000x128xf32, #tpu.memory_space<hbm>>
        tpu.enqueue_indirect_dma source(%dma_start3A_121 : memref<10000x128xf32, #tpu.memory_space<hbm>>) target(%arg14 : memref<80x128xf32, #tpu.memory_space<vmem>>) offsets(%dma_start3A_118 : memref<80xi32, #tpu.memory_space<vmem>>) semaphore(%arg24 : memref<!tpu.dma_semaphore, #tpu.memory_space<semaphore_mem>>)
        %mul3A_122 = arith.constant 40 : i32
        %mul3A_123 = arith.muli %add3A_67, %mul3A_122 : i32
        %add3A_124 = arith.addi %mul3A_15, %mul3A_123 : i32
        %dma_start3A_125 = arith.constant 0 : i32
        %dma_start3A_126 = tpu.memref_slice %arg4[%add3A_124, %dma_start3A_125] : memref<160000x128xf32, #tpu.memory_space<hbm>> -> memref<40x128xf32, #tpu.memory_space<hbm>>
        %dma_start3A_127 = arith.constant 0 : i32
        %dma_start3A_128 = tpu.memref_slice %arg4[%add3A_124, %dma_start3A_127] : memref<160000x128xf32, #tpu.memory_space<hbm>> -> memref<40x128xf32, #tpu.memory_space<hbm>>
        tpu.enqueue_dma source(%dma_start3A_128 : memref<40x128xf32, #tpu.memory_space<hbm>>) target(%arg15 : memref<40x128xf32, #tpu.memory_space<vmem>>) target_semaphore(%arg25 : memref<!tpu.dma_semaphore, #tpu.memory_space<semaphore_mem>>)
      } else {
      }
      %dma_wait3A_70 = arith.constant 0 : i32
      %dma_wait3A_71 = arith.constant 0 : i32
      %dma_wait3A_72 = tpu.memref_slice %arg9[%dma_wait3A_70, %dma_wait3A_71] : memref<125x80xi32, #tpu.memory_space<vmem>> -> memref<1x80xi32, #tpu.memory_space<vmem>>
      %dma_wait3A_73 = tpu.memref_squeeze %dma_wait3A_72 : memref<1x80xi32, #tpu.memory_space<vmem>> -> memref<80xi32, #tpu.memory_space<vmem>>
      %dma_wait3A_74 = arith.constant 0 : i32
      %dma_wait3A_75 = arith.constant 0 : i32
      %dma_wait3A_76 = tpu.memref_slice %arg2[%dma_wait3A_74, %dma_wait3A_75] : memref<10000x64xf32, #tpu.memory_space<hbm>> -> memref<10000x64xf32, #tpu.memory_space<hbm>>
      tpu.wait_indirect_dma semaphore(%arg20 : memref<!tpu.dma_semaphore, #tpu.memory_space<semaphore_mem>>) src(%dma_wait3A_76 : memref<10000x64xf32, #tpu.memory_space<hbm>>) dst(%arg10 : memref<80x64xf32, #tpu.memory_space<vmem>>)
      %dma_wait3A_77 = arith.constant 0 : i32
      %dma_wait3A_78 = arith.constant 0 : i32
      %dma_wait3A_79 = tpu.memref_slice %arg8[%dma_wait3A_77, %dma_wait3A_78] : memref<125x80xi32, #tpu.memory_space<vmem>> -> memref<1x80xi32, #tpu.memory_space<vmem>>
      %dma_wait3A_80 = tpu.memref_squeeze %dma_wait3A_79 : memref<1x80xi32, #tpu.memory_space<vmem>> -> memref<80xi32, #tpu.memory_space<vmem>>
      %dma_wait3A_81 = arith.constant 0 : i32
      %dma_wait3A_82 = arith.constant 0 : i32
      %dma_wait3A_83 = tpu.memref_slice %arg3[%dma_wait3A_81, %dma_wait3A_82] : memref<10000x128xf32, #tpu.memory_space<hbm>> -> memref<10000x128xf32, #tpu.memory_space<hbm>>
      tpu.wait_indirect_dma semaphore(%arg21 : memref<!tpu.dma_semaphore, #tpu.memory_space<semaphore_mem>>) src(%dma_wait3A_83 : memref<10000x128xf32, #tpu.memory_space<hbm>>) dst(%arg11 : memref<80x128xf32, #tpu.memory_space<vmem>>)
      %dma_wait3A_84 = arith.constant 0 : i32
      %dma_wait3A_85 = arith.constant 0 : i32
      %dma_wait3A_86 = tpu.memref_slice %arg4[%dma_wait3A_84, %dma_wait3A_85] : memref<160000x128xf32, #tpu.memory_space<hbm>> -> memref<40x128xf32, #tpu.memory_space<hbm>>
      %dma_wait3A_87 = arith.constant 0 : i32
      %dma_wait3A_88 = arith.constant 0 : i32
      %dma_wait3A_89 = tpu.memref_slice %arg4[%dma_wait3A_87, %dma_wait3A_88] : memref<160000x128xf32, #tpu.memory_space<hbm>> -> memref<40x128xf32, #tpu.memory_space<hbm>>
      tpu.wait_dma2 semaphore(%arg22 : memref<!tpu.dma_semaphore, #tpu.memory_space<semaphore_mem>>) src(%dma_wait3A_89 : memref<40x128xf32, #tpu.memory_space<hbm>>) dst(%arg12 : memref<40x128xf32, #tpu.memory_space<vmem>>)
      %ge3A = arith.constant 2 : i32
      %ge3A_90 = arith.cmpi sge, %mul3A_65, %ge3A : i32
      %convert_element_type3A_91 = arith.extui %ge3A_90 : i1 to i32
      %cond3A_92 = arith.constant 0 : i32
      %cond3A_93 = arith.cmpi ne, %convert_element_type3A_91, %cond3A_92 : i32
      scf.if %cond3A_93 {
        %dma_wait3A_110 = arith.constant 0 : i32
        %dma_wait3A_111 = arith.constant 0 : i32
        %dma_wait3A_112 = tpu.memref_slice %arg9[%dma_wait3A_110, %dma_wait3A_111] : memref<125x80xi32, #tpu.memory_space<vmem>> -> memref<1x80xi32, #tpu.memory_space<vmem>>
        %dma_wait3A_113 = tpu.memref_squeeze %dma_wait3A_112 : memref<1x80xi32, #tpu.memory_space<vmem>> -> memref<80xi32, #tpu.memory_space<vmem>>
        %dma_wait3A_114 = arith.constant 0 : i32
        %dma_wait3A_115 = arith.constant 0 : i32
        %dma_wait3A_116 = tpu.memref_slice %arg19[%dma_wait3A_114, %dma_wait3A_115] : memref<10000x80xf32, #tpu.memory_space<vmem_shared>> -> memref<10000x80xf32, #tpu.memory_space<vmem_shared>>
        tpu.wait_indirect_dma semaphore(%arg26 : memref<!tpu.dma_semaphore, #tpu.memory_space<semaphore_mem>>) src(%arg16 : memref<80x80xf32, #tpu.memory_space<vmem>>) dst(%dma_wait3A_116 : memref<10000x80xf32, #tpu.memory_space<vmem_shared>>)
      } else {
      }
      %scan3A_94 = arith.constant 0 : i32
      %scan3A_95 = arith.constant 40 : i32
      %scan3A_96 = arith.addi %scan3A_94, %scan3A_95 : i32
      %scan3A_97 = arith.constant 2 : i32
      scf.for %scan3A_110 = %scan3A_94 to %scan3A_96 step %scan3A_97  : i32 {
        %mul3A_111 = arith.constant 1 : i32
        %mul3A_112 = arith.muli %scan3A_110, %mul3A_111 : i32
        %add3A_113 = arith.constant 0 : i32
        %add3A_114 = arith.addi %add3A_113, %mul3A_112 : i32
        %mul3A_115 = arith.constant 2 : i32
        %mul3A_116 = arith.muli %mul3A_115, %add3A_114 : i32
        %add3A_117 = arith.constant 0 : i32
        %add3A_118 = arith.addi %mul3A_116, %add3A_117 : i32
        %get3A = arith.index_cast %add3A_114 : i32 to index
        %get3A_119 = arith.constant 0 : index
        %get3A_120 = tpu.vector_load %arg12[%get3A, %get3A_119] {strides = array<i32>} : memref<40x128xf32, #tpu.memory_space<vmem>>, vector<1x16xf32>,
        %get3A_121 = vector.shape_cast %get3A_120 : vector<1x16xf32> to vector<16xf32>
        %get3A_122 = arith.index_cast %add3A_114 : i32 to index
        %get3A_123 = arith.constant 16 : index
        %get3A_124 = tpu.vector_load %arg12[%get3A_122, %get3A_123] {strides = array<i32>} : memref<40x128xf32, #tpu.memory_space<vmem>>, vector<1x16xf32>,
        %get3A_125 = vector.shape_cast %get3A_124 : vector<1x16xf32> to vector<16xf32>
        %get3A_126 = arith.index_cast %add3A_114 : i32 to index
        %get3A_127 = arith.constant 32 : index
        %get3A_128 = tpu.vector_load %arg12[%get3A_126, %get3A_127] {strides = array<i32>} : memref<40x128xf32, #tpu.memory_space<vmem>>, vector<1x16xf32>,
        %get3A_129 = vector.shape_cast %get3A_128 : vector<1x16xf32> to vector<16xf32>
        %get3A_130 = arith.index_cast %add3A_114 : i32 to index
        %get3A_131 = arith.constant 48 : index
        %get3A_132 = tpu.vector_load %arg12[%get3A_130, %get3A_131] {strides = array<i32>} : memref<40x128xf32, #tpu.memory_space<vmem>>, vector<1x16xf32>,
        %get3A_133 = vector.shape_cast %get3A_132 : vector<1x16xf32> to vector<16xf32>
        %get3A_134 = arith.index_cast %add3A_118 : i32 to index
        %get3A_135 = arith.constant 0 : index
        %get3A_136 = tpu.vector_load %arg10[%get3A_134, %get3A_135] {strides = array<i32>} : memref<80x64xf32, #tpu.memory_space<vmem>>, vector<1x16xf32>,
        %get3A_137 = vector.shape_cast %get3A_136 : vector<1x16xf32> to vector<16xf32>
        %get3A_138 = arith.index_cast %add3A_118 : i32 to index
        %get3A_139 = arith.constant 0 : index
        %get3A_140 = tpu.vector_load %arg11[%get3A_138, %get3A_139] {strides = array<i32>} : memref<80x128xf32, #tpu.memory_space<vmem>>, vector<1x16xf32>,
        %get3A_141 = vector.shape_cast %get3A_140 : vector<1x16xf32> to vector<16xf32>
        %add3A_142 = arith.addf %get3A_141, %get3A_121 : vector<16xf32>
        %mul3A_143 = arith.mulf %get3A_137, %add3A_142 : vector<16xf32>
        %get3A_144 = arith.index_cast %add3A_118 : i32 to index
        %get3A_145 = arith.constant 16 : index
        %get3A_146 = tpu.vector_load %arg10[%get3A_144, %get3A_145] {strides = array<i32>} : memref<80x64xf32, #tpu.memory_space<vmem>>, vector<1x16xf32>,
        %get3A_147 = vector.shape_cast %get3A_146 : vector<1x16xf32> to vector<16xf32>
        %get3A_148 = arith.index_cast %add3A_118 : i32 to index
        %get3A_149 = arith.constant 16 : index
        %get3A_150 = tpu.vector_load %arg11[%get3A_148, %get3A_149] {strides = array<i32>} : memref<80x128xf32, #tpu.memory_space<vmem>>, vector<1x16xf32>,
        %get3A_151 = vector.shape_cast %get3A_150 : vector<1x16xf32> to vector<16xf32>
        %add3A_152 = arith.addf %get3A_151, %get3A_125 : vector<16xf32>
        %mul3A_153 = arith.mulf %get3A_147, %add3A_152 : vector<16xf32>
        %add3A_154 = arith.addf %mul3A_143, %mul3A_153 : vector<16xf32>
        %get3A_155 = arith.index_cast %add3A_118 : i32 to index
        %get3A_156 = arith.constant 32 : index
        %get3A_157 = tpu.vector_load %arg10[%get3A_155, %get3A_156] {strides = array<i32>} : memref<80x64xf32, #tpu.memory_space<vmem>>, vector<1x16xf32>,
        %get3A_158 = vector.shape_cast %get3A_157 : vector<1x16xf32> to vector<16xf32>
        %get3A_159 = arith.index_cast %add3A_118 : i32 to index
        %get3A_160 = arith.constant 32 : index
        %get3A_161 = tpu.vector_load %arg11[%get3A_159, %get3A_160] {strides = array<i32>} : memref<80x128xf32, #tpu.memory_space<vmem>>, vector<1x16xf32>,
        %get3A_162 = vector.shape_cast %get3A_161 : vector<1x16xf32> to vector<16xf32>
        %add3A_163 = arith.addf %get3A_162, %get3A_129 : vector<16xf32>
        %mul3A_164 = arith.mulf %get3A_158, %add3A_163 : vector<16xf32>
        %add3A_165 = arith.addf %add3A_154, %mul3A_164 : vector<16xf32>
        %get3A_166 = arith.index_cast %add3A_118 : i32 to index
        %get3A_167 = arith.constant 48 : index
        %get3A_168 = tpu.vector_load %arg10[%get3A_166, %get3A_167] {strides = array<i32>} : memref<80x64xf32, #tpu.memory_space<vmem>>, vector<1x16xf32>,
        %get3A_169 = vector.shape_cast %get3A_168 : vector<1x16xf32> to vector<16xf32>
        %get3A_170 = arith.index_cast %add3A_118 : i32 to index
        %get3A_171 = arith.constant 48 : index
        %get3A_172 = tpu.vector_load %arg11[%get3A_170, %get3A_171] {strides = array<i32>} : memref<80x128xf32, #tpu.memory_space<vmem>>, vector<1x16xf32>,
        %get3A_173 = vector.shape_cast %get3A_172 : vector<1x16xf32> to vector<16xf32>
        %add3A_174 = arith.addf %get3A_173, %get3A_133 : vector<16xf32>
        %mul3A_175 = arith.mulf %get3A_169, %add3A_174 : vector<16xf32>
        %add3A_176 = arith.addf %add3A_165, %mul3A_175 : vector<16xf32>
        %xor3A = arith.constant 8 : i32
        %xor3A_177 = vector.broadcast %xor3A : i32 to vector<16xi32>
        %xor3A_178 = arith.xori %iota3A, %xor3A_177 : vector<16xi32>
        %broadcast_in_dim3A_179 = vector.shape_cast %xor3A_178 : vector<16xi32> to vector<16x1xi32>
        %gather3A = vector.shape_cast %broadcast_in_dim3A_179 : vector<16x1xi32> to vector<16xi32>
        %gather3A_180 = tpu.dynamic_gather %add3A_176[%gather3A] in [0] : vector<16xf32>, vector<16xi32> -> vector<16xf32>
        %add3A_181 = arith.addf %add3A_176, %gather3A_180 : vector<16xf32>
        %xor3A_182 = arith.constant 4 : i32
        %xor3A_183 = vector.broadcast %xor3A_182 : i32 to vector<16xi32>
        %xor3A_184 = arith.xori %iota3A, %xor3A_183 : vector<16xi32>
        %broadcast_in_dim3A_185 = vector.shape_cast %xor3A_184 : vector<16xi32> to vector<16x1xi32>
        %gather3A_186 = vector.shape_cast %broadcast_in_dim3A_185 : vector<16x1xi32> to vector<16xi32>
        %gather3A_187 = tpu.dynamic_gather %add3A_181[%gather3A_186] in [0] : vector<16xf32>, vector<16xi32> -> vector<16xf32>
        %add3A_188 = arith.addf %add3A_181, %gather3A_187 : vector<16xf32>
        %xor3A_189 = arith.constant 2 : i32
        %xor3A_190 = vector.broadcast %xor3A_189 : i32 to vector<16xi32>
        %xor3A_191 = arith.xori %iota3A, %xor3A_190 : vector<16xi32>
        %broadcast_in_dim3A_192 = vector.shape_cast %xor3A_191 : vector<16xi32> to vector<16x1xi32>
        %gather3A_193 = vector.shape_cast %broadcast_in_dim3A_192 : vector<16x1xi32> to vector<16xi32>
        %gather3A_194 = tpu.dynamic_gather %add3A_188[%gather3A_193] in [0] : vector<16xf32>, vector<16xi32> -> vector<16xf32>
        %add3A_195 = arith.addf %add3A_188, %gather3A_194 : vector<16xf32>
        %xor3A_196 = arith.constant 1 : i32
        %xor3A_197 = vector.broadcast %xor3A_196 : i32 to vector<16xi32>
        %xor3A_198 = arith.xori %iota3A, %xor3A_197 : vector<16xi32>
        %broadcast_in_dim3A_199 = vector.shape_cast %xor3A_198 : vector<16xi32> to vector<16x1xi32>
        %gather3A_200 = vector.shape_cast %broadcast_in_dim3A_199 : vector<16x1xi32> to vector<16xi32>
        %gather3A_201 = tpu.dynamic_gather %add3A_195[%gather3A_200] in [0] : vector<16xf32>, vector<16xi32> -> vector<16xf32>
        %add3A_202 = arith.addf %add3A_195, %gather3A_201 : vector<16xf32>
        %exp3A = math.exp %add3A_202 : vector<16xf32>
        %get3A_203 = arith.index_cast %add3A_118 : i32 to index
        %get3A_204 = arith.constant 64 : index
        %get3A_205 = tpu.vector_load %arg11[%get3A_203, %get3A_204] {strides = array<i32>} : memref<80x128xf32, #tpu.memory_space<vmem>>, vector<1x16xf32>,
        %get3A_206 = vector.shape_cast %get3A_205 : vector<1x16xf32> to vector<16xf32>
        %add3A_207 = arith.addf %get3A_206, %get3A_121 : vector<16xf32>
        %mul3A_208 = arith.mulf %exp3A, %add3A_207 : vector<16xf32>
        %swap3A = arith.index_cast %add3A_118 : i32 to index
        %swap3A_209 = arith.constant 0 : index
        %swap3A_210 = tpu.vector_load %arg16[%swap3A, %swap3A_209] {strides = array<i32>} : memref<80x80xf32, #tpu.memory_space<vmem>>, vector<1x16xf32>,
        %swap3A_211 = vector.shape_cast %swap3A_210 : vector<1x16xf32> to vector<16xf32>
        %swap3A_212 = vector.shape_cast %mul3A_208 : vector<16xf32> to vector<1x16xf32>
        tpu.vector_store %arg16[%swap3A, %swap3A_209], %swap3A_212 {strides = array<i32>} : memref<80x80xf32, #tpu.memory_space<vmem>>, vector<1x16xf32>,
        %get3A_213 = arith.index_cast %add3A_118 : i32 to index
        %get3A_214 = arith.constant 80 : index
        %get3A_215 = tpu.vector_load %arg11[%get3A_213, %get3A_214] {strides = array<i32>} : memref<80x128xf32, #tpu.memory_space<vmem>>, vector<1x16xf32>,
        %get3A_216 = vector.shape_cast %get3A_215 : vector<1x16xf32> to vector<16xf32>
        %add3A_217 = arith.addf %get3A_216, %get3A_125 : vector<16xf32>
        %mul3A_218 = arith.mulf %exp3A, %add3A_217 : vector<16xf32>
        %swap3A_219 = arith.index_cast %add3A_118 : i32 to index
        %swap3A_220 = arith.constant 16 : index
        %swap3A_221 = tpu.vector_load %arg16[%swap3A_219, %swap3A_220] {strides = array<i32>} : memref<80x80xf32, #tpu.memory_space<vmem>>, vector<1x16xf32>,
        %swap3A_222 = vector.shape_cast %swap3A_221 : vector<1x16xf32> to vector<16xf32>
        %swap3A_223 = vector.shape_cast %mul3A_218 : vector<16xf32> to vector<1x16xf32>
        tpu.vector_store %arg16[%swap3A_219, %swap3A_220], %swap3A_223 {strides = array<i32>} : memref<80x80xf32, #tpu.memory_space<vmem>>, vector<1x16xf32>,
        %get3A_224 = arith.index_cast %add3A_118 : i32 to index
        %get3A_225 = arith.constant 96 : index
        %get3A_226 = tpu.vector_load %arg11[%get3A_224, %get3A_225] {strides = array<i32>} : memref<80x128xf32, #tpu.memory_space<vmem>>, vector<1x16xf32>,
        %get3A_227 = vector.shape_cast %get3A_226 : vector<1x16xf32> to vector<16xf32>
        %add3A_228 = arith.addf %get3A_227, %get3A_129 : vector<16xf32>
        %mul3A_229 = arith.mulf %exp3A, %add3A_228 : vector<16xf32>
        %swap3A_230 = arith.index_cast %add3A_118 : i32 to index
        %swap3A_231 = arith.constant 32 : index
        %swap3A_232 = tpu.vector_load %arg16[%swap3A_230, %swap3A_231] {strides = array<i32>} : memref<80x80xf32, #tpu.memory_space<vmem>>, vector<1x16xf32>,
        %swap3A_233 = vector.shape_cast %swap3A_232 : vector<1x16xf32> to vector<16xf32>
        %swap3A_234 = vector.shape_cast %mul3A_229 : vector<16xf32> to vector<1x16xf32>
        tpu.vector_store %arg16[%swap3A_230, %swap3A_231], %swap3A_234 {strides = array<i32>} : memref<80x80xf32, #tpu.memory_space<vmem>>, vector<1x16xf32>,
        %get3A_235 = arith.index_cast %add3A_118 : i32 to index
        %get3A_236 = arith.constant 112 : index
        %get3A_237 = tpu.vector_load %arg11[%get3A_235, %get3A_236] {strides = array<i32>} : memref<80x128xf32, #tpu.memory_space<vmem>>, vector<1x16xf32>,
        %get3A_238 = vector.shape_cast %get3A_237 : vector<1x16xf32> to vector<16xf32>
        %add3A_239 = arith.addf %get3A_238, %get3A_133 : vector<16xf32>
        %mul3A_240 = arith.mulf %exp3A, %add3A_239 : vector<16xf32>
        %swap3A_241 = arith.index_cast %add3A_118 : i32 to index
        %swap3A_242 = arith.constant 48 : index
        %swap3A_243 = tpu.vector_load %arg16[%swap3A_241, %swap3A_242] {strides = array<i32>} : memref<80x80xf32, #tpu.memory_space<vmem>>, vector<1x16xf32>,
        %swap3A_244 = vector.shape_cast %swap3A_243 : vector<1x16xf32> to vector<16xf32>
        %swap3A_245 = vector.shape_cast %mul3A_240 : vector<16xf32> to vector<1x16xf32>
        tpu.vector_store %arg16[%swap3A_241, %swap3A_242], %swap3A_245 {strides = array<i32>} : memref<80x80xf32, #tpu.memory_space<vmem>>, vector<1x16xf32>,
        %mul3A_246 = arith.mulf %exp3A, %select_n3A : vector<16xf32>
        %swap3A_247 = arith.index_cast %add3A_118 : i32 to index
        %swap3A_248 = arith.constant 64 : index
        %swap3A_249 = tpu.vector_load %arg16[%swap3A_247, %swap3A_248] {strides = array<i32>} : memref<80x80xf32, #tpu.memory_space<vmem>>, vector<1x16xf32>,
        %swap3A_250 = vector.shape_cast %swap3A_249 : vector<1x16xf32> to vector<16xf32>
        %swap3A_251 = vector.shape_cast %mul3A_246 : vector<16xf32> to vector<1x16xf32>
        tpu.vector_store %arg16[%swap3A_247, %swap3A_248], %swap3A_251 {strides = array<i32>} : memref<80x80xf32, #tpu.memory_space<vmem>>, vector<1x16xf32>,
        %mul3A_252 = arith.constant 2 : i32
        %mul3A_253 = arith.muli %mul3A_252, %add3A_114 : i32
        %add3A_254 = arith.constant 1 : i32
        %add3A_255 = arith.addi %mul3A_253, %add3A_254 : i32
        %get3A_256 = arith.index_cast %add3A_114 : i32 to index
        %get3A_257 = arith.constant 64 : index
        %get3A_258 = tpu.vector_load %arg12[%get3A_256, %get3A_257] {strides = array<i32>} : memref<40x128xf32, #tpu.memory_space<vmem>>, vector<1x16xf32>,
        %get3A_259 = vector.shape_cast %get3A_258 : vector<1x16xf32> to vector<16xf32>
        %get3A_260 = arith.index_cast %add3A_114 : i32 to index
        %get3A_261 = arith.constant 80 : index
        %get3A_262 = tpu.vector_load %arg12[%get3A_260, %get3A_261] {strides = array<i32>} : memref<40x128xf32, #tpu.memory_space<vmem>>, vector<1x16xf32>,
        %get3A_263 = vector.shape_cast %get3A_262 : vector<1x16xf32> to vector<16xf32>
        %get3A_264 = arith.index_cast %add3A_114 : i32 to index
        %get3A_265 = arith.constant 96 : index
        %get3A_266 = tpu.vector_load %arg12[%get3A_264, %get3A_265] {strides = array<i32>} : memref<40x128xf32, #tpu.memory_space<vmem>>, vector<1x16xf32>,
        %get3A_267 = vector.shape_cast %get3A_266 : vector<1x16xf32> to vector<16xf32>
        %get3A_268 = arith.index_cast %add3A_114 : i32 to index
        %get3A_269 = arith.constant 112 : index
        %get3A_270 = tpu.vector_load %arg12[%get3A_268, %get3A_269] {strides = array<i32>} : memref<40x128xf32, #tpu.memory_space<vmem>>, vector<1x16xf32>,
        %get3A_271 = vector.shape_cast %get3A_270 : vector<1x16xf32> to vector<16xf32>
        %get3A_272 = arith.index_cast %add3A_255 : i32 to index
        %get3A_273 = arith.constant 0 : index
        %get3A_274 = tpu.vector_load %arg10[%get3A_272, %get3A_273] {strides = array<i32>} : memref<80x64xf32, #tpu.memory_space<vmem>>, vector<1x16xf32>,
        %get3A_275 = vector.shape_cast %get3A_274 : vector<1x16xf32> to vector<16xf32>
        %get3A_276 = arith.index_cast %add3A_255 : i32 to index
        %get3A_277 = arith.constant 0 : index
        %get3A_278 = tpu.vector_load %arg11[%get3A_276, %get3A_277] {strides = array<i32>} : memref<80x128xf32, #tpu.memory_space<vmem>>, vector<1x16xf32>,
        %get3A_279 = vector.shape_cast %get3A_278 : vector<1x16xf32> to vector<16xf32>
        %add3A_280 = arith.addf %get3A_279, %get3A_259 : vector<16xf32>
        %mul3A_281 = arith.mulf %get3A_275, %add3A_280 : vector<16xf32>
        %get3A_282 = arith.index_cast %add3A_255 : i32 to index
        %get3A_283 = arith.constant 16 : index
        %get3A_284 = tpu.vector_load %arg10[%get3A_282, %get3A_283] {strides = array<i32>} : memref<80x64xf32, #tpu.memory_space<vmem>>, vector<1x16xf32>,
        %get3A_285 = vector.shape_cast %get3A_284 : vector<1x16xf32> to vector<16xf32>
        %get3A_286 = arith.index_cast %add3A_255 : i32 to index
        %get3A_287 = arith.constant 16 : index
        %get3A_288 = tpu.vector_load %arg11[%get3A_286, %get3A_287] {strides = array<i32>} : memref<80x128xf32, #tpu.memory_space<vmem>>, vector<1x16xf32>,
        %get3A_289 = vector.shape_cast %get3A_288 : vector<1x16xf32> to vector<16xf32>
        %add3A_290 = arith.addf %get3A_289, %get3A_263 : vector<16xf32>
        %mul3A_291 = arith.mulf %get3A_285, %add3A_290 : vector<16xf32>
        %add3A_292 = arith.addf %mul3A_281, %mul3A_291 : vector<16xf32>
        %get3A_293 = arith.index_cast %add3A_255 : i32 to index
        %get3A_294 = arith.constant 32 : index
        %get3A_295 = tpu.vector_load %arg10[%get3A_293, %get3A_294] {strides = array<i32>} : memref<80x64xf32, #tpu.memory_space<vmem>>, vector<1x16xf32>,
        %get3A_296 = vector.shape_cast %get3A_295 : vector<1x16xf32> to vector<16xf32>
        %get3A_297 = arith.index_cast %add3A_255 : i32 to index
        %get3A_298 = arith.constant 32 : index
        %get3A_299 = tpu.vector_load %arg11[%get3A_297, %get3A_298] {strides = array<i32>} : memref<80x128xf32, #tpu.memory_space<vmem>>, vector<1x16xf32>,
        %get3A_300 = vector.shape_cast %get3A_299 : vector<1x16xf32> to vector<16xf32>
        %add3A_301 = arith.addf %get3A_300, %get3A_267 : vector<16xf32>
        %mul3A_302 = arith.mulf %get3A_296, %add3A_301 : vector<16xf32>
        %add3A_303 = arith.addf %add3A_292, %mul3A_302 : vector<16xf32>
        %get3A_304 = arith.index_cast %add3A_255 : i32 to index
        %get3A_305 = arith.constant 48 : index
        %get3A_306 = tpu.vector_load %arg10[%get3A_304, %get3A_305] {strides = array<i32>} : memref<80x64xf32, #tpu.memory_space<vmem>>, vector<1x16xf32>,
        %get3A_307 = vector.shape_cast %get3A_306 : vector<1x16xf32> to vector<16xf32>
        %get3A_308 = arith.index_cast %add3A_255 : i32 to index
        %get3A_309 = arith.constant 48 : index
        %get3A_310 = tpu.vector_load %arg11[%get3A_308, %get3A_309] {strides = array<i32>} : memref<80x128xf32, #tpu.memory_space<vmem>>, vector<1x16xf32>,
        %get3A_311 = vector.shape_cast %get3A_310 : vector<1x16xf32> to vector<16xf32>
        %add3A_312 = arith.addf %get3A_311, %get3A_271 : vector<16xf32>
        %mul3A_313 = arith.mulf %get3A_307, %add3A_312 : vector<16xf32>
        %add3A_314 = arith.addf %add3A_303, %mul3A_313 : vector<16xf32>
        %xor3A_315 = arith.constant 8 : i32
        %xor3A_316 = vector.broadcast %xor3A_315 : i32 to vector<16xi32>
        %xor3A_317 = arith.xori %iota3A, %xor3A_316 : vector<16xi32>
        %broadcast_in_dim3A_318 = vector.shape_cast %xor3A_317 : vector<16xi32> to vector<16x1xi32>
        %gather3A_319 = vector.shape_cast %broadcast_in_dim3A_318 : vector<16x1xi32> to vector<16xi32>
        %gather3A_320 = tpu.dynamic_gather %add3A_314[%gather3A_319] in [0] : vector<16xf32>, vector<16xi32> -> vector<16xf32>
        %add3A_321 = arith.addf %add3A_314, %gather3A_320 : vector<16xf32>
        %xor3A_322 = arith.constant 4 : i32
        %xor3A_323 = vector.broadcast %xor3A_322 : i32 to vector<16xi32>
        %xor3A_324 = arith.xori %iota3A, %xor3A_323 : vector<16xi32>
        %broadcast_in_dim3A_325 = vector.shape_cast %xor3A_324 : vector<16xi32> to vector<16x1xi32>
        %gather3A_326 = vector.shape_cast %broadcast_in_dim3A_325 : vector<16x1xi32> to vector<16xi32>
        %gather3A_327 = tpu.dynamic_gather %add3A_321[%gather3A_326] in [0] : vector<16xf32>, vector<16xi32> -> vector<16xf32>
        %add3A_328 = arith.addf %add3A_321, %gather3A_327 : vector<16xf32>
        %xor3A_329 = arith.constant 2 : i32
        %xor3A_330 = vector.broadcast %xor3A_329 : i32 to vector<16xi32>
        %xor3A_331 = arith.xori %iota3A, %xor3A_330 : vector<16xi32>
        %broadcast_in_dim3A_332 = vector.shape_cast %xor3A_331 : vector<16xi32> to vector<16x1xi32>
        %gather3A_333 = vector.shape_cast %broadcast_in_dim3A_332 : vector<16x1xi32> to vector<16xi32>
        %gather3A_334 = tpu.dynamic_gather %add3A_328[%gather3A_333] in [0] : vector<16xf32>, vector<16xi32> -> vector<16xf32>
        %add3A_335 = arith.addf %add3A_328, %gather3A_334 : vector<16xf32>
        %xor3A_336 = arith.constant 1 : i32
        %xor3A_337 = vector.broadcast %xor3A_336 : i32 to vector<16xi32>
        %xor3A_338 = arith.xori %iota3A, %xor3A_337 : vector<16xi32>
        %broadcast_in_dim3A_339 = vector.shape_cast %xor3A_338 : vector<16xi32> to vector<16x1xi32>
        %gather3A_340 = vector.shape_cast %broadcast_in_dim3A_339 : vector<16x1xi32> to vector<16xi32>
        %gather3A_341 = tpu.dynamic_gather %add3A_335[%gather3A_340] in [0] : vector<16xf32>, vector<16xi32> -> vector<16xf32>
        %add3A_342 = arith.addf %add3A_335, %gather3A_341 : vector<16xf32>
        %exp3A_343 = math.exp %add3A_342 : vector<16xf32>
        %get3A_344 = arith.index_cast %add3A_255 : i32 to index
        %get3A_345 = arith.constant 64 : index
        %get3A_346 = tpu.vector_load %arg11[%get3A_344, %get3A_345] {strides = array<i32>} : memref<80x128xf32, #tpu.memory_space<vmem>>, vector<1x16xf32>,
        %get3A_347 = vector.shape_cast %get3A_346 : vector<1x16xf32> to vector<16xf32>
        %add3A_348 = arith.addf %get3A_347, %get3A_259 : vector<16xf32>
        %mul3A_349 = arith.mulf %exp3A_343, %add3A_348 : vector<16xf32>
        %swap3A_350 = arith.index_cast %add3A_255 : i32 to index
        %swap3A_351 = arith.constant 0 : index
        %swap3A_352 = tpu.vector_load %arg16[%swap3A_350, %swap3A_351] {strides = array<i32>} : memref<80x80xf32, #tpu.memory_space<vmem>>, vector<1x16xf32>,
        %swap3A_353 = vector.shape_cast %swap3A_352 : vector<1x16xf32> to vector<16xf32>
        %swap3A_354 = vector.shape_cast %mul3A_349 : vector<16xf32> to vector<1x16xf32>
        tpu.vector_store %arg16[%swap3A_350, %swap3A_351], %swap3A_354 {strides = array<i32>} : memref<80x80xf32, #tpu.memory_space<vmem>>, vector<1x16xf32>,
        %get3A_355 = arith.index_cast %add3A_255 : i32 to index
        %get3A_356 = arith.constant 80 : index
        %get3A_357 = tpu.vector_load %arg11[%get3A_355, %get3A_356] {strides = array<i32>} : memref<80x128xf32, #tpu.memory_space<vmem>>, vector<1x16xf32>,
        %get3A_358 = vector.shape_cast %get3A_357 : vector<1x16xf32> to vector<16xf32>
        %add3A_359 = arith.addf %get3A_358, %get3A_263 : vector<16xf32>
        %mul3A_360 = arith.mulf %exp3A_343, %add3A_359 : vector<16xf32>
        %swap3A_361 = arith.index_cast %add3A_255 : i32 to index
        %swap3A_362 = arith.constant 16 : index
        %swap3A_363 = tpu.vector_load %arg16[%swap3A_361, %swap3A_362] {strides = array<i32>} : memref<80x80xf32, #tpu.memory_space<vmem>>, vector<1x16xf32>,
        %swap3A_364 = vector.shape_cast %swap3A_363 : vector<1x16xf32> to vector<16xf32>
        %swap3A_365 = vector.shape_cast %mul3A_360 : vector<16xf32> to vector<1x16xf32>
        tpu.vector_store %arg16[%swap3A_361, %swap3A_362], %swap3A_365 {strides = array<i32>} : memref<80x80xf32, #tpu.memory_space<vmem>>, vector<1x16xf32>,
        %get3A_366 = arith.index_cast %add3A_255 : i32 to index
        %get3A_367 = arith.constant 96 : index
        %get3A_368 = tpu.vector_load %arg11[%get3A_366, %get3A_367] {strides = array<i32>} : memref<80x128xf32, #tpu.memory_space<vmem>>, vector<1x16xf32>,
        %get3A_369 = vector.shape_cast %get3A_368 : vector<1x16xf32> to vector<16xf32>
        %add3A_370 = arith.addf %get3A_369, %get3A_267 : vector<16xf32>
        %mul3A_371 = arith.mulf %exp3A_343, %add3A_370 : vector<16xf32>
        %swap3A_372 = arith.index_cast %add3A_255 : i32 to index
        %swap3A_373 = arith.constant 32 : index
        %swap3A_374 = tpu.vector_load %arg16[%swap3A_372, %swap3A_373] {strides = array<i32>} : memref<80x80xf32, #tpu.memory_space<vmem>>, vector<1x16xf32>,
        %swap3A_375 = vector.shape_cast %swap3A_374 : vector<1x16xf32> to vector<16xf32>
        %swap3A_376 = vector.shape_cast %mul3A_371 : vector<16xf32> to vector<1x16xf32>
        tpu.vector_store %arg16[%swap3A_372, %swap3A_373], %swap3A_376 {strides = array<i32>} : memref<80x80xf32, #tpu.memory_space<vmem>>, vector<1x16xf32>,
        %get3A_377 = arith.index_cast %add3A_255 : i32 to index
        %get3A_378 = arith.constant 112 : index
        %get3A_379 = tpu.vector_load %arg11[%get3A_377, %get3A_378] {strides = array<i32>} : memref<80x128xf32, #tpu.memory_space<vmem>>, vector<1x16xf32>,
        %get3A_380 = vector.shape_cast %get3A_379 : vector<1x16xf32> to vector<16xf32>
        %add3A_381 = arith.addf %get3A_380, %get3A_271 : vector<16xf32>
        %mul3A_382 = arith.mulf %exp3A_343, %add3A_381 : vector<16xf32>
        %swap3A_383 = arith.index_cast %add3A_255 : i32 to index
        %swap3A_384 = arith.constant 48 : index
        %swap3A_385 = tpu.vector_load %arg16[%swap3A_383, %swap3A_384] {strides = array<i32>} : memref<80x80xf32, #tpu.memory_space<vmem>>, vector<1x16xf32>,
        %swap3A_386 = vector.shape_cast %swap3A_385 : vector<1x16xf32> to vector<16xf32>
        %swap3A_387 = vector.shape_cast %mul3A_382 : vector<16xf32> to vector<1x16xf32>
        tpu.vector_store %arg16[%swap3A_383, %swap3A_384], %swap3A_387 {strides = array<i32>} : memref<80x80xf32, #tpu.memory_space<vmem>>, vector<1x16xf32>,
        %mul3A_388 = arith.mulf %exp3A_343, %select_n3A : vector<16xf32>
        %swap3A_389 = arith.index_cast %add3A_255 : i32 to index
        %swap3A_390 = arith.constant 64 : index
        %swap3A_391 = tpu.vector_load %arg16[%swap3A_389, %swap3A_390] {strides = array<i32>} : memref<80x80xf32, #tpu.memory_space<vmem>>, vector<1x16xf32>,
        %swap3A_392 = vector.shape_cast %swap3A_391 : vector<1x16xf32> to vector<16xf32>
        %swap3A_393 = vector.shape_cast %mul3A_388 : vector<16xf32> to vector<1x16xf32>
        tpu.vector_store %arg16[%swap3A_389, %swap3A_390], %swap3A_393 {strides = array<i32>} : memref<80x80xf32, #tpu.memory_space<vmem>>, vector<1x16xf32>,
        %scan3A_394 = arith.constant 1 : i32
        %scan3A_395 = arith.addi %scan3A_110, %scan3A_394 : i32
        %mul3A_396 = arith.constant 1 : i32
        %mul3A_397 = arith.muli %scan3A_395, %mul3A_396 : i32
        %add3A_398 = arith.constant 0 : i32
        %add3A_399 = arith.addi %add3A_398, %mul3A_397 : i32
        %mul3A_400 = arith.constant 2 : i32
        %mul3A_401 = arith.muli %mul3A_400, %add3A_399 : i32
        %add3A_402 = arith.constant 0 : i32
        %add3A_403 = arith.addi %mul3A_401, %add3A_402 : i32
        %get3A_404 = arith.index_cast %add3A_399 : i32 to index
        %get3A_405 = arith.constant 0 : index
        %get3A_406 = tpu.vector_load %arg12[%get3A_404, %get3A_405] {strides = array<i32>} : memref<40x128xf32, #tpu.memory_space<vmem>>, vector<1x16xf32>,
        %get3A_407 = vector.shape_cast %get3A_406 : vector<1x16xf32> to vector<16xf32>
        %get3A_408 = arith.index_cast %add3A_399 : i32 to index
        %get3A_409 = arith.constant 16 : index
        %get3A_410 = tpu.vector_load %arg12[%get3A_408, %get3A_409] {strides = array<i32>} : memref<40x128xf32, #tpu.memory_space<vmem>>, vector<1x16xf32>,
        %get3A_411 = vector.shape_cast %get3A_410 : vector<1x16xf32> to vector<16xf32>
        %get3A_412 = arith.index_cast %add3A_399 : i32 to index
        %get3A_413 = arith.constant 32 : index
        %get3A_414 = tpu.vector_load %arg12[%get3A_412, %get3A_413] {strides = array<i32>} : memref<40x128xf32, #tpu.memory_space<vmem>>, vector<1x16xf32>,
        %get3A_415 = vector.shape_cast %get3A_414 : vector<1x16xf32> to vector<16xf32>
        %get3A_416 = arith.index_cast %add3A_399 : i32 to index
        %get3A_417 = arith.constant 48 : index
        %get3A_418 = tpu.vector_load %arg12[%get3A_416, %get3A_417] {strides = array<i32>} : memref<40x128xf32, #tpu.memory_space<vmem>>, vector<1x16xf32>,
        %get3A_419 = vector.shape_cast %get3A_418 : vector<1x16xf32> to vector<16xf32>
        %get3A_420 = arith.index_cast %add3A_403 : i32 to index
        %get3A_421 = arith.constant 0 : index
        %get3A_422 = tpu.vector_load %arg10[%get3A_420, %get3A_421] {strides = array<i32>} : memref<80x64xf32, #tpu.memory_space<vmem>>, vector<1x16xf32>,
        %get3A_423 = vector.shape_cast %get3A_422 : vector<1x16xf32> to vector<16xf32>
        %get3A_424 = arith.index_cast %add3A_403 : i32 to index
        %get3A_425 = arith.constant 0 : index
        %get3A_426 = tpu.vector_load %arg11[%get3A_424, %get3A_425] {strides = array<i32>} : memref<80x128xf32, #tpu.memory_space<vmem>>, vector<1x16xf32>,
        %get3A_427 = vector.shape_cast %get3A_426 : vector<1x16xf32> to vector<16xf32>
        %add3A_428 = arith.addf %get3A_427, %get3A_407 : vector<16xf32>
        %mul3A_429 = arith.mulf %get3A_423, %add3A_428 : vector<16xf32>
        %get3A_430 = arith.index_cast %add3A_403 : i32 to index
        %get3A_431 = arith.constant 16 : index
        %get3A_432 = tpu.vector_load %arg10[%get3A_430, %get3A_431] {strides = array<i32>} : memref<80x64xf32, #tpu.memory_space<vmem>>, vector<1x16xf32>,
        %get3A_433 = vector.shape_cast %get3A_432 : vector<1x16xf32> to vector<16xf32>
        %get3A_434 = arith.index_cast %add3A_403 : i32 to index
        %get3A_435 = arith.constant 16 : index
        %get3A_436 = tpu.vector_load %arg11[%get3A_434, %get3A_435] {strides = array<i32>} : memref<80x128xf32, #tpu.memory_space<vmem>>, vector<1x16xf32>,
        %get3A_437 = vector.shape_cast %get3A_436 : vector<1x16xf32> to vector<16xf32>
        %add3A_438 = arith.addf %get3A_437, %get3A_411 : vector<16xf32>
        %mul3A_439 = arith.mulf %get3A_433, %add3A_438 : vector<16xf32>
        %add3A_440 = arith.addf %mul3A_429, %mul3A_439 : vector<16xf32>
        %get3A_441 = arith.index_cast %add3A_403 : i32 to index
        %get3A_442 = arith.constant 32 : index
        %get3A_443 = tpu.vector_load %arg10[%get3A_441, %get3A_442] {strides = array<i32>} : memref<80x64xf32, #tpu.memory_space<vmem>>, vector<1x16xf32>,
        %get3A_444 = vector.shape_cast %get3A_443 : vector<1x16xf32> to vector<16xf32>
        %get3A_445 = arith.index_cast %add3A_403 : i32 to index
        %get3A_446 = arith.constant 32 : index
        %get3A_447 = tpu.vector_load %arg11[%get3A_445, %get3A_446] {strides = array<i32>} : memref<80x128xf32, #tpu.memory_space<vmem>>, vector<1x16xf32>,
        %get3A_448 = vector.shape_cast %get3A_447 : vector<1x16xf32> to vector<16xf32>
        %add3A_449 = arith.addf %get3A_448, %get3A_415 : vector<16xf32>
        %mul3A_450 = arith.mulf %get3A_444, %add3A_449 : vector<16xf32>
        %add3A_451 = arith.addf %add3A_440, %mul3A_450 : vector<16xf32>
        %get3A_452 = arith.index_cast %add3A_403 : i32 to index
        %get3A_453 = arith.constant 48 : index
        %get3A_454 = tpu.vector_load %arg10[%get3A_452, %get3A_453] {strides = array<i32>} : memref<80x64xf32, #tpu.memory_space<vmem>>, vector<1x16xf32>,
        %get3A_455 = vector.shape_cast %get3A_454 : vector<1x16xf32> to vector<16xf32>
        %get3A_456 = arith.index_cast %add3A_403 : i32 to index
        %get3A_457 = arith.constant 48 : index
        %get3A_458 = tpu.vector_load %arg11[%get3A_456, %get3A_457] {strides = array<i32>} : memref<80x128xf32, #tpu.memory_space<vmem>>, vector<1x16xf32>,
        %get3A_459 = vector.shape_cast %get3A_458 : vector<1x16xf32> to vector<16xf32>
        %add3A_460 = arith.addf %get3A_459, %get3A_419 : vector<16xf32>
        %mul3A_461 = arith.mulf %get3A_455, %add3A_460 : vector<16xf32>
        %add3A_462 = arith.addf %add3A_451, %mul3A_461 : vector<16xf32>
        %xor3A_463 = arith.constant 8 : i32
        %xor3A_464 = vector.broadcast %xor3A_463 : i32 to vector<16xi32>
        %xor3A_465 = arith.xori %iota3A, %xor3A_464 : vector<16xi32>
        %broadcast_in_dim3A_466 = vector.shape_cast %xor3A_465 : vector<16xi32> to vector<16x1xi32>
        %gather3A_467 = vector.shape_cast %broadcast_in_dim3A_466 : vector<16x1xi32> to vector<16xi32>
        %gather3A_468 = tpu.dynamic_gather %add3A_462[%gather3A_467] in [0] : vector<16xf32>, vector<16xi32> -> vector<16xf32>
        %add3A_469 = arith.addf %add3A_462, %gather3A_468 : vector<16xf32>
        %xor3A_470 = arith.constant 4 : i32
        %xor3A_471 = vector.broadcast %xor3A_470 : i32 to vector<16xi32>
        %xor3A_472 = arith.xori %iota3A, %xor3A_471 : vector<16xi32>
        %broadcast_in_dim3A_473 = vector.shape_cast %xor3A_472 : vector<16xi32> to vector<16x1xi32>
        %gather3A_474 = vector.shape_cast %broadcast_in_dim3A_473 : vector<16x1xi32> to vector<16xi32>
        %gather3A_475 = tpu.dynamic_gather %add3A_469[%gather3A_474] in [0] : vector<16xf32>, vector<16xi32> -> vector<16xf32>
        %add3A_476 = arith.addf %add3A_469, %gather3A_475 : vector<16xf32>
        %xor3A_477 = arith.constant 2 : i32
        %xor3A_478 = vector.broadcast %xor3A_477 : i32 to vector<16xi32>
        %xor3A_479 = arith.xori %iota3A, %xor3A_478 : vector<16xi32>
        %broadcast_in_dim3A_480 = vector.shape_cast %xor3A_479 : vector<16xi32> to vector<16x1xi32>
        %gather3A_481 = vector.shape_cast %broadcast_in_dim3A_480 : vector<16x1xi32> to vector<16xi32>
        %gather3A_482 = tpu.dynamic_gather %add3A_476[%gather3A_481] in [0] : vector<16xf32>, vector<16xi32> -> vector<16xf32>
        %add3A_483 = arith.addf %add3A_476, %gather3A_482 : vector<16xf32>
        %xor3A_484 = arith.constant 1 : i32
        %xor3A_485 = vector.broadcast %xor3A_484 : i32 to vector<16xi32>
        %xor3A_486 = arith.xori %iota3A, %xor3A_485 : vector<16xi32>
        %broadcast_in_dim3A_487 = vector.shape_cast %xor3A_486 : vector<16xi32> to vector<16x1xi32>
        %gather3A_488 = vector.shape_cast %broadcast_in_dim3A_487 : vector<16x1xi32> to vector<16xi32>
        %gather3A_489 = tpu.dynamic_gather %add3A_483[%gather3A_488] in [0] : vector<16xf32>, vector<16xi32> -> vector<16xf32>
        %add3A_490 = arith.addf %add3A_483, %gather3A_489 : vector<16xf32>
        %exp3A_491 = math.exp %add3A_490 : vector<16xf32>
        %get3A_492 = arith.index_cast %add3A_403 : i32 to index
        %get3A_493 = arith.constant 64 : index
        %get3A_494 = tpu.vector_load %arg11[%get3A_492, %get3A_493] {strides = array<i32>} : memref<80x128xf32, #tpu.memory_space<vmem>>, vector<1x16xf32>,
        %get3A_495 = vector.shape_cast %get3A_494 : vector<1x16xf32> to vector<16xf32>
        %add3A_496 = arith.addf %get3A_495, %get3A_407 : vector<16xf32>
        %mul3A_497 = arith.mulf %exp3A_491, %add3A_496 : vector<16xf32>
        %swap3A_498 = arith.index_cast %add3A_403 : i32 to index
        %swap3A_499 = arith.constant 0 : index
        %swap3A_500 = tpu.vector_load %arg16[%swap3A_498, %swap3A_499] {strides = array<i32>} : memref<80x80xf32, #tpu.memory_space<vmem>>, vector<1x16xf32>,
        %swap3A_501 = vector.shape_cast %swap3A_500 : vector<1x16xf32> to vector<16xf32>
        %swap3A_502 = vector.shape_cast %mul3A_497 : vector<16xf32> to vector<1x16xf32>
        tpu.vector_store %arg16[%swap3A_498, %swap3A_499], %swap3A_502 {strides = array<i32>} : memref<80x80xf32, #tpu.memory_space<vmem>>, vector<1x16xf32>,
        %get3A_503 = arith.index_cast %add3A_403 : i32 to index
        %get3A_504 = arith.constant 80 : index
        %get3A_505 = tpu.vector_load %arg11[%get3A_503, %get3A_504] {strides = array<i32>} : memref<80x128xf32, #tpu.memory_space<vmem>>, vector<1x16xf32>,
        %get3A_506 = vector.shape_cast %get3A_505 : vector<1x16xf32> to vector<16xf32>
        %add3A_507 = arith.addf %get3A_506, %get3A_411 : vector<16xf32>
        %mul3A_508 = arith.mulf %exp3A_491, %add3A_507 : vector<16xf32>
        %swap3A_509 = arith.index_cast %add3A_403 : i32 to index
        %swap3A_510 = arith.constant 16 : index
        %swap3A_511 = tpu.vector_load %arg16[%swap3A_509, %swap3A_510] {strides = array<i32>} : memref<80x80xf32, #tpu.memory_space<vmem>>, vector<1x16xf32>,
        %swap3A_512 = vector.shape_cast %swap3A_511 : vector<1x16xf32> to vector<16xf32>
        %swap3A_513 = vector.shape_cast %mul3A_508 : vector<16xf32> to vector<1x16xf32>
        tpu.vector_store %arg16[%swap3A_509, %swap3A_510], %swap3A_513 {strides = array<i32>} : memref<80x80xf32, #tpu.memory_space<vmem>>, vector<1x16xf32>,
        %get3A_514 = arith.index_cast %add3A_403 : i32 to index
        %get3A_515 = arith.constant 96 : index
        %get3A_516 = tpu.vector_load %arg11[%get3A_514, %get3A_515] {strides = array<i32>} : memref<80x128xf32, #tpu.memory_space<vmem>>, vector<1x16xf32>,
        %get3A_517 = vector.shape_cast %get3A_516 : vector<1x16xf32> to vector<16xf32>
        %add3A_518 = arith.addf %get3A_517, %get3A_415 : vector<16xf32>
        %mul3A_519 = arith.mulf %exp3A_491, %add3A_518 : vector<16xf32>
        %swap3A_520 = arith.index_cast %add3A_403 : i32 to index
        %swap3A_521 = arith.constant 32 : index
        %swap3A_522 = tpu.vector_load %arg16[%swap3A_520, %swap3A_521] {strides = array<i32>} : memref<80x80xf32, #tpu.memory_space<vmem>>, vector<1x16xf32>,
        %swap3A_523 = vector.shape_cast %swap3A_522 : vector<1x16xf32> to vector<16xf32>
        %swap3A_524 = vector.shape_cast %mul3A_519 : vector<16xf32> to vector<1x16xf32>
        tpu.vector_store %arg16[%swap3A_520, %swap3A_521], %swap3A_524 {strides = array<i32>} : memref<80x80xf32, #tpu.memory_space<vmem>>, vector<1x16xf32>,
        %get3A_525 = arith.index_cast %add3A_403 : i32 to index
        %get3A_526 = arith.constant 112 : index
        %get3A_527 = tpu.vector_load %arg11[%get3A_525, %get3A_526] {strides = array<i32>} : memref<80x128xf32, #tpu.memory_space<vmem>>, vector<1x16xf32>,
        %get3A_528 = vector.shape_cast %get3A_527 : vector<1x16xf32> to vector<16xf32>
        %add3A_529 = arith.addf %get3A_528, %get3A_419 : vector<16xf32>
        %mul3A_530 = arith.mulf %exp3A_491, %add3A_529 : vector<16xf32>
        %swap3A_531 = arith.index_cast %add3A_403 : i32 to index
        %swap3A_532 = arith.constant 48 : index
        %swap3A_533 = tpu.vector_load %arg16[%swap3A_531, %swap3A_532] {strides = array<i32>} : memref<80x80xf32, #tpu.memory_space<vmem>>, vector<1x16xf32>,
        %swap3A_534 = vector.shape_cast %swap3A_533 : vector<1x16xf32> to vector<16xf32>
        %swap3A_535 = vector.shape_cast %mul3A_530 : vector<16xf32> to vector<1x16xf32>
        tpu.vector_store %arg16[%swap3A_531, %swap3A_532], %swap3A_535 {strides = array<i32>} : memref<80x80xf32, #tpu.memory_space<vmem>>, vector<1x16xf32>,
        %mul3A_536 = arith.mulf %exp3A_491, %select_n3A : vector<16xf32>
        %swap3A_537 = arith.index_cast %add3A_403 : i32 to index
        %swap3A_538 = arith.constant 64 : index
        %swap3A_539 = tpu.vector_load %arg16[%swap3A_537, %swap3A_538] {strides = array<i32>} : memref<80x80xf32, #tpu.memory_space<vmem>>, vector<1x16xf32>,
        %swap3A_540 = vector.shape_cast %swap3A_539 : vector<1x16xf32> to vector<16xf32>
        %swap3A_541 = vector.shape_cast %mul3A_536 : vector<16xf32> to vector<1x16xf32>
        tpu.vector_store %arg16[%swap3A_537, %swap3A_538], %swap3A_541 {strides = array<i32>} : memref<80x80xf32, #tpu.memory_space<vmem>>, vector<1x16xf32>,
        %mul3A_542 = arith.constant 2 : i32
        %mul3A_543 = arith.muli %mul3A_542, %add3A_399 : i32
        %add3A_544 = arith.constant 1 : i32
        %add3A_545 = arith.addi %mul3A_543, %add3A_544 : i32
        %get3A_546 = arith.index_cast %add3A_399 : i32 to index
        %get3A_547 = arith.constant 64 : index
        %get3A_548 = tpu.vector_load %arg12[%get3A_546, %get3A_547] {strides = array<i32>} : memref<40x128xf32, #tpu.memory_space<vmem>>, vector<1x16xf32>,
        %get3A_549 = vector.shape_cast %get3A_548 : vector<1x16xf32> to vector<16xf32>
        %get3A_550 = arith.index_cast %add3A_399 : i32 to index
        %get3A_551 = arith.constant 80 : index
        %get3A_552 = tpu.vector_load %arg12[%get3A_550, %get3A_551] {strides = array<i32>} : memref<40x128xf32, #tpu.memory_space<vmem>>, vector<1x16xf32>,
        %get3A_553 = vector.shape_cast %get3A_552 : vector<1x16xf32> to vector<16xf32>
        %get3A_554 = arith.index_cast %add3A_399 : i32 to index
        %get3A_555 = arith.constant 96 : index
        %get3A_556 = tpu.vector_load %arg12[%get3A_554, %get3A_555] {strides = array<i32>} : memref<40x128xf32, #tpu.memory_space<vmem>>, vector<1x16xf32>,
        %get3A_557 = vector.shape_cast %get3A_556 : vector<1x16xf32> to vector<16xf32>
        %get3A_558 = arith.index_cast %add3A_399 : i32 to index
        %get3A_559 = arith.constant 112 : index
        %get3A_560 = tpu.vector_load %arg12[%get3A_558, %get3A_559] {strides = array<i32>} : memref<40x128xf32, #tpu.memory_space<vmem>>, vector<1x16xf32>,
        %get3A_561 = vector.shape_cast %get3A_560 : vector<1x16xf32> to vector<16xf32>
        %get3A_562 = arith.index_cast %add3A_545 : i32 to index
        %get3A_563 = arith.constant 0 : index
        %get3A_564 = tpu.vector_load %arg10[%get3A_562, %get3A_563] {strides = array<i32>} : memref<80x64xf32, #tpu.memory_space<vmem>>, vector<1x16xf32>,
        %get3A_565 = vector.shape_cast %get3A_564 : vector<1x16xf32> to vector<16xf32>
        %get3A_566 = arith.index_cast %add3A_545 : i32 to index
        %get3A_567 = arith.constant 0 : index
        %get3A_568 = tpu.vector_load %arg11[%get3A_566, %get3A_567] {strides = array<i32>} : memref<80x128xf32, #tpu.memory_space<vmem>>, vector<1x16xf32>,
        %get3A_569 = vector.shape_cast %get3A_568 : vector<1x16xf32> to vector<16xf32>
        %add3A_570 = arith.addf %get3A_569, %get3A_549 : vector<16xf32>
        %mul3A_571 = arith.mulf %get3A_565, %add3A_570 : vector<16xf32>
        %get3A_572 = arith.index_cast %add3A_545 : i32 to index
        %get3A_573 = arith.constant 16 : index
        %get3A_574 = tpu.vector_load %arg10[%get3A_572, %get3A_573] {strides = array<i32>} : memref<80x64xf32, #tpu.memory_space<vmem>>, vector<1x16xf32>,
        %get3A_575 = vector.shape_cast %get3A_574 : vector<1x16xf32> to vector<16xf32>
        %get3A_576 = arith.index_cast %add3A_545 : i32 to index
        %get3A_577 = arith.constant 16 : index
        %get3A_578 = tpu.vector_load %arg11[%get3A_576, %get3A_577] {strides = array<i32>} : memref<80x128xf32, #tpu.memory_space<vmem>>, vector<1x16xf32>,
        %get3A_579 = vector.shape_cast %get3A_578 : vector<1x16xf32> to vector<16xf32>
        %add3A_580 = arith.addf %get3A_579, %get3A_553 : vector<16xf32>
        %mul3A_581 = arith.mulf %get3A_575, %add3A_580 : vector<16xf32>
        %add3A_582 = arith.addf %mul3A_571, %mul3A_581 : vector<16xf32>
        %get3A_583 = arith.index_cast %add3A_545 : i32 to index
        %get3A_584 = arith.constant 32 : index
        %get3A_585 = tpu.vector_load %arg10[%get3A_583, %get3A_584] {strides = array<i32>} : memref<80x64xf32, #tpu.memory_space<vmem>>, vector<1x16xf32>,
        %get3A_586 = vector.shape_cast %get3A_585 : vector<1x16xf32> to vector<16xf32>
        %get3A_587 = arith.index_cast %add3A_545 : i32 to index
        %get3A_588 = arith.constant 32 : index
        %get3A_589 = tpu.vector_load %arg11[%get3A_587, %get3A_588] {strides = array<i32>} : memref<80x128xf32, #tpu.memory_space<vmem>>, vector<1x16xf32>,
        %get3A_590 = vector.shape_cast %get3A_589 : vector<1x16xf32> to vector<16xf32>
        %add3A_591 = arith.addf %get3A_590, %get3A_557 : vector<16xf32>
        %mul3A_592 = arith.mulf %get3A_586, %add3A_591 : vector<16xf32>
        %add3A_593 = arith.addf %add3A_582, %mul3A_592 : vector<16xf32>
        %get3A_594 = arith.index_cast %add3A_545 : i32 to index
        %get3A_595 = arith.constant 48 : index
        %get3A_596 = tpu.vector_load %arg10[%get3A_594, %get3A_595] {strides = array<i32>} : memref<80x64xf32, #tpu.memory_space<vmem>>, vector<1x16xf32>,
        %get3A_597 = vector.shape_cast %get3A_596 : vector<1x16xf32> to vector<16xf32>
        %get3A_598 = arith.index_cast %add3A_545 : i32 to index
        %get3A_599 = arith.constant 48 : index
        %get3A_600 = tpu.vector_load %arg11[%get3A_598, %get3A_599] {strides = array<i32>} : memref<80x128xf32, #tpu.memory_space<vmem>>, vector<1x16xf32>,
        %get3A_601 = vector.shape_cast %get3A_600 : vector<1x16xf32> to vector<16xf32>
        %add3A_602 = arith.addf %get3A_601, %get3A_561 : vector<16xf32>
        %mul3A_603 = arith.mulf %get3A_597, %add3A_602 : vector<16xf32>
        %add3A_604 = arith.addf %add3A_593, %mul3A_603 : vector<16xf32>
        %xor3A_605 = arith.constant 8 : i32
        %xor3A_606 = vector.broadcast %xor3A_605 : i32 to vector<16xi32>
        %xor3A_607 = arith.xori %iota3A, %xor3A_606 : vector<16xi32>
        %broadcast_in_dim3A_608 = vector.shape_cast %xor3A_607 : vector<16xi32> to vector<16x1xi32>
        %gather3A_609 = vector.shape_cast %broadcast_in_dim3A_608 : vector<16x1xi32> to vector<16xi32>
        %gather3A_610 = tpu.dynamic_gather %add3A_604[%gather3A_609] in [0] : vector<16xf32>, vector<16xi32> -> vector<16xf32>
        %add3A_611 = arith.addf %add3A_604, %gather3A_610 : vector<16xf32>
        %xor3A_612 = arith.constant 4 : i32
        %xor3A_613 = vector.broadcast %xor3A_612 : i32 to vector<16xi32>
        %xor3A_614 = arith.xori %iota3A, %xor3A_613 : vector<16xi32>
        %broadcast_in_dim3A_615 = vector.shape_cast %xor3A_614 : vector<16xi32> to vector<16x1xi32>
        %gather3A_616 = vector.shape_cast %broadcast_in_dim3A_615 : vector<16x1xi32> to vector<16xi32>
        %gather3A_617 = tpu.dynamic_gather %add3A_611[%gather3A_616] in [0] : vector<16xf32>, vector<16xi32> -> vector<16xf32>
        %add3A_618 = arith.addf %add3A_611, %gather3A_617 : vector<16xf32>
        %xor3A_619 = arith.constant 2 : i32
        %xor3A_620 = vector.broadcast %xor3A_619 : i32 to vector<16xi32>
        %xor3A_621 = arith.xori %iota3A, %xor3A_620 : vector<16xi32>
        %broadcast_in_dim3A_622 = vector.shape_cast %xor3A_621 : vector<16xi32> to vector<16x1xi32>
        %gather3A_623 = vector.shape_cast %broadcast_in_dim3A_622 : vector<16x1xi32> to vector<16xi32>
        %gather3A_624 = tpu.dynamic_gather %add3A_618[%gather3A_623] in [0] : vector<16xf32>, vector<16xi32> -> vector<16xf32>
        %add3A_625 = arith.addf %add3A_618, %gather3A_624 : vector<16xf32>
        %xor3A_626 = arith.constant 1 : i32
        %xor3A_627 = vector.broadcast %xor3A_626 : i32 to vector<16xi32>
        %xor3A_628 = arith.xori %iota3A, %xor3A_627 : vector<16xi32>
        %broadcast_in_dim3A_629 = vector.shape_cast %xor3A_628 : vector<16xi32> to vector<16x1xi32>
        %gather3A_630 = vector.shape_cast %broadcast_in_dim3A_629 : vector<16x1xi32> to vector<16xi32>
        %gather3A_631 = tpu.dynamic_gather %add3A_625[%gather3A_630] in [0] : vector<16xf32>, vector<16xi32> -> vector<16xf32>
        %add3A_632 = arith.addf %add3A_625, %gather3A_631 : vector<16xf32>
        %exp3A_633 = math.exp %add3A_632 : vector<16xf32>
        %get3A_634 = arith.index_cast %add3A_545 : i32 to index
        %get3A_635 = arith.constant 64 : index
        %get3A_636 = tpu.vector_load %arg11[%get3A_634, %get3A_635] {strides = array<i32>} : memref<80x128xf32, #tpu.memory_space<vmem>>, vector<1x16xf32>,
        %get3A_637 = vector.shape_cast %get3A_636 : vector<1x16xf32> to vector<16xf32>
        %add3A_638 = arith.addf %get3A_637, %get3A_549 : vector<16xf32>
        %mul3A_639 = arith.mulf %exp3A_633, %add3A_638 : vector<16xf32>
        %swap3A_640 = arith.index_cast %add3A_545 : i32 to index
        %swap3A_641 = arith.constant 0 : index
        %swap3A_642 = tpu.vector_load %arg16[%swap3A_640, %swap3A_641] {strides = array<i32>} : memref<80x80xf32, #tpu.memory_space<vmem>>, vector<1x16xf32>,
        %swap3A_643 = vector.shape_cast %swap3A_642 : vector<1x16xf32> to vector<16xf32>
        %swap3A_644 = vector.shape_cast %mul3A_639 : vector<16xf32> to vector<1x16xf32>
        tpu.vector_store %arg16[%swap3A_640, %swap3A_641], %swap3A_644 {strides = array<i32>} : memref<80x80xf32, #tpu.memory_space<vmem>>, vector<1x16xf32>,
        %get3A_645 = arith.index_cast %add3A_545 : i32 to index
        %get3A_646 = arith.constant 80 : index
        %get3A_647 = tpu.vector_load %arg11[%get3A_645, %get3A_646] {strides = array<i32>} : memref<80x128xf32, #tpu.memory_space<vmem>>, vector<1x16xf32>,
        %get3A_648 = vector.shape_cast %get3A_647 : vector<1x16xf32> to vector<16xf32>
        %add3A_649 = arith.addf %get3A_648, %get3A_553 : vector<16xf32>
        %mul3A_650 = arith.mulf %exp3A_633, %add3A_649 : vector<16xf32>
        %swap3A_651 = arith.index_cast %add3A_545 : i32 to index
        %swap3A_652 = arith.constant 16 : index
        %swap3A_653 = tpu.vector_load %arg16[%swap3A_651, %swap3A_652] {strides = array<i32>} : memref<80x80xf32, #tpu.memory_space<vmem>>, vector<1x16xf32>,
        %swap3A_654 = vector.shape_cast %swap3A_653 : vector<1x16xf32> to vector<16xf32>
        %swap3A_655 = vector.shape_cast %mul3A_650 : vector<16xf32> to vector<1x16xf32>
        tpu.vector_store %arg16[%swap3A_651, %swap3A_652], %swap3A_655 {strides = array<i32>} : memref<80x80xf32, #tpu.memory_space<vmem>>, vector<1x16xf32>,
        %get3A_656 = arith.index_cast %add3A_545 : i32 to index
        %get3A_657 = arith.constant 96 : index
        %get3A_658 = tpu.vector_load %arg11[%get3A_656, %get3A_657] {strides = array<i32>} : memref<80x128xf32, #tpu.memory_space<vmem>>, vector<1x16xf32>,
        %get3A_659 = vector.shape_cast %get3A_658 : vector<1x16xf32> to vector<16xf32>
        %add3A_660 = arith.addf %get3A_659, %get3A_557 : vector<16xf32>
        %mul3A_661 = arith.mulf %exp3A_633, %add3A_660 : vector<16xf32>
        %swap3A_662 = arith.index_cast %add3A_545 : i32 to index
        %swap3A_663 = arith.constant 32 : index
        %swap3A_664 = tpu.vector_load %arg16[%swap3A_662, %swap3A_663] {strides = array<i32>} : memref<80x80xf32, #tpu.memory_space<vmem>>, vector<1x16xf32>,
        %swap3A_665 = vector.shape_cast %swap3A_664 : vector<1x16xf32> to vector<16xf32>
        %swap3A_666 = vector.shape_cast %mul3A_661 : vector<16xf32> to vector<1x16xf32>
        tpu.vector_store %arg16[%swap3A_662, %swap3A_663], %swap3A_666 {strides = array<i32>} : memref<80x80xf32, #tpu.memory_space<vmem>>, vector<1x16xf32>,
        %get3A_667 = arith.index_cast %add3A_545 : i32 to index
        %get3A_668 = arith.constant 112 : index
        %get3A_669 = tpu.vector_load %arg11[%get3A_667, %get3A_668] {strides = array<i32>} : memref<80x128xf32, #tpu.memory_space<vmem>>, vector<1x16xf32>,
        %get3A_670 = vector.shape_cast %get3A_669 : vector<1x16xf32> to vector<16xf32>
        %add3A_671 = arith.addf %get3A_670, %get3A_561 : vector<16xf32>
        %mul3A_672 = arith.mulf %exp3A_633, %add3A_671 : vector<16xf32>
        %swap3A_673 = arith.index_cast %add3A_545 : i32 to index
        %swap3A_674 = arith.constant 48 : index
        %swap3A_675 = tpu.vector_load %arg16[%swap3A_673, %swap3A_674] {strides = array<i32>} : memref<80x80xf32, #tpu.memory_space<vmem>>, vector<1x16xf32>,
        %swap3A_676 = vector.shape_cast %swap3A_675 : vector<1x16xf32> to vector<16xf32>
        %swap3A_677 = vector.shape_cast %mul3A_672 : vector<16xf32> to vector<1x16xf32>
        tpu.vector_store %arg16[%swap3A_673, %swap3A_674], %swap3A_677 {strides = array<i32>} : memref<80x80xf32, #tpu.memory_space<vmem>>, vector<1x16xf32>,
        %mul3A_678 = arith.mulf %exp3A_633, %select_n3A : vector<16xf32>
        %swap3A_679 = arith.index_cast %add3A_545 : i32 to index
        %swap3A_680 = arith.constant 64 : index
        %swap3A_681 = tpu.vector_load %arg16[%swap3A_679, %swap3A_680] {strides = array<i32>} : memref<80x80xf32, #tpu.memory_space<vmem>>, vector<1x16xf32>,
        %swap3A_682 = vector.shape_cast %swap3A_681 : vector<1x16xf32> to vector<16xf32>
        %swap3A_683 = vector.shape_cast %mul3A_678 : vector<16xf32> to vector<1x16xf32>
        tpu.vector_store %arg16[%swap3A_679, %swap3A_680], %swap3A_683 {strides = array<i32>} : memref<80x80xf32, #tpu.memory_space<vmem>>, vector<1x16xf32>,
      }
      %scan3A_98 = arith.constant 40 : i32
      %dma_start3A_99 = arith.constant 0 : i32
      %dma_start3A_100 = tpu.memref_slice %arg9[%mul3A_65, %dma_start3A_99] : memref<125x80xi32, #tpu.memory_space<vmem>> -> memref<1x80xi32, #tpu.memory_space<vmem>>
      %dma_start3A_101 = tpu.memref_squeeze %dma_start3A_100 : memref<1x80xi32, #tpu.memory_space<vmem>> -> memref<80xi32, #tpu.memory_space<vmem>>
      %dma_start3A_102 = arith.constant 0 : i32
      %dma_start3A_103 = arith.constant 0 : i32
      %dma_start3A_104 = tpu.memref_slice %arg19[%dma_start3A_102, %dma_start3A_103] : memref<10000x80xf32, #tpu.memory_space<vmem_shared>> -> memref<10000x80xf32, #tpu.memory_space<vmem_shared>>
      tpu.enqueue_indirect_dma source(%arg16 : memref<80x80xf32, #tpu.memory_space<vmem>>) target(%dma_start3A_104 : memref<10000x80xf32, #tpu.memory_space<vmem_shared>>) offsets(%dma_start3A_101 : memref<80xi32, #tpu.memory_space<vmem>>) semaphore(%arg26 : memref<!tpu.dma_semaphore, #tpu.memory_space<semaphore_mem>>) {add = true}
      %lt3A_105 = arith.constant 125 : i32
      %lt3A_106 = arith.cmpi slt, %add3A_67, %lt3A_105 : i32
      %convert_element_type3A_107 = arith.extui %lt3A_106 : i1 to i32
      %cond3A_108 = arith.constant 0 : i32
      %cond3A_109 = arith.cmpi ne, %convert_element_type3A_107, %cond3A_108 : i32
      scf.if %cond3A_109 {
        %add3A_110 = arith.constant 1 : i32
        %add3A_111 = arith.addi %add3A_67, %add3A_110 : i32
        %lt3A_112 = arith.constant 125 : i32
        %lt3A_113 = arith.cmpi slt, %add3A_111, %lt3A_112 : i32
        %convert_element_type3A_114 = arith.extui %lt3A_113 : i1 to i32
        %cond3A_115 = arith.constant 0 : i32
        %cond3A_116 = arith.cmpi ne, %convert_element_type3A_114, %cond3A_115 : i32
        scf.if %cond3A_116 {
          %add3A_153 = arith.constant 1 : i32
          %add3A_154 = arith.addi %add3A_67, %add3A_153 : i32
          %dma_start3A_155 = arith.constant 0 : i32
          %dma_start3A_156 = tpu.memref_slice %arg9[%add3A_154, %dma_start3A_155] : memref<125x80xi32, #tpu.memory_space<vmem>> -> memref<1x80xi32, #tpu.memory_space<vmem>>
          %dma_start3A_157 = tpu.memref_squeeze %dma_start3A_156 : memref<1x80xi32, #tpu.memory_space<vmem>> -> memref<80xi32, #tpu.memory_space<vmem>>
          %dma_start3A_158 = arith.constant 0 : i32
          %dma_start3A_159 = arith.constant 0 : i32
          %dma_start3A_160 = tpu.memref_slice %arg2[%dma_start3A_158, %dma_start3A_159] : memref<10000x64xf32, #tpu.memory_space<hbm>> -> memref<10000x64xf32, #tpu.memory_space<hbm>>
          tpu.enqueue_indirect_dma source(%dma_start3A_160 : memref<10000x64xf32, #tpu.memory_space<hbm>>) target(%arg10 : memref<80x64xf32, #tpu.memory_space<vmem>>) offsets(%dma_start3A_157 : memref<80xi32, #tpu.memory_space<vmem>>) semaphore(%arg20 : memref<!tpu.dma_semaphore, #tpu.memory_space<semaphore_mem>>)
          %dma_start3A_161 = arith.constant 0 : i32
          %dma_start3A_162 = tpu.memref_slice %arg8[%add3A_154, %dma_start3A_161] : memref<125x80xi32, #tpu.memory_space<vmem>> -> memref<1x80xi32, #tpu.memory_space<vmem>>
          %dma_start3A_163 = tpu.memref_squeeze %dma_start3A_162 : memref<1x80xi32, #tpu.memory_space<vmem>> -> memref<80xi32, #tpu.memory_space<vmem>>
          %dma_start3A_164 = arith.constant 0 : i32
          %dma_start3A_165 = arith.constant 0 : i32
          %dma_start3A_166 = tpu.memref_slice %arg3[%dma_start3A_164, %dma_start3A_165] : memref<10000x128xf32, #tpu.memory_space<hbm>> -> memref<10000x128xf32, #tpu.memory_space<hbm>>
          tpu.enqueue_indirect_dma source(%dma_start3A_166 : memref<10000x128xf32, #tpu.memory_space<hbm>>) target(%arg11 : memref<80x128xf32, #tpu.memory_space<vmem>>) offsets(%dma_start3A_163 : memref<80xi32, #tpu.memory_space<vmem>>) semaphore(%arg21 : memref<!tpu.dma_semaphore, #tpu.memory_space<semaphore_mem>>)
          %mul3A_167 = arith.constant 40 : i32
          %mul3A_168 = arith.muli %add3A_154, %mul3A_167 : i32
          %add3A_169 = arith.addi %mul3A_15, %mul3A_168 : i32
          %dma_start3A_170 = arith.constant 0 : i32
          %dma_start3A_171 = tpu.memref_slice %arg4[%add3A_169, %dma_start3A_170] : memref<160000x128xf32, #tpu.memory_space<hbm>> -> memref<40x128xf32, #tpu.memory_space<hbm>>
          %dma_start3A_172 = arith.constant 0 : i32
          %dma_start3A_173 = tpu.memref_slice %arg4[%add3A_169, %dma_start3A_172] : memref<160000x128xf32, #tpu.memory_space<hbm>> -> memref<40x128xf32, #tpu.memory_space<hbm>>
          tpu.enqueue_dma source(%dma_start3A_173 : memref<40x128xf32, #tpu.memory_space<hbm>>) target(%arg12 : memref<40x128xf32, #tpu.memory_space<vmem>>) target_semaphore(%arg22 : memref<!tpu.dma_semaphore, #tpu.memory_space<semaphore_mem>>)
        } else {
        }
        %dma_wait3A_117 = arith.constant 0 : i32
        %dma_wait3A_118 = arith.constant 0 : i32
        %dma_wait3A_119 = tpu.memref_slice %arg9[%dma_wait3A_117, %dma_wait3A_118] : memref<125x80xi32, #tpu.memory_space<vmem>> -> memref<1x80xi32, #tpu.memory_space<vmem>>
        %dma_wait3A_120 = tpu.memref_squeeze %dma_wait3A_119 : memref<1x80xi32, #tpu.memory_space<vmem>> -> memref<80xi32, #tpu.memory_space<vmem>>
        %dma_wait3A_121 = arith.constant 0 : i32
        %dma_wait3A_122 = arith.constant 0 : i32
        %dma_wait3A_123 = tpu.memref_slice %arg2[%dma_wait3A_121, %dma_wait3A_122] : memref<10000x64xf32, #tpu.memory_space<hbm>> -> memref<10000x64xf32, #tpu.memory_space<hbm>>
        tpu.wait_indirect_dma semaphore(%arg23 : memref<!tpu.dma_semaphore, #tpu.memory_space<semaphore_mem>>) src(%dma_wait3A_123 : memref<10000x64xf32, #tpu.memory_space<hbm>>) dst(%arg13 : memref<80x64xf32, #tpu.memory_space<vmem>>)
        %dma_wait3A_124 = arith.constant 0 : i32
        %dma_wait3A_125 = arith.constant 0 : i32
        %dma_wait3A_126 = tpu.memref_slice %arg8[%dma_wait3A_124, %dma_wait3A_125] : memref<125x80xi32, #tpu.memory_space<vmem>> -> memref<1x80xi32, #tpu.memory_space<vmem>>
        %dma_wait3A_127 = tpu.memref_squeeze %dma_wait3A_126 : memref<1x80xi32, #tpu.memory_space<vmem>> -> memref<80xi32, #tpu.memory_space<vmem>>
        %dma_wait3A_128 = arith.constant 0 : i32
        %dma_wait3A_129 = arith.constant 0 : i32
        %dma_wait3A_130 = tpu.memref_slice %arg3[%dma_wait3A_128, %dma_wait3A_129] : memref<10000x128xf32, #tpu.memory_space<hbm>> -> memref<10000x128xf32, #tpu.memory_space<hbm>>
        tpu.wait_indirect_dma semaphore(%arg24 : memref<!tpu.dma_semaphore, #tpu.memory_space<semaphore_mem>>) src(%dma_wait3A_130 : memref<10000x128xf32, #tpu.memory_space<hbm>>) dst(%arg14 : memref<80x128xf32, #tpu.memory_space<vmem>>)
        %dma_wait3A_131 = arith.constant 0 : i32
        %dma_wait3A_132 = arith.constant 0 : i32
        %dma_wait3A_133 = tpu.memref_slice %arg4[%dma_wait3A_131, %dma_wait3A_132] : memref<160000x128xf32, #tpu.memory_space<hbm>> -> memref<40x128xf32, #tpu.memory_space<hbm>>
        %dma_wait3A_134 = arith.constant 0 : i32
        %dma_wait3A_135 = arith.constant 0 : i32
        %dma_wait3A_136 = tpu.memref_slice %arg4[%dma_wait3A_134, %dma_wait3A_135] : memref<160000x128xf32, #tpu.memory_space<hbm>> -> memref<40x128xf32, #tpu.memory_space<hbm>>
        tpu.wait_dma2 semaphore(%arg25 : memref<!tpu.dma_semaphore, #tpu.memory_space<semaphore_mem>>) src(%dma_wait3A_136 : memref<40x128xf32, #tpu.memory_space<hbm>>) dst(%arg15 : memref<40x128xf32, #tpu.memory_space<vmem>>)
        %ge3A_137 = arith.constant 2 : i32
        %ge3A_138 = arith.cmpi sge, %add3A_67, %ge3A_137 : i32
        %convert_element_type3A_139 = arith.extui %ge3A_138 : i1 to i32
        %cond3A_140 = arith.constant 0 : i32
        %cond3A_141 = arith.cmpi ne, %convert_element_type3A_139, %cond3A_140 : i32
        scf.if %cond3A_141 {
          %dma_wait3A_153 = arith.constant 0 : i32
          %dma_wait3A_154 = arith.constant 0 : i32
          %dma_wait3A_155 = tpu.memref_slice %arg9[%dma_wait3A_153, %dma_wait3A_154] : memref<125x80xi32, #tpu.memory_space<vmem>> -> memref<1x80xi32, #tpu.memory_space<vmem>>
          %dma_wait3A_156 = tpu.memref_squeeze %dma_wait3A_155 : memref<1x80xi32, #tpu.memory_space<vmem>> -> memref<80xi32, #tpu.memory_space<vmem>>
          %dma_wait3A_157 = arith.constant 0 : i32
          %dma_wait3A_158 = arith.constant 0 : i32
          %dma_wait3A_159 = tpu.memref_slice %arg19[%dma_wait3A_157, %dma_wait3A_158] : memref<10000x80xf32, #tpu.memory_space<vmem_shared>> -> memref<10000x80xf32, #tpu.memory_space<vmem_shared>>
          tpu.wait_indirect_dma semaphore(%arg27 : memref<!tpu.dma_semaphore, #tpu.memory_space<semaphore_mem>>) src(%arg17 : memref<80x80xf32, #tpu.memory_space<vmem>>) dst(%dma_wait3A_159 : memref<10000x80xf32, #tpu.memory_space<vmem_shared>>)
        } else {
        }
        %scan3A_142 = arith.constant 0 : i32
        %scan3A_143 = arith.constant 40 : i32
        %scan3A_144 = arith.addi %scan3A_142, %scan3A_143 : i32
        %scan3A_145 = arith.constant 2 : i32
        scf.for %scan3A_153 = %scan3A_142 to %scan3A_144 step %scan3A_145  : i32 {
          %mul3A_154 = arith.constant 1 : i32
          %mul3A_155 = arith.muli %scan3A_153, %mul3A_154 : i32
          %add3A_156 = arith.constant 0 : i32
          %add3A_157 = arith.addi %add3A_156, %mul3A_155 : i32
          %mul3A_158 = arith.constant 2 : i32
          %mul3A_159 = arith.muli %mul3A_158, %add3A_157 : i32
          %add3A_160 = arith.constant 0 : i32
          %add3A_161 = arith.addi %mul3A_159, %add3A_160 : i32
          %get3A = arith.index_cast %add3A_157 : i32 to index
          %get3A_162 = arith.constant 0 : index
          %get3A_163 = tpu.vector_load %arg15[%get3A, %get3A_162] {strides = array<i32>} : memref<40x128xf32, #tpu.memory_space<vmem>>, vector<1x16xf32>,
          %get3A_164 = vector.shape_cast %get3A_163 : vector<1x16xf32> to vector<16xf32>
          %get3A_165 = arith.index_cast %add3A_157 : i32 to index
          %get3A_166 = arith.constant 16 : index
          %get3A_167 = tpu.vector_load %arg15[%get3A_165, %get3A_166] {strides = array<i32>} : memref<40x128xf32, #tpu.memory_space<vmem>>, vector<1x16xf32>,
          %get3A_168 = vector.shape_cast %get3A_167 : vector<1x16xf32> to vector<16xf32>
          %get3A_169 = arith.index_cast %add3A_157 : i32 to index
          %get3A_170 = arith.constant 32 : index
          %get3A_171 = tpu.vector_load %arg15[%get3A_169, %get3A_170] {strides = array<i32>} : memref<40x128xf32, #tpu.memory_space<vmem>>, vector<1x16xf32>,
          %get3A_172 = vector.shape_cast %get3A_171 : vector<1x16xf32> to vector<16xf32>
          %get3A_173 = arith.index_cast %add3A_157 : i32 to index
          %get3A_174 = arith.constant 48 : index
          %get3A_175 = tpu.vector_load %arg15[%get3A_173, %get3A_174] {strides = array<i32>} : memref<40x128xf32, #tpu.memory_space<vmem>>, vector<1x16xf32>,
          %get3A_176 = vector.shape_cast %get3A_175 : vector<1x16xf32> to vector<16xf32>
          %get3A_177 = arith.index_cast %add3A_161 : i32 to index
          %get3A_178 = arith.constant 0 : index
          %get3A_179 = tpu.vector_load %arg13[%get3A_177, %get3A_178] {strides = array<i32>} : memref<80x64xf32, #tpu.memory_space<vmem>>, vector<1x16xf32>,
          %get3A_180 = vector.shape_cast %get3A_179 : vector<1x16xf32> to vector<16xf32>
          %get3A_181 = arith.index_cast %add3A_161 : i32 to index
          %get3A_182 = arith.constant 0 : index
          %get3A_183 = tpu.vector_load %arg14[%get3A_181, %get3A_182] {strides = array<i32>} : memref<80x128xf32, #tpu.memory_space<vmem>>, vector<1x16xf32>,
          %get3A_184 = vector.shape_cast %get3A_183 : vector<1x16xf32> to vector<16xf32>
          %add3A_185 = arith.addf %get3A_184, %get3A_164 : vector<16xf32>
          %mul3A_186 = arith.mulf %get3A_180, %add3A_185 : vector<16xf32>
          %get3A_187 = arith.index_cast %add3A_161 : i32 to index
          %get3A_188 = arith.constant 16 : index
          %get3A_189 = tpu.vector_load %arg13[%get3A_187, %get3A_188] {strides = array<i32>} : memref<80x64xf32, #tpu.memory_space<vmem>>, vector<1x16xf32>,
          %get3A_190 = vector.shape_cast %get3A_189 : vector<1x16xf32> to vector<16xf32>
          %get3A_191 = arith.index_cast %add3A_161 : i32 to index
          %get3A_192 = arith.constant 16 : index
          %get3A_193 = tpu.vector_load %arg14[%get3A_191, %get3A_192] {strides = array<i32>} : memref<80x128xf32, #tpu.memory_space<vmem>>, vector<1x16xf32>,
          %get3A_194 = vector.shape_cast %get3A_193 : vector<1x16xf32> to vector<16xf32>
          %add3A_195 = arith.addf %get3A_194, %get3A_168 : vector<16xf32>
          %mul3A_196 = arith.mulf %get3A_190, %add3A_195 : vector<16xf32>
          %add3A_197 = arith.addf %mul3A_186, %mul3A_196 : vector<16xf32>
          %get3A_198 = arith.index_cast %add3A_161 : i32 to index
          %get3A_199 = arith.constant 32 : index
          %get3A_200 = tpu.vector_load %arg13[%get3A_198, %get3A_199] {strides = array<i32>} : memref<80x64xf32, #tpu.memory_space<vmem>>, vector<1x16xf32>,
          %get3A_201 = vector.shape_cast %get3A_200 : vector<1x16xf32> to vector<16xf32>
          %get3A_202 = arith.index_cast %add3A_161 : i32 to index
          %get3A_203 = arith.constant 32 : index
          %get3A_204 = tpu.vector_load %arg14[%get3A_202, %get3A_203] {strides = array<i32>} : memref<80x128xf32, #tpu.memory_space<vmem>>, vector<1x16xf32>,
          %get3A_205 = vector.shape_cast %get3A_204 : vector<1x16xf32> to vector<16xf32>
          %add3A_206 = arith.addf %get3A_205, %get3A_172 : vector<16xf32>
          %mul3A_207 = arith.mulf %get3A_201, %add3A_206 : vector<16xf32>
          %add3A_208 = arith.addf %add3A_197, %mul3A_207 : vector<16xf32>
          %get3A_209 = arith.index_cast %add3A_161 : i32 to index
          %get3A_210 = arith.constant 48 : index
          %get3A_211 = tpu.vector_load %arg13[%get3A_209, %get3A_210] {strides = array<i32>} : memref<80x64xf32, #tpu.memory_space<vmem>>, vector<1x16xf32>,
          %get3A_212 = vector.shape_cast %get3A_211 : vector<1x16xf32> to vector<16xf32>
          %get3A_213 = arith.index_cast %add3A_161 : i32 to index
          %get3A_214 = arith.constant 48 : index
          %get3A_215 = tpu.vector_load %arg14[%get3A_213, %get3A_214] {strides = array<i32>} : memref<80x128xf32, #tpu.memory_space<vmem>>, vector<1x16xf32>,
          %get3A_216 = vector.shape_cast %get3A_215 : vector<1x16xf32> to vector<16xf32>
          %add3A_217 = arith.addf %get3A_216, %get3A_176 : vector<16xf32>
          %mul3A_218 = arith.mulf %get3A_212, %add3A_217 : vector<16xf32>
          %add3A_219 = arith.addf %add3A_208, %mul3A_218 : vector<16xf32>
          %xor3A = arith.constant 8 : i32
          %xor3A_220 = vector.broadcast %xor3A : i32 to vector<16xi32>
          %xor3A_221 = arith.xori %iota3A, %xor3A_220 : vector<16xi32>
          %broadcast_in_dim3A_222 = vector.shape_cast %xor3A_221 : vector<16xi32> to vector<16x1xi32>
          %gather3A = vector.shape_cast %broadcast_in_dim3A_222 : vector<16x1xi32> to vector<16xi32>
          %gather3A_223 = tpu.dynamic_gather %add3A_219[%gather3A] in [0] : vector<16xf32>, vector<16xi32> -> vector<16xf32>
          %add3A_224 = arith.addf %add3A_219, %gather3A_223 : vector<16xf32>
          %xor3A_225 = arith.constant 4 : i32
          %xor3A_226 = vector.broadcast %xor3A_225 : i32 to vector<16xi32>
          %xor3A_227 = arith.xori %iota3A, %xor3A_226 : vector<16xi32>
          %broadcast_in_dim3A_228 = vector.shape_cast %xor3A_227 : vector<16xi32> to vector<16x1xi32>
          %gather3A_229 = vector.shape_cast %broadcast_in_dim3A_228 : vector<16x1xi32> to vector<16xi32>
          %gather3A_230 = tpu.dynamic_gather %add3A_224[%gather3A_229] in [0] : vector<16xf32>, vector<16xi32> -> vector<16xf32>
          %add3A_231 = arith.addf %add3A_224, %gather3A_230 : vector<16xf32>
          %xor3A_232 = arith.constant 2 : i32
          %xor3A_233 = vector.broadcast %xor3A_232 : i32 to vector<16xi32>
          %xor3A_234 = arith.xori %iota3A, %xor3A_233 : vector<16xi32>
          %broadcast_in_dim3A_235 = vector.shape_cast %xor3A_234 : vector<16xi32> to vector<16x1xi32>
          %gather3A_236 = vector.shape_cast %broadcast_in_dim3A_235 : vector<16x1xi32> to vector<16xi32>
          %gather3A_237 = tpu.dynamic_gather %add3A_231[%gather3A_236] in [0] : vector<16xf32>, vector<16xi32> -> vector<16xf32>
          %add3A_238 = arith.addf %add3A_231, %gather3A_237 : vector<16xf32>
          %xor3A_239 = arith.constant 1 : i32
          %xor3A_240 = vector.broadcast %xor3A_239 : i32 to vector<16xi32>
          %xor3A_241 = arith.xori %iota3A, %xor3A_240 : vector<16xi32>
          %broadcast_in_dim3A_242 = vector.shape_cast %xor3A_241 : vector<16xi32> to vector<16x1xi32>
          %gather3A_243 = vector.shape_cast %broadcast_in_dim3A_242 : vector<16x1xi32> to vector<16xi32>
          %gather3A_244 = tpu.dynamic_gather %add3A_238[%gather3A_243] in [0] : vector<16xf32>, vector<16xi32> -> vector<16xf32>
          %add3A_245 = arith.addf %add3A_238, %gather3A_244 : vector<16xf32>
          %exp3A = math.exp %add3A_245 : vector<16xf32>
          %get3A_246 = arith.index_cast %add3A_161 : i32 to index
          %get3A_247 = arith.constant 64 : index
          %get3A_248 = tpu.vector_load %arg14[%get3A_246, %get3A_247] {strides = array<i32>} : memref<80x128xf32, #tpu.memory_space<vmem>>, vector<1x16xf32>,
          %get3A_249 = vector.shape_cast %get3A_248 : vector<1x16xf32> to vector<16xf32>
          %add3A_250 = arith.addf %get3A_249, %get3A_164 : vector<16xf32>
          %mul3A_251 = arith.mulf %exp3A, %add3A_250 : vector<16xf32>
          %swap3A = arith.index_cast %add3A_161 : i32 to index
          %swap3A_252 = arith.constant 0 : index
          %swap3A_253 = tpu.vector_load %arg17[%swap3A, %swap3A_252] {strides = array<i32>} : memref<80x80xf32, #tpu.memory_space<vmem>>, vector<1x16xf32>,
          %swap3A_254 = vector.shape_cast %swap3A_253 : vector<1x16xf32> to vector<16xf32>
          %swap3A_255 = vector.shape_cast %mul3A_251 : vector<16xf32> to vector<1x16xf32>
          tpu.vector_store %arg17[%swap3A, %swap3A_252], %swap3A_255 {strides = array<i32>} : memref<80x80xf32, #tpu.memory_space<vmem>>, vector<1x16xf32>,
          %get3A_256 = arith.index_cast %add3A_161 : i32 to index
          %get3A_257 = arith.constant 80 : index
          %get3A_258 = tpu.vector_load %arg14[%get3A_256, %get3A_257] {strides = array<i32>} : memref<80x128xf32, #tpu.memory_space<vmem>>, vector<1x16xf32>,
          %get3A_259 = vector.shape_cast %get3A_258 : vector<1x16xf32> to vector<16xf32>
          %add3A_260 = arith.addf %get3A_259, %get3A_168 : vector<16xf32>
          %mul3A_261 = arith.mulf %exp3A, %add3A_260 : vector<16xf32>
          %swap3A_262 = arith.index_cast %add3A_161 : i32 to index
          %swap3A_263 = arith.constant 16 : index
          %swap3A_264 = tpu.vector_load %arg17[%swap3A_262, %swap3A_263] {strides = array<i32>} : memref<80x80xf32, #tpu.memory_space<vmem>>, vector<1x16xf32>,
          %swap3A_265 = vector.shape_cast %swap3A_264 : vector<1x16xf32> to vector<16xf32>
          %swap3A_266 = vector.shape_cast %mul3A_261 : vector<16xf32> to vector<1x16xf32>
          tpu.vector_store %arg17[%swap3A_262, %swap3A_263], %swap3A_266 {strides = array<i32>} : memref<80x80xf32, #tpu.memory_space<vmem>>, vector<1x16xf32>,
          %get3A_267 = arith.index_cast %add3A_161 : i32 to index
          %get3A_268 = arith.constant 96 : index
          %get3A_269 = tpu.vector_load %arg14[%get3A_267, %get3A_268] {strides = array<i32>} : memref<80x128xf32, #tpu.memory_space<vmem>>, vector<1x16xf32>,
          %get3A_270 = vector.shape_cast %get3A_269 : vector<1x16xf32> to vector<16xf32>
          %add3A_271 = arith.addf %get3A_270, %get3A_172 : vector<16xf32>
          %mul3A_272 = arith.mulf %exp3A, %add3A_271 : vector<16xf32>
          %swap3A_273 = arith.index_cast %add3A_161 : i32 to index
          %swap3A_274 = arith.constant 32 : index
          %swap3A_275 = tpu.vector_load %arg17[%swap3A_273, %swap3A_274] {strides = array<i32>} : memref<80x80xf32, #tpu.memory_space<vmem>>, vector<1x16xf32>,
          %swap3A_276 = vector.shape_cast %swap3A_275 : vector<1x16xf32> to vector<16xf32>
          %swap3A_277 = vector.shape_cast %mul3A_272 : vector<16xf32> to vector<1x16xf32>
          tpu.vector_store %arg17[%swap3A_273, %swap3A_274], %swap3A_277 {strides = array<i32>} : memref<80x80xf32, #tpu.memory_space<vmem>>, vector<1x16xf32>,
          %get3A_278 = arith.index_cast %add3A_161 : i32 to index
          %get3A_279 = arith.constant 112 : index
          %get3A_280 = tpu.vector_load %arg14[%get3A_278, %get3A_279] {strides = array<i32>} : memref<80x128xf32, #tpu.memory_space<vmem>>, vector<1x16xf32>,
          %get3A_281 = vector.shape_cast %get3A_280 : vector<1x16xf32> to vector<16xf32>
          %add3A_282 = arith.addf %get3A_281, %get3A_176 : vector<16xf32>
          %mul3A_283 = arith.mulf %exp3A, %add3A_282 : vector<16xf32>
          %swap3A_284 = arith.index_cast %add3A_161 : i32 to index
          %swap3A_285 = arith.constant 48 : index
          %swap3A_286 = tpu.vector_load %arg17[%swap3A_284, %swap3A_285] {strides = array<i32>} : memref<80x80xf32, #tpu.memory_space<vmem>>, vector<1x16xf32>,
          %swap3A_287 = vector.shape_cast %swap3A_286 : vector<1x16xf32> to vector<16xf32>
          %swap3A_288 = vector.shape_cast %mul3A_283 : vector<16xf32> to vector<1x16xf32>
          tpu.vector_store %arg17[%swap3A_284, %swap3A_285], %swap3A_288 {strides = array<i32>} : memref<80x80xf32, #tpu.memory_space<vmem>>, vector<1x16xf32>,
          %mul3A_289 = arith.mulf %exp3A, %select_n3A : vector<16xf32>
          %swap3A_290 = arith.index_cast %add3A_161 : i32 to index
          %swap3A_291 = arith.constant 64 : index
          %swap3A_292 = tpu.vector_load %arg17[%swap3A_290, %swap3A_291] {strides = array<i32>} : memref<80x80xf32, #tpu.memory_space<vmem>>, vector<1x16xf32>,
          %swap3A_293 = vector.shape_cast %swap3A_292 : vector<1x16xf32> to vector<16xf32>
          %swap3A_294 = vector.shape_cast %mul3A_289 : vector<16xf32> to vector<1x16xf32>
          tpu.vector_store %arg17[%swap3A_290, %swap3A_291], %swap3A_294 {strides = array<i32>} : memref<80x80xf32, #tpu.memory_space<vmem>>, vector<1x16xf32>,
          %mul3A_295 = arith.constant 2 : i32
          %mul3A_296 = arith.muli %mul3A_295, %add3A_157 : i32
          %add3A_297 = arith.constant 1 : i32
          %add3A_298 = arith.addi %mul3A_296, %add3A_297 : i32
          %get3A_299 = arith.index_cast %add3A_157 : i32 to index
          %get3A_300 = arith.constant 64 : index
          %get3A_301 = tpu.vector_load %arg15[%get3A_299, %get3A_300] {strides = array<i32>} : memref<40x128xf32, #tpu.memory_space<vmem>>, vector<1x16xf32>,
          %get3A_302 = vector.shape_cast %get3A_301 : vector<1x16xf32> to vector<16xf32>
          %get3A_303 = arith.index_cast %add3A_157 : i32 to index
          %get3A_304 = arith.constant 80 : index
          %get3A_305 = tpu.vector_load %arg15[%get3A_303, %get3A_304] {strides = array<i32>} : memref<40x128xf32, #tpu.memory_space<vmem>>, vector<1x16xf32>,
          %get3A_306 = vector.shape_cast %get3A_305 : vector<1x16xf32> to vector<16xf32>
          %get3A_307 = arith.index_cast %add3A_157 : i32 to index
          %get3A_308 = arith.constant 96 : index
          %get3A_309 = tpu.vector_load %arg15[%get3A_307, %get3A_308] {strides = array<i32>} : memref<40x128xf32, #tpu.memory_space<vmem>>, vector<1x16xf32>,
          %get3A_310 = vector.shape_cast %get3A_309 : vector<1x16xf32> to vector<16xf32>
          %get3A_311 = arith.index_cast %add3A_157 : i32 to index
          %get3A_312 = arith.constant 112 : index
          %get3A_313 = tpu.vector_load %arg15[%get3A_311, %get3A_312] {strides = array<i32>} : memref<40x128xf32, #tpu.memory_space<vmem>>, vector<1x16xf32>,
          %get3A_314 = vector.shape_cast %get3A_313 : vector<1x16xf32> to vector<16xf32>
          %get3A_315 = arith.index_cast %add3A_298 : i32 to index
          %get3A_316 = arith.constant 0 : index
          %get3A_317 = tpu.vector_load %arg13[%get3A_315, %get3A_316] {strides = array<i32>} : memref<80x64xf32, #tpu.memory_space<vmem>>, vector<1x16xf32>,
          %get3A_318 = vector.shape_cast %get3A_317 : vector<1x16xf32> to vector<16xf32>
          %get3A_319 = arith.index_cast %add3A_298 : i32 to index
          %get3A_320 = arith.constant 0 : index
          %get3A_321 = tpu.vector_load %arg14[%get3A_319, %get3A_320] {strides = array<i32>} : memref<80x128xf32, #tpu.memory_space<vmem>>, vector<1x16xf32>,
          %get3A_322 = vector.shape_cast %get3A_321 : vector<1x16xf32> to vector<16xf32>
          %add3A_323 = arith.addf %get3A_322, %get3A_302 : vector<16xf32>
          %mul3A_324 = arith.mulf %get3A_318, %add3A_323 : vector<16xf32>
          %get3A_325 = arith.index_cast %add3A_298 : i32 to index
          %get3A_326 = arith.constant 16 : index
          %get3A_327 = tpu.vector_load %arg13[%get3A_325, %get3A_326] {strides = array<i32>} : memref<80x64xf32, #tpu.memory_space<vmem>>, vector<1x16xf32>,
          %get3A_328 = vector.shape_cast %get3A_327 : vector<1x16xf32> to vector<16xf32>
          %get3A_329 = arith.index_cast %add3A_298 : i32 to index
          %get3A_330 = arith.constant 16 : index
          %get3A_331 = tpu.vector_load %arg14[%get3A_329, %get3A_330] {strides = array<i32>} : memref<80x128xf32, #tpu.memory_space<vmem>>, vector<1x16xf32>,
          %get3A_332 = vector.shape_cast %get3A_331 : vector<1x16xf32> to vector<16xf32>
          %add3A_333 = arith.addf %get3A_332, %get3A_306 : vector<16xf32>
          %mul3A_334 = arith.mulf %get3A_328, %add3A_333 : vector<16xf32>
          %add3A_335 = arith.addf %mul3A_324, %mul3A_334 : vector<16xf32>
          %get3A_336 = arith.index_cast %add3A_298 : i32 to index
          %get3A_337 = arith.constant 32 : index
          %get3A_338 = tpu.vector_load %arg13[%get3A_336, %get3A_337] {strides = array<i32>} : memref<80x64xf32, #tpu.memory_space<vmem>>, vector<1x16xf32>,
          %get3A_339 = vector.shape_cast %get3A_338 : vector<1x16xf32> to vector<16xf32>
          %get3A_340 = arith.index_cast %add3A_298 : i32 to index
          %get3A_341 = arith.constant 32 : index
          %get3A_342 = tpu.vector_load %arg14[%get3A_340, %get3A_341] {strides = array<i32>} : memref<80x128xf32, #tpu.memory_space<vmem>>, vector<1x16xf32>,
          %get3A_343 = vector.shape_cast %get3A_342 : vector<1x16xf32> to vector<16xf32>
          %add3A_344 = arith.addf %get3A_343, %get3A_310 : vector<16xf32>
          %mul3A_345 = arith.mulf %get3A_339, %add3A_344 : vector<16xf32>
          %add3A_346 = arith.addf %add3A_335, %mul3A_345 : vector<16xf32>
          %get3A_347 = arith.index_cast %add3A_298 : i32 to index
          %get3A_348 = arith.constant 48 : index
          %get3A_349 = tpu.vector_load %arg13[%get3A_347, %get3A_348] {strides = array<i32>} : memref<80x64xf32, #tpu.memory_space<vmem>>, vector<1x16xf32>,
          %get3A_350 = vector.shape_cast %get3A_349 : vector<1x16xf32> to vector<16xf32>
          %get3A_351 = arith.index_cast %add3A_298 : i32 to index
          %get3A_352 = arith.constant 48 : index
          %get3A_353 = tpu.vector_load %arg14[%get3A_351, %get3A_352] {strides = array<i32>} : memref<80x128xf32, #tpu.memory_space<vmem>>, vector<1x16xf32>,
          %get3A_354 = vector.shape_cast %get3A_353 : vector<1x16xf32> to vector<16xf32>
          %add3A_355 = arith.addf %get3A_354, %get3A_314 : vector<16xf32>
          %mul3A_356 = arith.mulf %get3A_350, %add3A_355 : vector<16xf32>
          %add3A_357 = arith.addf %add3A_346, %mul3A_356 : vector<16xf32>
          %xor3A_358 = arith.constant 8 : i32
          %xor3A_359 = vector.broadcast %xor3A_358 : i32 to vector<16xi32>
          %xor3A_360 = arith.xori %iota3A, %xor3A_359 : vector<16xi32>
          %broadcast_in_dim3A_361 = vector.shape_cast %xor3A_360 : vector<16xi32> to vector<16x1xi32>
          %gather3A_362 = vector.shape_cast %broadcast_in_dim3A_361 : vector<16x1xi32> to vector<16xi32>
          %gather3A_363 = tpu.dynamic_gather %add3A_357[%gather3A_362] in [0] : vector<16xf32>, vector<16xi32> -> vector<16xf32>
          %add3A_364 = arith.addf %add3A_357, %gather3A_363 : vector<16xf32>
          %xor3A_365 = arith.constant 4 : i32
          %xor3A_366 = vector.broadcast %xor3A_365 : i32 to vector<16xi32>
          %xor3A_367 = arith.xori %iota3A, %xor3A_366 : vector<16xi32>
          %broadcast_in_dim3A_368 = vector.shape_cast %xor3A_367 : vector<16xi32> to vector<16x1xi32>
          %gather3A_369 = vector.shape_cast %broadcast_in_dim3A_368 : vector<16x1xi32> to vector<16xi32>
          %gather3A_370 = tpu.dynamic_gather %add3A_364[%gather3A_369] in [0] : vector<16xf32>, vector<16xi32> -> vector<16xf32>
          %add3A_371 = arith.addf %add3A_364, %gather3A_370 : vector<16xf32>
          %xor3A_372 = arith.constant 2 : i32
          %xor3A_373 = vector.broadcast %xor3A_372 : i32 to vector<16xi32>
          %xor3A_374 = arith.xori %iota3A, %xor3A_373 : vector<16xi32>
          %broadcast_in_dim3A_375 = vector.shape_cast %xor3A_374 : vector<16xi32> to vector<16x1xi32>
          %gather3A_376 = vector.shape_cast %broadcast_in_dim3A_375 : vector<16x1xi32> to vector<16xi32>
          %gather3A_377 = tpu.dynamic_gather %add3A_371[%gather3A_376] in [0] : vector<16xf32>, vector<16xi32> -> vector<16xf32>
          %add3A_378 = arith.addf %add3A_371, %gather3A_377 : vector<16xf32>
          %xor3A_379 = arith.constant 1 : i32
          %xor3A_380 = vector.broadcast %xor3A_379 : i32 to vector<16xi32>
          %xor3A_381 = arith.xori %iota3A, %xor3A_380 : vector<16xi32>
          %broadcast_in_dim3A_382 = vector.shape_cast %xor3A_381 : vector<16xi32> to vector<16x1xi32>
          %gather3A_383 = vector.shape_cast %broadcast_in_dim3A_382 : vector<16x1xi32> to vector<16xi32>
          %gather3A_384 = tpu.dynamic_gather %add3A_378[%gather3A_383] in [0] : vector<16xf32>, vector<16xi32> -> vector<16xf32>
          %add3A_385 = arith.addf %add3A_378, %gather3A_384 : vector<16xf32>
          %exp3A_386 = math.exp %add3A_385 : vector<16xf32>
          %get3A_387 = arith.index_cast %add3A_298 : i32 to index
          %get3A_388 = arith.constant 64 : index
          %get3A_389 = tpu.vector_load %arg14[%get3A_387, %get3A_388] {strides = array<i32>} : memref<80x128xf32, #tpu.memory_space<vmem>>, vector<1x16xf32>,
          %get3A_390 = vector.shape_cast %get3A_389 : vector<1x16xf32> to vector<16xf32>
          %add3A_391 = arith.addf %get3A_390, %get3A_302 : vector<16xf32>
          %mul3A_392 = arith.mulf %exp3A_386, %add3A_391 : vector<16xf32>
          %swap3A_393 = arith.index_cast %add3A_298 : i32 to index
          %swap3A_394 = arith.constant 0 : index
          %swap3A_395 = tpu.vector_load %arg17[%swap3A_393, %swap3A_394] {strides = array<i32>} : memref<80x80xf32, #tpu.memory_space<vmem>>, vector<1x16xf32>,
          %swap3A_396 = vector.shape_cast %swap3A_395 : vector<1x16xf32> to vector<16xf32>
          %swap3A_397 = vector.shape_cast %mul3A_392 : vector<16xf32> to vector<1x16xf32>
          tpu.vector_store %arg17[%swap3A_393, %swap3A_394], %swap3A_397 {strides = array<i32>} : memref<80x80xf32, #tpu.memory_space<vmem>>, vector<1x16xf32>,
          %get3A_398 = arith.index_cast %add3A_298 : i32 to index
          %get3A_399 = arith.constant 80 : index
          %get3A_400 = tpu.vector_load %arg14[%get3A_398, %get3A_399] {strides = array<i32>} : memref<80x128xf32, #tpu.memory_space<vmem>>, vector<1x16xf32>,
          %get3A_401 = vector.shape_cast %get3A_400 : vector<1x16xf32> to vector<16xf32>
          %add3A_402 = arith.addf %get3A_401, %get3A_306 : vector<16xf32>
          %mul3A_403 = arith.mulf %exp3A_386, %add3A_402 : vector<16xf32>
          %swap3A_404 = arith.index_cast %add3A_298 : i32 to index
          %swap3A_405 = arith.constant 16 : index
          %swap3A_406 = tpu.vector_load %arg17[%swap3A_404, %swap3A_405] {strides = array<i32>} : memref<80x80xf32, #tpu.memory_space<vmem>>, vector<1x16xf32>,
          %swap3A_407 = vector.shape_cast %swap3A_406 : vector<1x16xf32> to vector<16xf32>
          %swap3A_408 = vector.shape_cast %mul3A_403 : vector<16xf32> to vector<1x16xf32>
          tpu.vector_store %arg17[%swap3A_404, %swap3A_405], %swap3A_408 {strides = array<i32>} : memref<80x80xf32, #tpu.memory_space<vmem>>, vector<1x16xf32>,
          %get3A_409 = arith.index_cast %add3A_298 : i32 to index
          %get3A_410 = arith.constant 96 : index
          %get3A_411 = tpu.vector_load %arg14[%get3A_409, %get3A_410] {strides = array<i32>} : memref<80x128xf32, #tpu.memory_space<vmem>>, vector<1x16xf32>,
          %get3A_412 = vector.shape_cast %get3A_411 : vector<1x16xf32> to vector<16xf32>
          %add3A_413 = arith.addf %get3A_412, %get3A_310 : vector<16xf32>
          %mul3A_414 = arith.mulf %exp3A_386, %add3A_413 : vector<16xf32>
          %swap3A_415 = arith.index_cast %add3A_298 : i32 to index
          %swap3A_416 = arith.constant 32 : index
          %swap3A_417 = tpu.vector_load %arg17[%swap3A_415, %swap3A_416] {strides = array<i32>} : memref<80x80xf32, #tpu.memory_space<vmem>>, vector<1x16xf32>,
          %swap3A_418 = vector.shape_cast %swap3A_417 : vector<1x16xf32> to vector<16xf32>
          %swap3A_419 = vector.shape_cast %mul3A_414 : vector<16xf32> to vector<1x16xf32>
          tpu.vector_store %arg17[%swap3A_415, %swap3A_416], %swap3A_419 {strides = array<i32>} : memref<80x80xf32, #tpu.memory_space<vmem>>, vector<1x16xf32>,
          %get3A_420 = arith.index_cast %add3A_298 : i32 to index
          %get3A_421 = arith.constant 112 : index
          %get3A_422 = tpu.vector_load %arg14[%get3A_420, %get3A_421] {strides = array<i32>} : memref<80x128xf32, #tpu.memory_space<vmem>>, vector<1x16xf32>,
          %get3A_423 = vector.shape_cast %get3A_422 : vector<1x16xf32> to vector<16xf32>
          %add3A_424 = arith.addf %get3A_423, %get3A_314 : vector<16xf32>
          %mul3A_425 = arith.mulf %exp3A_386, %add3A_424 : vector<16xf32>
          %swap3A_426 = arith.index_cast %add3A_298 : i32 to index
          %swap3A_427 = arith.constant 48 : index
          %swap3A_428 = tpu.vector_load %arg17[%swap3A_426, %swap3A_427] {strides = array<i32>} : memref<80x80xf32, #tpu.memory_space<vmem>>, vector<1x16xf32>,
          %swap3A_429 = vector.shape_cast %swap3A_428 : vector<1x16xf32> to vector<16xf32>
          %swap3A_430 = vector.shape_cast %mul3A_425 : vector<16xf32> to vector<1x16xf32>
          tpu.vector_store %arg17[%swap3A_426, %swap3A_427], %swap3A_430 {strides = array<i32>} : memref<80x80xf32, #tpu.memory_space<vmem>>, vector<1x16xf32>,
          %mul3A_431 = arith.mulf %exp3A_386, %select_n3A : vector<16xf32>
          %swap3A_432 = arith.index_cast %add3A_298 : i32 to index
          %swap3A_433 = arith.constant 64 : index
          %swap3A_434 = tpu.vector_load %arg17[%swap3A_432, %swap3A_433] {strides = array<i32>} : memref<80x80xf32, #tpu.memory_space<vmem>>, vector<1x16xf32>,
          %swap3A_435 = vector.shape_cast %swap3A_434 : vector<1x16xf32> to vector<16xf32>
          %swap3A_436 = vector.shape_cast %mul3A_431 : vector<16xf32> to vector<1x16xf32>
          tpu.vector_store %arg17[%swap3A_432, %swap3A_433], %swap3A_436 {strides = array<i32>} : memref<80x80xf32, #tpu.memory_space<vmem>>, vector<1x16xf32>,
          %scan3A_437 = arith.constant 1 : i32
          %scan3A_438 = arith.addi %scan3A_153, %scan3A_437 : i32
          %mul3A_439 = arith.constant 1 : i32
          %mul3A_440 = arith.muli %scan3A_438, %mul3A_439 : i32
          %add3A_441 = arith.constant 0 : i32
          %add3A_442 = arith.addi %add3A_441, %mul3A_440 : i32
          %mul3A_443 = arith.constant 2 : i32
          %mul3A_444 = arith.muli %mul3A_443, %add3A_442 : i32
          %add3A_445 = arith.constant 0 : i32
          %add3A_446 = arith.addi %mul3A_444, %add3A_445 : i32
          %get3A_447 = arith.index_cast %add3A_442 : i32 to index
          %get3A_448 = arith.constant 0 : index
          %get3A_449 = tpu.vector_load %arg15[%get3A_447, %get3A_448] {strides = array<i32>} : memref<40x128xf32, #tpu.memory_space<vmem>>, vector<1x16xf32>,
          %get3A_450 = vector.shape_cast %get3A_449 : vector<1x16xf32> to vector<16xf32>
          %get3A_451 = arith.index_cast %add3A_442 : i32 to index
          %get3A_452 = arith.constant 16 : index
          %get3A_453 = tpu.vector_load %arg15[%get3A_451, %get3A_452] {strides = array<i32>} : memref<40x128xf32, #tpu.memory_space<vmem>>, vector<1x16xf32>,
          %get3A_454 = vector.shape_cast %get3A_453 : vector<1x16xf32> to vector<16xf32>
          %get3A_455 = arith.index_cast %add3A_442 : i32 to index
          %get3A_456 = arith.constant 32 : index
          %get3A_457 = tpu.vector_load %arg15[%get3A_455, %get3A_456] {strides = array<i32>} : memref<40x128xf32, #tpu.memory_space<vmem>>, vector<1x16xf32>,
          %get3A_458 = vector.shape_cast %get3A_457 : vector<1x16xf32> to vector<16xf32>
          %get3A_459 = arith.index_cast %add3A_442 : i32 to index
          %get3A_460 = arith.constant 48 : index
          %get3A_461 = tpu.vector_load %arg15[%get3A_459, %get3A_460] {strides = array<i32>} : memref<40x128xf32, #tpu.memory_space<vmem>>, vector<1x16xf32>,
          %get3A_462 = vector.shape_cast %get3A_461 : vector<1x16xf32> to vector<16xf32>
          %get3A_463 = arith.index_cast %add3A_446 : i32 to index
          %get3A_464 = arith.constant 0 : index
          %get3A_465 = tpu.vector_load %arg13[%get3A_463, %get3A_464] {strides = array<i32>} : memref<80x64xf32, #tpu.memory_space<vmem>>, vector<1x16xf32>,
          %get3A_466 = vector.shape_cast %get3A_465 : vector<1x16xf32> to vector<16xf32>
          %get3A_467 = arith.index_cast %add3A_446 : i32 to index
          %get3A_468 = arith.constant 0 : index
          %get3A_469 = tpu.vector_load %arg14[%get3A_467, %get3A_468] {strides = array<i32>} : memref<80x128xf32, #tpu.memory_space<vmem>>, vector<1x16xf32>,
          %get3A_470 = vector.shape_cast %get3A_469 : vector<1x16xf32> to vector<16xf32>
          %add3A_471 = arith.addf %get3A_470, %get3A_450 : vector<16xf32>
          %mul3A_472 = arith.mulf %get3A_466, %add3A_471 : vector<16xf32>
          %get3A_473 = arith.index_cast %add3A_446 : i32 to index
          %get3A_474 = arith.constant 16 : index
          %get3A_475 = tpu.vector_load %arg13[%get3A_473, %get3A_474] {strides = array<i32>} : memref<80x64xf32, #tpu.memory_space<vmem>>, vector<1x16xf32>,
          %get3A_476 = vector.shape_cast %get3A_475 : vector<1x16xf32> to vector<16xf32>
          %get3A_477 = arith.index_cast %add3A_446 : i32 to index
          %get3A_478 = arith.constant 16 : index
          %get3A_479 = tpu.vector_load %arg14[%get3A_477, %get3A_478] {strides = array<i32>} : memref<80x128xf32, #tpu.memory_space<vmem>>, vector<1x16xf32>,
          %get3A_480 = vector.shape_cast %get3A_479 : vector<1x16xf32> to vector<16xf32>
          %add3A_481 = arith.addf %get3A_480, %get3A_454 : vector<16xf32>
          %mul3A_482 = arith.mulf %get3A_476, %add3A_481 : vector<16xf32>
          %add3A_483 = arith.addf %mul3A_472, %mul3A_482 : vector<16xf32>
          %get3A_484 = arith.index_cast %add3A_446 : i32 to index
          %get3A_485 = arith.constant 32 : index
          %get3A_486 = tpu.vector_load %arg13[%get3A_484, %get3A_485] {strides = array<i32>} : memref<80x64xf32, #tpu.memory_space<vmem>>, vector<1x16xf32>,
          %get3A_487 = vector.shape_cast %get3A_486 : vector<1x16xf32> to vector<16xf32>
          %get3A_488 = arith.index_cast %add3A_446 : i32 to index
          %get3A_489 = arith.constant 32 : index
          %get3A_490 = tpu.vector_load %arg14[%get3A_488, %get3A_489] {strides = array<i32>} : memref<80x128xf32, #tpu.memory_space<vmem>>, vector<1x16xf32>,
          %get3A_491 = vector.shape_cast %get3A_490 : vector<1x16xf32> to vector<16xf32>
          %add3A_492 = arith.addf %get3A_491, %get3A_458 : vector<16xf32>
          %mul3A_493 = arith.mulf %get3A_487, %add3A_492 : vector<16xf32>
          %add3A_494 = arith.addf %add3A_483, %mul3A_493 : vector<16xf32>
          %get3A_495 = arith.index_cast %add3A_446 : i32 to index
          %get3A_496 = arith.constant 48 : index
          %get3A_497 = tpu.vector_load %arg13[%get3A_495, %get3A_496] {strides = array<i32>} : memref<80x64xf32, #tpu.memory_space<vmem>>, vector<1x16xf32>,
          %get3A_498 = vector.shape_cast %get3A_497 : vector<1x16xf32> to vector<16xf32>
          %get3A_499 = arith.index_cast %add3A_446 : i32 to index
          %get3A_500 = arith.constant 48 : index
          %get3A_501 = tpu.vector_load %arg14[%get3A_499, %get3A_500] {strides = array<i32>} : memref<80x128xf32, #tpu.memory_space<vmem>>, vector<1x16xf32>,
          %get3A_502 = vector.shape_cast %get3A_501 : vector<1x16xf32> to vector<16xf32>
          %add3A_503 = arith.addf %get3A_502, %get3A_462 : vector<16xf32>
          %mul3A_504 = arith.mulf %get3A_498, %add3A_503 : vector<16xf32>
          %add3A_505 = arith.addf %add3A_494, %mul3A_504 : vector<16xf32>
          %xor3A_506 = arith.constant 8 : i32
          %xor3A_507 = vector.broadcast %xor3A_506 : i32 to vector<16xi32>
          %xor3A_508 = arith.xori %iota3A, %xor3A_507 : vector<16xi32>
          %broadcast_in_dim3A_509 = vector.shape_cast %xor3A_508 : vector<16xi32> to vector<16x1xi32>
          %gather3A_510 = vector.shape_cast %broadcast_in_dim3A_509 : vector<16x1xi32> to vector<16xi32>
          %gather3A_511 = tpu.dynamic_gather %add3A_505[%gather3A_510] in [0] : vector<16xf32>, vector<16xi32> -> vector<16xf32>
          %add3A_512 = arith.addf %add3A_505, %gather3A_511 : vector<16xf32>
          %xor3A_513 = arith.constant 4 : i32
          %xor3A_514 = vector.broadcast %xor3A_513 : i32 to vector<16xi32>
          %xor3A_515 = arith.xori %iota3A, %xor3A_514 : vector<16xi32>
          %broadcast_in_dim3A_516 = vector.shape_cast %xor3A_515 : vector<16xi32> to vector<16x1xi32>
          %gather3A_517 = vector.shape_cast %broadcast_in_dim3A_516 : vector<16x1xi32> to vector<16xi32>
          %gather3A_518 = tpu.dynamic_gather %add3A_512[%gather3A_517] in [0] : vector<16xf32>, vector<16xi32> -> vector<16xf32>
          %add3A_519 = arith.addf %add3A_512, %gather3A_518 : vector<16xf32>
          %xor3A_520 = arith.constant 2 : i32
          %xor3A_521 = vector.broadcast %xor3A_520 : i32 to vector<16xi32>
          %xor3A_522 = arith.xori %iota3A, %xor3A_521 : vector<16xi32>
          %broadcast_in_dim3A_523 = vector.shape_cast %xor3A_522 : vector<16xi32> to vector<16x1xi32>
          %gather3A_524 = vector.shape_cast %broadcast_in_dim3A_523 : vector<16x1xi32> to vector<16xi32>
          %gather3A_525 = tpu.dynamic_gather %add3A_519[%gather3A_524] in [0] : vector<16xf32>, vector<16xi32> -> vector<16xf32>
          %add3A_526 = arith.addf %add3A_519, %gather3A_525 : vector<16xf32>
          %xor3A_527 = arith.constant 1 : i32
          %xor3A_528 = vector.broadcast %xor3A_527 : i32 to vector<16xi32>
          %xor3A_529 = arith.xori %iota3A, %xor3A_528 : vector<16xi32>
          %broadcast_in_dim3A_530 = vector.shape_cast %xor3A_529 : vector<16xi32> to vector<16x1xi32>
          %gather3A_531 = vector.shape_cast %broadcast_in_dim3A_530 : vector<16x1xi32> to vector<16xi32>
          %gather3A_532 = tpu.dynamic_gather %add3A_526[%gather3A_531] in [0] : vector<16xf32>, vector<16xi32> -> vector<16xf32>
          %add3A_533 = arith.addf %add3A_526, %gather3A_532 : vector<16xf32>
          %exp3A_534 = math.exp %add3A_533 : vector<16xf32>
          %get3A_535 = arith.index_cast %add3A_446 : i32 to index
          %get3A_536 = arith.constant 64 : index
          %get3A_537 = tpu.vector_load %arg14[%get3A_535, %get3A_536] {strides = array<i32>} : memref<80x128xf32, #tpu.memory_space<vmem>>, vector<1x16xf32>,
          %get3A_538 = vector.shape_cast %get3A_537 : vector<1x16xf32> to vector<16xf32>
          %add3A_539 = arith.addf %get3A_538, %get3A_450 : vector<16xf32>
          %mul3A_540 = arith.mulf %exp3A_534, %add3A_539 : vector<16xf32>
          %swap3A_541 = arith.index_cast %add3A_446 : i32 to index
          %swap3A_542 = arith.constant 0 : index
          %swap3A_543 = tpu.vector_load %arg17[%swap3A_541, %swap3A_542] {strides = array<i32>} : memref<80x80xf32, #tpu.memory_space<vmem>>, vector<1x16xf32>,
          %swap3A_544 = vector.shape_cast %swap3A_543 : vector<1x16xf32> to vector<16xf32>
          %swap3A_545 = vector.shape_cast %mul3A_540 : vector<16xf32> to vector<1x16xf32>
          tpu.vector_store %arg17[%swap3A_541, %swap3A_542], %swap3A_545 {strides = array<i32>} : memref<80x80xf32, #tpu.memory_space<vmem>>, vector<1x16xf32>,
          %get3A_546 = arith.index_cast %add3A_446 : i32 to index
          %get3A_547 = arith.constant 80 : index
          %get3A_548 = tpu.vector_load %arg14[%get3A_546, %get3A_547] {strides = array<i32>} : memref<80x128xf32, #tpu.memory_space<vmem>>, vector<1x16xf32>,
          %get3A_549 = vector.shape_cast %get3A_548 : vector<1x16xf32> to vector<16xf32>
          %add3A_550 = arith.addf %get3A_549, %get3A_454 : vector<16xf32>
          %mul3A_551 = arith.mulf %exp3A_534, %add3A_550 : vector<16xf32>
          %swap3A_552 = arith.index_cast %add3A_446 : i32 to index
          %swap3A_553 = arith.constant 16 : index
          %swap3A_554 = tpu.vector_load %arg17[%swap3A_552, %swap3A_553] {strides = array<i32>} : memref<80x80xf32, #tpu.memory_space<vmem>>, vector<1x16xf32>,
          %swap3A_555 = vector.shape_cast %swap3A_554 : vector<1x16xf32> to vector<16xf32>
          %swap3A_556 = vector.shape_cast %mul3A_551 : vector<16xf32> to vector<1x16xf32>
          tpu.vector_store %arg17[%swap3A_552, %swap3A_553], %swap3A_556 {strides = array<i32>} : memref<80x80xf32, #tpu.memory_space<vmem>>, vector<1x16xf32>,
          %get3A_557 = arith.index_cast %add3A_446 : i32 to index
          %get3A_558 = arith.constant 96 : index
          %get3A_559 = tpu.vector_load %arg14[%get3A_557, %get3A_558] {strides = array<i32>} : memref<80x128xf32, #tpu.memory_space<vmem>>, vector<1x16xf32>,
          %get3A_560 = vector.shape_cast %get3A_559 : vector<1x16xf32> to vector<16xf32>
          %add3A_561 = arith.addf %get3A_560, %get3A_458 : vector<16xf32>
          %mul3A_562 = arith.mulf %exp3A_534, %add3A_561 : vector<16xf32>
          %swap3A_563 = arith.index_cast %add3A_446 : i32 to index
          %swap3A_564 = arith.constant 32 : index
          %swap3A_565 = tpu.vector_load %arg17[%swap3A_563, %swap3A_564] {strides = array<i32>} : memref<80x80xf32, #tpu.memory_space<vmem>>, vector<1x16xf32>,
          %swap3A_566 = vector.shape_cast %swap3A_565 : vector<1x16xf32> to vector<16xf32>
          %swap3A_567 = vector.shape_cast %mul3A_562 : vector<16xf32> to vector<1x16xf32>
          tpu.vector_store %arg17[%swap3A_563, %swap3A_564], %swap3A_567 {strides = array<i32>} : memref<80x80xf32, #tpu.memory_space<vmem>>, vector<1x16xf32>,
          %get3A_568 = arith.index_cast %add3A_446 : i32 to index
          %get3A_569 = arith.constant 112 : index
          %get3A_570 = tpu.vector_load %arg14[%get3A_568, %get3A_569] {strides = array<i32>} : memref<80x128xf32, #tpu.memory_space<vmem>>, vector<1x16xf32>,
          %get3A_571 = vector.shape_cast %get3A_570 : vector<1x16xf32> to vector<16xf32>
          %add3A_572 = arith.addf %get3A_571, %get3A_462 : vector<16xf32>
          %mul3A_573 = arith.mulf %exp3A_534, %add3A_572 : vector<16xf32>
          %swap3A_574 = arith.index_cast %add3A_446 : i32 to index
          %swap3A_575 = arith.constant 48 : index
          %swap3A_576 = tpu.vector_load %arg17[%swap3A_574, %swap3A_575] {strides = array<i32>} : memref<80x80xf32, #tpu.memory_space<vmem>>, vector<1x16xf32>,
          %swap3A_577 = vector.shape_cast %swap3A_576 : vector<1x16xf32> to vector<16xf32>
          %swap3A_578 = vector.shape_cast %mul3A_573 : vector<16xf32> to vector<1x16xf32>
          tpu.vector_store %arg17[%swap3A_574, %swap3A_575], %swap3A_578 {strides = array<i32>} : memref<80x80xf32, #tpu.memory_space<vmem>>, vector<1x16xf32>,
          %mul3A_579 = arith.mulf %exp3A_534, %select_n3A : vector<16xf32>
          %swap3A_580 = arith.index_cast %add3A_446 : i32 to index
          %swap3A_581 = arith.constant 64 : index
          %swap3A_582 = tpu.vector_load %arg17[%swap3A_580, %swap3A_581] {strides = array<i32>} : memref<80x80xf32, #tpu.memory_space<vmem>>, vector<1x16xf32>,
          %swap3A_583 = vector.shape_cast %swap3A_582 : vector<1x16xf32> to vector<16xf32>
          %swap3A_584 = vector.shape_cast %mul3A_579 : vector<16xf32> to vector<1x16xf32>
          tpu.vector_store %arg17[%swap3A_580, %swap3A_581], %swap3A_584 {strides = array<i32>} : memref<80x80xf32, #tpu.memory_space<vmem>>, vector<1x16xf32>,
          %mul3A_585 = arith.constant 2 : i32
          %mul3A_586 = arith.muli %mul3A_585, %add3A_442 : i32
          %add3A_587 = arith.constant 1 : i32
          %add3A_588 = arith.addi %mul3A_586, %add3A_587 : i32
          %get3A_589 = arith.index_cast %add3A_442 : i32 to index
          %get3A_590 = arith.constant 64 : index
          %get3A_591 = tpu.vector_load %arg15[%get3A_589, %get3A_590] {strides = array<i32>} : memref<40x128xf32, #tpu.memory_space<vmem>>, vector<1x16xf32>,
          %get3A_592 = vector.shape_cast %get3A_591 : vector<1x16xf32> to vector<16xf32>
          %get3A_593 = arith.index_cast %add3A_442 : i32 to index
          %get3A_594 = arith.constant 80 : index
          %get3A_595 = tpu.vector_load %arg15[%get3A_593, %get3A_594] {strides = array<i32>} : memref<40x128xf32, #tpu.memory_space<vmem>>, vector<1x16xf32>,
          %get3A_596 = vector.shape_cast %get3A_595 : vector<1x16xf32> to vector<16xf32>
          %get3A_597 = arith.index_cast %add3A_442 : i32 to index
          %get3A_598 = arith.constant 96 : index
          %get3A_599 = tpu.vector_load %arg15[%get3A_597, %get3A_598] {strides = array<i32>} : memref<40x128xf32, #tpu.memory_space<vmem>>, vector<1x16xf32>,
          %get3A_600 = vector.shape_cast %get3A_599 : vector<1x16xf32> to vector<16xf32>
          %get3A_601 = arith.index_cast %add3A_442 : i32 to index
          %get3A_602 = arith.constant 112 : index
          %get3A_603 = tpu.vector_load %arg15[%get3A_601, %get3A_602] {strides = array<i32>} : memref<40x128xf32, #tpu.memory_space<vmem>>, vector<1x16xf32>,
          %get3A_604 = vector.shape_cast %get3A_603 : vector<1x16xf32> to vector<16xf32>
          %get3A_605 = arith.index_cast %add3A_588 : i32 to index
          %get3A_606 = arith.constant 0 : index
          %get3A_607 = tpu.vector_load %arg13[%get3A_605, %get3A_606] {strides = array<i32>} : memref<80x64xf32, #tpu.memory_space<vmem>>, vector<1x16xf32>,
          %get3A_608 = vector.shape_cast %get3A_607 : vector<1x16xf32> to vector<16xf32>
          %get3A_609 = arith.index_cast %add3A_588 : i32 to index
          %get3A_610 = arith.constant 0 : index
          %get3A_611 = tpu.vector_load %arg14[%get3A_609, %get3A_610] {strides = array<i32>} : memref<80x128xf32, #tpu.memory_space<vmem>>, vector<1x16xf32>,
          %get3A_612 = vector.shape_cast %get3A_611 : vector<1x16xf32> to vector<16xf32>
          %add3A_613 = arith.addf %get3A_612, %get3A_592 : vector<16xf32>
          %mul3A_614 = arith.mulf %get3A_608, %add3A_613 : vector<16xf32>
          %get3A_615 = arith.index_cast %add3A_588 : i32 to index
          %get3A_616 = arith.constant 16 : index
          %get3A_617 = tpu.vector_load %arg13[%get3A_615, %get3A_616] {strides = array<i32>} : memref<80x64xf32, #tpu.memory_space<vmem>>, vector<1x16xf32>,
          %get3A_618 = vector.shape_cast %get3A_617 : vector<1x16xf32> to vector<16xf32>
          %get3A_619 = arith.index_cast %add3A_588 : i32 to index
          %get3A_620 = arith.constant 16 : index
          %get3A_621 = tpu.vector_load %arg14[%get3A_619, %get3A_620] {strides = array<i32>} : memref<80x128xf32, #tpu.memory_space<vmem>>, vector<1x16xf32>,
          %get3A_622 = vector.shape_cast %get3A_621 : vector<1x16xf32> to vector<16xf32>
          %add3A_623 = arith.addf %get3A_622, %get3A_596 : vector<16xf32>
          %mul3A_624 = arith.mulf %get3A_618, %add3A_623 : vector<16xf32>
          %add3A_625 = arith.addf %mul3A_614, %mul3A_624 : vector<16xf32>
          %get3A_626 = arith.index_cast %add3A_588 : i32 to index
          %get3A_627 = arith.constant 32 : index
          %get3A_628 = tpu.vector_load %arg13[%get3A_626, %get3A_627] {strides = array<i32>} : memref<80x64xf32, #tpu.memory_space<vmem>>, vector<1x16xf32>,
          %get3A_629 = vector.shape_cast %get3A_628 : vector<1x16xf32> to vector<16xf32>
          %get3A_630 = arith.index_cast %add3A_588 : i32 to index
          %get3A_631 = arith.constant 32 : index
          %get3A_632 = tpu.vector_load %arg14[%get3A_630, %get3A_631] {strides = array<i32>} : memref<80x128xf32, #tpu.memory_space<vmem>>, vector<1x16xf32>,
          %get3A_633 = vector.shape_cast %get3A_632 : vector<1x16xf32> to vector<16xf32>
          %add3A_634 = arith.addf %get3A_633, %get3A_600 : vector<16xf32>
          %mul3A_635 = arith.mulf %get3A_629, %add3A_634 : vector<16xf32>
          %add3A_636 = arith.addf %add3A_625, %mul3A_635 : vector<16xf32>
          %get3A_637 = arith.index_cast %add3A_588 : i32 to index
          %get3A_638 = arith.constant 48 : index
          %get3A_639 = tpu.vector_load %arg13[%get3A_637, %get3A_638] {strides = array<i32>} : memref<80x64xf32, #tpu.memory_space<vmem>>, vector<1x16xf32>,
          %get3A_640 = vector.shape_cast %get3A_639 : vector<1x16xf32> to vector<16xf32>
          %get3A_641 = arith.index_cast %add3A_588 : i32 to index
          %get3A_642 = arith.constant 48 : index
          %get3A_643 = tpu.vector_load %arg14[%get3A_641, %get3A_642] {strides = array<i32>} : memref<80x128xf32, #tpu.memory_space<vmem>>, vector<1x16xf32>,
          %get3A_644 = vector.shape_cast %get3A_643 : vector<1x16xf32> to vector<16xf32>
          %add3A_645 = arith.addf %get3A_644, %get3A_604 : vector<16xf32>
          %mul3A_646 = arith.mulf %get3A_640, %add3A_645 : vector<16xf32>
          %add3A_647 = arith.addf %add3A_636, %mul3A_646 : vector<16xf32>
          %xor3A_648 = arith.constant 8 : i32
          %xor3A_649 = vector.broadcast %xor3A_648 : i32 to vector<16xi32>
          %xor3A_650 = arith.xori %iota3A, %xor3A_649 : vector<16xi32>
          %broadcast_in_dim3A_651 = vector.shape_cast %xor3A_650 : vector<16xi32> to vector<16x1xi32>
          %gather3A_652 = vector.shape_cast %broadcast_in_dim3A_651 : vector<16x1xi32> to vector<16xi32>
          %gather3A_653 = tpu.dynamic_gather %add3A_647[%gather3A_652] in [0] : vector<16xf32>, vector<16xi32> -> vector<16xf32>
          %add3A_654 = arith.addf %add3A_647, %gather3A_653 : vector<16xf32>
          %xor3A_655 = arith.constant 4 : i32
          %xor3A_656 = vector.broadcast %xor3A_655 : i32 to vector<16xi32>
          %xor3A_657 = arith.xori %iota3A, %xor3A_656 : vector<16xi32>
          %broadcast_in_dim3A_658 = vector.shape_cast %xor3A_657 : vector<16xi32> to vector<16x1xi32>
          %gather3A_659 = vector.shape_cast %broadcast_in_dim3A_658 : vector<16x1xi32> to vector<16xi32>
          %gather3A_660 = tpu.dynamic_gather %add3A_654[%gather3A_659] in [0] : vector<16xf32>, vector<16xi32> -> vector<16xf32>
          %add3A_661 = arith.addf %add3A_654, %gather3A_660 : vector<16xf32>
          %xor3A_662 = arith.constant 2 : i32
          %xor3A_663 = vector.broadcast %xor3A_662 : i32 to vector<16xi32>
          %xor3A_664 = arith.xori %iota3A, %xor3A_663 : vector<16xi32>
          %broadcast_in_dim3A_665 = vector.shape_cast %xor3A_664 : vector<16xi32> to vector<16x1xi32>
          %gather3A_666 = vector.shape_cast %broadcast_in_dim3A_665 : vector<16x1xi32> to vector<16xi32>
          %gather3A_667 = tpu.dynamic_gather %add3A_661[%gather3A_666] in [0] : vector<16xf32>, vector<16xi32> -> vector<16xf32>
          %add3A_668 = arith.addf %add3A_661, %gather3A_667 : vector<16xf32>
          %xor3A_669 = arith.constant 1 : i32
          %xor3A_670 = vector.broadcast %xor3A_669 : i32 to vector<16xi32>
          %xor3A_671 = arith.xori %iota3A, %xor3A_670 : vector<16xi32>
          %broadcast_in_dim3A_672 = vector.shape_cast %xor3A_671 : vector<16xi32> to vector<16x1xi32>
          %gather3A_673 = vector.shape_cast %broadcast_in_dim3A_672 : vector<16x1xi32> to vector<16xi32>
          %gather3A_674 = tpu.dynamic_gather %add3A_668[%gather3A_673] in [0] : vector<16xf32>, vector<16xi32> -> vector<16xf32>
          %add3A_675 = arith.addf %add3A_668, %gather3A_674 : vector<16xf32>
          %exp3A_676 = math.exp %add3A_675 : vector<16xf32>
          %get3A_677 = arith.index_cast %add3A_588 : i32 to index
          %get3A_678 = arith.constant 64 : index
          %get3A_679 = tpu.vector_load %arg14[%get3A_677, %get3A_678] {strides = array<i32>} : memref<80x128xf32, #tpu.memory_space<vmem>>, vector<1x16xf32>,
          %get3A_680 = vector.shape_cast %get3A_679 : vector<1x16xf32> to vector<16xf32>
          %add3A_681 = arith.addf %get3A_680, %get3A_592 : vector<16xf32>
          %mul3A_682 = arith.mulf %exp3A_676, %add3A_681 : vector<16xf32>
          %swap3A_683 = arith.index_cast %add3A_588 : i32 to index
          %swap3A_684 = arith.constant 0 : index
          %swap3A_685 = tpu.vector_load %arg17[%swap3A_683, %swap3A_684] {strides = array<i32>} : memref<80x80xf32, #tpu.memory_space<vmem>>, vector<1x16xf32>,
          %swap3A_686 = vector.shape_cast %swap3A_685 : vector<1x16xf32> to vector<16xf32>
          %swap3A_687 = vector.shape_cast %mul3A_682 : vector<16xf32> to vector<1x16xf32>
          tpu.vector_store %arg17[%swap3A_683, %swap3A_684], %swap3A_687 {strides = array<i32>} : memref<80x80xf32, #tpu.memory_space<vmem>>, vector<1x16xf32>,
          %get3A_688 = arith.index_cast %add3A_588 : i32 to index
          %get3A_689 = arith.constant 80 : index
          %get3A_690 = tpu.vector_load %arg14[%get3A_688, %get3A_689] {strides = array<i32>} : memref<80x128xf32, #tpu.memory_space<vmem>>, vector<1x16xf32>,
          %get3A_691 = vector.shape_cast %get3A_690 : vector<1x16xf32> to vector<16xf32>
          %add3A_692 = arith.addf %get3A_691, %get3A_596 : vector<16xf32>
          %mul3A_693 = arith.mulf %exp3A_676, %add3A_692 : vector<16xf32>
          %swap3A_694 = arith.index_cast %add3A_588 : i32 to index
          %swap3A_695 = arith.constant 16 : index
          %swap3A_696 = tpu.vector_load %arg17[%swap3A_694, %swap3A_695] {strides = array<i32>} : memref<80x80xf32, #tpu.memory_space<vmem>>, vector<1x16xf32>,
          %swap3A_697 = vector.shape_cast %swap3A_696 : vector<1x16xf32> to vector<16xf32>
          %swap3A_698 = vector.shape_cast %mul3A_693 : vector<16xf32> to vector<1x16xf32>
          tpu.vector_store %arg17[%swap3A_694, %swap3A_695], %swap3A_698 {strides = array<i32>} : memref<80x80xf32, #tpu.memory_space<vmem>>, vector<1x16xf32>,
          %get3A_699 = arith.index_cast %add3A_588 : i32 to index
          %get3A_700 = arith.constant 96 : index
          %get3A_701 = tpu.vector_load %arg14[%get3A_699, %get3A_700] {strides = array<i32>} : memref<80x128xf32, #tpu.memory_space<vmem>>, vector<1x16xf32>,
          %get3A_702 = vector.shape_cast %get3A_701 : vector<1x16xf32> to vector<16xf32>
          %add3A_703 = arith.addf %get3A_702, %get3A_600 : vector<16xf32>
          %mul3A_704 = arith.mulf %exp3A_676, %add3A_703 : vector<16xf32>
          %swap3A_705 = arith.index_cast %add3A_588 : i32 to index
          %swap3A_706 = arith.constant 32 : index
          %swap3A_707 = tpu.vector_load %arg17[%swap3A_705, %swap3A_706] {strides = array<i32>} : memref<80x80xf32, #tpu.memory_space<vmem>>, vector<1x16xf32>,
          %swap3A_708 = vector.shape_cast %swap3A_707 : vector<1x16xf32> to vector<16xf32>
          %swap3A_709 = vector.shape_cast %mul3A_704 : vector<16xf32> to vector<1x16xf32>
          tpu.vector_store %arg17[%swap3A_705, %swap3A_706], %swap3A_709 {strides = array<i32>} : memref<80x80xf32, #tpu.memory_space<vmem>>, vector<1x16xf32>,
          %get3A_710 = arith.index_cast %add3A_588 : i32 to index
          %get3A_711 = arith.constant 112 : index
          %get3A_712 = tpu.vector_load %arg14[%get3A_710, %get3A_711] {strides = array<i32>} : memref<80x128xf32, #tpu.memory_space<vmem>>, vector<1x16xf32>,
          %get3A_713 = vector.shape_cast %get3A_712 : vector<1x16xf32> to vector<16xf32>
          %add3A_714 = arith.addf %get3A_713, %get3A_604 : vector<16xf32>
          %mul3A_715 = arith.mulf %exp3A_676, %add3A_714 : vector<16xf32>
          %swap3A_716 = arith.index_cast %add3A_588 : i32 to index
          %swap3A_717 = arith.constant 48 : index
          %swap3A_718 = tpu.vector_load %arg17[%swap3A_716, %swap3A_717] {strides = array<i32>} : memref<80x80xf32, #tpu.memory_space<vmem>>, vector<1x16xf32>,
          %swap3A_719 = vector.shape_cast %swap3A_718 : vector<1x16xf32> to vector<16xf32>
          %swap3A_720 = vector.shape_cast %mul3A_715 : vector<16xf32> to vector<1x16xf32>
          tpu.vector_store %arg17[%swap3A_716, %swap3A_717], %swap3A_720 {strides = array<i32>} : memref<80x80xf32, #tpu.memory_space<vmem>>, vector<1x16xf32>,
          %mul3A_721 = arith.mulf %exp3A_676, %select_n3A : vector<16xf32>
          %swap3A_722 = arith.index_cast %add3A_588 : i32 to index
          %swap3A_723 = arith.constant 64 : index
          %swap3A_724 = tpu.vector_load %arg17[%swap3A_722, %swap3A_723] {strides = array<i32>} : memref<80x80xf32, #tpu.memory_space<vmem>>, vector<1x16xf32>,
          %swap3A_725 = vector.shape_cast %swap3A_724 : vector<1x16xf32> to vector<16xf32>
          %swap3A_726 = vector.shape_cast %mul3A_721 : vector<16xf32> to vector<1x16xf32>
          tpu.vector_store %arg17[%swap3A_722, %swap3A_723], %swap3A_726 {strides = array<i32>} : memref<80x80xf32, #tpu.memory_space<vmem>>, vector<1x16xf32>,
        }
        %scan3A_146 = arith.constant 40 : i32
        %dma_start3A_147 = arith.constant 0 : i32
        %dma_start3A_148 = tpu.memref_slice %arg9[%add3A_67, %dma_start3A_147] : memref<125x80xi32, #tpu.memory_space<vmem>> -> memref<1x80xi32, #tpu.memory_space<vmem>>
        %dma_start3A_149 = tpu.memref_squeeze %dma_start3A_148 : memref<1x80xi32, #tpu.memory_space<vmem>> -> memref<80xi32, #tpu.memory_space<vmem>>
        %dma_start3A_150 = arith.constant 0 : i32
        %dma_start3A_151 = arith.constant 0 : i32
        %dma_start3A_152 = tpu.memref_slice %arg19[%dma_start3A_150, %dma_start3A_151] : memref<10000x80xf32, #tpu.memory_space<vmem_shared>> -> memref<10000x80xf32, #tpu.memory_space<vmem_shared>>
        tpu.enqueue_indirect_dma source(%arg17 : memref<80x80xf32, #tpu.memory_space<vmem>>) target(%dma_start3A_152 : memref<10000x80xf32, #tpu.memory_space<vmem_shared>>) offsets(%dma_start3A_149 : memref<80xi32, #tpu.memory_space<vmem>>) semaphore(%arg27 : memref<!tpu.dma_semaphore, #tpu.memory_space<semaphore_mem>>) {add = true}
      } else {
      }
    }
    %scan3A_39 = arith.constant 63 : i32
    %dma_wait3A = arith.constant 0 : i32
    %dma_wait3A_40 = arith.constant 0 : i32
    %dma_wait3A_41 = tpu.memref_slice %arg9[%dma_wait3A, %dma_wait3A_40] : memref<125x80xi32, #tpu.memory_space<vmem>> -> memref<1x80xi32, #tpu.memory_space<vmem>>
    %dma_wait3A_42 = tpu.memref_squeeze %dma_wait3A_41 : memref<1x80xi32, #tpu.memory_space<vmem>> -> memref<80xi32, #tpu.memory_space<vmem>>
    %dma_wait3A_43 = arith.constant 0 : i32
    %dma_wait3A_44 = arith.constant 0 : i32
    %dma_wait3A_45 = tpu.memref_slice %arg19[%dma_wait3A_43, %dma_wait3A_44] : memref<10000x80xf32, #tpu.memory_space<vmem_shared>> -> memref<10000x80xf32, #tpu.memory_space<vmem_shared>>
    tpu.wait_indirect_dma semaphore(%arg26 : memref<!tpu.dma_semaphore, #tpu.memory_space<semaphore_mem>>) src(%arg16 : memref<80x80xf32, #tpu.memory_space<vmem>>) dst(%dma_wait3A_45 : memref<10000x80xf32, #tpu.memory_space<vmem_shared>>)
    %dma_wait3A_46 = arith.constant 0 : i32
    %dma_wait3A_47 = arith.constant 0 : i32
    %dma_wait3A_48 = tpu.memref_slice %arg9[%dma_wait3A_46, %dma_wait3A_47] : memref<125x80xi32, #tpu.memory_space<vmem>> -> memref<1x80xi32, #tpu.memory_space<vmem>>
    %dma_wait3A_49 = tpu.memref_squeeze %dma_wait3A_48 : memref<1x80xi32, #tpu.memory_space<vmem>> -> memref<80xi32, #tpu.memory_space<vmem>>
    %dma_wait3A_50 = arith.constant 0 : i32
    %dma_wait3A_51 = arith.constant 0 : i32
    %dma_wait3A_52 = tpu.memref_slice %arg19[%dma_wait3A_50, %dma_wait3A_51] : memref<10000x80xf32, #tpu.memory_space<vmem_shared>> -> memref<10000x80xf32, #tpu.memory_space<vmem_shared>>
    tpu.wait_indirect_dma semaphore(%arg27 : memref<!tpu.dma_semaphore, #tpu.memory_space<semaphore_mem>>) src(%arg17 : memref<80x80xf32, #tpu.memory_space<vmem>>) dst(%dma_wait3A_52 : memref<10000x80xf32, #tpu.memory_space<vmem_shared>>)
    %barrier3A_53 = arith.constant 0 : index
    tpu.barrier barrier_id(%barrier3A_53)
    %scan3A_54 = arith.constant 0 : i32
    %scan3A_55 = arith.constant 8 : i32
    %scan3A_56 = arith.addi %scan3A_54, %scan3A_55 : i32
    %scan3A_57 = arith.constant 1 : i32
    scf.for %scan3A_59 = %scan3A_54 to %scan3A_56 step %scan3A_57  : i32 {
      %mul3A_60 = arith.constant 1 : i32
      %mul3A_61 = arith.muli %scan3A_59, %mul3A_60 : i32
      %add3A_62 = arith.constant 0 : i32
      %add3A_63 = arith.addi %add3A_62, %mul3A_61 : i32
      %mul3A_64 = arith.constant 16 : i32
      %mul3A_65 = arith.muli %add3A_63, %mul3A_64 : i32
      %add3A_66 = arith.addi %arg1, %mul3A_65 : i32
      %lt3A = arith.constant 125 : i32
      %lt3A_67 = arith.cmpi slt, %add3A_66, %lt3A : i32
      %convert_element_type3A = arith.extui %lt3A_67 : i1 to i32
      %cond3A = arith.constant 0 : i32
      %cond3A_68 = arith.cmpi ne, %convert_element_type3A, %cond3A : i32
      scf.if %cond3A_68 {
        %mul3A_69 = arith.constant 80 : i32
        %mul3A_70 = arith.muli %add3A_66, %mul3A_69 : i32
        "tpu.region"() ({
          %run_scoped3A = tpu.sem_alloc : memref<!tpu.dma_semaphore, #tpu.memory_space<semaphore_mem>>
          %dma_start3A_74 = arith.constant 0 : i32
          %dma_start3A_75 = tpu.memref_slice %arg19[%mul3A_70, %dma_start3A_74] : memref<10000x80xf32, #tpu.memory_space<vmem_shared>> -> memref<80x80xf32, #tpu.memory_space<vmem_shared>>
          %dma_start3A_76 = arith.constant 0 : i32
          %dma_start3A_77 = tpu.memref_slice %arg19[%mul3A_70, %dma_start3A_76] : memref<10000x80xf32, #tpu.memory_space<vmem_shared>> -> memref<80x80xf32, #tpu.memory_space<vmem_shared>>
          tpu.enqueue_dma source(%dma_start3A_77 : memref<80x80xf32, #tpu.memory_space<vmem_shared>>) target(%arg18 : memref<80x80xf32, #tpu.memory_space<vmem>>) target_semaphore(%run_scoped3A : memref<!tpu.dma_semaphore, #tpu.memory_space<semaphore_mem>>)
          %dma_wait3A_78 = arith.constant 0 : i32
          %dma_wait3A_79 = tpu.memref_slice %arg19[%mul3A_70, %dma_wait3A_78] : memref<10000x80xf32, #tpu.memory_space<vmem_shared>> -> memref<80x80xf32, #tpu.memory_space<vmem_shared>>
          %dma_wait3A_80 = arith.constant 0 : i32
          %dma_wait3A_81 = tpu.memref_slice %arg19[%mul3A_70, %dma_wait3A_80] : memref<10000x80xf32, #tpu.memory_space<vmem_shared>> -> memref<80x80xf32, #tpu.memory_space<vmem_shared>>
          tpu.wait_dma2 semaphore(%run_scoped3A : memref<!tpu.dma_semaphore, #tpu.memory_space<semaphore_mem>>) src(%dma_wait3A_81 : memref<80x80xf32, #tpu.memory_space<vmem_shared>>) dst(%arg18 : memref<80x80xf32, #tpu.memory_space<vmem>>)
          tpu.yield
        }) : () -> ()
        %mul3A_71 = arith.constant 10000 : i32
        %mul3A_72 = arith.muli %arg0, %mul3A_71 : i32
        %add3A_73 = arith.addi %mul3A_72, %mul3A_70 : i32
        "tpu.region"() ({
          %run_scoped3A = tpu.sem_alloc : memref<!tpu.dma_semaphore, #tpu.memory_space<semaphore_mem>>
          %dma_start3A_74 = arith.constant 0 : i32
          %dma_start3A_75 = tpu.memref_slice %arg7[%add3A_73, %dma_start3A_74] : memref<20000x80xf32, #tpu.memory_space<hbm>> -> memref<80x80xf32, #tpu.memory_space<hbm>>
          %dma_start3A_76 = arith.constant 0 : i32
          %dma_start3A_77 = tpu.memref_slice %arg7[%add3A_73, %dma_start3A_76] : memref<20000x80xf32, #tpu.memory_space<hbm>> -> memref<80x80xf32, #tpu.memory_space<hbm>>
          tpu.enqueue_dma source(%arg18 : memref<80x80xf32, #tpu.memory_space<vmem>>) target(%dma_start3A_77 : memref<80x80xf32, #tpu.memory_space<hbm>>) target_semaphore(%run_scoped3A : memref<!tpu.dma_semaphore, #tpu.memory_space<semaphore_mem>>)
          %dma_wait3A_78 = arith.constant 0 : i32
          %dma_wait3A_79 = tpu.memref_slice %arg7[%add3A_73, %dma_wait3A_78] : memref<20000x80xf32, #tpu.memory_space<hbm>> -> memref<80x80xf32, #tpu.memory_space<hbm>>
          %dma_wait3A_80 = arith.constant 0 : i32
          %dma_wait3A_81 = tpu.memref_slice %arg7[%add3A_73, %dma_wait3A_80] : memref<20000x80xf32, #tpu.memory_space<hbm>> -> memref<80x80xf32, #tpu.memory_space<hbm>>
          tpu.wait_dma2 semaphore(%run_scoped3A : memref<!tpu.dma_semaphore, #tpu.memory_space<semaphore_mem>>) src(%arg18 : memref<80x80xf32, #tpu.memory_space<vmem>>) dst(%dma_wait3A_81 : memref<80x80xf32, #tpu.memory_space<hbm>>)
          tpu.yield
        }) : () -> ()
      } else {
      }
    }
    %scan3A_58 = arith.constant 8 : i32
    return
  }
}

#map = affine_map<(d0, d1) -> (0, 0)>
#map1 = affine_map<(d0, d1) -> (0, 0, 0)>
module attributes {stable_mosaic.version = 14 : i64} {
  func.func @sc_kernel(%arg0: i32, %arg1: i32, %arg2: memref<10000x64xf32, #tpu.memory_space<hbm>>, %arg3: memref<10000x128xf32, #tpu.memory_space<hbm>>, %arg4: memref<160000x128xf32, #tpu.memory_space<hbm>>, %arg5: memref<32x125x80xi32, #tpu.memory_space<hbm>>, %arg6: memref<32x125x80xi32, #tpu.memory_space<hbm>>, %arg7: memref<20000x80xf32, #tpu.memory_space<hbm>>, %arg8: memref<125x80xi32, #tpu.memory_space<vmem>>, %arg9: memref<125x80xi32, #tpu.memory_space<vmem>>, %arg10: memref<80x64xf32, #tpu.memory_space<vmem>>, %arg11: memref<80x128xf32, #tpu.memory_space<vmem>>, %arg12: memref<40x128xf32, #tpu.memory_space<vmem>>, %arg13: memref<80x64xf32, #tpu.memory_space<vmem>>, %arg14: memref<80x128xf32, #tpu.memory_space<vmem>>, %arg15: memref<40x128xf32, #tpu.memory_space<vmem>>, %arg16: memref<80x80xf32, #tpu.memory_space<vmem>>, %arg17: memref<80x80xf32, #tpu.memory_space<vmem>>, %arg18: memref<80x80xf32, #tpu.memory_space<vmem>>, %arg19: memref<10000x80xf32, #tpu.memory_space<vmem_shared>>, %arg20: memref<!tpu.dma_semaphore, #tpu.memory_space<semaphore_mem>>, %arg21: memref<!tpu.dma_semaphore, #tpu.memory_space<semaphore_mem>>, %arg22: memref<!tpu.dma_semaphore, #tpu.memory_space<semaphore_mem>>, %arg23: memref<!tpu.dma_semaphore, #tpu.memory_space<semaphore_mem>>, %arg24: memref<!tpu.dma_semaphore, #tpu.memory_space<semaphore_mem>>, %arg25: memref<!tpu.dma_semaphore, #tpu.memory_space<semaphore_mem>>, %arg26: memref<!tpu.dma_semaphore, #tpu.memory_space<semaphore_mem>>, %arg27: memref<!tpu.dma_semaphore, #tpu.memory_space<semaphore_mem>>) attributes {dimension_semantics = [#tpu.dimension_semantics<core_parallel>, #tpu.dimension_semantics<subcore_parallel>], iteration_bounds = array<i64: 2, 16>, scalar_prefetch = 0 : i64, scratch_operands = 20 : i64, tpu.core_type = #tpu.core_type<sc_vector_subcore>, window_params = [{transform_indices = #map}, {transform_indices = #map}, {transform_indices = #map}, {transform_indices = #map1}, {transform_indices = #map1}, {transform_indices = #map}]} {
    %mul3A = arith.constant 16 : i32
    %mul3A_0 = arith.muli %arg0, %mul3A : i32
    %add3A = arith.addi %mul3A_0, %arg1 : i32
    %scan3A = arith.constant 0 : i32
    %scan3A_1 = arith.constant 80 : i32
    %scan3A_2 = arith.addi %scan3A, %scan3A_1 : i32
    %scan3A_3 = arith.constant 1 : i32
    scf.for %scan3A_59 = %scan3A to %scan3A_2 step %scan3A_3  : i32 {
      %mul3A_60 = arith.constant 1 : i32
      %mul3A_61 = arith.muli %scan3A_59, %mul3A_60 : i32
      %add3A_62 = arith.constant 0 : i32
      %add3A_63 = arith.addi %add3A_62, %mul3A_61 : i32
      %broadcast_in_dim3A_64 = arith.constant 0.000000e+00 : f32
      %broadcast_in_dim3A_65 = vector.broadcast %broadcast_in_dim3A_64 : f32 to vector<16xf32>
      %swap3A = arith.index_cast %add3A_63 : i32 to index
      %swap3A_66 = arith.constant 0 : index
      %swap3A_67 = tpu.vector_load %arg18[%swap3A, %swap3A_66] {strides = array<i32>} : memref<80x80xf32, #tpu.memory_space<vmem>>, vector<1x16xf32>,
      %swap3A_68 = vector.shape_cast %swap3A_67 : vector<1x16xf32> to vector<16xf32>
      %swap3A_69 = vector.shape_cast %broadcast_in_dim3A_65 : vector<16xf32> to vector<1x16xf32>
      tpu.vector_store %arg18[%swap3A, %swap3A_66], %swap3A_69 {strides = array<i32>} : memref<80x80xf32, #tpu.memory_space<vmem>>, vector<1x16xf32>,
      %broadcast_in_dim3A_70 = arith.constant 0.000000e+00 : f32
      %broadcast_in_dim3A_71 = vector.broadcast %broadcast_in_dim3A_70 : f32 to vector<16xf32>
      %swap3A_72 = arith.index_cast %add3A_63 : i32 to index
      %swap3A_73 = arith.constant 16 : index
      %swap3A_74 = tpu.vector_load %arg18[%swap3A_72, %swap3A_73] {strides = array<i32>} : memref<80x80xf32, #tpu.memory_space<vmem>>, vector<1x16xf32>,
      %swap3A_75 = vector.shape_cast %swap3A_74 : vector<1x16xf32> to vector<16xf32>
      %swap3A_76 = vector.shape_cast %broadcast_in_dim3A_71 : vector<16xf32> to vector<1x16xf32>
      tpu.vector_store %arg18[%swap3A_72, %swap3A_73], %swap3A_76 {strides = array<i32>} : memref<80x80xf32, #tpu.memory_space<vmem>>, vector<1x16xf32>,
      %broadcast_in_dim3A_77 = arith.constant 0.000000e+00 : f32
      %broadcast_in_dim3A_78 = vector.broadcast %broadcast_in_dim3A_77 : f32 to vector<16xf32>
      %swap3A_79 = arith.index_cast %add3A_63 : i32 to index
      %swap3A_80 = arith.constant 32 : index
      %swap3A_81 = tpu.vector_load %arg18[%swap3A_79, %swap3A_80] {strides = array<i32>} : memref<80x80xf32, #tpu.memory_space<vmem>>, vector<1x16xf32>,
      %swap3A_82 = vector.shape_cast %swap3A_81 : vector<1x16xf32> to vector<16xf32>
      %swap3A_83 = vector.shape_cast %broadcast_in_dim3A_78 : vector<16xf32> to vector<1x16xf32>
      tpu.vector_store %arg18[%swap3A_79, %swap3A_80], %swap3A_83 {strides = array<i32>} : memref<80x80xf32, #tpu.memory_space<vmem>>, vector<1x16xf32>,
      %broadcast_in_dim3A_84 = arith.constant 0.000000e+00 : f32
      %broadcast_in_dim3A_85 = vector.broadcast %broadcast_in_dim3A_84 : f32 to vector<16xf32>
      %swap3A_86 = arith.index_cast %add3A_63 : i32 to index
      %swap3A_87 = arith.constant 48 : index
      %swap3A_88 = tpu.vector_load %arg18[%swap3A_86, %swap3A_87] {strides = array<i32>} : memref<80x80xf32, #tpu.memory_space<vmem>>, vector<1x16xf32>,
      %swap3A_89 = vector.shape_cast %swap3A_88 : vector<1x16xf32> to vector<16xf32>
      %swap3A_90 = vector.shape_cast %broadcast_in_dim3A_85 : vector<16xf32> to vector<1x16xf32>
      tpu.vector_store %arg18[%swap3A_86, %swap3A_87], %swap3A_90 {strides = array<i32>} : memref<80x80xf32, #tpu.memory_space<vmem>>, vector<1x16xf32>,
      %broadcast_in_dim3A_91 = arith.constant 0.000000e+00 : f32
      %broadcast_in_dim3A_92 = vector.broadcast %broadcast_in_dim3A_91 : f32 to vector<16xf32>
      %swap3A_93 = arith.index_cast %add3A_63 : i32 to index
      %swap3A_94 = arith.constant 64 : index
      %swap3A_95 = tpu.vector_load %arg18[%swap3A_93, %swap3A_94] {strides = array<i32>} : memref<80x80xf32, #tpu.memory_space<vmem>>, vector<1x16xf32>,
      %swap3A_96 = vector.shape_cast %swap3A_95 : vector<1x16xf32> to vector<16xf32>
      %swap3A_97 = vector.shape_cast %broadcast_in_dim3A_92 : vector<16xf32> to vector<1x16xf32>
      tpu.vector_store %arg18[%swap3A_93, %swap3A_94], %swap3A_97 {strides = array<i32>} : memref<80x80xf32, #tpu.memory_space<vmem>>, vector<1x16xf32>,
    }
    %scan3A_4 = arith.constant 80 : i32
    %scan3A_5 = arith.constant 0 : i32
    %scan3A_6 = arith.constant 8 : i32
    %scan3A_7 = arith.addi %scan3A_5, %scan3A_6 : i32
    %scan3A_8 = arith.constant 1 : i32
    scf.for %scan3A_59 = %scan3A_5 to %scan3A_7 step %scan3A_8  : i32 {
      %mul3A_60 = arith.constant 1 : i32
      %mul3A_61 = arith.muli %scan3A_59, %mul3A_60 : i32
      %add3A_62 = arith.constant 0 : i32
      %add3A_63 = arith.addi %add3A_62, %mul3A_61 : i32
      %mul3A_64 = arith.constant 16 : i32
      %mul3A_65 = arith.muli %add3A_63, %mul3A_64 : i32
      %add3A_66 = arith.addi %arg1, %mul3A_65 : i32
      %lt3A = arith.constant 125 : i32
      %lt3A_67 = arith.cmpi slt, %add3A_66, %lt3A : i32
      %convert_element_type3A = arith.extui %lt3A_67 : i1 to i32
      %cond3A = arith.constant 0 : i32
      %cond3A_68 = arith.cmpi ne, %convert_element_type3A, %cond3A : i32
      scf.if %cond3A_68 {
        %mul3A_69 = arith.constant 80 : i32
        %mul3A_70 = arith.muli %add3A_66, %mul3A_69 : i32
        "tpu.region"() ({
          %run_scoped3A = tpu.sem_alloc : memref<!tpu.dma_semaphore, #tpu.memory_space<semaphore_mem>>
          %dma_start3A_71 = arith.constant 0 : i32
          %dma_start3A_72 = tpu.memref_slice %arg19[%mul3A_70, %dma_start3A_71] : memref<10000x80xf32, #tpu.memory_space<vmem_shared>> -> memref<80x80xf32, #tpu.memory_space<vmem_shared>>
          %dma_start3A_73 = arith.constant 0 : i32
          %dma_start3A_74 = tpu.memref_slice %arg19[%mul3A_70, %dma_start3A_73] : memref<10000x80xf32, #tpu.memory_space<vmem_shared>> -> memref<80x80xf32, #tpu.memory_space<vmem_shared>>
          tpu.enqueue_dma source(%arg18 : memref<80x80xf32, #tpu.memory_space<vmem>>) target(%dma_start3A_74 : memref<80x80xf32, #tpu.memory_space<vmem_shared>>) target_semaphore(%run_scoped3A : memref<!tpu.dma_semaphore, #tpu.memory_space<semaphore_mem>>)
          %dma_wait3A_75 = arith.constant 0 : i32
          %dma_wait3A_76 = tpu.memref_slice %arg19[%mul3A_70, %dma_wait3A_75] : memref<10000x80xf32, #tpu.memory_space<vmem_shared>> -> memref<80x80xf32, #tpu.memory_space<vmem_shared>>
          %dma_wait3A_77 = arith.constant 0 : i32
          %dma_wait3A_78 = tpu.memref_slice %arg19[%mul3A_70, %dma_wait3A_77] : memref<10000x80xf32, #tpu.memory_space<vmem_shared>> -> memref<80x80xf32, #tpu.memory_space<vmem_shared>>
          tpu.wait_dma2 semaphore(%run_scoped3A : memref<!tpu.dma_semaphore, #tpu.memory_space<semaphore_mem>>) src(%arg18 : memref<80x80xf32, #tpu.memory_space<vmem>>) dst(%dma_wait3A_78 : memref<80x80xf32, #tpu.memory_space<vmem_shared>>)
          tpu.yield
        }) : () -> ()
      } else {
      }
    }
    %scan3A_9 = arith.constant 8 : i32
    "tpu.region"() ({
      %run_scoped3A = tpu.sem_alloc : memref<!tpu.dma_semaphore, #tpu.memory_space<semaphore_mem>>
      %dma_start3A_59 = arith.constant 0 : i32
      %dma_start3A_60 = arith.constant 0 : i32
      %dma_start3A_61 = tpu.memref_slice %arg5[%add3A, %dma_start3A_59, %dma_start3A_60] : memref<32x125x80xi32, #tpu.memory_space<hbm>> -> memref<1x125x80xi32, #tpu.memory_space<hbm>>
      %dma_start3A_62 = tpu.memref_squeeze %dma_start3A_61 : memref<1x125x80xi32, #tpu.memory_space<hbm>> -> memref<125x80xi32, #tpu.memory_space<hbm>>
      %dma_start3A_63 = arith.constant 0 : i32
      %dma_start3A_64 = arith.constant 0 : i32
      %dma_start3A_65 = tpu.memref_slice %arg5[%add3A, %dma_start3A_63, %dma_start3A_64] : memref<32x125x80xi32, #tpu.memory_space<hbm>> -> memref<1x125x80xi32, #tpu.memory_space<hbm>>
      %dma_start3A_66 = tpu.memref_squeeze %dma_start3A_65 : memref<1x125x80xi32, #tpu.memory_space<hbm>> -> memref<125x80xi32, #tpu.memory_space<hbm>>
      tpu.enqueue_dma source(%dma_start3A_66 : memref<125x80xi32, #tpu.memory_space<hbm>>) target(%arg8 : memref<125x80xi32, #tpu.memory_space<vmem>>) target_semaphore(%run_scoped3A : memref<!tpu.dma_semaphore, #tpu.memory_space<semaphore_mem>>)
      %dma_wait3A_67 = arith.constant 0 : i32
      %dma_wait3A_68 = arith.constant 0 : i32
      %dma_wait3A_69 = tpu.memref_slice %arg5[%add3A, %dma_wait3A_67, %dma_wait3A_68] : memref<32x125x80xi32, #tpu.memory_space<hbm>> -> memref<1x125x80xi32, #tpu.memory_space<hbm>>
      %dma_wait3A_70 = tpu.memref_squeeze %dma_wait3A_69 : memref<1x125x80xi32, #tpu.memory_space<hbm>> -> memref<125x80xi32, #tpu.memory_space<hbm>>
      %dma_wait3A_71 = arith.constant 0 : i32
      %dma_wait3A_72 = arith.constant 0 : i32
      %dma_wait3A_73 = tpu.memref_slice %arg5[%add3A, %dma_wait3A_71, %dma_wait3A_72] : memref<32x125x80xi32, #tpu.memory_space<hbm>> -> memref<1x125x80xi32, #tpu.memory_space<hbm>>
      %dma_wait3A_74 = tpu.memref_squeeze %dma_wait3A_73 : memref<1x125x80xi32, #tpu.memory_space<hbm>> -> memref<125x80xi32, #tpu.memory_space<hbm>>
      tpu.wait_dma2 semaphore(%run_scoped3A : memref<!tpu.dma_semaphore, #tpu.memory_space<semaphore_mem>>) src(%dma_wait3A_74 : memref<125x80xi32, #tpu.memory_space<hbm>>) dst(%arg8 : memref<125x80xi32, #tpu.memory_space<vmem>>)
      tpu.yield
    }) : () -> ()
    "tpu.region"() ({
      %run_scoped3A = tpu.sem_alloc : memref<!tpu.dma_semaphore, #tpu.memory_space<semaphore_mem>>
      %dma_start3A_59 = arith.constant 0 : i32
      %dma_start3A_60 = arith.constant 0 : i32
      %dma_start3A_61 = tpu.memref_slice %arg6[%add3A, %dma_start3A_59, %dma_start3A_60] : memref<32x125x80xi32, #tpu.memory_space<hbm>> -> memref<1x125x80xi32, #tpu.memory_space<hbm>>
      %dma_start3A_62 = tpu.memref_squeeze %dma_start3A_61 : memref<1x125x80xi32, #tpu.memory_space<hbm>> -> memref<125x80xi32, #tpu.memory_space<hbm>>
      %dma_start3A_63 = arith.constant 0 : i32
      %dma_start3A_64 = arith.constant 0 : i32
      %dma_start3A_65 = tpu.memref_slice %arg6[%add3A, %dma_start3A_63, %dma_start3A_64] : memref<32x125x80xi32, #tpu.memory_space<hbm>> -> memref<1x125x80xi32, #tpu.memory_space<hbm>>
      %dma_start3A_66 = tpu.memref_squeeze %dma_start3A_65 : memref<1x125x80xi32, #tpu.memory_space<hbm>> -> memref<125x80xi32, #tpu.memory_space<hbm>>
      tpu.enqueue_dma source(%dma_start3A_66 : memref<125x80xi32, #tpu.memory_space<hbm>>) target(%arg9 : memref<125x80xi32, #tpu.memory_space<vmem>>) target_semaphore(%run_scoped3A : memref<!tpu.dma_semaphore, #tpu.memory_space<semaphore_mem>>)
      %dma_wait3A_67 = arith.constant 0 : i32
      %dma_wait3A_68 = arith.constant 0 : i32
      %dma_wait3A_69 = tpu.memref_slice %arg6[%add3A, %dma_wait3A_67, %dma_wait3A_68] : memref<32x125x80xi32, #tpu.memory_space<hbm>> -> memref<1x125x80xi32, #tpu.memory_space<hbm>>
      %dma_wait3A_70 = tpu.memref_squeeze %dma_wait3A_69 : memref<1x125x80xi32, #tpu.memory_space<hbm>> -> memref<125x80xi32, #tpu.memory_space<hbm>>
      %dma_wait3A_71 = arith.constant 0 : i32
      %dma_wait3A_72 = arith.constant 0 : i32
      %dma_wait3A_73 = tpu.memref_slice %arg6[%add3A, %dma_wait3A_71, %dma_wait3A_72] : memref<32x125x80xi32, #tpu.memory_space<hbm>> -> memref<1x125x80xi32, #tpu.memory_space<hbm>>
      %dma_wait3A_74 = tpu.memref_squeeze %dma_wait3A_73 : memref<1x125x80xi32, #tpu.memory_space<hbm>> -> memref<125x80xi32, #tpu.memory_space<hbm>>
      tpu.wait_dma2 semaphore(%run_scoped3A : memref<!tpu.dma_semaphore, #tpu.memory_space<semaphore_mem>>) src(%dma_wait3A_74 : memref<125x80xi32, #tpu.memory_space<hbm>>) dst(%arg9 : memref<125x80xi32, #tpu.memory_space<vmem>>)
      tpu.yield
    }) : () -> ()
    %barrier3A = arith.constant 0 : index
    tpu.barrier barrier_id(%barrier3A)
    %iota3A = tpu.iota {dimensions = array<i32: 0>} : vector<16xi32>
    %eq3A = arith.constant 0 : i32
    %eq3A_10 = vector.broadcast %eq3A : i32 to vector<16xi32>
    %eq3A_11 = arith.cmpi eq, %iota3A, %eq3A_10 : vector<16xi32>
    %jit3A = arith.constant 1.000000e+00 : f32
    %jit3A_12 = arith.constant 0.000000e+00 : f32
    %broadcast_in_dim3A = vector.broadcast %jit3A : f32 to vector<16xf32>
    %broadcast_in_dim3A_13 = vector.broadcast %jit3A_12 : f32 to vector<16xf32>
    %select_n3A = arith.select %eq3A_11, %broadcast_in_dim3A, %broadcast_in_dim3A_13 : vector<16xi1>, vector<16xf32>
    %mul3A_14 = arith.constant 5000 : i32
    %mul3A_15 = arith.muli %add3A, %mul3A_14 : i32
    %dma_start3A = arith.constant 0 : i32
    %dma_start3A_16 = arith.constant 0 : i32
    %dma_start3A_17 = tpu.memref_slice %arg9[%dma_start3A, %dma_start3A_16] : memref<125x80xi32, #tpu.memory_space<vmem>> -> memref<1x80xi32, #tpu.memory_space<vmem>>
    %dma_start3A_18 = tpu.memref_squeeze %dma_start3A_17 : memref<1x80xi32, #tpu.memory_space<vmem>> -> memref<80xi32, #tpu.memory_space<vmem>>
    %dma_start3A_19 = arith.constant 0 : i32
    %dma_start3A_20 = arith.constant 0 : i32
    %dma_start3A_21 = tpu.memref_slice %arg2[%dma_start3A_19, %dma_start3A_20] : memref<10000x64xf32, #tpu.memory_space<hbm>> -> memref<10000x64xf32, #tpu.memory_space<hbm>>
    tpu.enqueue_indirect_dma source(%dma_start3A_21 : memref<10000x64xf32, #tpu.memory_space<hbm>>) target(%arg10 : memref<80x64xf32, #tpu.memory_space<vmem>>) offsets(%dma_start3A_18 : memref<80xi32, #tpu.memory_space<vmem>>) semaphore(%arg20 : memref<!tpu.dma_semaphore, #tpu.memory_space<semaphore_mem>>)
    %dma_start3A_22 = arith.constant 0 : i32
    %dma_start3A_23 = arith.constant 0 : i32
    %dma_start3A_24 = tpu.memref_slice %arg8[%dma_start3A_22, %dma_start3A_23] : memref<125x80xi32, #tpu.memory_space<vmem>> -> memref<1x80xi32, #tpu.memory_space<vmem>>
    %dma_start3A_25 = tpu.memref_squeeze %dma_start3A_24 : memref<1x80xi32, #tpu.memory_space<vmem>> -> memref<80xi32, #tpu.memory_space<vmem>>
    %dma_start3A_26 = arith.constant 0 : i32
    %dma_start3A_27 = arith.constant 0 : i32
    %dma_start3A_28 = tpu.memref_slice %arg3[%dma_start3A_26, %dma_start3A_27] : memref<10000x128xf32, #tpu.memory_space<hbm>> -> memref<10000x128xf32, #tpu.memory_space<hbm>>
    tpu.enqueue_indirect_dma source(%dma_start3A_28 : memref<10000x128xf32, #tpu.memory_space<hbm>>) target(%arg11 : memref<80x128xf32, #tpu.memory_space<vmem>>) offsets(%dma_start3A_25 : memref<80xi32, #tpu.memory_space<vmem>>) semaphore(%arg21 : memref<!tpu.dma_semaphore, #tpu.memory_space<semaphore_mem>>)
    %add3A_29 = arith.constant 0 : i32
    %add3A_30 = arith.addi %mul3A_15, %add3A_29 : i32
    %dma_start3A_31 = arith.constant 0 : i32
    %dma_start3A_32 = tpu.memref_slice %arg4[%add3A_30, %dma_start3A_31] : memref<160000x128xf32, #tpu.memory_space<hbm>> -> memref<40x128xf32, #tpu.memory_space<hbm>>
    %dma_start3A_33 = arith.constant 0 : i32
    %dma_start3A_34 = tpu.memref_slice %arg4[%add3A_30, %dma_start3A_33] : memref<160000x128xf32, #tpu.memory_space<hbm>> -> memref<40x128xf32, #tpu.memory_space<hbm>>
    tpu.enqueue_dma source(%dma_start3A_34 : memref<40x128xf32, #tpu.memory_space<hbm>>) target(%arg12 : memref<40x128xf32, #tpu.memory_space<vmem>>) target_semaphore(%arg22 : memref<!tpu.dma_semaphore, #tpu.memory_space<semaphore_mem>>)
    %scan3A_35 = arith.constant 0 : i32
    %scan3A_36 = arith.constant 63 : i32
    %scan3A_37 = arith.addi %scan3A_35, %scan3A_36 : i32
    %scan3A_38 = arith.constant 1 : i32
    scf.for %scan3A_59 = %scan3A_35 to %scan3A_37 step %scan3A_38  : i32 {
      %mul3A_60 = arith.constant 1 : i32
      %mul3A_61 = arith.muli %scan3A_59, %mul3A_60 : i32
      %add3A_62 = arith.constant 0 : i32
      %add3A_63 = arith.addi %add3A_62, %mul3A_61 : i32
      %mul3A_64 = arith.constant 2 : i32
      %mul3A_65 = arith.muli %mul3A_64, %add3A_63 : i32
      %add3A_66 = arith.constant 1 : i32
      %add3A_67 = arith.addi %mul3A_65, %add3A_66 : i32
      %lt3A = arith.constant 125 : i32
      %lt3A_68 = arith.cmpi slt, %add3A_67, %lt3A : i32
      %convert_element_type3A = arith.extui %lt3A_68 : i1 to i32
      %cond3A = arith.constant 0 : i32
      %cond3A_69 = arith.cmpi ne, %convert_element_type3A, %cond3A : i32
      scf.if %cond3A_69 {
        %dma_start3A_110 = arith.constant 0 : i32
        %dma_start3A_111 = tpu.memref_slice %arg9[%add3A_67, %dma_start3A_110] : memref<125x80xi32, #tpu.memory_space<vmem>> -> memref<1x80xi32, #tpu.memory_space<vmem>>
        %dma_start3A_112 = tpu.memref_squeeze %dma_start3A_111 : memref<1x80xi32, #tpu.memory_space<vmem>> -> memref<80xi32, #tpu.memory_space<vmem>>
        %dma_start3A_113 = arith.constant 0 : i32
        %dma_start3A_114 = arith.constant 0 : i32
        %dma_start3A_115 = tpu.memref_slice %arg2[%dma_start3A_113, %dma_start3A_114] : memref<10000x64xf32, #tpu.memory_space<hbm>> -> memref<10000x64xf32, #tpu.memory_space<hbm>>
        tpu.enqueue_indirect_dma source(%dma_start3A_115 : memref<10000x64xf32, #tpu.memory_space<hbm>>) target(%arg13 : memref<80x64xf32, #tpu.memory_space<vmem>>) offsets(%dma_start3A_112 : memref<80xi32, #tpu.memory_space<vmem>>) semaphore(%arg23 : memref<!tpu.dma_semaphore, #tpu.memory_space<semaphore_mem>>)
        %dma_start3A_116 = arith.constant 0 : i32
        %dma_start3A_117 = tpu.memref_slice %arg8[%add3A_67, %dma_start3A_116] : memref<125x80xi32, #tpu.memory_space<vmem>> -> memref<1x80xi32, #tpu.memory_space<vmem>>
        %dma_start3A_118 = tpu.memref_squeeze %dma_start3A_117 : memref<1x80xi32, #tpu.memory_space<vmem>> -> memref<80xi32, #tpu.memory_space<vmem>>
        %dma_start3A_119 = arith.constant 0 : i32
        %dma_start3A_120 = arith.constant 0 : i32
        %dma_start3A_121 = tpu.memref_slice %arg3[%dma_start3A_119, %dma_start3A_120] : memref<10000x128xf32, #tpu.memory_space<hbm>> -> memref<10000x128xf32, #tpu.memory_space<hbm>>
        tpu.enqueue_indirect_dma source(%dma_start3A_121 : memref<10000x128xf32, #tpu.memory_space<hbm>>) target(%arg14 : memref<80x128xf32, #tpu.memory_space<vmem>>) offsets(%dma_start3A_118 : memref<80xi32, #tpu.memory_space<vmem>>) semaphore(%arg24 : memref<!tpu.dma_semaphore, #tpu.memory_space<semaphore_mem>>)
        %mul3A_122 = arith.constant 40 : i32
        %mul3A_123 = arith.muli %add3A_67, %mul3A_122 : i32
        %add3A_124 = arith.addi %mul3A_15, %mul3A_123 : i32
        %dma_start3A_125 = arith.constant 0 : i32
        %dma_start3A_126 = tpu.memref_slice %arg4[%add3A_124, %dma_start3A_125] : memref<160000x128xf32, #tpu.memory_space<hbm>> -> memref<40x128xf32, #tpu.memory_space<hbm>>
        %dma_start3A_127 = arith.constant 0 : i32
        %dma_start3A_128 = tpu.memref_slice %arg4[%add3A_124, %dma_start3A_127] : memref<160000x128xf32, #tpu.memory_space<hbm>> -> memref<40x128xf32, #tpu.memory_space<hbm>>
        tpu.enqueue_dma source(%dma_start3A_128 : memref<40x128xf32, #tpu.memory_space<hbm>>) target(%arg15 : memref<40x128xf32, #tpu.memory_space<vmem>>) target_semaphore(%arg25 : memref<!tpu.dma_semaphore, #tpu.memory_space<semaphore_mem>>)
      } else {
      }
      %dma_wait3A_70 = arith.constant 0 : i32
      %dma_wait3A_71 = arith.constant 0 : i32
      %dma_wait3A_72 = tpu.memref_slice %arg9[%dma_wait3A_70, %dma_wait3A_71] : memref<125x80xi32, #tpu.memory_space<vmem>> -> memref<1x80xi32, #tpu.memory_space<vmem>>
      %dma_wait3A_73 = tpu.memref_squeeze %dma_wait3A_72 : memref<1x80xi32, #tpu.memory_space<vmem>> -> memref<80xi32, #tpu.memory_space<vmem>>
      %dma_wait3A_74 = arith.constant 0 : i32
      %dma_wait3A_75 = arith.constant 0 : i32
      %dma_wait3A_76 = tpu.memref_slice %arg2[%dma_wait3A_74, %dma_wait3A_75] : memref<10000x64xf32, #tpu.memory_space<hbm>> -> memref<10000x64xf32, #tpu.memory_space<hbm>>
      tpu.wait_indirect_dma semaphore(%arg20 : memref<!tpu.dma_semaphore, #tpu.memory_space<semaphore_mem>>) src(%dma_wait3A_76 : memref<10000x64xf32, #tpu.memory_space<hbm>>) dst(%arg10 : memref<80x64xf32, #tpu.memory_space<vmem>>)
      %dma_wait3A_77 = arith.constant 0 : i32
      %dma_wait3A_78 = arith.constant 0 : i32
      %dma_wait3A_79 = tpu.memref_slice %arg8[%dma_wait3A_77, %dma_wait3A_78] : memref<125x80xi32, #tpu.memory_space<vmem>> -> memref<1x80xi32, #tpu.memory_space<vmem>>
      %dma_wait3A_80 = tpu.memref_squeeze %dma_wait3A_79 : memref<1x80xi32, #tpu.memory_space<vmem>> -> memref<80xi32, #tpu.memory_space<vmem>>
      %dma_wait3A_81 = arith.constant 0 : i32
      %dma_wait3A_82 = arith.constant 0 : i32
      %dma_wait3A_83 = tpu.memref_slice %arg3[%dma_wait3A_81, %dma_wait3A_82] : memref<10000x128xf32, #tpu.memory_space<hbm>> -> memref<10000x128xf32, #tpu.memory_space<hbm>>
      tpu.wait_indirect_dma semaphore(%arg21 : memref<!tpu.dma_semaphore, #tpu.memory_space<semaphore_mem>>) src(%dma_wait3A_83 : memref<10000x128xf32, #tpu.memory_space<hbm>>) dst(%arg11 : memref<80x128xf32, #tpu.memory_space<vmem>>)
      %dma_wait3A_84 = arith.constant 0 : i32
      %dma_wait3A_85 = arith.constant 0 : i32
      %dma_wait3A_86 = tpu.memref_slice %arg4[%dma_wait3A_84, %dma_wait3A_85] : memref<160000x128xf32, #tpu.memory_space<hbm>> -> memref<40x128xf32, #tpu.memory_space<hbm>>
      %dma_wait3A_87 = arith.constant 0 : i32
      %dma_wait3A_88 = arith.constant 0 : i32
      %dma_wait3A_89 = tpu.memref_slice %arg4[%dma_wait3A_87, %dma_wait3A_88] : memref<160000x128xf32, #tpu.memory_space<hbm>> -> memref<40x128xf32, #tpu.memory_space<hbm>>
      tpu.wait_dma2 semaphore(%arg22 : memref<!tpu.dma_semaphore, #tpu.memory_space<semaphore_mem>>) src(%dma_wait3A_89 : memref<40x128xf32, #tpu.memory_space<hbm>>) dst(%arg12 : memref<40x128xf32, #tpu.memory_space<vmem>>)
      %ge3A = arith.constant 2 : i32
      %ge3A_90 = arith.cmpi sge, %mul3A_65, %ge3A : i32
      %convert_element_type3A_91 = arith.extui %ge3A_90 : i1 to i32
      %cond3A_92 = arith.constant 0 : i32
      %cond3A_93 = arith.cmpi ne, %convert_element_type3A_91, %cond3A_92 : i32
      scf.if %cond3A_93 {
        %dma_wait3A_110 = arith.constant 0 : i32
        %dma_wait3A_111 = arith.constant 0 : i32
        %dma_wait3A_112 = tpu.memref_slice %arg9[%dma_wait3A_110, %dma_wait3A_111] : memref<125x80xi32, #tpu.memory_space<vmem>> -> memref<1x80xi32, #tpu.memory_space<vmem>>
        %dma_wait3A_113 = tpu.memref_squeeze %dma_wait3A_112 : memref<1x80xi32, #tpu.memory_space<vmem>> -> memref<80xi32, #tpu.memory_space<vmem>>
        %dma_wait3A_114 = arith.constant 0 : i32
        %dma_wait3A_115 = arith.constant 0 : i32
        %dma_wait3A_116 = tpu.memref_slice %arg19[%dma_wait3A_114, %dma_wait3A_115] : memref<10000x80xf32, #tpu.memory_space<vmem_shared>> -> memref<10000x80xf32, #tpu.memory_space<vmem_shared>>
        tpu.wait_indirect_dma semaphore(%arg26 : memref<!tpu.dma_semaphore, #tpu.memory_space<semaphore_mem>>) src(%arg16 : memref<80x80xf32, #tpu.memory_space<vmem>>) dst(%dma_wait3A_116 : memref<10000x80xf32, #tpu.memory_space<vmem_shared>>)
      } else {
      }
      %scan3A_94 = arith.constant 0 : i32
      %scan3A_95 = arith.constant 40 : i32
      %scan3A_96 = arith.addi %scan3A_94, %scan3A_95 : i32
      %scan3A_97 = arith.constant 2 : i32
      scf.for %scan3A_110 = %scan3A_94 to %scan3A_96 step %scan3A_97  : i32 {
        %mul3A_111 = arith.constant 1 : i32
        %mul3A_112 = arith.muli %scan3A_110, %mul3A_111 : i32
        %add3A_113 = arith.constant 0 : i32
        %add3A_114 = arith.addi %add3A_113, %mul3A_112 : i32
        %mul3A_115 = arith.constant 2 : i32
        %mul3A_116 = arith.muli %mul3A_115, %add3A_114 : i32
        %add3A_117 = arith.constant 0 : i32
        %add3A_118 = arith.addi %mul3A_116, %add3A_117 : i32
        %get3A = arith.index_cast %add3A_114 : i32 to index
        %get3A_119 = arith.constant 0 : index
        %get3A_120 = tpu.vector_load %arg12[%get3A, %get3A_119] {strides = array<i32>} : memref<40x128xf32, #tpu.memory_space<vmem>>, vector<1x16xf32>,
        %get3A_121 = vector.shape_cast %get3A_120 : vector<1x16xf32> to vector<16xf32>
        %get3A_122 = arith.index_cast %add3A_114 : i32 to index
        %get3A_123 = arith.constant 16 : index
        %get3A_124 = tpu.vector_load %arg12[%get3A_122, %get3A_123] {strides = array<i32>} : memref<40x128xf32, #tpu.memory_space<vmem>>, vector<1x16xf32>,
        %get3A_125 = vector.shape_cast %get3A_124 : vector<1x16xf32> to vector<16xf32>
        %get3A_126 = arith.index_cast %add3A_114 : i32 to index
        %get3A_127 = arith.constant 32 : index
        %get3A_128 = tpu.vector_load %arg12[%get3A_126, %get3A_127] {strides = array<i32>} : memref<40x128xf32, #tpu.memory_space<vmem>>, vector<1x16xf32>,
        %get3A_129 = vector.shape_cast %get3A_128 : vector<1x16xf32> to vector<16xf32>
        %get3A_130 = arith.index_cast %add3A_114 : i32 to index
        %get3A_131 = arith.constant 48 : index
        %get3A_132 = tpu.vector_load %arg12[%get3A_130, %get3A_131] {strides = array<i32>} : memref<40x128xf32, #tpu.memory_space<vmem>>, vector<1x16xf32>,
        %get3A_133 = vector.shape_cast %get3A_132 : vector<1x16xf32> to vector<16xf32>
        %get3A_134 = arith.index_cast %add3A_118 : i32 to index
        %get3A_135 = arith.constant 0 : index
        %get3A_136 = tpu.vector_load %arg10[%get3A_134, %get3A_135] {strides = array<i32>} : memref<80x64xf32, #tpu.memory_space<vmem>>, vector<1x16xf32>,
        %get3A_137 = vector.shape_cast %get3A_136 : vector<1x16xf32> to vector<16xf32>
        %get3A_138 = arith.index_cast %add3A_118 : i32 to index
        %get3A_139 = arith.constant 0 : index
        %get3A_140 = tpu.vector_load %arg11[%get3A_138, %get3A_139] {strides = array<i32>} : memref<80x128xf32, #tpu.memory_space<vmem>>, vector<1x16xf32>,
        %get3A_141 = vector.shape_cast %get3A_140 : vector<1x16xf32> to vector<16xf32>
        %add3A_142 = arith.addf %get3A_141, %get3A_121 : vector<16xf32>
        %mul3A_143 = arith.mulf %get3A_137, %add3A_142 : vector<16xf32>
        %get3A_144 = arith.index_cast %add3A_118 : i32 to index
        %get3A_145 = arith.constant 16 : index
        %get3A_146 = tpu.vector_load %arg10[%get3A_144, %get3A_145] {strides = array<i32>} : memref<80x64xf32, #tpu.memory_space<vmem>>, vector<1x16xf32>,
        %get3A_147 = vector.shape_cast %get3A_146 : vector<1x16xf32> to vector<16xf32>
        %get3A_148 = arith.index_cast %add3A_118 : i32 to index
        %get3A_149 = arith.constant 16 : index
        %get3A_150 = tpu.vector_load %arg11[%get3A_148, %get3A_149] {strides = array<i32>} : memref<80x128xf32, #tpu.memory_space<vmem>>, vector<1x16xf32>,
        %get3A_151 = vector.shape_cast %get3A_150 : vector<1x16xf32> to vector<16xf32>
        %add3A_152 = arith.addf %get3A_151, %get3A_125 : vector<16xf32>
        %mul3A_153 = arith.mulf %get3A_147, %add3A_152 : vector<16xf32>
        %add3A_154 = arith.addf %mul3A_143, %mul3A_153 : vector<16xf32>
        %get3A_155 = arith.index_cast %add3A_118 : i32 to index
        %get3A_156 = arith.constant 32 : index
        %get3A_157 = tpu.vector_load %arg10[%get3A_155, %get3A_156] {strides = array<i32>} : memref<80x64xf32, #tpu.memory_space<vmem>>, vector<1x16xf32>,
        %get3A_158 = vector.shape_cast %get3A_157 : vector<1x16xf32> to vector<16xf32>
        %get3A_159 = arith.index_cast %add3A_118 : i32 to index
        %get3A_160 = arith.constant 32 : index
        %get3A_161 = tpu.vector_load %arg11[%get3A_159, %get3A_160] {strides = array<i32>} : memref<80x128xf32, #tpu.memory_space<vmem>>, vector<1x16xf32>,
        %get3A_162 = vector.shape_cast %get3A_161 : vector<1x16xf32> to vector<16xf32>
        %add3A_163 = arith.addf %get3A_162, %get3A_129 : vector<16xf32>
        %mul3A_164 = arith.mulf %get3A_158, %add3A_163 : vector<16xf32>
        %add3A_165 = arith.addf %add3A_154, %mul3A_164 : vector<16xf32>
        %get3A_166 = arith.index_cast %add3A_118 : i32 to index
        %get3A_167 = arith.constant 48 : index
        %get3A_168 = tpu.vector_load %arg10[%get3A_166, %get3A_167] {strides = array<i32>} : memref<80x64xf32, #tpu.memory_space<vmem>>, vector<1x16xf32>,
        %get3A_169 = vector.shape_cast %get3A_168 : vector<1x16xf32> to vector<16xf32>
        %get3A_170 = arith.index_cast %add3A_118 : i32 to index
        %get3A_171 = arith.constant 48 : index
        %get3A_172 = tpu.vector_load %arg11[%get3A_170, %get3A_171] {strides = array<i32>} : memref<80x128xf32, #tpu.memory_space<vmem>>, vector<1x16xf32>,
        %get3A_173 = vector.shape_cast %get3A_172 : vector<1x16xf32> to vector<16xf32>
        %add3A_174 = arith.addf %get3A_173, %get3A_133 : vector<16xf32>
        %mul3A_175 = arith.mulf %get3A_169, %add3A_174 : vector<16xf32>
        %add3A_176 = arith.addf %add3A_165, %mul3A_175 : vector<16xf32>
        %xor3A = arith.constant 8 : i32
        %xor3A_177 = vector.broadcast %xor3A : i32 to vector<16xi32>
        %xor3A_178 = arith.xori %iota3A, %xor3A_177 : vector<16xi32>
        %broadcast_in_dim3A_179 = vector.shape_cast %xor3A_178 : vector<16xi32> to vector<16x1xi32>
        %gather3A = vector.shape_cast %broadcast_in_dim3A_179 : vector<16x1xi32> to vector<16xi32>
        %gather3A_180 = tpu.dynamic_gather %add3A_176[%gather3A] in [0] : vector<16xf32>, vector<16xi32> -> vector<16xf32>
        %add3A_181 = arith.addf %add3A_176, %gather3A_180 : vector<16xf32>
        %xor3A_182 = arith.constant 4 : i32
        %xor3A_183 = vector.broadcast %xor3A_182 : i32 to vector<16xi32>
        %xor3A_184 = arith.xori %iota3A, %xor3A_183 : vector<16xi32>
        %broadcast_in_dim3A_185 = vector.shape_cast %xor3A_184 : vector<16xi32> to vector<16x1xi32>
        %gather3A_186 = vector.shape_cast %broadcast_in_dim3A_185 : vector<16x1xi32> to vector<16xi32>
        %gather3A_187 = tpu.dynamic_gather %add3A_181[%gather3A_186] in [0] : vector<16xf32>, vector<16xi32> -> vector<16xf32>
        %add3A_188 = arith.addf %add3A_181, %gather3A_187 : vector<16xf32>
        %xor3A_189 = arith.constant 2 : i32
        %xor3A_190 = vector.broadcast %xor3A_189 : i32 to vector<16xi32>
        %xor3A_191 = arith.xori %iota3A, %xor3A_190 : vector<16xi32>
        %broadcast_in_dim3A_192 = vector.shape_cast %xor3A_191 : vector<16xi32> to vector<16x1xi32>
        %gather3A_193 = vector.shape_cast %broadcast_in_dim3A_192 : vector<16x1xi32> to vector<16xi32>
        %gather3A_194 = tpu.dynamic_gather %add3A_188[%gather3A_193] in [0] : vector<16xf32>, vector<16xi32> -> vector<16xf32>
        %add3A_195 = arith.addf %add3A_188, %gather3A_194 : vector<16xf32>
        %xor3A_196 = arith.constant 1 : i32
        %xor3A_197 = vector.broadcast %xor3A_196 : i32 to vector<16xi32>
        %xor3A_198 = arith.xori %iota3A, %xor3A_197 : vector<16xi32>
        %broadcast_in_dim3A_199 = vector.shape_cast %xor3A_198 : vector<16xi32> to vector<16x1xi32>
        %gather3A_200 = vector.shape_cast %broadcast_in_dim3A_199 : vector<16x1xi32> to vector<16xi32>
        %gather3A_201 = tpu.dynamic_gather %add3A_195[%gather3A_200] in [0] : vector<16xf32>, vector<16xi32> -> vector<16xf32>
        %add3A_202 = arith.addf %add3A_195, %gather3A_201 : vector<16xf32>
        %exp3A = math.exp %add3A_202 : vector<16xf32>
        %get3A_203 = arith.index_cast %add3A_118 : i32 to index
        %get3A_204 = arith.constant 64 : index
        %get3A_205 = tpu.vector_load %arg11[%get3A_203, %get3A_204] {strides = array<i32>} : memref<80x128xf32, #tpu.memory_space<vmem>>, vector<1x16xf32>,
        %get3A_206 = vector.shape_cast %get3A_205 : vector<1x16xf32> to vector<16xf32>
        %add3A_207 = arith.addf %get3A_206, %get3A_121 : vector<16xf32>
        %mul3A_208 = arith.mulf %exp3A, %add3A_207 : vector<16xf32>
        %swap3A = arith.index_cast %add3A_118 : i32 to index
        %swap3A_209 = arith.constant 0 : index
        %swap3A_210 = tpu.vector_load %arg16[%swap3A, %swap3A_209] {strides = array<i32>} : memref<80x80xf32, #tpu.memory_space<vmem>>, vector<1x16xf32>,
        %swap3A_211 = vector.shape_cast %swap3A_210 : vector<1x16xf32> to vector<16xf32>
        %swap3A_212 = vector.shape_cast %mul3A_208 : vector<16xf32> to vector<1x16xf32>
        tpu.vector_store %arg16[%swap3A, %swap3A_209], %swap3A_212 {strides = array<i32>} : memref<80x80xf32, #tpu.memory_space<vmem>>, vector<1x16xf32>,
        %get3A_213 = arith.index_cast %add3A_118 : i32 to index
        %get3A_214 = arith.constant 80 : index
        %get3A_215 = tpu.vector_load %arg11[%get3A_213, %get3A_214] {strides = array<i32>} : memref<80x128xf32, #tpu.memory_space<vmem>>, vector<1x16xf32>,
        %get3A_216 = vector.shape_cast %get3A_215 : vector<1x16xf32> to vector<16xf32>
        %add3A_217 = arith.addf %get3A_216, %get3A_125 : vector<16xf32>
        %mul3A_218 = arith.mulf %exp3A, %add3A_217 : vector<16xf32>
        %swap3A_219 = arith.index_cast %add3A_118 : i32 to index
        %swap3A_220 = arith.constant 16 : index
        %swap3A_221 = tpu.vector_load %arg16[%swap3A_219, %swap3A_220] {strides = array<i32>} : memref<80x80xf32, #tpu.memory_space<vmem>>, vector<1x16xf32>,
        %swap3A_222 = vector.shape_cast %swap3A_221 : vector<1x16xf32> to vector<16xf32>
        %swap3A_223 = vector.shape_cast %mul3A_218 : vector<16xf32> to vector<1x16xf32>
        tpu.vector_store %arg16[%swap3A_219, %swap3A_220], %swap3A_223 {strides = array<i32>} : memref<80x80xf32, #tpu.memory_space<vmem>>, vector<1x16xf32>,
        %get3A_224 = arith.index_cast %add3A_118 : i32 to index
        %get3A_225 = arith.constant 96 : index
        %get3A_226 = tpu.vector_load %arg11[%get3A_224, %get3A_225] {strides = array<i32>} : memref<80x128xf32, #tpu.memory_space<vmem>>, vector<1x16xf32>,
        %get3A_227 = vector.shape_cast %get3A_226 : vector<1x16xf32> to vector<16xf32>
        %add3A_228 = arith.addf %get3A_227, %get3A_129 : vector<16xf32>
        %mul3A_229 = arith.mulf %exp3A, %add3A_228 : vector<16xf32>
        %swap3A_230 = arith.index_cast %add3A_118 : i32 to index
        %swap3A_231 = arith.constant 32 : index
        %swap3A_232 = tpu.vector_load %arg16[%swap3A_230, %swap3A_231] {strides = array<i32>} : memref<80x80xf32, #tpu.memory_space<vmem>>, vector<1x16xf32>,
        %swap3A_233 = vector.shape_cast %swap3A_232 : vector<1x16xf32> to vector<16xf32>
        %swap3A_234 = vector.shape_cast %mul3A_229 : vector<16xf32> to vector<1x16xf32>
        tpu.vector_store %arg16[%swap3A_230, %swap3A_231], %swap3A_234 {strides = array<i32>} : memref<80x80xf32, #tpu.memory_space<vmem>>, vector<1x16xf32>,
        %get3A_235 = arith.index_cast %add3A_118 : i32 to index
        %get3A_236 = arith.constant 112 : index
        %get3A_237 = tpu.vector_load %arg11[%get3A_235, %get3A_236] {strides = array<i32>} : memref<80x128xf32, #tpu.memory_space<vmem>>, vector<1x16xf32>,
        %get3A_238 = vector.shape_cast %get3A_237 : vector<1x16xf32> to vector<16xf32>
        %add3A_239 = arith.addf %get3A_238, %get3A_133 : vector<16xf32>
        %mul3A_240 = arith.mulf %exp3A, %add3A_239 : vector<16xf32>
        %swap3A_241 = arith.index_cast %add3A_118 : i32 to index
        %swap3A_242 = arith.constant 48 : index
        %swap3A_243 = tpu.vector_load %arg16[%swap3A_241, %swap3A_242] {strides = array<i32>} : memref<80x80xf32, #tpu.memory_space<vmem>>, vector<1x16xf32>,
        %swap3A_244 = vector.shape_cast %swap3A_243 : vector<1x16xf32> to vector<16xf32>
        %swap3A_245 = vector.shape_cast %mul3A_240 : vector<16xf32> to vector<1x16xf32>
        tpu.vector_store %arg16[%swap3A_241, %swap3A_242], %swap3A_245 {strides = array<i32>} : memref<80x80xf32, #tpu.memory_space<vmem>>, vector<1x16xf32>,
        %mul3A_246 = arith.mulf %exp3A, %select_n3A : vector<16xf32>
        %swap3A_247 = arith.index_cast %add3A_118 : i32 to index
        %swap3A_248 = arith.constant 64 : index
        %swap3A_249 = tpu.vector_load %arg16[%swap3A_247, %swap3A_248] {strides = array<i32>} : memref<80x80xf32, #tpu.memory_space<vmem>>, vector<1x16xf32>,
        %swap3A_250 = vector.shape_cast %swap3A_249 : vector<1x16xf32> to vector<16xf32>
        %swap3A_251 = vector.shape_cast %mul3A_246 : vector<16xf32> to vector<1x16xf32>
        tpu.vector_store %arg16[%swap3A_247, %swap3A_248], %swap3A_251 {strides = array<i32>} : memref<80x80xf32, #tpu.memory_space<vmem>>, vector<1x16xf32>,
        %mul3A_252 = arith.constant 2 : i32
        %mul3A_253 = arith.muli %mul3A_252, %add3A_114 : i32
        %add3A_254 = arith.constant 1 : i32
        %add3A_255 = arith.addi %mul3A_253, %add3A_254 : i32
        %get3A_256 = arith.index_cast %add3A_114 : i32 to index
        %get3A_257 = arith.constant 64 : index
        %get3A_258 = tpu.vector_load %arg12[%get3A_256, %get3A_257] {strides = array<i32>} : memref<40x128xf32, #tpu.memory_space<vmem>>, vector<1x16xf32>,
        %get3A_259 = vector.shape_cast %get3A_258 : vector<1x16xf32> to vector<16xf32>
        %get3A_260 = arith.index_cast %add3A_114 : i32 to index
        %get3A_261 = arith.constant 80 : index
        %get3A_262 = tpu.vector_load %arg12[%get3A_260, %get3A_261] {strides = array<i32>} : memref<40x128xf32, #tpu.memory_space<vmem>>, vector<1x16xf32>,
        %get3A_263 = vector.shape_cast %get3A_262 : vector<1x16xf32> to vector<16xf32>
        %get3A_264 = arith.index_cast %add3A_114 : i32 to index
        %get3A_265 = arith.constant 96 : index
        %get3A_266 = tpu.vector_load %arg12[%get3A_264, %get3A_265] {strides = array<i32>} : memref<40x128xf32, #tpu.memory_space<vmem>>, vector<1x16xf32>,
        %get3A_267 = vector.shape_cast %get3A_266 : vector<1x16xf32> to vector<16xf32>
        %get3A_268 = arith.index_cast %add3A_114 : i32 to index
        %get3A_269 = arith.constant 112 : index
        %get3A_270 = tpu.vector_load %arg12[%get3A_268, %get3A_269] {strides = array<i32>} : memref<40x128xf32, #tpu.memory_space<vmem>>, vector<1x16xf32>,
        %get3A_271 = vector.shape_cast %get3A_270 : vector<1x16xf32> to vector<16xf32>
        %get3A_272 = arith.index_cast %add3A_255 : i32 to index
        %get3A_273 = arith.constant 0 : index
        %get3A_274 = tpu.vector_load %arg10[%get3A_272, %get3A_273] {strides = array<i32>} : memref<80x64xf32, #tpu.memory_space<vmem>>, vector<1x16xf32>,
        %get3A_275 = vector.shape_cast %get3A_274 : vector<1x16xf32> to vector<16xf32>
        %get3A_276 = arith.index_cast %add3A_255 : i32 to index
        %get3A_277 = arith.constant 0 : index
        %get3A_278 = tpu.vector_load %arg11[%get3A_276, %get3A_277] {strides = array<i32>} : memref<80x128xf32, #tpu.memory_space<vmem>>, vector<1x16xf32>,
        %get3A_279 = vector.shape_cast %get3A_278 : vector<1x16xf32> to vector<16xf32>
        %add3A_280 = arith.addf %get3A_279, %get3A_259 : vector<16xf32>
        %mul3A_281 = arith.mulf %get3A_275, %add3A_280 : vector<16xf32>
        %get3A_282 = arith.index_cast %add3A_255 : i32 to index
        %get3A_283 = arith.constant 16 : index
        %get3A_284 = tpu.vector_load %arg10[%get3A_282, %get3A_283] {strides = array<i32>} : memref<80x64xf32, #tpu.memory_space<vmem>>, vector<1x16xf32>,
        %get3A_285 = vector.shape_cast %get3A_284 : vector<1x16xf32> to vector<16xf32>
        %get3A_286 = arith.index_cast %add3A_255 : i32 to index
        %get3A_287 = arith.constant 16 : index
        %get3A_288 = tpu.vector_load %arg11[%get3A_286, %get3A_287] {strides = array<i32>} : memref<80x128xf32, #tpu.memory_space<vmem>>, vector<1x16xf32>,
        %get3A_289 = vector.shape_cast %get3A_288 : vector<1x16xf32> to vector<16xf32>
        %add3A_290 = arith.addf %get3A_289, %get3A_263 : vector<16xf32>
        %mul3A_291 = arith.mulf %get3A_285, %add3A_290 : vector<16xf32>
        %add3A_292 = arith.addf %mul3A_281, %mul3A_291 : vector<16xf32>
        %get3A_293 = arith.index_cast %add3A_255 : i32 to index
        %get3A_294 = arith.constant 32 : index
        %get3A_295 = tpu.vector_load %arg10[%get3A_293, %get3A_294] {strides = array<i32>} : memref<80x64xf32, #tpu.memory_space<vmem>>, vector<1x16xf32>,
        %get3A_296 = vector.shape_cast %get3A_295 : vector<1x16xf32> to vector<16xf32>
        %get3A_297 = arith.index_cast %add3A_255 : i32 to index
        %get3A_298 = arith.constant 32 : index
        %get3A_299 = tpu.vector_load %arg11[%get3A_297, %get3A_298] {strides = array<i32>} : memref<80x128xf32, #tpu.memory_space<vmem>>, vector<1x16xf32>,
        %get3A_300 = vector.shape_cast %get3A_299 : vector<1x16xf32> to vector<16xf32>
        %add3A_301 = arith.addf %get3A_300, %get3A_267 : vector<16xf32>
        %mul3A_302 = arith.mulf %get3A_296, %add3A_301 : vector<16xf32>
        %add3A_303 = arith.addf %add3A_292, %mul3A_302 : vector<16xf32>
        %get3A_304 = arith.index_cast %add3A_255 : i32 to index
        %get3A_305 = arith.constant 48 : index
        %get3A_306 = tpu.vector_load %arg10[%get3A_304, %get3A_305] {strides = array<i32>} : memref<80x64xf32, #tpu.memory_space<vmem>>, vector<1x16xf32>,
        %get3A_307 = vector.shape_cast %get3A_306 : vector<1x16xf32> to vector<16xf32>
        %get3A_308 = arith.index_cast %add3A_255 : i32 to index
        %get3A_309 = arith.constant 48 : index
        %get3A_310 = tpu.vector_load %arg11[%get3A_308, %get3A_309] {strides = array<i32>} : memref<80x128xf32, #tpu.memory_space<vmem>>, vector<1x16xf32>,
        %get3A_311 = vector.shape_cast %get3A_310 : vector<1x16xf32> to vector<16xf32>
        %add3A_312 = arith.addf %get3A_311, %get3A_271 : vector<16xf32>
        %mul3A_313 = arith.mulf %get3A_307, %add3A_312 : vector<16xf32>
        %add3A_314 = arith.addf %add3A_303, %mul3A_313 : vector<16xf32>
        %xor3A_315 = arith.constant 8 : i32
        %xor3A_316 = vector.broadcast %xor3A_315 : i32 to vector<16xi32>
        %xor3A_317 = arith.xori %iota3A, %xor3A_316 : vector<16xi32>
        %broadcast_in_dim3A_318 = vector.shape_cast %xor3A_317 : vector<16xi32> to vector<16x1xi32>
        %gather3A_319 = vector.shape_cast %broadcast_in_dim3A_318 : vector<16x1xi32> to vector<16xi32>
        %gather3A_320 = tpu.dynamic_gather %add3A_314[%gather3A_319] in [0] : vector<16xf32>, vector<16xi32> -> vector<16xf32>
        %add3A_321 = arith.addf %add3A_314, %gather3A_320 : vector<16xf32>
        %xor3A_322 = arith.constant 4 : i32
        %xor3A_323 = vector.broadcast %xor3A_322 : i32 to vector<16xi32>
        %xor3A_324 = arith.xori %iota3A, %xor3A_323 : vector<16xi32>
        %broadcast_in_dim3A_325 = vector.shape_cast %xor3A_324 : vector<16xi32> to vector<16x1xi32>
        %gather3A_326 = vector.shape_cast %broadcast_in_dim3A_325 : vector<16x1xi32> to vector<16xi32>
        %gather3A_327 = tpu.dynamic_gather %add3A_321[%gather3A_326] in [0] : vector<16xf32>, vector<16xi32> -> vector<16xf32>
        %add3A_328 = arith.addf %add3A_321, %gather3A_327 : vector<16xf32>
        %xor3A_329 = arith.constant 2 : i32
        %xor3A_330 = vector.broadcast %xor3A_329 : i32 to vector<16xi32>
        %xor3A_331 = arith.xori %iota3A, %xor3A_330 : vector<16xi32>
        %broadcast_in_dim3A_332 = vector.shape_cast %xor3A_331 : vector<16xi32> to vector<16x1xi32>
        %gather3A_333 = vector.shape_cast %broadcast_in_dim3A_332 : vector<16x1xi32> to vector<16xi32>
        %gather3A_334 = tpu.dynamic_gather %add3A_328[%gather3A_333] in [0] : vector<16xf32>, vector<16xi32> -> vector<16xf32>
        %add3A_335 = arith.addf %add3A_328, %gather3A_334 : vector<16xf32>
        %xor3A_336 = arith.constant 1 : i32
        %xor3A_337 = vector.broadcast %xor3A_336 : i32 to vector<16xi32>
        %xor3A_338 = arith.xori %iota3A, %xor3A_337 : vector<16xi32>
        %broadcast_in_dim3A_339 = vector.shape_cast %xor3A_338 : vector<16xi32> to vector<16x1xi32>
        %gather3A_340 = vector.shape_cast %broadcast_in_dim3A_339 : vector<16x1xi32> to vector<16xi32>
        %gather3A_341 = tpu.dynamic_gather %add3A_335[%gather3A_340] in [0] : vector<16xf32>, vector<16xi32> -> vector<16xf32>
        %add3A_342 = arith.addf %add3A_335, %gather3A_341 : vector<16xf32>
        %exp3A_343 = math.exp %add3A_342 : vector<16xf32>
        %get3A_344 = arith.index_cast %add3A_255 : i32 to index
        %get3A_345 = arith.constant 64 : index
        %get3A_346 = tpu.vector_load %arg11[%get3A_344, %get3A_345] {strides = array<i32>} : memref<80x128xf32, #tpu.memory_space<vmem>>, vector<1x16xf32>,
        %get3A_347 = vector.shape_cast %get3A_346 : vector<1x16xf32> to vector<16xf32>
        %add3A_348 = arith.addf %get3A_347, %get3A_259 : vector<16xf32>
        %mul3A_349 = arith.mulf %exp3A_343, %add3A_348 : vector<16xf32>
        %swap3A_350 = arith.index_cast %add3A_255 : i32 to index
        %swap3A_351 = arith.constant 0 : index
        %swap3A_352 = tpu.vector_load %arg16[%swap3A_350, %swap3A_351] {strides = array<i32>} : memref<80x80xf32, #tpu.memory_space<vmem>>, vector<1x16xf32>,
        %swap3A_353 = vector.shape_cast %swap3A_352 : vector<1x16xf32> to vector<16xf32>
        %swap3A_354 = vector.shape_cast %mul3A_349 : vector<16xf32> to vector<1x16xf32>
        tpu.vector_store %arg16[%swap3A_350, %swap3A_351], %swap3A_354 {strides = array<i32>} : memref<80x80xf32, #tpu.memory_space<vmem>>, vector<1x16xf32>,
        %get3A_355 = arith.index_cast %add3A_255 : i32 to index
        %get3A_356 = arith.constant 80 : index
        %get3A_357 = tpu.vector_load %arg11[%get3A_355, %get3A_356] {strides = array<i32>} : memref<80x128xf32, #tpu.memory_space<vmem>>, vector<1x16xf32>,
        %get3A_358 = vector.shape_cast %get3A_357 : vector<1x16xf32> to vector<16xf32>
        %add3A_359 = arith.addf %get3A_358, %get3A_263 : vector<16xf32>
        %mul3A_360 = arith.mulf %exp3A_343, %add3A_359 : vector<16xf32>
        %swap3A_361 = arith.index_cast %add3A_255 : i32 to index
        %swap3A_362 = arith.constant 16 : index
        %swap3A_363 = tpu.vector_load %arg16[%swap3A_361, %swap3A_362] {strides = array<i32>} : memref<80x80xf32, #tpu.memory_space<vmem>>, vector<1x16xf32>,
        %swap3A_364 = vector.shape_cast %swap3A_363 : vector<1x16xf32> to vector<16xf32>
        %swap3A_365 = vector.shape_cast %mul3A_360 : vector<16xf32> to vector<1x16xf32>
        tpu.vector_store %arg16[%swap3A_361, %swap3A_362], %swap3A_365 {strides = array<i32>} : memref<80x80xf32, #tpu.memory_space<vmem>>, vector<1x16xf32>,
        %get3A_366 = arith.index_cast %add3A_255 : i32 to index
        %get3A_367 = arith.constant 96 : index
        %get3A_368 = tpu.vector_load %arg11[%get3A_366, %get3A_367] {strides = array<i32>} : memref<80x128xf32, #tpu.memory_space<vmem>>, vector<1x16xf32>,
        %get3A_369 = vector.shape_cast %get3A_368 : vector<1x16xf32> to vector<16xf32>
        %add3A_370 = arith.addf %get3A_369, %get3A_267 : vector<16xf32>
        %mul3A_371 = arith.mulf %exp3A_343, %add3A_370 : vector<16xf32>
        %swap3A_372 = arith.index_cast %add3A_255 : i32 to index
        %swap3A_373 = arith.constant 32 : index
        %swap3A_374 = tpu.vector_load %arg16[%swap3A_372, %swap3A_373] {strides = array<i32>} : memref<80x80xf32, #tpu.memory_space<vmem>>, vector<1x16xf32>,
        %swap3A_375 = vector.shape_cast %swap3A_374 : vector<1x16xf32> to vector<16xf32>
        %swap3A_376 = vector.shape_cast %mul3A_371 : vector<16xf32> to vector<1x16xf32>
        tpu.vector_store %arg16[%swap3A_372, %swap3A_373], %swap3A_376 {strides = array<i32>} : memref<80x80xf32, #tpu.memory_space<vmem>>, vector<1x16xf32>,
        %get3A_377 = arith.index_cast %add3A_255 : i32 to index
        %get3A_378 = arith.constant 112 : index
        %get3A_379 = tpu.vector_load %arg11[%get3A_377, %get3A_378] {strides = array<i32>} : memref<80x128xf32, #tpu.memory_space<vmem>>, vector<1x16xf32>,
        %get3A_380 = vector.shape_cast %get3A_379 : vector<1x16xf32> to vector<16xf32>
        %add3A_381 = arith.addf %get3A_380, %get3A_271 : vector<16xf32>
        %mul3A_382 = arith.mulf %exp3A_343, %add3A_381 : vector<16xf32>
        %swap3A_383 = arith.index_cast %add3A_255 : i32 to index
        %swap3A_384 = arith.constant 48 : index
        %swap3A_385 = tpu.vector_load %arg16[%swap3A_383, %swap3A_384] {strides = array<i32>} : memref<80x80xf32, #tpu.memory_space<vmem>>, vector<1x16xf32>,
        %swap3A_386 = vector.shape_cast %swap3A_385 : vector<1x16xf32> to vector<16xf32>
        %swap3A_387 = vector.shape_cast %mul3A_382 : vector<16xf32> to vector<1x16xf32>
        tpu.vector_store %arg16[%swap3A_383, %swap3A_384], %swap3A_387 {strides = array<i32>} : memref<80x80xf32, #tpu.memory_space<vmem>>, vector<1x16xf32>,
        %mul3A_388 = arith.mulf %exp3A_343, %select_n3A : vector<16xf32>
        %swap3A_389 = arith.index_cast %add3A_255 : i32 to index
        %swap3A_390 = arith.constant 64 : index
        %swap3A_391 = tpu.vector_load %arg16[%swap3A_389, %swap3A_390] {strides = array<i32>} : memref<80x80xf32, #tpu.memory_space<vmem>>, vector<1x16xf32>,
        %swap3A_392 = vector.shape_cast %swap3A_391 : vector<1x16xf32> to vector<16xf32>
        %swap3A_393 = vector.shape_cast %mul3A_388 : vector<16xf32> to vector<1x16xf32>
        tpu.vector_store %arg16[%swap3A_389, %swap3A_390], %swap3A_393 {strides = array<i32>} : memref<80x80xf32, #tpu.memory_space<vmem>>, vector<1x16xf32>,
        %scan3A_394 = arith.constant 1 : i32
        %scan3A_395 = arith.addi %scan3A_110, %scan3A_394 : i32
        %mul3A_396 = arith.constant 1 : i32
        %mul3A_397 = arith.muli %scan3A_395, %mul3A_396 : i32
        %add3A_398 = arith.constant 0 : i32
        %add3A_399 = arith.addi %add3A_398, %mul3A_397 : i32
        %mul3A_400 = arith.constant 2 : i32
        %mul3A_401 = arith.muli %mul3A_400, %add3A_399 : i32
        %add3A_402 = arith.constant 0 : i32
        %add3A_403 = arith.addi %mul3A_401, %add3A_402 : i32
        %get3A_404 = arith.index_cast %add3A_399 : i32 to index
        %get3A_405 = arith.constant 0 : index
        %get3A_406 = tpu.vector_load %arg12[%get3A_404, %get3A_405] {strides = array<i32>} : memref<40x128xf32, #tpu.memory_space<vmem>>, vector<1x16xf32>,
        %get3A_407 = vector.shape_cast %get3A_406 : vector<1x16xf32> to vector<16xf32>
        %get3A_408 = arith.index_cast %add3A_399 : i32 to index
        %get3A_409 = arith.constant 16 : index
        %get3A_410 = tpu.vector_load %arg12[%get3A_408, %get3A_409] {strides = array<i32>} : memref<40x128xf32, #tpu.memory_space<vmem>>, vector<1x16xf32>,
        %get3A_411 = vector.shape_cast %get3A_410 : vector<1x16xf32> to vector<16xf32>
        %get3A_412 = arith.index_cast %add3A_399 : i32 to index
        %get3A_413 = arith.constant 32 : index
        %get3A_414 = tpu.vector_load %arg12[%get3A_412, %get3A_413] {strides = array<i32>} : memref<40x128xf32, #tpu.memory_space<vmem>>, vector<1x16xf32>,
        %get3A_415 = vector.shape_cast %get3A_414 : vector<1x16xf32> to vector<16xf32>
        %get3A_416 = arith.index_cast %add3A_399 : i32 to index
        %get3A_417 = arith.constant 48 : index
        %get3A_418 = tpu.vector_load %arg12[%get3A_416, %get3A_417] {strides = array<i32>} : memref<40x128xf32, #tpu.memory_space<vmem>>, vector<1x16xf32>,
        %get3A_419 = vector.shape_cast %get3A_418 : vector<1x16xf32> to vector<16xf32>
        %get3A_420 = arith.index_cast %add3A_403 : i32 to index
        %get3A_421 = arith.constant 0 : index
        %get3A_422 = tpu.vector_load %arg10[%get3A_420, %get3A_421] {strides = array<i32>} : memref<80x64xf32, #tpu.memory_space<vmem>>, vector<1x16xf32>,
        %get3A_423 = vector.shape_cast %get3A_422 : vector<1x16xf32> to vector<16xf32>
        %get3A_424 = arith.index_cast %add3A_403 : i32 to index
        %get3A_425 = arith.constant 0 : index
        %get3A_426 = tpu.vector_load %arg11[%get3A_424, %get3A_425] {strides = array<i32>} : memref<80x128xf32, #tpu.memory_space<vmem>>, vector<1x16xf32>,
        %get3A_427 = vector.shape_cast %get3A_426 : vector<1x16xf32> to vector<16xf32>
        %add3A_428 = arith.addf %get3A_427, %get3A_407 : vector<16xf32>
        %mul3A_429 = arith.mulf %get3A_423, %add3A_428 : vector<16xf32>
        %get3A_430 = arith.index_cast %add3A_403 : i32 to index
        %get3A_431 = arith.constant 16 : index
        %get3A_432 = tpu.vector_load %arg10[%get3A_430, %get3A_431] {strides = array<i32>} : memref<80x64xf32, #tpu.memory_space<vmem>>, vector<1x16xf32>,
        %get3A_433 = vector.shape_cast %get3A_432 : vector<1x16xf32> to vector<16xf32>
        %get3A_434 = arith.index_cast %add3A_403 : i32 to index
        %get3A_435 = arith.constant 16 : index
        %get3A_436 = tpu.vector_load %arg11[%get3A_434, %get3A_435] {strides = array<i32>} : memref<80x128xf32, #tpu.memory_space<vmem>>, vector<1x16xf32>,
        %get3A_437 = vector.shape_cast %get3A_436 : vector<1x16xf32> to vector<16xf32>
        %add3A_438 = arith.addf %get3A_437, %get3A_411 : vector<16xf32>
        %mul3A_439 = arith.mulf %get3A_433, %add3A_438 : vector<16xf32>
        %add3A_440 = arith.addf %mul3A_429, %mul3A_439 : vector<16xf32>
        %get3A_441 = arith.index_cast %add3A_403 : i32 to index
        %get3A_442 = arith.constant 32 : index
        %get3A_443 = tpu.vector_load %arg10[%get3A_441, %get3A_442] {strides = array<i32>} : memref<80x64xf32, #tpu.memory_space<vmem>>, vector<1x16xf32>,
        %get3A_444 = vector.shape_cast %get3A_443 : vector<1x16xf32> to vector<16xf32>
        %get3A_445 = arith.index_cast %add3A_403 : i32 to index
        %get3A_446 = arith.constant 32 : index
        %get3A_447 = tpu.vector_load %arg11[%get3A_445, %get3A_446] {strides = array<i32>} : memref<80x128xf32, #tpu.memory_space<vmem>>, vector<1x16xf32>,
        %get3A_448 = vector.shape_cast %get3A_447 : vector<1x16xf32> to vector<16xf32>
        %add3A_449 = arith.addf %get3A_448, %get3A_415 : vector<16xf32>
        %mul3A_450 = arith.mulf %get3A_444, %add3A_449 : vector<16xf32>
        %add3A_451 = arith.addf %add3A_440, %mul3A_450 : vector<16xf32>
        %get3A_452 = arith.index_cast %add3A_403 : i32 to index
        %get3A_453 = arith.constant 48 : index
        %get3A_454 = tpu.vector_load %arg10[%get3A_452, %get3A_453] {strides = array<i32>} : memref<80x64xf32, #tpu.memory_space<vmem>>, vector<1x16xf32>,
        %get3A_455 = vector.shape_cast %get3A_454 : vector<1x16xf32> to vector<16xf32>
        %get3A_456 = arith.index_cast %add3A_403 : i32 to index
        %get3A_457 = arith.constant 48 : index
        %get3A_458 = tpu.vector_load %arg11[%get3A_456, %get3A_457] {strides = array<i32>} : memref<80x128xf32, #tpu.memory_space<vmem>>, vector<1x16xf32>,
        %get3A_459 = vector.shape_cast %get3A_458 : vector<1x16xf32> to vector<16xf32>
        %add3A_460 = arith.addf %get3A_459, %get3A_419 : vector<16xf32>
        %mul3A_461 = arith.mulf %get3A_455, %add3A_460 : vector<16xf32>
        %add3A_462 = arith.addf %add3A_451, %mul3A_461 : vector<16xf32>
        %xor3A_463 = arith.constant 8 : i32
        %xor3A_464 = vector.broadcast %xor3A_463 : i32 to vector<16xi32>
        %xor3A_465 = arith.xori %iota3A, %xor3A_464 : vector<16xi32>
        %broadcast_in_dim3A_466 = vector.shape_cast %xor3A_465 : vector<16xi32> to vector<16x1xi32>
        %gather3A_467 = vector.shape_cast %broadcast_in_dim3A_466 : vector<16x1xi32> to vector<16xi32>
        %gather3A_468 = tpu.dynamic_gather %add3A_462[%gather3A_467] in [0] : vector<16xf32>, vector<16xi32> -> vector<16xf32>
        %add3A_469 = arith.addf %add3A_462, %gather3A_468 : vector<16xf32>
        %xor3A_470 = arith.constant 4 : i32
        %xor3A_471 = vector.broadcast %xor3A_470 : i32 to vector<16xi32>
        %xor3A_472 = arith.xori %iota3A, %xor3A_471 : vector<16xi32>
        %broadcast_in_dim3A_473 = vector.shape_cast %xor3A_472 : vector<16xi32> to vector<16x1xi32>
        %gather3A_474 = vector.shape_cast %broadcast_in_dim3A_473 : vector<16x1xi32> to vector<16xi32>
        %gather3A_475 = tpu.dynamic_gather %add3A_469[%gather3A_474] in [0] : vector<16xf32>, vector<16xi32> -> vector<16xf32>
        %add3A_476 = arith.addf %add3A_469, %gather3A_475 : vector<16xf32>
        %xor3A_477 = arith.constant 2 : i32
        %xor3A_478 = vector.broadcast %xor3A_477 : i32 to vector<16xi32>
        %xor3A_479 = arith.xori %iota3A, %xor3A_478 : vector<16xi32>
        %broadcast_in_dim3A_480 = vector.shape_cast %xor3A_479 : vector<16xi32> to vector<16x1xi32>
        %gather3A_481 = vector.shape_cast %broadcast_in_dim3A_480 : vector<16x1xi32> to vector<16xi32>
        %gather3A_482 = tpu.dynamic_gather %add3A_476[%gather3A_481] in [0] : vector<16xf32>, vector<16xi32> -> vector<16xf32>
        %add3A_483 = arith.addf %add3A_476, %gather3A_482 : vector<16xf32>
        %xor3A_484 = arith.constant 1 : i32
        %xor3A_485 = vector.broadcast %xor3A_484 : i32 to vector<16xi32>
        %xor3A_486 = arith.xori %iota3A, %xor3A_485 : vector<16xi32>
        %broadcast_in_dim3A_487 = vector.shape_cast %xor3A_486 : vector<16xi32> to vector<16x1xi32>
        %gather3A_488 = vector.shape_cast %broadcast_in_dim3A_487 : vector<16x1xi32> to vector<16xi32>
        %gather3A_489 = tpu.dynamic_gather %add3A_483[%gather3A_488] in [0] : vector<16xf32>, vector<16xi32> -> vector<16xf32>
        %add3A_490 = arith.addf %add3A_483, %gather3A_489 : vector<16xf32>
        %exp3A_491 = math.exp %add3A_490 : vector<16xf32>
        %get3A_492 = arith.index_cast %add3A_403 : i32 to index
        %get3A_493 = arith.constant 64 : index
        %get3A_494 = tpu.vector_load %arg11[%get3A_492, %get3A_493] {strides = array<i32>} : memref<80x128xf32, #tpu.memory_space<vmem>>, vector<1x16xf32>,
        %get3A_495 = vector.shape_cast %get3A_494 : vector<1x16xf32> to vector<16xf32>
        %add3A_496 = arith.addf %get3A_495, %get3A_407 : vector<16xf32>
        %mul3A_497 = arith.mulf %exp3A_491, %add3A_496 : vector<16xf32>
        %swap3A_498 = arith.index_cast %add3A_403 : i32 to index
        %swap3A_499 = arith.constant 0 : index
        %swap3A_500 = tpu.vector_load %arg16[%swap3A_498, %swap3A_499] {strides = array<i32>} : memref<80x80xf32, #tpu.memory_space<vmem>>, vector<1x16xf32>,
        %swap3A_501 = vector.shape_cast %swap3A_500 : vector<1x16xf32> to vector<16xf32>
        %swap3A_502 = vector.shape_cast %mul3A_497 : vector<16xf32> to vector<1x16xf32>
        tpu.vector_store %arg16[%swap3A_498, %swap3A_499], %swap3A_502 {strides = array<i32>} : memref<80x80xf32, #tpu.memory_space<vmem>>, vector<1x16xf32>,
        %get3A_503 = arith.index_cast %add3A_403 : i32 to index
        %get3A_504 = arith.constant 80 : index
        %get3A_505 = tpu.vector_load %arg11[%get3A_503, %get3A_504] {strides = array<i32>} : memref<80x128xf32, #tpu.memory_space<vmem>>, vector<1x16xf32>,
        %get3A_506 = vector.shape_cast %get3A_505 : vector<1x16xf32> to vector<16xf32>
        %add3A_507 = arith.addf %get3A_506, %get3A_411 : vector<16xf32>
        %mul3A_508 = arith.mulf %exp3A_491, %add3A_507 : vector<16xf32>
        %swap3A_509 = arith.index_cast %add3A_403 : i32 to index
        %swap3A_510 = arith.constant 16 : index
        %swap3A_511 = tpu.vector_load %arg16[%swap3A_509, %swap3A_510] {strides = array<i32>} : memref<80x80xf32, #tpu.memory_space<vmem>>, vector<1x16xf32>,
        %swap3A_512 = vector.shape_cast %swap3A_511 : vector<1x16xf32> to vector<16xf32>
        %swap3A_513 = vector.shape_cast %mul3A_508 : vector<16xf32> to vector<1x16xf32>
        tpu.vector_store %arg16[%swap3A_509, %swap3A_510], %swap3A_513 {strides = array<i32>} : memref<80x80xf32, #tpu.memory_space<vmem>>, vector<1x16xf32>,
        %get3A_514 = arith.index_cast %add3A_403 : i32 to index
        %get3A_515 = arith.constant 96 : index
        %get3A_516 = tpu.vector_load %arg11[%get3A_514, %get3A_515] {strides = array<i32>} : memref<80x128xf32, #tpu.memory_space<vmem>>, vector<1x16xf32>,
        %get3A_517 = vector.shape_cast %get3A_516 : vector<1x16xf32> to vector<16xf32>
        %add3A_518 = arith.addf %get3A_517, %get3A_415 : vector<16xf32>
        %mul3A_519 = arith.mulf %exp3A_491, %add3A_518 : vector<16xf32>
        %swap3A_520 = arith.index_cast %add3A_403 : i32 to index
        %swap3A_521 = arith.constant 32 : index
        %swap3A_522 = tpu.vector_load %arg16[%swap3A_520, %swap3A_521] {strides = array<i32>} : memref<80x80xf32, #tpu.memory_space<vmem>>, vector<1x16xf32>,
        %swap3A_523 = vector.shape_cast %swap3A_522 : vector<1x16xf32> to vector<16xf32>
        %swap3A_524 = vector.shape_cast %mul3A_519 : vector<16xf32> to vector<1x16xf32>
        tpu.vector_store %arg16[%swap3A_520, %swap3A_521], %swap3A_524 {strides = array<i32>} : memref<80x80xf32, #tpu.memory_space<vmem>>, vector<1x16xf32>,
        %get3A_525 = arith.index_cast %add3A_403 : i32 to index
        %get3A_526 = arith.constant 112 : index
        %get3A_527 = tpu.vector_load %arg11[%get3A_525, %get3A_526] {strides = array<i32>} : memref<80x128xf32, #tpu.memory_space<vmem>>, vector<1x16xf32>,
        %get3A_528 = vector.shape_cast %get3A_527 : vector<1x16xf32> to vector<16xf32>
        %add3A_529 = arith.addf %get3A_528, %get3A_419 : vector<16xf32>
        %mul3A_530 = arith.mulf %exp3A_491, %add3A_529 : vector<16xf32>
        %swap3A_531 = arith.index_cast %add3A_403 : i32 to index
        %swap3A_532 = arith.constant 48 : index
        %swap3A_533 = tpu.vector_load %arg16[%swap3A_531, %swap3A_532] {strides = array<i32>} : memref<80x80xf32, #tpu.memory_space<vmem>>, vector<1x16xf32>,
        %swap3A_534 = vector.shape_cast %swap3A_533 : vector<1x16xf32> to vector<16xf32>
        %swap3A_535 = vector.shape_cast %mul3A_530 : vector<16xf32> to vector<1x16xf32>
        tpu.vector_store %arg16[%swap3A_531, %swap3A_532], %swap3A_535 {strides = array<i32>} : memref<80x80xf32, #tpu.memory_space<vmem>>, vector<1x16xf32>,
        %mul3A_536 = arith.mulf %exp3A_491, %select_n3A : vector<16xf32>
        %swap3A_537 = arith.index_cast %add3A_403 : i32 to index
        %swap3A_538 = arith.constant 64 : index
        %swap3A_539 = tpu.vector_load %arg16[%swap3A_537, %swap3A_538] {strides = array<i32>} : memref<80x80xf32, #tpu.memory_space<vmem>>, vector<1x16xf32>,
        %swap3A_540 = vector.shape_cast %swap3A_539 : vector<1x16xf32> to vector<16xf32>
        %swap3A_541 = vector.shape_cast %mul3A_536 : vector<16xf32> to vector<1x16xf32>
        tpu.vector_store %arg16[%swap3A_537, %swap3A_538], %swap3A_541 {strides = array<i32>} : memref<80x80xf32, #tpu.memory_space<vmem>>, vector<1x16xf32>,
        %mul3A_542 = arith.constant 2 : i32
        %mul3A_543 = arith.muli %mul3A_542, %add3A_399 : i32
        %add3A_544 = arith.constant 1 : i32
        %add3A_545 = arith.addi %mul3A_543, %add3A_544 : i32
        %get3A_546 = arith.index_cast %add3A_399 : i32 to index
        %get3A_547 = arith.constant 64 : index
        %get3A_548 = tpu.vector_load %arg12[%get3A_546, %get3A_547] {strides = array<i32>} : memref<40x128xf32, #tpu.memory_space<vmem>>, vector<1x16xf32>,
        %get3A_549 = vector.shape_cast %get3A_548 : vector<1x16xf32> to vector<16xf32>
        %get3A_550 = arith.index_cast %add3A_399 : i32 to index
        %get3A_551 = arith.constant 80 : index
        %get3A_552 = tpu.vector_load %arg12[%get3A_550, %get3A_551] {strides = array<i32>} : memref<40x128xf32, #tpu.memory_space<vmem>>, vector<1x16xf32>,
        %get3A_553 = vector.shape_cast %get3A_552 : vector<1x16xf32> to vector<16xf32>
        %get3A_554 = arith.index_cast %add3A_399 : i32 to index
        %get3A_555 = arith.constant 96 : index
        %get3A_556 = tpu.vector_load %arg12[%get3A_554, %get3A_555] {strides = array<i32>} : memref<40x128xf32, #tpu.memory_space<vmem>>, vector<1x16xf32>,
        %get3A_557 = vector.shape_cast %get3A_556 : vector<1x16xf32> to vector<16xf32>
        %get3A_558 = arith.index_cast %add3A_399 : i32 to index
        %get3A_559 = arith.constant 112 : index
        %get3A_560 = tpu.vector_load %arg12[%get3A_558, %get3A_559] {strides = array<i32>} : memref<40x128xf32, #tpu.memory_space<vmem>>, vector<1x16xf32>,
        %get3A_561 = vector.shape_cast %get3A_560 : vector<1x16xf32> to vector<16xf32>
        %get3A_562 = arith.index_cast %add3A_545 : i32 to index
        %get3A_563 = arith.constant 0 : index
        %get3A_564 = tpu.vector_load %arg10[%get3A_562, %get3A_563] {strides = array<i32>} : memref<80x64xf32, #tpu.memory_space<vmem>>, vector<1x16xf32>,
        %get3A_565 = vector.shape_cast %get3A_564 : vector<1x16xf32> to vector<16xf32>
        %get3A_566 = arith.index_cast %add3A_545 : i32 to index
        %get3A_567 = arith.constant 0 : index
        %get3A_568 = tpu.vector_load %arg11[%get3A_566, %get3A_567] {strides = array<i32>} : memref<80x128xf32, #tpu.memory_space<vmem>>, vector<1x16xf32>,
        %get3A_569 = vector.shape_cast %get3A_568 : vector<1x16xf32> to vector<16xf32>
        %add3A_570 = arith.addf %get3A_569, %get3A_549 : vector<16xf32>
        %mul3A_571 = arith.mulf %get3A_565, %add3A_570 : vector<16xf32>
        %get3A_572 = arith.index_cast %add3A_545 : i32 to index
        %get3A_573 = arith.constant 16 : index
        %get3A_574 = tpu.vector_load %arg10[%get3A_572, %get3A_573] {strides = array<i32>} : memref<80x64xf32, #tpu.memory_space<vmem>>, vector<1x16xf32>,
        %get3A_575 = vector.shape_cast %get3A_574 : vector<1x16xf32> to vector<16xf32>
        %get3A_576 = arith.index_cast %add3A_545 : i32 to index
        %get3A_577 = arith.constant 16 : index
        %get3A_578 = tpu.vector_load %arg11[%get3A_576, %get3A_577] {strides = array<i32>} : memref<80x128xf32, #tpu.memory_space<vmem>>, vector<1x16xf32>,
        %get3A_579 = vector.shape_cast %get3A_578 : vector<1x16xf32> to vector<16xf32>
        %add3A_580 = arith.addf %get3A_579, %get3A_553 : vector<16xf32>
        %mul3A_581 = arith.mulf %get3A_575, %add3A_580 : vector<16xf32>
        %add3A_582 = arith.addf %mul3A_571, %mul3A_581 : vector<16xf32>
        %get3A_583 = arith.index_cast %add3A_545 : i32 to index
        %get3A_584 = arith.constant 32 : index
        %get3A_585 = tpu.vector_load %arg10[%get3A_583, %get3A_584] {strides = array<i32>} : memref<80x64xf32, #tpu.memory_space<vmem>>, vector<1x16xf32>,
        %get3A_586 = vector.shape_cast %get3A_585 : vector<1x16xf32> to vector<16xf32>
        %get3A_587 = arith.index_cast %add3A_545 : i32 to index
        %get3A_588 = arith.constant 32 : index
        %get3A_589 = tpu.vector_load %arg11[%get3A_587, %get3A_588] {strides = array<i32>} : memref<80x128xf32, #tpu.memory_space<vmem>>, vector<1x16xf32>,
        %get3A_590 = vector.shape_cast %get3A_589 : vector<1x16xf32> to vector<16xf32>
        %add3A_591 = arith.addf %get3A_590, %get3A_557 : vector<16xf32>
        %mul3A_592 = arith.mulf %get3A_586, %add3A_591 : vector<16xf32>
        %add3A_593 = arith.addf %add3A_582, %mul3A_592 : vector<16xf32>
        %get3A_594 = arith.index_cast %add3A_545 : i32 to index
        %get3A_595 = arith.constant 48 : index
        %get3A_596 = tpu.vector_load %arg10[%get3A_594, %get3A_595] {strides = array<i32>} : memref<80x64xf32, #tpu.memory_space<vmem>>, vector<1x16xf32>,
        %get3A_597 = vector.shape_cast %get3A_596 : vector<1x16xf32> to vector<16xf32>
        %get3A_598 = arith.index_cast %add3A_545 : i32 to index
        %get3A_599 = arith.constant 48 : index
        %get3A_600 = tpu.vector_load %arg11[%get3A_598, %get3A_599] {strides = array<i32>} : memref<80x128xf32, #tpu.memory_space<vmem>>, vector<1x16xf32>,
        %get3A_601 = vector.shape_cast %get3A_600 : vector<1x16xf32> to vector<16xf32>
        %add3A_602 = arith.addf %get3A_601, %get3A_561 : vector<16xf32>
        %mul3A_603 = arith.mulf %get3A_597, %add3A_602 : vector<16xf32>
        %add3A_604 = arith.addf %add3A_593, %mul3A_603 : vector<16xf32>
        %xor3A_605 = arith.constant 8 : i32
        %xor3A_606 = vector.broadcast %xor3A_605 : i32 to vector<16xi32>
        %xor3A_607 = arith.xori %iota3A, %xor3A_606 : vector<16xi32>
        %broadcast_in_dim3A_608 = vector.shape_cast %xor3A_607 : vector<16xi32> to vector<16x1xi32>
        %gather3A_609 = vector.shape_cast %broadcast_in_dim3A_608 : vector<16x1xi32> to vector<16xi32>
        %gather3A_610 = tpu.dynamic_gather %add3A_604[%gather3A_609] in [0] : vector<16xf32>, vector<16xi32> -> vector<16xf32>
        %add3A_611 = arith.addf %add3A_604, %gather3A_610 : vector<16xf32>
        %xor3A_612 = arith.constant 4 : i32
        %xor3A_613 = vector.broadcast %xor3A_612 : i32 to vector<16xi32>
        %xor3A_614 = arith.xori %iota3A, %xor3A_613 : vector<16xi32>
        %broadcast_in_dim3A_615 = vector.shape_cast %xor3A_614 : vector<16xi32> to vector<16x1xi32>
        %gather3A_616 = vector.shape_cast %broadcast_in_dim3A_615 : vector<16x1xi32> to vector<16xi32>
        %gather3A_617 = tpu.dynamic_gather %add3A_611[%gather3A_616] in [0] : vector<16xf32>, vector<16xi32> -> vector<16xf32>
        %add3A_618 = arith.addf %add3A_611, %gather3A_617 : vector<16xf32>
        %xor3A_619 = arith.constant 2 : i32
        %xor3A_620 = vector.broadcast %xor3A_619 : i32 to vector<16xi32>
        %xor3A_621 = arith.xori %iota3A, %xor3A_620 : vector<16xi32>
        %broadcast_in_dim3A_622 = vector.shape_cast %xor3A_621 : vector<16xi32> to vector<16x1xi32>
        %gather3A_623 = vector.shape_cast %broadcast_in_dim3A_622 : vector<16x1xi32> to vector<16xi32>
        %gather3A_624 = tpu.dynamic_gather %add3A_618[%gather3A_623] in [0] : vector<16xf32>, vector<16xi32> -> vector<16xf32>
        %add3A_625 = arith.addf %add3A_618, %gather3A_624 : vector<16xf32>
        %xor3A_626 = arith.constant 1 : i32
        %xor3A_627 = vector.broadcast %xor3A_626 : i32 to vector<16xi32>
        %xor3A_628 = arith.xori %iota3A, %xor3A_627 : vector<16xi32>
        %broadcast_in_dim3A_629 = vector.shape_cast %xor3A_628 : vector<16xi32> to vector<16x1xi32>
        %gather3A_630 = vector.shape_cast %broadcast_in_dim3A_629 : vector<16x1xi32> to vector<16xi32>
        %gather3A_631 = tpu.dynamic_gather %add3A_625[%gather3A_630] in [0] : vector<16xf32>, vector<16xi32> -> vector<16xf32>
        %add3A_632 = arith.addf %add3A_625, %gather3A_631 : vector<16xf32>
        %exp3A_633 = math.exp %add3A_632 : vector<16xf32>
        %get3A_634 = arith.index_cast %add3A_545 : i32 to index
        %get3A_635 = arith.constant 64 : index
        %get3A_636 = tpu.vector_load %arg11[%get3A_634, %get3A_635] {strides = array<i32>} : memref<80x128xf32, #tpu.memory_space<vmem>>, vector<1x16xf32>,
        %get3A_637 = vector.shape_cast %get3A_636 : vector<1x16xf32> to vector<16xf32>
        %add3A_638 = arith.addf %get3A_637, %get3A_549 : vector<16xf32>
        %mul3A_639 = arith.mulf %exp3A_633, %add3A_638 : vector<16xf32>
        %swap3A_640 = arith.index_cast %add3A_545 : i32 to index
        %swap3A_641 = arith.constant 0 : index
        %swap3A_642 = tpu.vector_load %arg16[%swap3A_640, %swap3A_641] {strides = array<i32>} : memref<80x80xf32, #tpu.memory_space<vmem>>, vector<1x16xf32>,
        %swap3A_643 = vector.shape_cast %swap3A_642 : vector<1x16xf32> to vector<16xf32>
        %swap3A_644 = vector.shape_cast %mul3A_639 : vector<16xf32> to vector<1x16xf32>
        tpu.vector_store %arg16[%swap3A_640, %swap3A_641], %swap3A_644 {strides = array<i32>} : memref<80x80xf32, #tpu.memory_space<vmem>>, vector<1x16xf32>,
        %get3A_645 = arith.index_cast %add3A_545 : i32 to index
        %get3A_646 = arith.constant 80 : index
        %get3A_647 = tpu.vector_load %arg11[%get3A_645, %get3A_646] {strides = array<i32>} : memref<80x128xf32, #tpu.memory_space<vmem>>, vector<1x16xf32>,
        %get3A_648 = vector.shape_cast %get3A_647 : vector<1x16xf32> to vector<16xf32>
        %add3A_649 = arith.addf %get3A_648, %get3A_553 : vector<16xf32>
        %mul3A_650 = arith.mulf %exp3A_633, %add3A_649 : vector<16xf32>
        %swap3A_651 = arith.index_cast %add3A_545 : i32 to index
        %swap3A_652 = arith.constant 16 : index
        %swap3A_653 = tpu.vector_load %arg16[%swap3A_651, %swap3A_652] {strides = array<i32>} : memref<80x80xf32, #tpu.memory_space<vmem>>, vector<1x16xf32>,
        %swap3A_654 = vector.shape_cast %swap3A_653 : vector<1x16xf32> to vector<16xf32>
        %swap3A_655 = vector.shape_cast %mul3A_650 : vector<16xf32> to vector<1x16xf32>
        tpu.vector_store %arg16[%swap3A_651, %swap3A_652], %swap3A_655 {strides = array<i32>} : memref<80x80xf32, #tpu.memory_space<vmem>>, vector<1x16xf32>,
        %get3A_656 = arith.index_cast %add3A_545 : i32 to index
        %get3A_657 = arith.constant 96 : index
        %get3A_658 = tpu.vector_load %arg11[%get3A_656, %get3A_657] {strides = array<i32>} : memref<80x128xf32, #tpu.memory_space<vmem>>, vector<1x16xf32>,
        %get3A_659 = vector.shape_cast %get3A_658 : vector<1x16xf32> to vector<16xf32>
        %add3A_660 = arith.addf %get3A_659, %get3A_557 : vector<16xf32>
        %mul3A_661 = arith.mulf %exp3A_633, %add3A_660 : vector<16xf32>
        %swap3A_662 = arith.index_cast %add3A_545 : i32 to index
        %swap3A_663 = arith.constant 32 : index
        %swap3A_664 = tpu.vector_load %arg16[%swap3A_662, %swap3A_663] {strides = array<i32>} : memref<80x80xf32, #tpu.memory_space<vmem>>, vector<1x16xf32>,
        %swap3A_665 = vector.shape_cast %swap3A_664 : vector<1x16xf32> to vector<16xf32>
        %swap3A_666 = vector.shape_cast %mul3A_661 : vector<16xf32> to vector<1x16xf32>
        tpu.vector_store %arg16[%swap3A_662, %swap3A_663], %swap3A_666 {strides = array<i32>} : memref<80x80xf32, #tpu.memory_space<vmem>>, vector<1x16xf32>,
        %get3A_667 = arith.index_cast %add3A_545 : i32 to index
        %get3A_668 = arith.constant 112 : index
        %get3A_669 = tpu.vector_load %arg11[%get3A_667, %get3A_668] {strides = array<i32>} : memref<80x128xf32, #tpu.memory_space<vmem>>, vector<1x16xf32>,
        %get3A_670 = vector.shape_cast %get3A_669 : vector<1x16xf32> to vector<16xf32>
        %add3A_671 = arith.addf %get3A_670, %get3A_561 : vector<16xf32>
        %mul3A_672 = arith.mulf %exp3A_633, %add3A_671 : vector<16xf32>
        %swap3A_673 = arith.index_cast %add3A_545 : i32 to index
        %swap3A_674 = arith.constant 48 : index
        %swap3A_675 = tpu.vector_load %arg16[%swap3A_673, %swap3A_674] {strides = array<i32>} : memref<80x80xf32, #tpu.memory_space<vmem>>, vector<1x16xf32>,
        %swap3A_676 = vector.shape_cast %swap3A_675 : vector<1x16xf32> to vector<16xf32>
        %swap3A_677 = vector.shape_cast %mul3A_672 : vector<16xf32> to vector<1x16xf32>
        tpu.vector_store %arg16[%swap3A_673, %swap3A_674], %swap3A_677 {strides = array<i32>} : memref<80x80xf32, #tpu.memory_space<vmem>>, vector<1x16xf32>,
        %mul3A_678 = arith.mulf %exp3A_633, %select_n3A : vector<16xf32>
        %swap3A_679 = arith.index_cast %add3A_545 : i32 to index
        %swap3A_680 = arith.constant 64 : index
        %swap3A_681 = tpu.vector_load %arg16[%swap3A_679, %swap3A_680] {strides = array<i32>} : memref<80x80xf32, #tpu.memory_space<vmem>>, vector<1x16xf32>,
        %swap3A_682 = vector.shape_cast %swap3A_681 : vector<1x16xf32> to vector<16xf32>
        %swap3A_683 = vector.shape_cast %mul3A_678 : vector<16xf32> to vector<1x16xf32>
        tpu.vector_store %arg16[%swap3A_679, %swap3A_680], %swap3A_683 {strides = array<i32>} : memref<80x80xf32, #tpu.memory_space<vmem>>, vector<1x16xf32>,
      }
      %scan3A_98 = arith.constant 40 : i32
      %dma_start3A_99 = arith.constant 0 : i32
      %dma_start3A_100 = tpu.memref_slice %arg9[%mul3A_65, %dma_start3A_99] : memref<125x80xi32, #tpu.memory_space<vmem>> -> memref<1x80xi32, #tpu.memory_space<vmem>>
      %dma_start3A_101 = tpu.memref_squeeze %dma_start3A_100 : memref<1x80xi32, #tpu.memory_space<vmem>> -> memref<80xi32, #tpu.memory_space<vmem>>
      %dma_start3A_102 = arith.constant 0 : i32
      %dma_start3A_103 = arith.constant 0 : i32
      %dma_start3A_104 = tpu.memref_slice %arg19[%dma_start3A_102, %dma_start3A_103] : memref<10000x80xf32, #tpu.memory_space<vmem_shared>> -> memref<10000x80xf32, #tpu.memory_space<vmem_shared>>
      tpu.enqueue_indirect_dma source(%arg16 : memref<80x80xf32, #tpu.memory_space<vmem>>) target(%dma_start3A_104 : memref<10000x80xf32, #tpu.memory_space<vmem_shared>>) offsets(%dma_start3A_101 : memref<80xi32, #tpu.memory_space<vmem>>) semaphore(%arg26 : memref<!tpu.dma_semaphore, #tpu.memory_space<semaphore_mem>>) {add = true}
      %lt3A_105 = arith.constant 125 : i32
      %lt3A_106 = arith.cmpi slt, %add3A_67, %lt3A_105 : i32
      %convert_element_type3A_107 = arith.extui %lt3A_106 : i1 to i32
      %cond3A_108 = arith.constant 0 : i32
      %cond3A_109 = arith.cmpi ne, %convert_element_type3A_107, %cond3A_108 : i32
      scf.if %cond3A_109 {
        %add3A_110 = arith.constant 1 : i32
        %add3A_111 = arith.addi %add3A_67, %add3A_110 : i32
        %lt3A_112 = arith.constant 125 : i32
        %lt3A_113 = arith.cmpi slt, %add3A_111, %lt3A_112 : i32
        %convert_element_type3A_114 = arith.extui %lt3A_113 : i1 to i32
        %cond3A_115 = arith.constant 0 : i32
        %cond3A_116 = arith.cmpi ne, %convert_element_type3A_114, %cond3A_115 : i32
        scf.if %cond3A_116 {
          %add3A_153 = arith.constant 1 : i32
          %add3A_154 = arith.addi %add3A_67, %add3A_153 : i32
          %dma_start3A_155 = arith.constant 0 : i32
          %dma_start3A_156 = tpu.memref_slice %arg9[%add3A_154, %dma_start3A_155] : memref<125x80xi32, #tpu.memory_space<vmem>> -> memref<1x80xi32, #tpu.memory_space<vmem>>
          %dma_start3A_157 = tpu.memref_squeeze %dma_start3A_156 : memref<1x80xi32, #tpu.memory_space<vmem>> -> memref<80xi32, #tpu.memory_space<vmem>>
          %dma_start3A_158 = arith.constant 0 : i32
          %dma_start3A_159 = arith.constant 0 : i32
          %dma_start3A_160 = tpu.memref_slice %arg2[%dma_start3A_158, %dma_start3A_159] : memref<10000x64xf32, #tpu.memory_space<hbm>> -> memref<10000x64xf32, #tpu.memory_space<hbm>>
          tpu.enqueue_indirect_dma source(%dma_start3A_160 : memref<10000x64xf32, #tpu.memory_space<hbm>>) target(%arg10 : memref<80x64xf32, #tpu.memory_space<vmem>>) offsets(%dma_start3A_157 : memref<80xi32, #tpu.memory_space<vmem>>) semaphore(%arg20 : memref<!tpu.dma_semaphore, #tpu.memory_space<semaphore_mem>>)
          %dma_start3A_161 = arith.constant 0 : i32
          %dma_start3A_162 = tpu.memref_slice %arg8[%add3A_154, %dma_start3A_161] : memref<125x80xi32, #tpu.memory_space<vmem>> -> memref<1x80xi32, #tpu.memory_space<vmem>>
          %dma_start3A_163 = tpu.memref_squeeze %dma_start3A_162 : memref<1x80xi32, #tpu.memory_space<vmem>> -> memref<80xi32, #tpu.memory_space<vmem>>
          %dma_start3A_164 = arith.constant 0 : i32
          %dma_start3A_165 = arith.constant 0 : i32
          %dma_start3A_166 = tpu.memref_slice %arg3[%dma_start3A_164, %dma_start3A_165] : memref<10000x128xf32, #tpu.memory_space<hbm>> -> memref<10000x128xf32, #tpu.memory_space<hbm>>
          tpu.enqueue_indirect_dma source(%dma_start3A_166 : memref<10000x128xf32, #tpu.memory_space<hbm>>) target(%arg11 : memref<80x128xf32, #tpu.memory_space<vmem>>) offsets(%dma_start3A_163 : memref<80xi32, #tpu.memory_space<vmem>>) semaphore(%arg21 : memref<!tpu.dma_semaphore, #tpu.memory_space<semaphore_mem>>)
          %mul3A_167 = arith.constant 40 : i32
          %mul3A_168 = arith.muli %add3A_154, %mul3A_167 : i32
          %add3A_169 = arith.addi %mul3A_15, %mul3A_168 : i32
          %dma_start3A_170 = arith.constant 0 : i32
          %dma_start3A_171 = tpu.memref_slice %arg4[%add3A_169, %dma_start3A_170] : memref<160000x128xf32, #tpu.memory_space<hbm>> -> memref<40x128xf32, #tpu.memory_space<hbm>>
          %dma_start3A_172 = arith.constant 0 : i32
          %dma_start3A_173 = tpu.memref_slice %arg4[%add3A_169, %dma_start3A_172] : memref<160000x128xf32, #tpu.memory_space<hbm>> -> memref<40x128xf32, #tpu.memory_space<hbm>>
          tpu.enqueue_dma source(%dma_start3A_173 : memref<40x128xf32, #tpu.memory_space<hbm>>) target(%arg12 : memref<40x128xf32, #tpu.memory_space<vmem>>) target_semaphore(%arg22 : memref<!tpu.dma_semaphore, #tpu.memory_space<semaphore_mem>>)
        } else {
        }
        %dma_wait3A_117 = arith.constant 0 : i32
        %dma_wait3A_118 = arith.constant 0 : i32
        %dma_wait3A_119 = tpu.memref_slice %arg9[%dma_wait3A_117, %dma_wait3A_118] : memref<125x80xi32, #tpu.memory_space<vmem>> -> memref<1x80xi32, #tpu.memory_space<vmem>>
        %dma_wait3A_120 = tpu.memref_squeeze %dma_wait3A_119 : memref<1x80xi32, #tpu.memory_space<vmem>> -> memref<80xi32, #tpu.memory_space<vmem>>
        %dma_wait3A_121 = arith.constant 0 : i32
        %dma_wait3A_122 = arith.constant 0 : i32
        %dma_wait3A_123 = tpu.memref_slice %arg2[%dma_wait3A_121, %dma_wait3A_122] : memref<10000x64xf32, #tpu.memory_space<hbm>> -> memref<10000x64xf32, #tpu.memory_space<hbm>>
        tpu.wait_indirect_dma semaphore(%arg23 : memref<!tpu.dma_semaphore, #tpu.memory_space<semaphore_mem>>) src(%dma_wait3A_123 : memref<10000x64xf32, #tpu.memory_space<hbm>>) dst(%arg13 : memref<80x64xf32, #tpu.memory_space<vmem>>)
        %dma_wait3A_124 = arith.constant 0 : i32
        %dma_wait3A_125 = arith.constant 0 : i32
        %dma_wait3A_126 = tpu.memref_slice %arg8[%dma_wait3A_124, %dma_wait3A_125] : memref<125x80xi32, #tpu.memory_space<vmem>> -> memref<1x80xi32, #tpu.memory_space<vmem>>
        %dma_wait3A_127 = tpu.memref_squeeze %dma_wait3A_126 : memref<1x80xi32, #tpu.memory_space<vmem>> -> memref<80xi32, #tpu.memory_space<vmem>>
        %dma_wait3A_128 = arith.constant 0 : i32
        %dma_wait3A_129 = arith.constant 0 : i32
        %dma_wait3A_130 = tpu.memref_slice %arg3[%dma_wait3A_128, %dma_wait3A_129] : memref<10000x128xf32, #tpu.memory_space<hbm>> -> memref<10000x128xf32, #tpu.memory_space<hbm>>
        tpu.wait_indirect_dma semaphore(%arg24 : memref<!tpu.dma_semaphore, #tpu.memory_space<semaphore_mem>>) src(%dma_wait3A_130 : memref<10000x128xf32, #tpu.memory_space<hbm>>) dst(%arg14 : memref<80x128xf32, #tpu.memory_space<vmem>>)
        %dma_wait3A_131 = arith.constant 0 : i32
        %dma_wait3A_132 = arith.constant 0 : i32
        %dma_wait3A_133 = tpu.memref_slice %arg4[%dma_wait3A_131, %dma_wait3A_132] : memref<160000x128xf32, #tpu.memory_space<hbm>> -> memref<40x128xf32, #tpu.memory_space<hbm>>
        %dma_wait3A_134 = arith.constant 0 : i32
        %dma_wait3A_135 = arith.constant 0 : i32
        %dma_wait3A_136 = tpu.memref_slice %arg4[%dma_wait3A_134, %dma_wait3A_135] : memref<160000x128xf32, #tpu.memory_space<hbm>> -> memref<40x128xf32, #tpu.memory_space<hbm>>
        tpu.wait_dma2 semaphore(%arg25 : memref<!tpu.dma_semaphore, #tpu.memory_space<semaphore_mem>>) src(%dma_wait3A_136 : memref<40x128xf32, #tpu.memory_space<hbm>>) dst(%arg15 : memref<40x128xf32, #tpu.memory_space<vmem>>)
        %ge3A_137 = arith.constant 2 : i32
        %ge3A_138 = arith.cmpi sge, %add3A_67, %ge3A_137 : i32
        %convert_element_type3A_139 = arith.extui %ge3A_138 : i1 to i32
        %cond3A_140 = arith.constant 0 : i32
        %cond3A_141 = arith.cmpi ne, %convert_element_type3A_139, %cond3A_140 : i32
        scf.if %cond3A_141 {
          %dma_wait3A_153 = arith.constant 0 : i32
          %dma_wait3A_154 = arith.constant 0 : i32
          %dma_wait3A_155 = tpu.memref_slice %arg9[%dma_wait3A_153, %dma_wait3A_154] : memref<125x80xi32, #tpu.memory_space<vmem>> -> memref<1x80xi32, #tpu.memory_space<vmem>>
          %dma_wait3A_156 = tpu.memref_squeeze %dma_wait3A_155 : memref<1x80xi32, #tpu.memory_space<vmem>> -> memref<80xi32, #tpu.memory_space<vmem>>
          %dma_wait3A_157 = arith.constant 0 : i32
          %dma_wait3A_158 = arith.constant 0 : i32
          %dma_wait3A_159 = tpu.memref_slice %arg19[%dma_wait3A_157, %dma_wait3A_158] : memref<10000x80xf32, #tpu.memory_space<vmem_shared>> -> memref<10000x80xf32, #tpu.memory_space<vmem_shared>>
          tpu.wait_indirect_dma semaphore(%arg27 : memref<!tpu.dma_semaphore, #tpu.memory_space<semaphore_mem>>) src(%arg17 : memref<80x80xf32, #tpu.memory_space<vmem>>) dst(%dma_wait3A_159 : memref<10000x80xf32, #tpu.memory_space<vmem_shared>>)
        } else {
        }
        %scan3A_142 = arith.constant 0 : i32
        %scan3A_143 = arith.constant 40 : i32
        %scan3A_144 = arith.addi %scan3A_142, %scan3A_143 : i32
        %scan3A_145 = arith.constant 2 : i32
        scf.for %scan3A_153 = %scan3A_142 to %scan3A_144 step %scan3A_145  : i32 {
          %mul3A_154 = arith.constant 1 : i32
          %mul3A_155 = arith.muli %scan3A_153, %mul3A_154 : i32
          %add3A_156 = arith.constant 0 : i32
          %add3A_157 = arith.addi %add3A_156, %mul3A_155 : i32
          %mul3A_158 = arith.constant 2 : i32
          %mul3A_159 = arith.muli %mul3A_158, %add3A_157 : i32
          %add3A_160 = arith.constant 0 : i32
          %add3A_161 = arith.addi %mul3A_159, %add3A_160 : i32
          %get3A = arith.index_cast %add3A_157 : i32 to index
          %get3A_162 = arith.constant 0 : index
          %get3A_163 = tpu.vector_load %arg15[%get3A, %get3A_162] {strides = array<i32>} : memref<40x128xf32, #tpu.memory_space<vmem>>, vector<1x16xf32>,
          %get3A_164 = vector.shape_cast %get3A_163 : vector<1x16xf32> to vector<16xf32>
          %get3A_165 = arith.index_cast %add3A_157 : i32 to index
          %get3A_166 = arith.constant 16 : index
          %get3A_167 = tpu.vector_load %arg15[%get3A_165, %get3A_166] {strides = array<i32>} : memref<40x128xf32, #tpu.memory_space<vmem>>, vector<1x16xf32>,
          %get3A_168 = vector.shape_cast %get3A_167 : vector<1x16xf32> to vector<16xf32>
          %get3A_169 = arith.index_cast %add3A_157 : i32 to index
          %get3A_170 = arith.constant 32 : index
          %get3A_171 = tpu.vector_load %arg15[%get3A_169, %get3A_170] {strides = array<i32>} : memref<40x128xf32, #tpu.memory_space<vmem>>, vector<1x16xf32>,
          %get3A_172 = vector.shape_cast %get3A_171 : vector<1x16xf32> to vector<16xf32>
          %get3A_173 = arith.index_cast %add3A_157 : i32 to index
          %get3A_174 = arith.constant 48 : index
          %get3A_175 = tpu.vector_load %arg15[%get3A_173, %get3A_174] {strides = array<i32>} : memref<40x128xf32, #tpu.memory_space<vmem>>, vector<1x16xf32>,
          %get3A_176 = vector.shape_cast %get3A_175 : vector<1x16xf32> to vector<16xf32>
          %get3A_177 = arith.index_cast %add3A_161 : i32 to index
          %get3A_178 = arith.constant 0 : index
          %get3A_179 = tpu.vector_load %arg13[%get3A_177, %get3A_178] {strides = array<i32>} : memref<80x64xf32, #tpu.memory_space<vmem>>, vector<1x16xf32>,
          %get3A_180 = vector.shape_cast %get3A_179 : vector<1x16xf32> to vector<16xf32>
          %get3A_181 = arith.index_cast %add3A_161 : i32 to index
          %get3A_182 = arith.constant 0 : index
          %get3A_183 = tpu.vector_load %arg14[%get3A_181, %get3A_182] {strides = array<i32>} : memref<80x128xf32, #tpu.memory_space<vmem>>, vector<1x16xf32>,
          %get3A_184 = vector.shape_cast %get3A_183 : vector<1x16xf32> to vector<16xf32>
          %add3A_185 = arith.addf %get3A_184, %get3A_164 : vector<16xf32>
          %mul3A_186 = arith.mulf %get3A_180, %add3A_185 : vector<16xf32>
          %get3A_187 = arith.index_cast %add3A_161 : i32 to index
          %get3A_188 = arith.constant 16 : index
          %get3A_189 = tpu.vector_load %arg13[%get3A_187, %get3A_188] {strides = array<i32>} : memref<80x64xf32, #tpu.memory_space<vmem>>, vector<1x16xf32>,
          %get3A_190 = vector.shape_cast %get3A_189 : vector<1x16xf32> to vector<16xf32>
          %get3A_191 = arith.index_cast %add3A_161 : i32 to index
          %get3A_192 = arith.constant 16 : index
          %get3A_193 = tpu.vector_load %arg14[%get3A_191, %get3A_192] {strides = array<i32>} : memref<80x128xf32, #tpu.memory_space<vmem>>, vector<1x16xf32>,
          %get3A_194 = vector.shape_cast %get3A_193 : vector<1x16xf32> to vector<16xf32>
          %add3A_195 = arith.addf %get3A_194, %get3A_168 : vector<16xf32>
          %mul3A_196 = arith.mulf %get3A_190, %add3A_195 : vector<16xf32>
          %add3A_197 = arith.addf %mul3A_186, %mul3A_196 : vector<16xf32>
          %get3A_198 = arith.index_cast %add3A_161 : i32 to index
          %get3A_199 = arith.constant 32 : index
          %get3A_200 = tpu.vector_load %arg13[%get3A_198, %get3A_199] {strides = array<i32>} : memref<80x64xf32, #tpu.memory_space<vmem>>, vector<1x16xf32>,
          %get3A_201 = vector.shape_cast %get3A_200 : vector<1x16xf32> to vector<16xf32>
          %get3A_202 = arith.index_cast %add3A_161 : i32 to index
          %get3A_203 = arith.constant 32 : index
          %get3A_204 = tpu.vector_load %arg14[%get3A_202, %get3A_203] {strides = array<i32>} : memref<80x128xf32, #tpu.memory_space<vmem>>, vector<1x16xf32>,
          %get3A_205 = vector.shape_cast %get3A_204 : vector<1x16xf32> to vector<16xf32>
          %add3A_206 = arith.addf %get3A_205, %get3A_172 : vector<16xf32>
          %mul3A_207 = arith.mulf %get3A_201, %add3A_206 : vector<16xf32>
          %add3A_208 = arith.addf %add3A_197, %mul3A_207 : vector<16xf32>
          %get3A_209 = arith.index_cast %add3A_161 : i32 to index
          %get3A_210 = arith.constant 48 : index
          %get3A_211 = tpu.vector_load %arg13[%get3A_209, %get3A_210] {strides = array<i32>} : memref<80x64xf32, #tpu.memory_space<vmem>>, vector<1x16xf32>,
          %get3A_212 = vector.shape_cast %get3A_211 : vector<1x16xf32> to vector<16xf32>
          %get3A_213 = arith.index_cast %add3A_161 : i32 to index
          %get3A_214 = arith.constant 48 : index
          %get3A_215 = tpu.vector_load %arg14[%get3A_213, %get3A_214] {strides = array<i32>} : memref<80x128xf32, #tpu.memory_space<vmem>>, vector<1x16xf32>,
          %get3A_216 = vector.shape_cast %get3A_215 : vector<1x16xf32> to vector<16xf32>
          %add3A_217 = arith.addf %get3A_216, %get3A_176 : vector<16xf32>
          %mul3A_218 = arith.mulf %get3A_212, %add3A_217 : vector<16xf32>
          %add3A_219 = arith.addf %add3A_208, %mul3A_218 : vector<16xf32>
          %xor3A = arith.constant 8 : i32
          %xor3A_220 = vector.broadcast %xor3A : i32 to vector<16xi32>
          %xor3A_221 = arith.xori %iota3A, %xor3A_220 : vector<16xi32>
          %broadcast_in_dim3A_222 = vector.shape_cast %xor3A_221 : vector<16xi32> to vector<16x1xi32>
          %gather3A = vector.shape_cast %broadcast_in_dim3A_222 : vector<16x1xi32> to vector<16xi32>
          %gather3A_223 = tpu.dynamic_gather %add3A_219[%gather3A] in [0] : vector<16xf32>, vector<16xi32> -> vector<16xf32>
          %add3A_224 = arith.addf %add3A_219, %gather3A_223 : vector<16xf32>
          %xor3A_225 = arith.constant 4 : i32
          %xor3A_226 = vector.broadcast %xor3A_225 : i32 to vector<16xi32>
          %xor3A_227 = arith.xori %iota3A, %xor3A_226 : vector<16xi32>
          %broadcast_in_dim3A_228 = vector.shape_cast %xor3A_227 : vector<16xi32> to vector<16x1xi32>
          %gather3A_229 = vector.shape_cast %broadcast_in_dim3A_228 : vector<16x1xi32> to vector<16xi32>
          %gather3A_230 = tpu.dynamic_gather %add3A_224[%gather3A_229] in [0] : vector<16xf32>, vector<16xi32> -> vector<16xf32>
          %add3A_231 = arith.addf %add3A_224, %gather3A_230 : vector<16xf32>
          %xor3A_232 = arith.constant 2 : i32
          %xor3A_233 = vector.broadcast %xor3A_232 : i32 to vector<16xi32>
          %xor3A_234 = arith.xori %iota3A, %xor3A_233 : vector<16xi32>
          %broadcast_in_dim3A_235 = vector.shape_cast %xor3A_234 : vector<16xi32> to vector<16x1xi32>
          %gather3A_236 = vector.shape_cast %broadcast_in_dim3A_235 : vector<16x1xi32> to vector<16xi32>
          %gather3A_237 = tpu.dynamic_gather %add3A_231[%gather3A_236] in [0] : vector<16xf32>, vector<16xi32> -> vector<16xf32>
          %add3A_238 = arith.addf %add3A_231, %gather3A_237 : vector<16xf32>
          %xor3A_239 = arith.constant 1 : i32
          %xor3A_240 = vector.broadcast %xor3A_239 : i32 to vector<16xi32>
          %xor3A_241 = arith.xori %iota3A, %xor3A_240 : vector<16xi32>
          %broadcast_in_dim3A_242 = vector.shape_cast %xor3A_241 : vector<16xi32> to vector<16x1xi32>
          %gather3A_243 = vector.shape_cast %broadcast_in_dim3A_242 : vector<16x1xi32> to vector<16xi32>
          %gather3A_244 = tpu.dynamic_gather %add3A_238[%gather3A_243] in [0] : vector<16xf32>, vector<16xi32> -> vector<16xf32>
          %add3A_245 = arith.addf %add3A_238, %gather3A_244 : vector<16xf32>
          %exp3A = math.exp %add3A_245 : vector<16xf32>
          %get3A_246 = arith.index_cast %add3A_161 : i32 to index
          %get3A_247 = arith.constant 64 : index
          %get3A_248 = tpu.vector_load %arg14[%get3A_246, %get3A_247] {strides = array<i32>} : memref<80x128xf32, #tpu.memory_space<vmem>>, vector<1x16xf32>,
          %get3A_249 = vector.shape_cast %get3A_248 : vector<1x16xf32> to vector<16xf32>
          %add3A_250 = arith.addf %get3A_249, %get3A_164 : vector<16xf32>
          %mul3A_251 = arith.mulf %exp3A, %add3A_250 : vector<16xf32>
          %swap3A = arith.index_cast %add3A_161 : i32 to index
          %swap3A_252 = arith.constant 0 : index
          %swap3A_253 = tpu.vector_load %arg17[%swap3A, %swap3A_252] {strides = array<i32>} : memref<80x80xf32, #tpu.memory_space<vmem>>, vector<1x16xf32>,
          %swap3A_254 = vector.shape_cast %swap3A_253 : vector<1x16xf32> to vector<16xf32>
          %swap3A_255 = vector.shape_cast %mul3A_251 : vector<16xf32> to vector<1x16xf32>
          tpu.vector_store %arg17[%swap3A, %swap3A_252], %swap3A_255 {strides = array<i32>} : memref<80x80xf32, #tpu.memory_space<vmem>>, vector<1x16xf32>,
          %get3A_256 = arith.index_cast %add3A_161 : i32 to index
          %get3A_257 = arith.constant 80 : index
          %get3A_258 = tpu.vector_load %arg14[%get3A_256, %get3A_257] {strides = array<i32>} : memref<80x128xf32, #tpu.memory_space<vmem>>, vector<1x16xf32>,
          %get3A_259 = vector.shape_cast %get3A_258 : vector<1x16xf32> to vector<16xf32>
          %add3A_260 = arith.addf %get3A_259, %get3A_168 : vector<16xf32>
          %mul3A_261 = arith.mulf %exp3A, %add3A_260 : vector<16xf32>
          %swap3A_262 = arith.index_cast %add3A_161 : i32 to index
          %swap3A_263 = arith.constant 16 : index
          %swap3A_264 = tpu.vector_load %arg17[%swap3A_262, %swap3A_263] {strides = array<i32>} : memref<80x80xf32, #tpu.memory_space<vmem>>, vector<1x16xf32>,
          %swap3A_265 = vector.shape_cast %swap3A_264 : vector<1x16xf32> to vector<16xf32>
          %swap3A_266 = vector.shape_cast %mul3A_261 : vector<16xf32> to vector<1x16xf32>
          tpu.vector_store %arg17[%swap3A_262, %swap3A_263], %swap3A_266 {strides = array<i32>} : memref<80x80xf32, #tpu.memory_space<vmem>>, vector<1x16xf32>,
          %get3A_267 = arith.index_cast %add3A_161 : i32 to index
          %get3A_268 = arith.constant 96 : index
          %get3A_269 = tpu.vector_load %arg14[%get3A_267, %get3A_268] {strides = array<i32>} : memref<80x128xf32, #tpu.memory_space<vmem>>, vector<1x16xf32>,
          %get3A_270 = vector.shape_cast %get3A_269 : vector<1x16xf32> to vector<16xf32>
          %add3A_271 = arith.addf %get3A_270, %get3A_172 : vector<16xf32>
          %mul3A_272 = arith.mulf %exp3A, %add3A_271 : vector<16xf32>
          %swap3A_273 = arith.index_cast %add3A_161 : i32 to index
          %swap3A_274 = arith.constant 32 : index
          %swap3A_275 = tpu.vector_load %arg17[%swap3A_273, %swap3A_274] {strides = array<i32>} : memref<80x80xf32, #tpu.memory_space<vmem>>, vector<1x16xf32>,
          %swap3A_276 = vector.shape_cast %swap3A_275 : vector<1x16xf32> to vector<16xf32>
          %swap3A_277 = vector.shape_cast %mul3A_272 : vector<16xf32> to vector<1x16xf32>
          tpu.vector_store %arg17[%swap3A_273, %swap3A_274], %swap3A_277 {strides = array<i32>} : memref<80x80xf32, #tpu.memory_space<vmem>>, vector<1x16xf32>,
          %get3A_278 = arith.index_cast %add3A_161 : i32 to index
          %get3A_279 = arith.constant 112 : index
          %get3A_280 = tpu.vector_load %arg14[%get3A_278, %get3A_279] {strides = array<i32>} : memref<80x128xf32, #tpu.memory_space<vmem>>, vector<1x16xf32>,
          %get3A_281 = vector.shape_cast %get3A_280 : vector<1x16xf32> to vector<16xf32>
          %add3A_282 = arith.addf %get3A_281, %get3A_176 : vector<16xf32>
          %mul3A_283 = arith.mulf %exp3A, %add3A_282 : vector<16xf32>
          %swap3A_284 = arith.index_cast %add3A_161 : i32 to index
          %swap3A_285 = arith.constant 48 : index
          %swap3A_286 = tpu.vector_load %arg17[%swap3A_284, %swap3A_285] {strides = array<i32>} : memref<80x80xf32, #tpu.memory_space<vmem>>, vector<1x16xf32>,
          %swap3A_287 = vector.shape_cast %swap3A_286 : vector<1x16xf32> to vector<16xf32>
          %swap3A_288 = vector.shape_cast %mul3A_283 : vector<16xf32> to vector<1x16xf32>
          tpu.vector_store %arg17[%swap3A_284, %swap3A_285], %swap3A_288 {strides = array<i32>} : memref<80x80xf32, #tpu.memory_space<vmem>>, vector<1x16xf32>,
          %mul3A_289 = arith.mulf %exp3A, %select_n3A : vector<16xf32>
          %swap3A_290 = arith.index_cast %add3A_161 : i32 to index
          %swap3A_291 = arith.constant 64 : index
          %swap3A_292 = tpu.vector_load %arg17[%swap3A_290, %swap3A_291] {strides = array<i32>} : memref<80x80xf32, #tpu.memory_space<vmem>>, vector<1x16xf32>,
          %swap3A_293 = vector.shape_cast %swap3A_292 : vector<1x16xf32> to vector<16xf32>
          %swap3A_294 = vector.shape_cast %mul3A_289 : vector<16xf32> to vector<1x16xf32>
          tpu.vector_store %arg17[%swap3A_290, %swap3A_291], %swap3A_294 {strides = array<i32>} : memref<80x80xf32, #tpu.memory_space<vmem>>, vector<1x16xf32>,
          %mul3A_295 = arith.constant 2 : i32
          %mul3A_296 = arith.muli %mul3A_295, %add3A_157 : i32
          %add3A_297 = arith.constant 1 : i32
          %add3A_298 = arith.addi %mul3A_296, %add3A_297 : i32
          %get3A_299 = arith.index_cast %add3A_157 : i32 to index
          %get3A_300 = arith.constant 64 : index
          %get3A_301 = tpu.vector_load %arg15[%get3A_299, %get3A_300] {strides = array<i32>} : memref<40x128xf32, #tpu.memory_space<vmem>>, vector<1x16xf32>,
          %get3A_302 = vector.shape_cast %get3A_301 : vector<1x16xf32> to vector<16xf32>
          %get3A_303 = arith.index_cast %add3A_157 : i32 to index
          %get3A_304 = arith.constant 80 : index
          %get3A_305 = tpu.vector_load %arg15[%get3A_303, %get3A_304] {strides = array<i32>} : memref<40x128xf32, #tpu.memory_space<vmem>>, vector<1x16xf32>,
          %get3A_306 = vector.shape_cast %get3A_305 : vector<1x16xf32> to vector<16xf32>
          %get3A_307 = arith.index_cast %add3A_157 : i32 to index
          %get3A_308 = arith.constant 96 : index
          %get3A_309 = tpu.vector_load %arg15[%get3A_307, %get3A_308] {strides = array<i32>} : memref<40x128xf32, #tpu.memory_space<vmem>>, vector<1x16xf32>,
          %get3A_310 = vector.shape_cast %get3A_309 : vector<1x16xf32> to vector<16xf32>
          %get3A_311 = arith.index_cast %add3A_157 : i32 to index
          %get3A_312 = arith.constant 112 : index
          %get3A_313 = tpu.vector_load %arg15[%get3A_311, %get3A_312] {strides = array<i32>} : memref<40x128xf32, #tpu.memory_space<vmem>>, vector<1x16xf32>,
          %get3A_314 = vector.shape_cast %get3A_313 : vector<1x16xf32> to vector<16xf32>
          %get3A_315 = arith.index_cast %add3A_298 : i32 to index
          %get3A_316 = arith.constant 0 : index
          %get3A_317 = tpu.vector_load %arg13[%get3A_315, %get3A_316] {strides = array<i32>} : memref<80x64xf32, #tpu.memory_space<vmem>>, vector<1x16xf32>,
          %get3A_318 = vector.shape_cast %get3A_317 : vector<1x16xf32> to vector<16xf32>
          %get3A_319 = arith.index_cast %add3A_298 : i32 to index
          %get3A_320 = arith.constant 0 : index
          %get3A_321 = tpu.vector_load %arg14[%get3A_319, %get3A_320] {strides = array<i32>} : memref<80x128xf32, #tpu.memory_space<vmem>>, vector<1x16xf32>,
          %get3A_322 = vector.shape_cast %get3A_321 : vector<1x16xf32> to vector<16xf32>
          %add3A_323 = arith.addf %get3A_322, %get3A_302 : vector<16xf32>
          %mul3A_324 = arith.mulf %get3A_318, %add3A_323 : vector<16xf32>
          %get3A_325 = arith.index_cast %add3A_298 : i32 to index
          %get3A_326 = arith.constant 16 : index
          %get3A_327 = tpu.vector_load %arg13[%get3A_325, %get3A_326] {strides = array<i32>} : memref<80x64xf32, #tpu.memory_space<vmem>>, vector<1x16xf32>,
          %get3A_328 = vector.shape_cast %get3A_327 : vector<1x16xf32> to vector<16xf32>
          %get3A_329 = arith.index_cast %add3A_298 : i32 to index
          %get3A_330 = arith.constant 16 : index
          %get3A_331 = tpu.vector_load %arg14[%get3A_329, %get3A_330] {strides = array<i32>} : memref<80x128xf32, #tpu.memory_space<vmem>>, vector<1x16xf32>,
          %get3A_332 = vector.shape_cast %get3A_331 : vector<1x16xf32> to vector<16xf32>
          %add3A_333 = arith.addf %get3A_332, %get3A_306 : vector<16xf32>
          %mul3A_334 = arith.mulf %get3A_328, %add3A_333 : vector<16xf32>
          %add3A_335 = arith.addf %mul3A_324, %mul3A_334 : vector<16xf32>
          %get3A_336 = arith.index_cast %add3A_298 : i32 to index
          %get3A_337 = arith.constant 32 : index
          %get3A_338 = tpu.vector_load %arg13[%get3A_336, %get3A_337] {strides = array<i32>} : memref<80x64xf32, #tpu.memory_space<vmem>>, vector<1x16xf32>,
          %get3A_339 = vector.shape_cast %get3A_338 : vector<1x16xf32> to vector<16xf32>
          %get3A_340 = arith.index_cast %add3A_298 : i32 to index
          %get3A_341 = arith.constant 32 : index
          %get3A_342 = tpu.vector_load %arg14[%get3A_340, %get3A_341] {strides = array<i32>} : memref<80x128xf32, #tpu.memory_space<vmem>>, vector<1x16xf32>,
          %get3A_343 = vector.shape_cast %get3A_342 : vector<1x16xf32> to vector<16xf32>
          %add3A_344 = arith.addf %get3A_343, %get3A_310 : vector<16xf32>
          %mul3A_345 = arith.mulf %get3A_339, %add3A_344 : vector<16xf32>
          %add3A_346 = arith.addf %add3A_335, %mul3A_345 : vector<16xf32>
          %get3A_347 = arith.index_cast %add3A_298 : i32 to index
          %get3A_348 = arith.constant 48 : index
          %get3A_349 = tpu.vector_load %arg13[%get3A_347, %get3A_348] {strides = array<i32>} : memref<80x64xf32, #tpu.memory_space<vmem>>, vector<1x16xf32>,
          %get3A_350 = vector.shape_cast %get3A_349 : vector<1x16xf32> to vector<16xf32>
          %get3A_351 = arith.index_cast %add3A_298 : i32 to index
          %get3A_352 = arith.constant 48 : index
          %get3A_353 = tpu.vector_load %arg14[%get3A_351, %get3A_352] {strides = array<i32>} : memref<80x128xf32, #tpu.memory_space<vmem>>, vector<1x16xf32>,
          %get3A_354 = vector.shape_cast %get3A_353 : vector<1x16xf32> to vector<16xf32>
          %add3A_355 = arith.addf %get3A_354, %get3A_314 : vector<16xf32>
          %mul3A_356 = arith.mulf %get3A_350, %add3A_355 : vector<16xf32>
          %add3A_357 = arith.addf %add3A_346, %mul3A_356 : vector<16xf32>
          %xor3A_358 = arith.constant 8 : i32
          %xor3A_359 = vector.broadcast %xor3A_358 : i32 to vector<16xi32>
          %xor3A_360 = arith.xori %iota3A, %xor3A_359 : vector<16xi32>
          %broadcast_in_dim3A_361 = vector.shape_cast %xor3A_360 : vector<16xi32> to vector<16x1xi32>
          %gather3A_362 = vector.shape_cast %broadcast_in_dim3A_361 : vector<16x1xi32> to vector<16xi32>
          %gather3A_363 = tpu.dynamic_gather %add3A_357[%gather3A_362] in [0] : vector<16xf32>, vector<16xi32> -> vector<16xf32>
          %add3A_364 = arith.addf %add3A_357, %gather3A_363 : vector<16xf32>
          %xor3A_365 = arith.constant 4 : i32
          %xor3A_366 = vector.broadcast %xor3A_365 : i32 to vector<16xi32>
          %xor3A_367 = arith.xori %iota3A, %xor3A_366 : vector<16xi32>
          %broadcast_in_dim3A_368 = vector.shape_cast %xor3A_367 : vector<16xi32> to vector<16x1xi32>
          %gather3A_369 = vector.shape_cast %broadcast_in_dim3A_368 : vector<16x1xi32> to vector<16xi32>
          %gather3A_370 = tpu.dynamic_gather %add3A_364[%gather3A_369] in [0] : vector<16xf32>, vector<16xi32> -> vector<16xf32>
          %add3A_371 = arith.addf %add3A_364, %gather3A_370 : vector<16xf32>
          %xor3A_372 = arith.constant 2 : i32
          %xor3A_373 = vector.broadcast %xor3A_372 : i32 to vector<16xi32>
          %xor3A_374 = arith.xori %iota3A, %xor3A_373 : vector<16xi32>
          %broadcast_in_dim3A_375 = vector.shape_cast %xor3A_374 : vector<16xi32> to vector<16x1xi32>
          %gather3A_376 = vector.shape_cast %broadcast_in_dim3A_375 : vector<16x1xi32> to vector<16xi32>
          %gather3A_377 = tpu.dynamic_gather %add3A_371[%gather3A_376] in [0] : vector<16xf32>, vector<16xi32> -> vector<16xf32>
          %add3A_378 = arith.addf %add3A_371, %gather3A_377 : vector<16xf32>
          %xor3A_379 = arith.constant 1 : i32
          %xor3A_380 = vector.broadcast %xor3A_379 : i32 to vector<16xi32>
          %xor3A_381 = arith.xori %iota3A, %xor3A_380 : vector<16xi32>
          %broadcast_in_dim3A_382 = vector.shape_cast %xor3A_381 : vector<16xi32> to vector<16x1xi32>
          %gather3A_383 = vector.shape_cast %broadcast_in_dim3A_382 : vector<16x1xi32> to vector<16xi32>
          %gather3A_384 = tpu.dynamic_gather %add3A_378[%gather3A_383] in [0] : vector<16xf32>, vector<16xi32> -> vector<16xf32>
          %add3A_385 = arith.addf %add3A_378, %gather3A_384 : vector<16xf32>
          %exp3A_386 = math.exp %add3A_385 : vector<16xf32>
          %get3A_387 = arith.index_cast %add3A_298 : i32 to index
          %get3A_388 = arith.constant 64 : index
          %get3A_389 = tpu.vector_load %arg14[%get3A_387, %get3A_388] {strides = array<i32>} : memref<80x128xf32, #tpu.memory_space<vmem>>, vector<1x16xf32>,
          %get3A_390 = vector.shape_cast %get3A_389 : vector<1x16xf32> to vector<16xf32>
          %add3A_391 = arith.addf %get3A_390, %get3A_302 : vector<16xf32>
          %mul3A_392 = arith.mulf %exp3A_386, %add3A_391 : vector<16xf32>
          %swap3A_393 = arith.index_cast %add3A_298 : i32 to index
          %swap3A_394 = arith.constant 0 : index
          %swap3A_395 = tpu.vector_load %arg17[%swap3A_393, %swap3A_394] {strides = array<i32>} : memref<80x80xf32, #tpu.memory_space<vmem>>, vector<1x16xf32>,
          %swap3A_396 = vector.shape_cast %swap3A_395 : vector<1x16xf32> to vector<16xf32>
          %swap3A_397 = vector.shape_cast %mul3A_392 : vector<16xf32> to vector<1x16xf32>
          tpu.vector_store %arg17[%swap3A_393, %swap3A_394], %swap3A_397 {strides = array<i32>} : memref<80x80xf32, #tpu.memory_space<vmem>>, vector<1x16xf32>,
          %get3A_398 = arith.index_cast %add3A_298 : i32 to index
          %get3A_399 = arith.constant 80 : index
          %get3A_400 = tpu.vector_load %arg14[%get3A_398, %get3A_399] {strides = array<i32>} : memref<80x128xf32, #tpu.memory_space<vmem>>, vector<1x16xf32>,
          %get3A_401 = vector.shape_cast %get3A_400 : vector<1x16xf32> to vector<16xf32>
          %add3A_402 = arith.addf %get3A_401, %get3A_306 : vector<16xf32>
          %mul3A_403 = arith.mulf %exp3A_386, %add3A_402 : vector<16xf32>
          %swap3A_404 = arith.index_cast %add3A_298 : i32 to index
          %swap3A_405 = arith.constant 16 : index
          %swap3A_406 = tpu.vector_load %arg17[%swap3A_404, %swap3A_405] {strides = array<i32>} : memref<80x80xf32, #tpu.memory_space<vmem>>, vector<1x16xf32>,
          %swap3A_407 = vector.shape_cast %swap3A_406 : vector<1x16xf32> to vector<16xf32>
          %swap3A_408 = vector.shape_cast %mul3A_403 : vector<16xf32> to vector<1x16xf32>
          tpu.vector_store %arg17[%swap3A_404, %swap3A_405], %swap3A_408 {strides = array<i32>} : memref<80x80xf32, #tpu.memory_space<vmem>>, vector<1x16xf32>,
          %get3A_409 = arith.index_cast %add3A_298 : i32 to index
          %get3A_410 = arith.constant 96 : index
          %get3A_411 = tpu.vector_load %arg14[%get3A_409, %get3A_410] {strides = array<i32>} : memref<80x128xf32, #tpu.memory_space<vmem>>, vector<1x16xf32>,
          %get3A_412 = vector.shape_cast %get3A_411 : vector<1x16xf32> to vector<16xf32>
          %add3A_413 = arith.addf %get3A_412, %get3A_310 : vector<16xf32>
          %mul3A_414 = arith.mulf %exp3A_386, %add3A_413 : vector<16xf32>
          %swap3A_415 = arith.index_cast %add3A_298 : i32 to index
          %swap3A_416 = arith.constant 32 : index
          %swap3A_417 = tpu.vector_load %arg17[%swap3A_415, %swap3A_416] {strides = array<i32>} : memref<80x80xf32, #tpu.memory_space<vmem>>, vector<1x16xf32>,
          %swap3A_418 = vector.shape_cast %swap3A_417 : vector<1x16xf32> to vector<16xf32>
          %swap3A_419 = vector.shape_cast %mul3A_414 : vector<16xf32> to vector<1x16xf32>
          tpu.vector_store %arg17[%swap3A_415, %swap3A_416], %swap3A_419 {strides = array<i32>} : memref<80x80xf32, #tpu.memory_space<vmem>>, vector<1x16xf32>,
          %get3A_420 = arith.index_cast %add3A_298 : i32 to index
          %get3A_421 = arith.constant 112 : index
          %get3A_422 = tpu.vector_load %arg14[%get3A_420, %get3A_421] {strides = array<i32>} : memref<80x128xf32, #tpu.memory_space<vmem>>, vector<1x16xf32>,
          %get3A_423 = vector.shape_cast %get3A_422 : vector<1x16xf32> to vector<16xf32>
          %add3A_424 = arith.addf %get3A_423, %get3A_314 : vector<16xf32>
          %mul3A_425 = arith.mulf %exp3A_386, %add3A_424 : vector<16xf32>
          %swap3A_426 = arith.index_cast %add3A_298 : i32 to index
          %swap3A_427 = arith.constant 48 : index
          %swap3A_428 = tpu.vector_load %arg17[%swap3A_426, %swap3A_427] {strides = array<i32>} : memref<80x80xf32, #tpu.memory_space<vmem>>, vector<1x16xf32>,
          %swap3A_429 = vector.shape_cast %swap3A_428 : vector<1x16xf32> to vector<16xf32>
          %swap3A_430 = vector.shape_cast %mul3A_425 : vector<16xf32> to vector<1x16xf32>
          tpu.vector_store %arg17[%swap3A_426, %swap3A_427], %swap3A_430 {strides = array<i32>} : memref<80x80xf32, #tpu.memory_space<vmem>>, vector<1x16xf32>,
          %mul3A_431 = arith.mulf %exp3A_386, %select_n3A : vector<16xf32>
          %swap3A_432 = arith.index_cast %add3A_298 : i32 to index
          %swap3A_433 = arith.constant 64 : index
          %swap3A_434 = tpu.vector_load %arg17[%swap3A_432, %swap3A_433] {strides = array<i32>} : memref<80x80xf32, #tpu.memory_space<vmem>>, vector<1x16xf32>,
          %swap3A_435 = vector.shape_cast %swap3A_434 : vector<1x16xf32> to vector<16xf32>
          %swap3A_436 = vector.shape_cast %mul3A_431 : vector<16xf32> to vector<1x16xf32>
          tpu.vector_store %arg17[%swap3A_432, %swap3A_433], %swap3A_436 {strides = array<i32>} : memref<80x80xf32, #tpu.memory_space<vmem>>, vector<1x16xf32>,
          %scan3A_437 = arith.constant 1 : i32
          %scan3A_438 = arith.addi %scan3A_153, %scan3A_437 : i32
          %mul3A_439 = arith.constant 1 : i32
          %mul3A_440 = arith.muli %scan3A_438, %mul3A_439 : i32
          %add3A_441 = arith.constant 0 : i32
          %add3A_442 = arith.addi %add3A_441, %mul3A_440 : i32
          %mul3A_443 = arith.constant 2 : i32
          %mul3A_444 = arith.muli %mul3A_443, %add3A_442 : i32
          %add3A_445 = arith.constant 0 : i32
          %add3A_446 = arith.addi %mul3A_444, %add3A_445 : i32
          %get3A_447 = arith.index_cast %add3A_442 : i32 to index
          %get3A_448 = arith.constant 0 : index
          %get3A_449 = tpu.vector_load %arg15[%get3A_447, %get3A_448] {strides = array<i32>} : memref<40x128xf32, #tpu.memory_space<vmem>>, vector<1x16xf32>,
          %get3A_450 = vector.shape_cast %get3A_449 : vector<1x16xf32> to vector<16xf32>
          %get3A_451 = arith.index_cast %add3A_442 : i32 to index
          %get3A_452 = arith.constant 16 : index
          %get3A_453 = tpu.vector_load %arg15[%get3A_451, %get3A_452] {strides = array<i32>} : memref<40x128xf32, #tpu.memory_space<vmem>>, vector<1x16xf32>,
          %get3A_454 = vector.shape_cast %get3A_453 : vector<1x16xf32> to vector<16xf32>
          %get3A_455 = arith.index_cast %add3A_442 : i32 to index
          %get3A_456 = arith.constant 32 : index
          %get3A_457 = tpu.vector_load %arg15[%get3A_455, %get3A_456] {strides = array<i32>} : memref<40x128xf32, #tpu.memory_space<vmem>>, vector<1x16xf32>,
          %get3A_458 = vector.shape_cast %get3A_457 : vector<1x16xf32> to vector<16xf32>
          %get3A_459 = arith.index_cast %add3A_442 : i32 to index
          %get3A_460 = arith.constant 48 : index
          %get3A_461 = tpu.vector_load %arg15[%get3A_459, %get3A_460] {strides = array<i32>} : memref<40x128xf32, #tpu.memory_space<vmem>>, vector<1x16xf32>,
          %get3A_462 = vector.shape_cast %get3A_461 : vector<1x16xf32> to vector<16xf32>
          %get3A_463 = arith.index_cast %add3A_446 : i32 to index
          %get3A_464 = arith.constant 0 : index
          %get3A_465 = tpu.vector_load %arg13[%get3A_463, %get3A_464] {strides = array<i32>} : memref<80x64xf32, #tpu.memory_space<vmem>>, vector<1x16xf32>,
          %get3A_466 = vector.shape_cast %get3A_465 : vector<1x16xf32> to vector<16xf32>
          %get3A_467 = arith.index_cast %add3A_446 : i32 to index
          %get3A_468 = arith.constant 0 : index
          %get3A_469 = tpu.vector_load %arg14[%get3A_467, %get3A_468] {strides = array<i32>} : memref<80x128xf32, #tpu.memory_space<vmem>>, vector<1x16xf32>,
          %get3A_470 = vector.shape_cast %get3A_469 : vector<1x16xf32> to vector<16xf32>
          %add3A_471 = arith.addf %get3A_470, %get3A_450 : vector<16xf32>
          %mul3A_472 = arith.mulf %get3A_466, %add3A_471 : vector<16xf32>
          %get3A_473 = arith.index_cast %add3A_446 : i32 to index
          %get3A_474 = arith.constant 16 : index
          %get3A_475 = tpu.vector_load %arg13[%get3A_473, %get3A_474] {strides = array<i32>} : memref<80x64xf32, #tpu.memory_space<vmem>>, vector<1x16xf32>,
          %get3A_476 = vector.shape_cast %get3A_475 : vector<1x16xf32> to vector<16xf32>
          %get3A_477 = arith.index_cast %add3A_446 : i32 to index
          %get3A_478 = arith.constant 16 : index
          %get3A_479 = tpu.vector_load %arg14[%get3A_477, %get3A_478] {strides = array<i32>} : memref<80x128xf32, #tpu.memory_space<vmem>>, vector<1x16xf32>,
          %get3A_480 = vector.shape_cast %get3A_479 : vector<1x16xf32> to vector<16xf32>
          %add3A_481 = arith.addf %get3A_480, %get3A_454 : vector<16xf32>
          %mul3A_482 = arith.mulf %get3A_476, %add3A_481 : vector<16xf32>
          %add3A_483 = arith.addf %mul3A_472, %mul3A_482 : vector<16xf32>
          %get3A_484 = arith.index_cast %add3A_446 : i32 to index
          %get3A_485 = arith.constant 32 : index
          %get3A_486 = tpu.vector_load %arg13[%get3A_484, %get3A_485] {strides = array<i32>} : memref<80x64xf32, #tpu.memory_space<vmem>>, vector<1x16xf32>,
          %get3A_487 = vector.shape_cast %get3A_486 : vector<1x16xf32> to vector<16xf32>
          %get3A_488 = arith.index_cast %add3A_446 : i32 to index
          %get3A_489 = arith.constant 32 : index
          %get3A_490 = tpu.vector_load %arg14[%get3A_488, %get3A_489] {strides = array<i32>} : memref<80x128xf32, #tpu.memory_space<vmem>>, vector<1x16xf32>,
          %get3A_491 = vector.shape_cast %get3A_490 : vector<1x16xf32> to vector<16xf32>
          %add3A_492 = arith.addf %get3A_491, %get3A_458 : vector<16xf32>
          %mul3A_493 = arith.mulf %get3A_487, %add3A_492 : vector<16xf32>
          %add3A_494 = arith.addf %add3A_483, %mul3A_493 : vector<16xf32>
          %get3A_495 = arith.index_cast %add3A_446 : i32 to index
          %get3A_496 = arith.constant 48 : index
          %get3A_497 = tpu.vector_load %arg13[%get3A_495, %get3A_496] {strides = array<i32>} : memref<80x64xf32, #tpu.memory_space<vmem>>, vector<1x16xf32>,
          %get3A_498 = vector.shape_cast %get3A_497 : vector<1x16xf32> to vector<16xf32>
          %get3A_499 = arith.index_cast %add3A_446 : i32 to index
          %get3A_500 = arith.constant 48 : index
          %get3A_501 = tpu.vector_load %arg14[%get3A_499, %get3A_500] {strides = array<i32>} : memref<80x128xf32, #tpu.memory_space<vmem>>, vector<1x16xf32>,
          %get3A_502 = vector.shape_cast %get3A_501 : vector<1x16xf32> to vector<16xf32>
          %add3A_503 = arith.addf %get3A_502, %get3A_462 : vector<16xf32>
          %mul3A_504 = arith.mulf %get3A_498, %add3A_503 : vector<16xf32>
          %add3A_505 = arith.addf %add3A_494, %mul3A_504 : vector<16xf32>
          %xor3A_506 = arith.constant 8 : i32
          %xor3A_507 = vector.broadcast %xor3A_506 : i32 to vector<16xi32>
          %xor3A_508 = arith.xori %iota3A, %xor3A_507 : vector<16xi32>
          %broadcast_in_dim3A_509 = vector.shape_cast %xor3A_508 : vector<16xi32> to vector<16x1xi32>
          %gather3A_510 = vector.shape_cast %broadcast_in_dim3A_509 : vector<16x1xi32> to vector<16xi32>
          %gather3A_511 = tpu.dynamic_gather %add3A_505[%gather3A_510] in [0] : vector<16xf32>, vector<16xi32> -> vector<16xf32>
          %add3A_512 = arith.addf %add3A_505, %gather3A_511 : vector<16xf32>
          %xor3A_513 = arith.constant 4 : i32
          %xor3A_514 = vector.broadcast %xor3A_513 : i32 to vector<16xi32>
          %xor3A_515 = arith.xori %iota3A, %xor3A_514 : vector<16xi32>
          %broadcast_in_dim3A_516 = vector.shape_cast %xor3A_515 : vector<16xi32> to vector<16x1xi32>
          %gather3A_517 = vector.shape_cast %broadcast_in_dim3A_516 : vector<16x1xi32> to vector<16xi32>
          %gather3A_518 = tpu.dynamic_gather %add3A_512[%gather3A_517] in [0] : vector<16xf32>, vector<16xi32> -> vector<16xf32>
          %add3A_519 = arith.addf %add3A_512, %gather3A_518 : vector<16xf32>
          %xor3A_520 = arith.constant 2 : i32
          %xor3A_521 = vector.broadcast %xor3A_520 : i32 to vector<16xi32>
          %xor3A_522 = arith.xori %iota3A, %xor3A_521 : vector<16xi32>
          %broadcast_in_dim3A_523 = vector.shape_cast %xor3A_522 : vector<16xi32> to vector<16x1xi32>
          %gather3A_524 = vector.shape_cast %broadcast_in_dim3A_523 : vector<16x1xi32> to vector<16xi32>
          %gather3A_525 = tpu.dynamic_gather %add3A_519[%gather3A_524] in [0] : vector<16xf32>, vector<16xi32> -> vector<16xf32>
          %add3A_526 = arith.addf %add3A_519, %gather3A_525 : vector<16xf32>
          %xor3A_527 = arith.constant 1 : i32
          %xor3A_528 = vector.broadcast %xor3A_527 : i32 to vector<16xi32>
          %xor3A_529 = arith.xori %iota3A, %xor3A_528 : vector<16xi32>
          %broadcast_in_dim3A_530 = vector.shape_cast %xor3A_529 : vector<16xi32> to vector<16x1xi32>
          %gather3A_531 = vector.shape_cast %broadcast_in_dim3A_530 : vector<16x1xi32> to vector<16xi32>
          %gather3A_532 = tpu.dynamic_gather %add3A_526[%gather3A_531] in [0] : vector<16xf32>, vector<16xi32> -> vector<16xf32>
          %add3A_533 = arith.addf %add3A_526, %gather3A_532 : vector<16xf32>
          %exp3A_534 = math.exp %add3A_533 : vector<16xf32>
          %get3A_535 = arith.index_cast %add3A_446 : i32 to index
          %get3A_536 = arith.constant 64 : index
          %get3A_537 = tpu.vector_load %arg14[%get3A_535, %get3A_536] {strides = array<i32>} : memref<80x128xf32, #tpu.memory_space<vmem>>, vector<1x16xf32>,
          %get3A_538 = vector.shape_cast %get3A_537 : vector<1x16xf32> to vector<16xf32>
          %add3A_539 = arith.addf %get3A_538, %get3A_450 : vector<16xf32>
          %mul3A_540 = arith.mulf %exp3A_534, %add3A_539 : vector<16xf32>
          %swap3A_541 = arith.index_cast %add3A_446 : i32 to index
          %swap3A_542 = arith.constant 0 : index
          %swap3A_543 = tpu.vector_load %arg17[%swap3A_541, %swap3A_542] {strides = array<i32>} : memref<80x80xf32, #tpu.memory_space<vmem>>, vector<1x16xf32>,
          %swap3A_544 = vector.shape_cast %swap3A_543 : vector<1x16xf32> to vector<16xf32>
          %swap3A_545 = vector.shape_cast %mul3A_540 : vector<16xf32> to vector<1x16xf32>
          tpu.vector_store %arg17[%swap3A_541, %swap3A_542], %swap3A_545 {strides = array<i32>} : memref<80x80xf32, #tpu.memory_space<vmem>>, vector<1x16xf32>,
          %get3A_546 = arith.index_cast %add3A_446 : i32 to index
          %get3A_547 = arith.constant 80 : index
          %get3A_548 = tpu.vector_load %arg14[%get3A_546, %get3A_547] {strides = array<i32>} : memref<80x128xf32, #tpu.memory_space<vmem>>, vector<1x16xf32>,
          %get3A_549 = vector.shape_cast %get3A_548 : vector<1x16xf32> to vector<16xf32>
          %add3A_550 = arith.addf %get3A_549, %get3A_454 : vector<16xf32>
          %mul3A_551 = arith.mulf %exp3A_534, %add3A_550 : vector<16xf32>
          %swap3A_552 = arith.index_cast %add3A_446 : i32 to index
          %swap3A_553 = arith.constant 16 : index
          %swap3A_554 = tpu.vector_load %arg17[%swap3A_552, %swap3A_553] {strides = array<i32>} : memref<80x80xf32, #tpu.memory_space<vmem>>, vector<1x16xf32>,
          %swap3A_555 = vector.shape_cast %swap3A_554 : vector<1x16xf32> to vector<16xf32>
          %swap3A_556 = vector.shape_cast %mul3A_551 : vector<16xf32> to vector<1x16xf32>
          tpu.vector_store %arg17[%swap3A_552, %swap3A_553], %swap3A_556 {strides = array<i32>} : memref<80x80xf32, #tpu.memory_space<vmem>>, vector<1x16xf32>,
          %get3A_557 = arith.index_cast %add3A_446 : i32 to index
          %get3A_558 = arith.constant 96 : index
          %get3A_559 = tpu.vector_load %arg14[%get3A_557, %get3A_558] {strides = array<i32>} : memref<80x128xf32, #tpu.memory_space<vmem>>, vector<1x16xf32>,
          %get3A_560 = vector.shape_cast %get3A_559 : vector<1x16xf32> to vector<16xf32>
          %add3A_561 = arith.addf %get3A_560, %get3A_458 : vector<16xf32>
          %mul3A_562 = arith.mulf %exp3A_534, %add3A_561 : vector<16xf32>
          %swap3A_563 = arith.index_cast %add3A_446 : i32 to index
          %swap3A_564 = arith.constant 32 : index
          %swap3A_565 = tpu.vector_load %arg17[%swap3A_563, %swap3A_564] {strides = array<i32>} : memref<80x80xf32, #tpu.memory_space<vmem>>, vector<1x16xf32>,
          %swap3A_566 = vector.shape_cast %swap3A_565 : vector<1x16xf32> to vector<16xf32>
          %swap3A_567 = vector.shape_cast %mul3A_562 : vector<16xf32> to vector<1x16xf32>
          tpu.vector_store %arg17[%swap3A_563, %swap3A_564], %swap3A_567 {strides = array<i32>} : memref<80x80xf32, #tpu.memory_space<vmem>>, vector<1x16xf32>,
          %get3A_568 = arith.index_cast %add3A_446 : i32 to index
          %get3A_569 = arith.constant 112 : index
          %get3A_570 = tpu.vector_load %arg14[%get3A_568, %get3A_569] {strides = array<i32>} : memref<80x128xf32, #tpu.memory_space<vmem>>, vector<1x16xf32>,
          %get3A_571 = vector.shape_cast %get3A_570 : vector<1x16xf32> to vector<16xf32>
          %add3A_572 = arith.addf %get3A_571, %get3A_462 : vector<16xf32>
          %mul3A_573 = arith.mulf %exp3A_534, %add3A_572 : vector<16xf32>
          %swap3A_574 = arith.index_cast %add3A_446 : i32 to index
          %swap3A_575 = arith.constant 48 : index
          %swap3A_576 = tpu.vector_load %arg17[%swap3A_574, %swap3A_575] {strides = array<i32>} : memref<80x80xf32, #tpu.memory_space<vmem>>, vector<1x16xf32>,
          %swap3A_577 = vector.shape_cast %swap3A_576 : vector<1x16xf32> to vector<16xf32>
          %swap3A_578 = vector.shape_cast %mul3A_573 : vector<16xf32> to vector<1x16xf32>
          tpu.vector_store %arg17[%swap3A_574, %swap3A_575], %swap3A_578 {strides = array<i32>} : memref<80x80xf32, #tpu.memory_space<vmem>>, vector<1x16xf32>,
          %mul3A_579 = arith.mulf %exp3A_534, %select_n3A : vector<16xf32>
          %swap3A_580 = arith.index_cast %add3A_446 : i32 to index
          %swap3A_581 = arith.constant 64 : index
          %swap3A_582 = tpu.vector_load %arg17[%swap3A_580, %swap3A_581] {strides = array<i32>} : memref<80x80xf32, #tpu.memory_space<vmem>>, vector<1x16xf32>,
          %swap3A_583 = vector.shape_cast %swap3A_582 : vector<1x16xf32> to vector<16xf32>
          %swap3A_584 = vector.shape_cast %mul3A_579 : vector<16xf32> to vector<1x16xf32>
          tpu.vector_store %arg17[%swap3A_580, %swap3A_581], %swap3A_584 {strides = array<i32>} : memref<80x80xf32, #tpu.memory_space<vmem>>, vector<1x16xf32>,
          %mul3A_585 = arith.constant 2 : i32
          %mul3A_586 = arith.muli %mul3A_585, %add3A_442 : i32
          %add3A_587 = arith.constant 1 : i32
          %add3A_588 = arith.addi %mul3A_586, %add3A_587 : i32
          %get3A_589 = arith.index_cast %add3A_442 : i32 to index
          %get3A_590 = arith.constant 64 : index
          %get3A_591 = tpu.vector_load %arg15[%get3A_589, %get3A_590] {strides = array<i32>} : memref<40x128xf32, #tpu.memory_space<vmem>>, vector<1x16xf32>,
          %get3A_592 = vector.shape_cast %get3A_591 : vector<1x16xf32> to vector<16xf32>
          %get3A_593 = arith.index_cast %add3A_442 : i32 to index
          %get3A_594 = arith.constant 80 : index
          %get3A_595 = tpu.vector_load %arg15[%get3A_593, %get3A_594] {strides = array<i32>} : memref<40x128xf32, #tpu.memory_space<vmem>>, vector<1x16xf32>,
          %get3A_596 = vector.shape_cast %get3A_595 : vector<1x16xf32> to vector<16xf32>
          %get3A_597 = arith.index_cast %add3A_442 : i32 to index
          %get3A_598 = arith.constant 96 : index
          %get3A_599 = tpu.vector_load %arg15[%get3A_597, %get3A_598] {strides = array<i32>} : memref<40x128xf32, #tpu.memory_space<vmem>>, vector<1x16xf32>,
          %get3A_600 = vector.shape_cast %get3A_599 : vector<1x16xf32> to vector<16xf32>
          %get3A_601 = arith.index_cast %add3A_442 : i32 to index
          %get3A_602 = arith.constant 112 : index
          %get3A_603 = tpu.vector_load %arg15[%get3A_601, %get3A_602] {strides = array<i32>} : memref<40x128xf32, #tpu.memory_space<vmem>>, vector<1x16xf32>,
          %get3A_604 = vector.shape_cast %get3A_603 : vector<1x16xf32> to vector<16xf32>
          %get3A_605 = arith.index_cast %add3A_588 : i32 to index
          %get3A_606 = arith.constant 0 : index
          %get3A_607 = tpu.vector_load %arg13[%get3A_605, %get3A_606] {strides = array<i32>} : memref<80x64xf32, #tpu.memory_space<vmem>>, vector<1x16xf32>,
          %get3A_608 = vector.shape_cast %get3A_607 : vector<1x16xf32> to vector<16xf32>
          %get3A_609 = arith.index_cast %add3A_588 : i32 to index
          %get3A_610 = arith.constant 0 : index
          %get3A_611 = tpu.vector_load %arg14[%get3A_609, %get3A_610] {strides = array<i32>} : memref<80x128xf32, #tpu.memory_space<vmem>>, vector<1x16xf32>,
          %get3A_612 = vector.shape_cast %get3A_611 : vector<1x16xf32> to vector<16xf32>
          %add3A_613 = arith.addf %get3A_612, %get3A_592 : vector<16xf32>
          %mul3A_614 = arith.mulf %get3A_608, %add3A_613 : vector<16xf32>
          %get3A_615 = arith.index_cast %add3A_588 : i32 to index
          %get3A_616 = arith.constant 16 : index
          %get3A_617 = tpu.vector_load %arg13[%get3A_615, %get3A_616] {strides = array<i32>} : memref<80x64xf32, #tpu.memory_space<vmem>>, vector<1x16xf32>,
          %get3A_618 = vector.shape_cast %get3A_617 : vector<1x16xf32> to vector<16xf32>
          %get3A_619 = arith.index_cast %add3A_588 : i32 to index
          %get3A_620 = arith.constant 16 : index
          %get3A_621 = tpu.vector_load %arg14[%get3A_619, %get3A_620] {strides = array<i32>} : memref<80x128xf32, #tpu.memory_space<vmem>>, vector<1x16xf32>,
          %get3A_622 = vector.shape_cast %get3A_621 : vector<1x16xf32> to vector<16xf32>
          %add3A_623 = arith.addf %get3A_622, %get3A_596 : vector<16xf32>
          %mul3A_624 = arith.mulf %get3A_618, %add3A_623 : vector<16xf32>
          %add3A_625 = arith.addf %mul3A_614, %mul3A_624 : vector<16xf32>
          %get3A_626 = arith.index_cast %add3A_588 : i32 to index
          %get3A_627 = arith.constant 32 : index
          %get3A_628 = tpu.vector_load %arg13[%get3A_626, %get3A_627] {strides = array<i32>} : memref<80x64xf32, #tpu.memory_space<vmem>>, vector<1x16xf32>,
          %get3A_629 = vector.shape_cast %get3A_628 : vector<1x16xf32> to vector<16xf32>
          %get3A_630 = arith.index_cast %add3A_588 : i32 to index
          %get3A_631 = arith.constant 32 : index
          %get3A_632 = tpu.vector_load %arg14[%get3A_630, %get3A_631] {strides = array<i32>} : memref<80x128xf32, #tpu.memory_space<vmem>>, vector<1x16xf32>,
          %get3A_633 = vector.shape_cast %get3A_632 : vector<1x16xf32> to vector<16xf32>
          %add3A_634 = arith.addf %get3A_633, %get3A_600 : vector<16xf32>
          %mul3A_635 = arith.mulf %get3A_629, %add3A_634 : vector<16xf32>
          %add3A_636 = arith.addf %add3A_625, %mul3A_635 : vector<16xf32>
          %get3A_637 = arith.index_cast %add3A_588 : i32 to index
          %get3A_638 = arith.constant 48 : index
          %get3A_639 = tpu.vector_load %arg13[%get3A_637, %get3A_638] {strides = array<i32>} : memref<80x64xf32, #tpu.memory_space<vmem>>, vector<1x16xf32>,
          %get3A_640 = vector.shape_cast %get3A_639 : vector<1x16xf32> to vector<16xf32>
          %get3A_641 = arith.index_cast %add3A_588 : i32 to index
          %get3A_642 = arith.constant 48 : index
          %get3A_643 = tpu.vector_load %arg14[%get3A_641, %get3A_642] {strides = array<i32>} : memref<80x128xf32, #tpu.memory_space<vmem>>, vector<1x16xf32>,
          %get3A_644 = vector.shape_cast %get3A_643 : vector<1x16xf32> to vector<16xf32>
          %add3A_645 = arith.addf %get3A_644, %get3A_604 : vector<16xf32>
          %mul3A_646 = arith.mulf %get3A_640, %add3A_645 : vector<16xf32>
          %add3A_647 = arith.addf %add3A_636, %mul3A_646 : vector<16xf32>
          %xor3A_648 = arith.constant 8 : i32
          %xor3A_649 = vector.broadcast %xor3A_648 : i32 to vector<16xi32>
          %xor3A_650 = arith.xori %iota3A, %xor3A_649 : vector<16xi32>
          %broadcast_in_dim3A_651 = vector.shape_cast %xor3A_650 : vector<16xi32> to vector<16x1xi32>
          %gather3A_652 = vector.shape_cast %broadcast_in_dim3A_651 : vector<16x1xi32> to vector<16xi32>
          %gather3A_653 = tpu.dynamic_gather %add3A_647[%gather3A_652] in [0] : vector<16xf32>, vector<16xi32> -> vector<16xf32>
          %add3A_654 = arith.addf %add3A_647, %gather3A_653 : vector<16xf32>
          %xor3A_655 = arith.constant 4 : i32
          %xor3A_656 = vector.broadcast %xor3A_655 : i32 to vector<16xi32>
          %xor3A_657 = arith.xori %iota3A, %xor3A_656 : vector<16xi32>
          %broadcast_in_dim3A_658 = vector.shape_cast %xor3A_657 : vector<16xi32> to vector<16x1xi32>
          %gather3A_659 = vector.shape_cast %broadcast_in_dim3A_658 : vector<16x1xi32> to vector<16xi32>
          %gather3A_660 = tpu.dynamic_gather %add3A_654[%gather3A_659] in [0] : vector<16xf32>, vector<16xi32> -> vector<16xf32>
          %add3A_661 = arith.addf %add3A_654, %gather3A_660 : vector<16xf32>
          %xor3A_662 = arith.constant 2 : i32
          %xor3A_663 = vector.broadcast %xor3A_662 : i32 to vector<16xi32>
          %xor3A_664 = arith.xori %iota3A, %xor3A_663 : vector<16xi32>
          %broadcast_in_dim3A_665 = vector.shape_cast %xor3A_664 : vector<16xi32> to vector<16x1xi32>
          %gather3A_666 = vector.shape_cast %broadcast_in_dim3A_665 : vector<16x1xi32> to vector<16xi32>
          %gather3A_667 = tpu.dynamic_gather %add3A_661[%gather3A_666] in [0] : vector<16xf32>, vector<16xi32> -> vector<16xf32>
          %add3A_668 = arith.addf %add3A_661, %gather3A_667 : vector<16xf32>
          %xor3A_669 = arith.constant 1 : i32
          %xor3A_670 = vector.broadcast %xor3A_669 : i32 to vector<16xi32>
          %xor3A_671 = arith.xori %iota3A, %xor3A_670 : vector<16xi32>
          %broadcast_in_dim3A_672 = vector.shape_cast %xor3A_671 : vector<16xi32> to vector<16x1xi32>
          %gather3A_673 = vector.shape_cast %broadcast_in_dim3A_672 : vector<16x1xi32> to vector<16xi32>
          %gather3A_674 = tpu.dynamic_gather %add3A_668[%gather3A_673] in [0] : vector<16xf32>, vector<16xi32> -> vector<16xf32>
          %add3A_675 = arith.addf %add3A_668, %gather3A_674 : vector<16xf32>
          %exp3A_676 = math.exp %add3A_675 : vector<16xf32>
          %get3A_677 = arith.index_cast %add3A_588 : i32 to index
          %get3A_678 = arith.constant 64 : index
          %get3A_679 = tpu.vector_load %arg14[%get3A_677, %get3A_678] {strides = array<i32>} : memref<80x128xf32, #tpu.memory_space<vmem>>, vector<1x16xf32>,
          %get3A_680 = vector.shape_cast %get3A_679 : vector<1x16xf32> to vector<16xf32>
          %add3A_681 = arith.addf %get3A_680, %get3A_592 : vector<16xf32>
          %mul3A_682 = arith.mulf %exp3A_676, %add3A_681 : vector<16xf32>
          %swap3A_683 = arith.index_cast %add3A_588 : i32 to index
          %swap3A_684 = arith.constant 0 : index
          %swap3A_685 = tpu.vector_load %arg17[%swap3A_683, %swap3A_684] {strides = array<i32>} : memref<80x80xf32, #tpu.memory_space<vmem>>, vector<1x16xf32>,
          %swap3A_686 = vector.shape_cast %swap3A_685 : vector<1x16xf32> to vector<16xf32>
          %swap3A_687 = vector.shape_cast %mul3A_682 : vector<16xf32> to vector<1x16xf32>
          tpu.vector_store %arg17[%swap3A_683, %swap3A_684], %swap3A_687 {strides = array<i32>} : memref<80x80xf32, #tpu.memory_space<vmem>>, vector<1x16xf32>,
          %get3A_688 = arith.index_cast %add3A_588 : i32 to index
          %get3A_689 = arith.constant 80 : index
          %get3A_690 = tpu.vector_load %arg14[%get3A_688, %get3A_689] {strides = array<i32>} : memref<80x128xf32, #tpu.memory_space<vmem>>, vector<1x16xf32>,
          %get3A_691 = vector.shape_cast %get3A_690 : vector<1x16xf32> to vector<16xf32>
          %add3A_692 = arith.addf %get3A_691, %get3A_596 : vector<16xf32>
          %mul3A_693 = arith.mulf %exp3A_676, %add3A_692 : vector<16xf32>
          %swap3A_694 = arith.index_cast %add3A_588 : i32 to index
          %swap3A_695 = arith.constant 16 : index
          %swap3A_696 = tpu.vector_load %arg17[%swap3A_694, %swap3A_695] {strides = array<i32>} : memref<80x80xf32, #tpu.memory_space<vmem>>, vector<1x16xf32>,
          %swap3A_697 = vector.shape_cast %swap3A_696 : vector<1x16xf32> to vector<16xf32>
          %swap3A_698 = vector.shape_cast %mul3A_693 : vector<16xf32> to vector<1x16xf32>
          tpu.vector_store %arg17[%swap3A_694, %swap3A_695], %swap3A_698 {strides = array<i32>} : memref<80x80xf32, #tpu.memory_space<vmem>>, vector<1x16xf32>,
          %get3A_699 = arith.index_cast %add3A_588 : i32 to index
          %get3A_700 = arith.constant 96 : index
          %get3A_701 = tpu.vector_load %arg14[%get3A_699, %get3A_700] {strides = array<i32>} : memref<80x128xf32, #tpu.memory_space<vmem>>, vector<1x16xf32>,
          %get3A_702 = vector.shape_cast %get3A_701 : vector<1x16xf32> to vector<16xf32>
          %add3A_703 = arith.addf %get3A_702, %get3A_600 : vector<16xf32>
          %mul3A_704 = arith.mulf %exp3A_676, %add3A_703 : vector<16xf32>
          %swap3A_705 = arith.index_cast %add3A_588 : i32 to index
          %swap3A_706 = arith.constant 32 : index
          %swap3A_707 = tpu.vector_load %arg17[%swap3A_705, %swap3A_706] {strides = array<i32>} : memref<80x80xf32, #tpu.memory_space<vmem>>, vector<1x16xf32>,
          %swap3A_708 = vector.shape_cast %swap3A_707 : vector<1x16xf32> to vector<16xf32>
          %swap3A_709 = vector.shape_cast %mul3A_704 : vector<16xf32> to vector<1x16xf32>
          tpu.vector_store %arg17[%swap3A_705, %swap3A_706], %swap3A_709 {strides = array<i32>} : memref<80x80xf32, #tpu.memory_space<vmem>>, vector<1x16xf32>,
          %get3A_710 = arith.index_cast %add3A_588 : i32 to index
          %get3A_711 = arith.constant 112 : index
          %get3A_712 = tpu.vector_load %arg14[%get3A_710, %get3A_711] {strides = array<i32>} : memref<80x128xf32, #tpu.memory_space<vmem>>, vector<1x16xf32>,
          %get3A_713 = vector.shape_cast %get3A_712 : vector<1x16xf32> to vector<16xf32>
          %add3A_714 = arith.addf %get3A_713, %get3A_604 : vector<16xf32>
          %mul3A_715 = arith.mulf %exp3A_676, %add3A_714 : vector<16xf32>
          %swap3A_716 = arith.index_cast %add3A_588 : i32 to index
          %swap3A_717 = arith.constant 48 : index
          %swap3A_718 = tpu.vector_load %arg17[%swap3A_716, %swap3A_717] {strides = array<i32>} : memref<80x80xf32, #tpu.memory_space<vmem>>, vector<1x16xf32>,
          %swap3A_719 = vector.shape_cast %swap3A_718 : vector<1x16xf32> to vector<16xf32>
          %swap3A_720 = vector.shape_cast %mul3A_715 : vector<16xf32> to vector<1x16xf32>
          tpu.vector_store %arg17[%swap3A_716, %swap3A_717], %swap3A_720 {strides = array<i32>} : memref<80x80xf32, #tpu.memory_space<vmem>>, vector<1x16xf32>,
          %mul3A_721 = arith.mulf %exp3A_676, %select_n3A : vector<16xf32>
          %swap3A_722 = arith.index_cast %add3A_588 : i32 to index
          %swap3A_723 = arith.constant 64 : index
          %swap3A_724 = tpu.vector_load %arg17[%swap3A_722, %swap3A_723] {strides = array<i32>} : memref<80x80xf32, #tpu.memory_space<vmem>>, vector<1x16xf32>,
          %swap3A_725 = vector.shape_cast %swap3A_724 : vector<1x16xf32> to vector<16xf32>
          %swap3A_726 = vector.shape_cast %mul3A_721 : vector<16xf32> to vector<1x16xf32>
          tpu.vector_store %arg17[%swap3A_722, %swap3A_723], %swap3A_726 {strides = array<i32>} : memref<80x80xf32, #tpu.memory_space<vmem>>, vector<1x16xf32>,
        }
        %scan3A_146 = arith.constant 40 : i32
        %dma_start3A_147 = arith.constant 0 : i32
        %dma_start3A_148 = tpu.memref_slice %arg9[%add3A_67, %dma_start3A_147] : memref<125x80xi32, #tpu.memory_space<vmem>> -> memref<1x80xi32, #tpu.memory_space<vmem>>
        %dma_start3A_149 = tpu.memref_squeeze %dma_start3A_148 : memref<1x80xi32, #tpu.memory_space<vmem>> -> memref<80xi32, #tpu.memory_space<vmem>>
        %dma_start3A_150 = arith.constant 0 : i32
        %dma_start3A_151 = arith.constant 0 : i32
        %dma_start3A_152 = tpu.memref_slice %arg19[%dma_start3A_150, %dma_start3A_151] : memref<10000x80xf32, #tpu.memory_space<vmem_shared>> -> memref<10000x80xf32, #tpu.memory_space<vmem_shared>>
        tpu.enqueue_indirect_dma source(%arg17 : memref<80x80xf32, #tpu.memory_space<vmem>>) target(%dma_start3A_152 : memref<10000x80xf32, #tpu.memory_space<vmem_shared>>) offsets(%dma_start3A_149 : memref<80xi32, #tpu.memory_space<vmem>>) semaphore(%arg27 : memref<!tpu.dma_semaphore, #tpu.memory_space<semaphore_mem>>) {add = true}
      } else {
      }
    }
    %scan3A_39 = arith.constant 63 : i32
    %dma_wait3A = arith.constant 0 : i32
    %dma_wait3A_40 = arith.constant 0 : i32
    %dma_wait3A_41 = tpu.memref_slice %arg9[%dma_wait3A, %dma_wait3A_40] : memref<125x80xi32, #tpu.memory_space<vmem>> -> memref<1x80xi32, #tpu.memory_space<vmem>>
    %dma_wait3A_42 = tpu.memref_squeeze %dma_wait3A_41 : memref<1x80xi32, #tpu.memory_space<vmem>> -> memref<80xi32, #tpu.memory_space<vmem>>
    %dma_wait3A_43 = arith.constant 0 : i32
    %dma_wait3A_44 = arith.constant 0 : i32
    %dma_wait3A_45 = tpu.memref_slice %arg19[%dma_wait3A_43, %dma_wait3A_44] : memref<10000x80xf32, #tpu.memory_space<vmem_shared>> -> memref<10000x80xf32, #tpu.memory_space<vmem_shared>>
    tpu.wait_indirect_dma semaphore(%arg26 : memref<!tpu.dma_semaphore, #tpu.memory_space<semaphore_mem>>) src(%arg16 : memref<80x80xf32, #tpu.memory_space<vmem>>) dst(%dma_wait3A_45 : memref<10000x80xf32, #tpu.memory_space<vmem_shared>>)
    %dma_wait3A_46 = arith.constant 0 : i32
    %dma_wait3A_47 = arith.constant 0 : i32
    %dma_wait3A_48 = tpu.memref_slice %arg9[%dma_wait3A_46, %dma_wait3A_47] : memref<125x80xi32, #tpu.memory_space<vmem>> -> memref<1x80xi32, #tpu.memory_space<vmem>>
    %dma_wait3A_49 = tpu.memref_squeeze %dma_wait3A_48 : memref<1x80xi32, #tpu.memory_space<vmem>> -> memref<80xi32, #tpu.memory_space<vmem>>
    %dma_wait3A_50 = arith.constant 0 : i32
    %dma_wait3A_51 = arith.constant 0 : i32
    %dma_wait3A_52 = tpu.memref_slice %arg19[%dma_wait3A_50, %dma_wait3A_51] : memref<10000x80xf32, #tpu.memory_space<vmem_shared>> -> memref<10000x80xf32, #tpu.memory_space<vmem_shared>>
    tpu.wait_indirect_dma semaphore(%arg27 : memref<!tpu.dma_semaphore, #tpu.memory_space<semaphore_mem>>) src(%arg17 : memref<80x80xf32, #tpu.memory_space<vmem>>) dst(%dma_wait3A_52 : memref<10000x80xf32, #tpu.memory_space<vmem_shared>>)
    %barrier3A_53 = arith.constant 0 : index
    tpu.barrier barrier_id(%barrier3A_53)
    %scan3A_54 = arith.constant 0 : i32
    %scan3A_55 = arith.constant 8 : i32
    %scan3A_56 = arith.addi %scan3A_54, %scan3A_55 : i32
    %scan3A_57 = arith.constant 1 : i32
    scf.for %scan3A_59 = %scan3A_54 to %scan3A_56 step %scan3A_57  : i32 {
      %mul3A_60 = arith.constant 1 : i32
      %mul3A_61 = arith.muli %scan3A_59, %mul3A_60 : i32
      %add3A_62 = arith.constant 0 : i32
      %add3A_63 = arith.addi %add3A_62, %mul3A_61 : i32
      %mul3A_64 = arith.constant 16 : i32
      %mul3A_65 = arith.muli %add3A_63, %mul3A_64 : i32
      %add3A_66 = arith.addi %arg1, %mul3A_65 : i32
      %lt3A = arith.constant 125 : i32
      %lt3A_67 = arith.cmpi slt, %add3A_66, %lt3A : i32
      %convert_element_type3A = arith.extui %lt3A_67 : i1 to i32
      %cond3A = arith.constant 0 : i32
      %cond3A_68 = arith.cmpi ne, %convert_element_type3A, %cond3A : i32
      scf.if %cond3A_68 {
        %mul3A_69 = arith.constant 80 : i32
        %mul3A_70 = arith.muli %add3A_66, %mul3A_69 : i32
        "tpu.region"() ({
          %run_scoped3A = tpu.sem_alloc : memref<!tpu.dma_semaphore, #tpu.memory_space<semaphore_mem>>
          %dma_start3A_74 = arith.constant 0 : i32
          %dma_start3A_75 = tpu.memref_slice %arg19[%mul3A_70, %dma_start3A_74] : memref<10000x80xf32, #tpu.memory_space<vmem_shared>> -> memref<80x80xf32, #tpu.memory_space<vmem_shared>>
          %dma_start3A_76 = arith.constant 0 : i32
          %dma_start3A_77 = tpu.memref_slice %arg19[%mul3A_70, %dma_start3A_76] : memref<10000x80xf32, #tpu.memory_space<vmem_shared>> -> memref<80x80xf32, #tpu.memory_space<vmem_shared>>
          tpu.enqueue_dma source(%dma_start3A_77 : memref<80x80xf32, #tpu.memory_space<vmem_shared>>) target(%arg18 : memref<80x80xf32, #tpu.memory_space<vmem>>) target_semaphore(%run_scoped3A : memref<!tpu.dma_semaphore, #tpu.memory_space<semaphore_mem>>)
          %dma_wait3A_78 = arith.constant 0 : i32
          %dma_wait3A_79 = tpu.memref_slice %arg19[%mul3A_70, %dma_wait3A_78] : memref<10000x80xf32, #tpu.memory_space<vmem_shared>> -> memref<80x80xf32, #tpu.memory_space<vmem_shared>>
          %dma_wait3A_80 = arith.constant 0 : i32
          %dma_wait3A_81 = tpu.memref_slice %arg19[%mul3A_70, %dma_wait3A_80] : memref<10000x80xf32, #tpu.memory_space<vmem_shared>> -> memref<80x80xf32, #tpu.memory_space<vmem_shared>>
          tpu.wait_dma2 semaphore(%run_scoped3A : memref<!tpu.dma_semaphore, #tpu.memory_space<semaphore_mem>>) src(%dma_wait3A_81 : memref<80x80xf32, #tpu.memory_space<vmem_shared>>) dst(%arg18 : memref<80x80xf32, #tpu.memory_space<vmem>>)
          tpu.yield
        }) : () -> ()
        %mul3A_71 = arith.constant 10000 : i32
        %mul3A_72 = arith.muli %arg0, %mul3A_71 : i32
        %add3A_73 = arith.addi %mul3A_72, %mul3A_70 : i32
        "tpu.region"() ({
          %run_scoped3A = tpu.sem_alloc : memref<!tpu.dma_semaphore, #tpu.memory_space<semaphore_mem>>
          %dma_start3A_74 = arith.constant 0 : i32
          %dma_start3A_75 = tpu.memref_slice %arg7[%add3A_73, %dma_start3A_74] : memref<20000x80xf32, #tpu.memory_space<hbm>> -> memref<80x80xf32, #tpu.memory_space<hbm>>
          %dma_start3A_76 = arith.constant 0 : i32
          %dma_start3A_77 = tpu.memref_slice %arg7[%add3A_73, %dma_start3A_76] : memref<20000x80xf32, #tpu.memory_space<hbm>> -> memref<80x80xf32, #tpu.memory_space<hbm>>
          tpu.enqueue_dma source(%arg18 : memref<80x80xf32, #tpu.memory_space<vmem>>) target(%dma_start3A_77 : memref<80x80xf32, #tpu.memory_space<hbm>>) target_semaphore(%run_scoped3A : memref<!tpu.dma_semaphore, #tpu.memory_space<semaphore_mem>>)
          %dma_wait3A_78 = arith.constant 0 : i32
          %dma_wait3A_79 = tpu.memref_slice %arg7[%add3A_73, %dma_wait3A_78] : memref<20000x80xf32, #tpu.memory_space<hbm>> -> memref<80x80xf32, #tpu.memory_space<hbm>>
          %dma_wait3A_80 = arith.constant 0 : i32
          %dma_wait3A_81 = tpu.memref_slice %arg7[%add3A_73, %dma_wait3A_80] : memref<20000x80xf32, #tpu.memory_space<hbm>> -> memref<80x80xf32, #tpu.memory_space<hbm>>
          tpu.wait_dma2 semaphore(%run_scoped3A : memref<!tpu.dma_semaphore, #tpu.memory_space<semaphore_mem>>) src(%arg18 : memref<80x80xf32, #tpu.memory_space<vmem>>) dst(%dma_wait3A_81 : memref<80x80xf32, #tpu.memory_space<hbm>>)
          tpu.yield
        }) : () -> ()
      } else {
      }
    }
    %scan3A_58 = arith.constant 8 : i32
    return
  }
}

module attributes {stable_mosaic.version = 14 : i64} {
  func.func @_proj_body(%arg0: i32, %arg1: memref<2000x128xf32, #tpu.memory_space<vmem>>, %arg2: memref<128x64xf32, #tpu.memory_space<vmem>>, %arg3: memref<1x64xf32, #tpu.memory_space<vmem>>, %arg4: memref<128x64xf32, #tpu.memory_space<vmem>>, %arg5: memref<1x64xf32, #tpu.memory_space<vmem>>, %arg6: memref<128x64xf32, #tpu.memory_space<vmem>>, %arg7: memref<1x64xf32, #tpu.memory_space<vmem>>, %arg8: memref<2000x64xf32, #tpu.memory_space<vmem>>, %arg9: memref<2000x128xf32, #tpu.memory_space<vmem>>) attributes {dimension_semantics = [#tpu.dimension_semantics<arbitrary>], iteration_bounds = array<i64: 5>, scalar_prefetch = 0 : i64, scratch_operands = 0 : i64, tpu.core_type = #tpu.core_type<tc>, window_params = [{transform_indices = @transform_0, window_bounds = array<i64: 2000, 128>}, {pipeline_mode = #tpu.pipeline_mode<synchronous>, transform_indices = @transform_1, window_bounds = array<i64: 128, 64>}, {pipeline_mode = #tpu.pipeline_mode<synchronous>, transform_indices = @transform_2, window_bounds = array<i64: 1, 64>}, {pipeline_mode = #tpu.pipeline_mode<synchronous>, transform_indices = @transform_3, window_bounds = array<i64: 128, 64>}, {pipeline_mode = #tpu.pipeline_mode<synchronous>, transform_indices = @transform_4, window_bounds = array<i64: 1, 64>}, {pipeline_mode = #tpu.pipeline_mode<synchronous>, transform_indices = @transform_5, window_bounds = array<i64: 128, 64>}, {pipeline_mode = #tpu.pipeline_mode<synchronous>, transform_indices = @transform_6, window_bounds = array<i64: 1, 64>}, {transform_indices = @transform_7, window_bounds = array<i64: 2000, 64>}, {transform_indices = @transform_8, window_bounds = array<i64: 2000, 128>}]} {
    %get3A = arith.constant 0 : index
    %get3A_0 = arith.constant 0 : index
    %get3A_1 = vector.load %arg1[%get3A, %get3A_0] : memref<2000x128xf32, #tpu.memory_space<vmem>>, vector<2000x128xf32>
    %get3A_2 = arith.constant 0 : index
    %get3A_3 = arith.constant 0 : index
    %get3A_4 = vector.load %arg2[%get3A_2, %get3A_3] : memref<128x64xf32, #tpu.memory_space<vmem>>, vector<128x64xf32>
    %dot_general3A = arith.constant dense<0.000000e+00> : vector<2000x64xf32>
    %dot_general3A_5 = tpu.matmul %get3A_1, %get3A_4, %dot_general3A {dimension_numbers = #tpu.dot_dimension_numbers<[1], [0], [0], [1], [0, 0, 1, 1], [], []>, transpose_lhs_hint = false} : vector<2000x128xf32>, vector<128x64xf32>, vector<2000x64xf32> -> vector<2000x64xf32>
    %get3A_6 = arith.constant 0 : index
    %get3A_7 = arith.constant 0 : index
    %get3A_8 = vector.load %arg3[%get3A_6, %get3A_7] : memref<1x64xf32, #tpu.memory_space<vmem>>, vector<1x64xf32>
    %add3A = vector.broadcast %get3A_8 : vector<1x64xf32> to vector<2000x64xf32>
    %add3A_9 = arith.addf %dot_general3A_5, %add3A : vector<2000x64xf32>
    %mul3A = arith.constant 1.250000e-01 : f32
    %mul3A_10 = vector.broadcast %mul3A : f32 to vector<2000x64xf32>
    %mul3A_11 = arith.mulf %add3A_9, %mul3A_10 : vector<2000x64xf32>
    %swap3A = arith.constant 0 : index
    %swap3A_12 = arith.constant 0 : index
    %swap3A_13 = vector.load %arg8[%swap3A, %swap3A_12] : memref<2000x64xf32, #tpu.memory_space<vmem>>, vector<2000x64xf32>
    tpu.vector_store %arg8[%swap3A, %swap3A_12], %mul3A_11 {strides = array<i32>} : memref<2000x64xf32, #tpu.memory_space<vmem>>, vector<2000x64xf32>,
    %get3A_14 = arith.constant 0 : index
    %get3A_15 = arith.constant 0 : index
    %get3A_16 = vector.load %arg4[%get3A_14, %get3A_15] : memref<128x64xf32, #tpu.memory_space<vmem>>, vector<128x64xf32>
    %dot_general3A_17 = arith.constant dense<0.000000e+00> : vector<2000x64xf32>
    %dot_general3A_18 = tpu.matmul %get3A_1, %get3A_16, %dot_general3A_17 {dimension_numbers = #tpu.dot_dimension_numbers<[1], [0], [0], [1], [0, 0, 1, 1], [], []>, transpose_lhs_hint = false} : vector<2000x128xf32>, vector<128x64xf32>, vector<2000x64xf32> -> vector<2000x64xf32>
    %get3A_19 = arith.constant 0 : index
    %get3A_20 = arith.constant 0 : index
    %get3A_21 = vector.load %arg5[%get3A_19, %get3A_20] : memref<1x64xf32, #tpu.memory_space<vmem>>, vector<1x64xf32>
    %add3A_22 = vector.broadcast %get3A_21 : vector<1x64xf32> to vector<2000x64xf32>
    %add3A_23 = arith.addf %dot_general3A_18, %add3A_22 : vector<2000x64xf32>
    %get3A_24 = arith.constant 0 : index
    %get3A_25 = arith.constant 0 : index
    %get3A_26 = vector.load %arg6[%get3A_24, %get3A_25] : memref<128x64xf32, #tpu.memory_space<vmem>>, vector<128x64xf32>
    %dot_general3A_27 = arith.constant dense<0.000000e+00> : vector<2000x64xf32>
    %dot_general3A_28 = tpu.matmul %get3A_1, %get3A_26, %dot_general3A_27 {dimension_numbers = #tpu.dot_dimension_numbers<[1], [0], [0], [1], [0, 0, 1, 1], [], []>, transpose_lhs_hint = false} : vector<2000x128xf32>, vector<128x64xf32>, vector<2000x64xf32> -> vector<2000x64xf32>
    %get3A_29 = arith.constant 0 : index
    %get3A_30 = arith.constant 0 : index
    %get3A_31 = vector.load %arg7[%get3A_29, %get3A_30] : memref<1x64xf32, #tpu.memory_space<vmem>>, vector<1x64xf32>
    %add3A_32 = vector.broadcast %get3A_31 : vector<1x64xf32> to vector<2000x64xf32>
    %add3A_33 = arith.addf %dot_general3A_28, %add3A_32 : vector<2000x64xf32>
    %concatenate3A = tpu.concatenate %add3A_23, %add3A_33 in 1 : vector<2000x64xf32>, vector<2000x64xf32> -> vector<2000x128xf32>
    %swap3A_34 = arith.constant 0 : index
    %swap3A_35 = arith.constant 0 : index
    %swap3A_36 = vector.load %arg9[%swap3A_34, %swap3A_35] : memref<2000x128xf32, #tpu.memory_space<vmem>>, vector<2000x128xf32>
    tpu.vector_store %arg9[%swap3A_34, %swap3A_35], %concatenate3A {strides = array<i32>} : memref<2000x128xf32, #tpu.memory_space<vmem>>, vector<2000x128xf32>,
    return
  }
  func.func @transform_0(%arg0: i32) -> (i32, i32) {
    %c0_i32 = arith.constant 0 : i32
    %c0_i32_0 = arith.constant 0 : i32
    return %arg0, %c0_i32 : i32, i32
  }
  func.func @transform_1(%arg0: i32) -> (i32, i32) {
    %c0_i32 = arith.constant 0 : i32
    %c0_i32_0 = arith.constant 0 : i32
    %c0_i32_1 = arith.constant 0 : i32
    return %c0_i32, %c0_i32_0 : i32, i32
  }
  func.func @transform_2(%arg0: i32) -> (i32, i32) {
    %c0_i32 = arith.constant 0 : i32
    %c0_i32_0 = arith.constant 0 : i32
    %c0_i32_1 = arith.constant 0 : i32
    return %c0_i32, %c0_i32_0 : i32, i32
  }
  func.func @transform_3(%arg0: i32) -> (i32, i32) {
    %c0_i32 = arith.constant 0 : i32
    %c0_i32_0 = arith.constant 0 : i32
    %c0_i32_1 = arith.constant 0 : i32
    return %c0_i32, %c0_i32_0 : i32, i32
  }
  func.func @transform_4(%arg0: i32) -> (i32, i32) {
    %c0_i32 = arith.constant 0 : i32
    %c0_i32_0 = arith.constant 0 : i32
    %c0_i32_1 = arith.constant 0 : i32
    return %c0_i32, %c0_i32_0 : i32, i32
  }
  func.func @transform_5(%arg0: i32) -> (i32, i32) {
    %c0_i32 = arith.constant 0 : i32
    %c0_i32_0 = arith.constant 0 : i32
    %c0_i32_1 = arith.constant 0 : i32
    return %c0_i32, %c0_i32_0 : i32, i32
  }
  func.func @transform_6(%arg0: i32) -> (i32, i32) {
    %c0_i32 = arith.constant 0 : i32
    %c0_i32_0 = arith.constant 0 : i32
    %c0_i32_1 = arith.constant 0 : i32
    return %c0_i32, %c0_i32_0 : i32, i32
  }
  func.func @transform_7(%arg0: i32) -> (i32, i32) {
    %c0_i32 = arith.constant 0 : i32
    %c0_i32_0 = arith.constant 0 : i32
    return %arg0, %c0_i32 : i32, i32
  }
  func.func @transform_8(%arg0: i32) -> (i32, i32) {
    %c0_i32 = arith.constant 0 : i32
    %c0_i32_0 = arith.constant 0 : i32
    return %arg0, %c0_i32 : i32, i32
  }
}

module attributes {stable_mosaic.version = 14 : i64} {
  func.func @_edge_body(%arg0: i32, %arg1: memref<4000x32xf32, #tpu.memory_space<vmem>>, %arg2: memref<32x128xf32, #tpu.memory_space<vmem>>, %arg3: memref<1x128xf32, #tpu.memory_space<vmem>>, %arg4: memref<32x128xf32, #tpu.memory_space<vmem>>, %arg5: memref<1x128xf32, #tpu.memory_space<vmem>>, %arg6: memref<4000x128xf32, #tpu.memory_space<vmem>>, %arg7: memref<4000x128xf32, #tpu.memory_space<vmem>>) attributes {dimension_semantics = [#tpu.dimension_semantics<arbitrary>], iteration_bounds = array<i64: 40>, scalar_prefetch = 0 : i64, scratch_operands = 0 : i64, tpu.core_type = #tpu.core_type<tc>, window_params = [{transform_indices = @transform_0, window_bounds = array<i64: 4000, 32>}, {pipeline_mode = #tpu.pipeline_mode<synchronous>, transform_indices = @transform_1, window_bounds = array<i64: 32, 128>}, {pipeline_mode = #tpu.pipeline_mode<synchronous>, transform_indices = @transform_2, window_bounds = array<i64: 1, 128>}, {pipeline_mode = #tpu.pipeline_mode<synchronous>, transform_indices = @transform_3, window_bounds = array<i64: 32, 128>}, {pipeline_mode = #tpu.pipeline_mode<synchronous>, transform_indices = @transform_4, window_bounds = array<i64: 1, 128>}, {transform_indices = @transform_5, window_bounds = array<i64: 4000, 128>}, {transform_indices = @transform_6, window_bounds = array<i64: 4000, 128>}]} {
    %get3A = arith.constant 0 : index
    %get3A_0 = arith.constant 0 : index
    %get3A_1 = vector.load %arg1[%get3A, %get3A_0] : memref<4000x32xf32, #tpu.memory_space<vmem>>, vector<4000x32xf32>
    %get3A_2 = arith.constant 0 : index
    %get3A_3 = arith.constant 0 : index
    %get3A_4 = vector.load %arg2[%get3A_2, %get3A_3] : memref<32x128xf32, #tpu.memory_space<vmem>>, vector<32x128xf32>
    %dot_general3A = arith.constant dense<0.000000e+00> : vector<4000x128xf32>
    %dot_general3A_5 = tpu.matmul %get3A_1, %get3A_4, %dot_general3A {dimension_numbers = #tpu.dot_dimension_numbers<[1], [0], [0], [1], [0, 0, 1, 1], [], []>, transpose_lhs_hint = false} : vector<4000x32xf32>, vector<32x128xf32>, vector<4000x128xf32> -> vector<4000x128xf32>
    %get3A_6 = arith.constant 0 : index
    %get3A_7 = arith.constant 0 : index
    %get3A_8 = vector.load %arg3[%get3A_6, %get3A_7] : memref<1x128xf32, #tpu.memory_space<vmem>>, vector<1x128xf32>
    %add3A = vector.broadcast %get3A_8 : vector<1x128xf32> to vector<4000x128xf32>
    %add3A_9 = arith.addf %dot_general3A_5, %add3A : vector<4000x128xf32>
    %swap3A = arith.constant 0 : index
    %swap3A_10 = arith.constant 0 : index
    %swap3A_11 = vector.load %arg6[%swap3A, %swap3A_10] : memref<4000x128xf32, #tpu.memory_space<vmem>>, vector<4000x128xf32>
    tpu.vector_store %arg6[%swap3A, %swap3A_10], %add3A_9 {strides = array<i32>} : memref<4000x128xf32, #tpu.memory_space<vmem>>, vector<4000x128xf32>,
    %get3A_12 = arith.constant 0 : index
    %get3A_13 = arith.constant 0 : index
    %get3A_14 = vector.load %arg4[%get3A_12, %get3A_13] : memref<32x128xf32, #tpu.memory_space<vmem>>, vector<32x128xf32>
    %dot_general3A_15 = arith.constant dense<0.000000e+00> : vector<4000x128xf32>
    %dot_general3A_16 = tpu.matmul %get3A_1, %get3A_14, %dot_general3A_15 {dimension_numbers = #tpu.dot_dimension_numbers<[1], [0], [0], [1], [0, 0, 1, 1], [], []>, transpose_lhs_hint = false} : vector<4000x32xf32>, vector<32x128xf32>, vector<4000x128xf32> -> vector<4000x128xf32>
    %get3A_17 = arith.constant 0 : index
    %get3A_18 = arith.constant 0 : index
    %get3A_19 = vector.load %arg5[%get3A_17, %get3A_18] : memref<1x128xf32, #tpu.memory_space<vmem>>, vector<1x128xf32>
    %add3A_20 = vector.broadcast %get3A_19 : vector<1x128xf32> to vector<4000x128xf32>
    %add3A_21 = arith.addf %dot_general3A_16, %add3A_20 : vector<4000x128xf32>
    %swap3A_22 = arith.constant 0 : index
    %swap3A_23 = arith.constant 0 : index
    %swap3A_24 = vector.load %arg7[%swap3A_22, %swap3A_23] : memref<4000x128xf32, #tpu.memory_space<vmem>>, vector<4000x128xf32>
    tpu.vector_store %arg7[%swap3A_22, %swap3A_23], %add3A_21 {strides = array<i32>} : memref<4000x128xf32, #tpu.memory_space<vmem>>, vector<4000x128xf32>,
    return
  }
  func.func @transform_0(%arg0: i32) -> (i32, i32) {
    %c0_i32 = arith.constant 0 : i32
    %c0_i32_0 = arith.constant 0 : i32
    return %arg0, %c0_i32 : i32, i32
  }
  func.func @transform_1(%arg0: i32) -> (i32, i32) {
    %c0_i32 = arith.constant 0 : i32
    %c0_i32_0 = arith.constant 0 : i32
    %c0_i32_1 = arith.constant 0 : i32
    return %c0_i32, %c0_i32_0 : i32, i32
  }
  func.func @transform_2(%arg0: i32) -> (i32, i32) {
    %c0_i32 = arith.constant 0 : i32
    %c0_i32_0 = arith.constant 0 : i32
    %c0_i32_1 = arith.constant 0 : i32
    return %c0_i32, %c0_i32_0 : i32, i32
  }
  func.func @transform_3(%arg0: i32) -> (i32, i32) {
    %c0_i32 = arith.constant 0 : i32
    %c0_i32_0 = arith.constant 0 : i32
    %c0_i32_1 = arith.constant 0 : i32
    return %c0_i32, %c0_i32_0 : i32, i32
  }
  func.func @transform_4(%arg0: i32) -> (i32, i32) {
    %c0_i32 = arith.constant 0 : i32
    %c0_i32_0 = arith.constant 0 : i32
    %c0_i32_1 = arith.constant 0 : i32
    return %c0_i32, %c0_i32_0 : i32, i32
  }
  func.func @transform_5(%arg0: i32) -> (i32, i32) {
    %c0_i32 = arith.constant 0 : i32
    %c0_i32_0 = arith.constant 0 : i32
    return %arg0, %c0_i32 : i32, i32
  }
  func.func @transform_6(%arg0: i32) -> (i32, i32) {
    %c0_i32 = arith.constant 0 : i32
    %c0_i32_0 = arith.constant 0 : i32
    return %arg0, %c0_i32 : i32, i32
  }
}

module attributes {stable_mosaic.version = 14 : i64} {
  func.func @_mid_body(%arg0: i32, %arg1: memref<2000x80xf32, #tpu.memory_space<vmem>>, %arg2: memref<2000x80xf32, #tpu.memory_space<vmem>>, %arg3: memref<64x64xf32, #tpu.memory_space<vmem>>, %arg4: memref<1x64xf32, #tpu.memory_space<vmem>>, %arg5: memref<64x64xf32, #tpu.memory_space<vmem>>, %arg6: memref<1x64xf32, #tpu.memory_space<vmem>>, %arg7: memref<64x64xf32, #tpu.memory_space<vmem>>, %arg8: memref<1x64xf32, #tpu.memory_space<vmem>>, %arg9: memref<2000x64xf32, #tpu.memory_space<vmem>>, %arg10: memref<2000x128xf32, #tpu.memory_space<vmem>>) attributes {dimension_semantics = [#tpu.dimension_semantics<arbitrary>], iteration_bounds = array<i64: 5>, scalar_prefetch = 0 : i64, scratch_operands = 0 : i64, tpu.core_type = #tpu.core_type<tc>, window_params = [{transform_indices = @transform_0, window_bounds = array<i64: 2000, 80>}, {transform_indices = @transform_1, window_bounds = array<i64: 2000, 80>}, {pipeline_mode = #tpu.pipeline_mode<synchronous>, transform_indices = @transform_2, window_bounds = array<i64: 64, 64>}, {pipeline_mode = #tpu.pipeline_mode<synchronous>, transform_indices = @transform_3, window_bounds = array<i64: 1, 64>}, {pipeline_mode = #tpu.pipeline_mode<synchronous>, transform_indices = @transform_4, window_bounds = array<i64: 64, 64>}, {pipeline_mode = #tpu.pipeline_mode<synchronous>, transform_indices = @transform_5, window_bounds = array<i64: 1, 64>}, {pipeline_mode = #tpu.pipeline_mode<synchronous>, transform_indices = @transform_6, window_bounds = array<i64: 64, 64>}, {pipeline_mode = #tpu.pipeline_mode<synchronous>, transform_indices = @transform_7, window_bounds = array<i64: 1, 64>}, {transform_indices = @transform_8, window_bounds = array<i64: 2000, 64>}, {transform_indices = @transform_9, window_bounds = array<i64: 2000, 128>}]} {
    %get3A = arith.constant 0 : index
    %get3A_0 = arith.constant 0 : index
    %get3A_1 = vector.load %arg1[%get3A, %get3A_0] : memref<2000x80xf32, #tpu.memory_space<vmem>>, vector<2000x80xf32>
    %get3A_2 = arith.constant 0 : index
    %get3A_3 = arith.constant 0 : index
    %get3A_4 = vector.load %arg2[%get3A_2, %get3A_3] : memref<2000x80xf32, #tpu.memory_space<vmem>>, vector<2000x80xf32>
    %add3A = arith.addf %get3A_1, %get3A_4 : vector<2000x80xf32>
    %slice3A = vector.extract_strided_slice %add3A {offsets = [0, 0], sizes = [2000, 64], strides = [1, 1]} : vector<2000x80xf32> to vector<2000x64xf32>
    %slice3A_5 = vector.extract_strided_slice %add3A {offsets = [0, 64], sizes = [2000, 1], strides = [1, 1]} : vector<2000x80xf32> to vector<2000x1xf32>
    %add3A_6 = arith.constant 1.000000e-16 : f32
    %add3A_7 = vector.broadcast %add3A_6 : f32 to vector<2000x1xf32>
    %add3A_8 = arith.addf %slice3A_5, %add3A_7 : vector<2000x1xf32>
    %div3A = vector.broadcast %add3A_8 : vector<2000x1xf32> to vector<2000x64xf32>
    %div3A_9 = arith.divf %slice3A, %div3A : vector<2000x64xf32>
    %max3A = arith.constant 0.000000e+00 : f32
    %max3A_10 = vector.broadcast %max3A : f32 to vector<2000x64xf32>
    %max3A_11 = arith.maximumf %div3A_9, %max3A_10 : vector<2000x64xf32>
    %get3A_12 = arith.constant 0 : index
    %get3A_13 = arith.constant 0 : index
    %get3A_14 = vector.load %arg3[%get3A_12, %get3A_13] : memref<64x64xf32, #tpu.memory_space<vmem>>, vector<64x64xf32>
    %dot_general3A = arith.constant dense<0.000000e+00> : vector<2000x64xf32>
    %dot_general3A_15 = tpu.matmul %max3A_11, %get3A_14, %dot_general3A {dimension_numbers = #tpu.dot_dimension_numbers<[1], [0], [0], [1], [0, 0, 1, 1], [], []>, transpose_lhs_hint = false} : vector<2000x64xf32>, vector<64x64xf32>, vector<2000x64xf32> -> vector<2000x64xf32>
    %get3A_16 = arith.constant 0 : index
    %get3A_17 = arith.constant 0 : index
    %get3A_18 = vector.load %arg4[%get3A_16, %get3A_17] : memref<1x64xf32, #tpu.memory_space<vmem>>, vector<1x64xf32>
    %add3A_19 = vector.broadcast %get3A_18 : vector<1x64xf32> to vector<2000x64xf32>
    %add3A_20 = arith.addf %dot_general3A_15, %add3A_19 : vector<2000x64xf32>
    %mul3A = arith.constant 1.250000e-01 : f32
    %mul3A_21 = vector.broadcast %mul3A : f32 to vector<2000x64xf32>
    %mul3A_22 = arith.mulf %add3A_20, %mul3A_21 : vector<2000x64xf32>
    %swap3A = arith.constant 0 : index
    %swap3A_23 = arith.constant 0 : index
    %swap3A_24 = vector.load %arg9[%swap3A, %swap3A_23] : memref<2000x64xf32, #tpu.memory_space<vmem>>, vector<2000x64xf32>
    tpu.vector_store %arg9[%swap3A, %swap3A_23], %mul3A_22 {strides = array<i32>} : memref<2000x64xf32, #tpu.memory_space<vmem>>, vector<2000x64xf32>,
    %get3A_25 = arith.constant 0 : index
    %get3A_26 = arith.constant 0 : index
    %get3A_27 = vector.load %arg5[%get3A_25, %get3A_26] : memref<64x64xf32, #tpu.memory_space<vmem>>, vector<64x64xf32>
    %dot_general3A_28 = arith.constant dense<0.000000e+00> : vector<2000x64xf32>
    %dot_general3A_29 = tpu.matmul %max3A_11, %get3A_27, %dot_general3A_28 {dimension_numbers = #tpu.dot_dimension_numbers<[1], [0], [0], [1], [0, 0, 1, 1], [], []>, transpose_lhs_hint = false} : vector<2000x64xf32>, vector<64x64xf32>, vector<2000x64xf32> -> vector<2000x64xf32>
    %get3A_30 = arith.constant 0 : index
    %get3A_31 = arith.constant 0 : index
    %get3A_32 = vector.load %arg6[%get3A_30, %get3A_31] : memref<1x64xf32, #tpu.memory_space<vmem>>, vector<1x64xf32>
    %add3A_33 = vector.broadcast %get3A_32 : vector<1x64xf32> to vector<2000x64xf32>
    %add3A_34 = arith.addf %dot_general3A_29, %add3A_33 : vector<2000x64xf32>
    %get3A_35 = arith.constant 0 : index
    %get3A_36 = arith.constant 0 : index
    %get3A_37 = vector.load %arg7[%get3A_35, %get3A_36] : memref<64x64xf32, #tpu.memory_space<vmem>>, vector<64x64xf32>
    %dot_general3A_38 = arith.constant dense<0.000000e+00> : vector<2000x64xf32>
    %dot_general3A_39 = tpu.matmul %max3A_11, %get3A_37, %dot_general3A_38 {dimension_numbers = #tpu.dot_dimension_numbers<[1], [0], [0], [1], [0, 0, 1, 1], [], []>, transpose_lhs_hint = false} : vector<2000x64xf32>, vector<64x64xf32>, vector<2000x64xf32> -> vector<2000x64xf32>
    %get3A_40 = arith.constant 0 : index
    %get3A_41 = arith.constant 0 : index
    %get3A_42 = vector.load %arg8[%get3A_40, %get3A_41] : memref<1x64xf32, #tpu.memory_space<vmem>>, vector<1x64xf32>
    %add3A_43 = vector.broadcast %get3A_42 : vector<1x64xf32> to vector<2000x64xf32>
    %add3A_44 = arith.addf %dot_general3A_39, %add3A_43 : vector<2000x64xf32>
    %concatenate3A = tpu.concatenate %add3A_34, %add3A_44 in 1 : vector<2000x64xf32>, vector<2000x64xf32> -> vector<2000x128xf32>
    %swap3A_45 = arith.constant 0 : index
    %swap3A_46 = arith.constant 0 : index
    %swap3A_47 = vector.load %arg10[%swap3A_45, %swap3A_46] : memref<2000x128xf32, #tpu.memory_space<vmem>>, vector<2000x128xf32>
    tpu.vector_store %arg10[%swap3A_45, %swap3A_46], %concatenate3A {strides = array<i32>} : memref<2000x128xf32, #tpu.memory_space<vmem>>, vector<2000x128xf32>,
    return
  }
  func.func @transform_0(%arg0: i32) -> (i32, i32) {
    %c0_i32 = arith.constant 0 : i32
    %c0_i32_0 = arith.constant 0 : i32
    return %arg0, %c0_i32 : i32, i32
  }
  func.func @transform_1(%arg0: i32) -> (i32, i32) {
    %add3A = arith.constant 5 : i32
    %add3A_0 = arith.addi %arg0, %add3A : i32
    %c0_i32 = arith.constant 0 : i32
    %c0_i32_1 = arith.constant 0 : i32
    return %add3A_0, %c0_i32 : i32, i32
  }
  func.func @transform_2(%arg0: i32) -> (i32, i32) {
    %c0_i32 = arith.constant 0 : i32
    %c0_i32_0 = arith.constant 0 : i32
    %c0_i32_1 = arith.constant 0 : i32
    return %c0_i32, %c0_i32_0 : i32, i32
  }
  func.func @transform_3(%arg0: i32) -> (i32, i32) {
    %c0_i32 = arith.constant 0 : i32
    %c0_i32_0 = arith.constant 0 : i32
    %c0_i32_1 = arith.constant 0 : i32
    return %c0_i32, %c0_i32_0 : i32, i32
  }
  func.func @transform_4(%arg0: i32) -> (i32, i32) {
    %c0_i32 = arith.constant 0 : i32
    %c0_i32_0 = arith.constant 0 : i32
    %c0_i32_1 = arith.constant 0 : i32
    return %c0_i32, %c0_i32_0 : i32, i32
  }
  func.func @transform_5(%arg0: i32) -> (i32, i32) {
    %c0_i32 = arith.constant 0 : i32
    %c0_i32_0 = arith.constant 0 : i32
    %c0_i32_1 = arith.constant 0 : i32
    return %c0_i32, %c0_i32_0 : i32, i32
  }
  func.func @transform_6(%arg0: i32) -> (i32, i32) {
    %c0_i32 = arith.constant 0 : i32
    %c0_i32_0 = arith.constant 0 : i32
    %c0_i32_1 = arith.constant 0 : i32
    return %c0_i32, %c0_i32_0 : i32, i32
  }
  func.func @transform_7(%arg0: i32) -> (i32, i32) {
    %c0_i32 = arith.constant 0 : i32
    %c0_i32_0 = arith.constant 0 : i32
    %c0_i32_1 = arith.constant 0 : i32
    return %c0_i32, %c0_i32_0 : i32, i32
  }
  func.func @transform_8(%arg0: i32) -> (i32, i32) {
    %c0_i32 = arith.constant 0 : i32
    %c0_i32_0 = arith.constant 0 : i32
    return %arg0, %c0_i32 : i32, i32
  }
  func.func @transform_9(%arg0: i32) -> (i32, i32) {
    %c0_i32 = arith.constant 0 : i32
    %c0_i32_0 = arith.constant 0 : i32
    return %arg0, %c0_i32 : i32, i32
  }
}

module attributes {stable_mosaic.version = 14 : i64} {
  func.func @_final_body(%arg0: i32, %arg1: memref<2000x80xf32, #tpu.memory_space<vmem>>, %arg2: memref<2000x80xf32, #tpu.memory_space<vmem>>, %arg3: memref<2000x64xf32, #tpu.memory_space<vmem>>) attributes {dimension_semantics = [#tpu.dimension_semantics<arbitrary>], iteration_bounds = array<i64: 5>, scalar_prefetch = 0 : i64, scratch_operands = 0 : i64, tpu.core_type = #tpu.core_type<tc>, window_params = [{transform_indices = @transform_0, window_bounds = array<i64: 2000, 80>}, {transform_indices = @transform_1, window_bounds = array<i64: 2000, 80>}, {transform_indices = @transform_2, window_bounds = array<i64: 2000, 64>}]} {
    %get3A = arith.constant 0 : index
    %get3A_0 = arith.constant 0 : index
    %get3A_1 = vector.load %arg1[%get3A, %get3A_0] : memref<2000x80xf32, #tpu.memory_space<vmem>>, vector<2000x80xf32>
    %get3A_2 = arith.constant 0 : index
    %get3A_3 = arith.constant 0 : index
    %get3A_4 = vector.load %arg2[%get3A_2, %get3A_3] : memref<2000x80xf32, #tpu.memory_space<vmem>>, vector<2000x80xf32>
    %add3A = arith.addf %get3A_1, %get3A_4 : vector<2000x80xf32>
    %slice3A = vector.extract_strided_slice %add3A {offsets = [0, 0], sizes = [2000, 64], strides = [1, 1]} : vector<2000x80xf32> to vector<2000x64xf32>
    %slice3A_5 = vector.extract_strided_slice %add3A {offsets = [0, 64], sizes = [2000, 1], strides = [1, 1]} : vector<2000x80xf32> to vector<2000x1xf32>
    %add3A_6 = arith.constant 1.000000e-16 : f32
    %add3A_7 = vector.broadcast %add3A_6 : f32 to vector<2000x1xf32>
    %add3A_8 = arith.addf %slice3A_5, %add3A_7 : vector<2000x1xf32>
    %div3A = vector.broadcast %add3A_8 : vector<2000x1xf32> to vector<2000x64xf32>
    %div3A_9 = arith.divf %slice3A, %div3A : vector<2000x64xf32>
    %swap3A = arith.constant 0 : index
    %swap3A_10 = arith.constant 0 : index
    %swap3A_11 = vector.load %arg3[%swap3A, %swap3A_10] : memref<2000x64xf32, #tpu.memory_space<vmem>>, vector<2000x64xf32>
    tpu.vector_store %arg3[%swap3A, %swap3A_10], %div3A_9 {strides = array<i32>} : memref<2000x64xf32, #tpu.memory_space<vmem>>, vector<2000x64xf32>,
    return
  }
  func.func @transform_0(%arg0: i32) -> (i32, i32) {
    %c0_i32 = arith.constant 0 : i32
    %c0_i32_0 = arith.constant 0 : i32
    return %arg0, %c0_i32 : i32, i32
  }
  func.func @transform_1(%arg0: i32) -> (i32, i32) {
    %add3A = arith.constant 5 : i32
    %add3A_0 = arith.addi %arg0, %add3A : i32
    %c0_i32 = arith.constant 0 : i32
    %c0_i32_1 = arith.constant 0 : i32
    return %add3A_0, %c0_i32 : i32, i32
  }
  func.func @transform_2(%arg0: i32) -> (i32, i32) {
    %c0_i32 = arith.constant 0 : i32
    %c0_i32_0 = arith.constant 0 : i32
    return %arg0, %c0_i32 : i32, i32
  }
}

</mosaic_0001>

<sc_bundles>
// kernel: kernel.11.cloned.1.call-start
scs
__scs_entry_jumppad:
0x0: {  	(pc) =	sbr.rel $0x88, $3  }
0x1: {  	(tag) =	ssettag $0x0;
	lr =	simm.s32 $0x1  }
0x2: {  	[smem:$0x3F8E] =	sst lr;
	_ =	strace $0xD0000000  }
0x3: {  	_ = 	snop  }
0x4: {  	_ = 	snop  }
0x5: {  	_ = 	snop  }
0x6: {  	_ = 	snop  }
0x7: {  	_ = 	snop  }
__scs_overlays_trampoline_lowered:
0x8: {  	[smem:$0x3F9D] =	sst s0  }
0x9: {  	[smem:$0x3F9E] =	sst s1  }
0xa: {  	[smem:$0x3F9F] =	sst s2  }
0xb: {  	[smem:$0x3FA0] =	sst s3  }
0xc: {  	[smem:$0x3FA1] =	sst s4  }
0xd: {  	[smem:$0x3FA2] =	sst s5  }
0xe: {  	[smem:$0x3FA3] =	sst s6  }
0xf: {  	[smem:$0x3FA4] =	sst s7  }
0x10: {  	[smem:$0x3FA5] =	sst s8  }
0x11: {  	[smem:$0x3FA6] =	sst s9;
	s0 =	simm.s32 @!p0 $0x0  }
0x12: {  	s1 =	sld [smem:$0x3F8C];
	s0 =	simm.s32 @p0 $0x1  }
0x13: {  	[smem:$0x3FA7] =	sst s0;
	s0 =	simm.s32 @!p1 $0x0  }
0x14: {  	s2 =	sld [smem:$0x3F8B];
	s0 =	simm.s32 @p1 $0x1  }
0x15: {  	[smem:$0x3FA8] =	sst s0;
	s0 =	simm.s32 @!p2 $0x0  }
0x16: {  	s3 =	sld [smem:$0x3FDB];
	s0 =	simm.s32 @p2 $0x1  }
0x17: {  	s4 =	simm.s32 $0x1BF5;
	[smem:$0x3FAA] =	sst s0  }
0x18: {  	s0 =	sld [smem:$0x3F8D];
	_ =	swait.ge [sflag:s4], $0x0  }
0x19: {  	s7 =	sld [smem:$0x3F8E]  }
0x1a: {  	s8 =	sadd.s32 $0xFFFFE003, lr  }
0x1b: {  	s9 =	sadd.s32 $0xFFFFFEF7, lr;
	s5 =	simm.s32 $0xFFFFFFFF;
	p2 =	slt.u32 s8, $0xFFFFF086  }
0x1c: {  	p1 =	slt.u32 s9, $0xF7A;
	s5 =	simm.s32 @!p2 $0x0  }
0x1d: {  	s5 =	simm.s32 @p1 $0x1;
	p0 =	seq.s32 s7, s2  }
0x1e: {  	s7 =	smul.u32 @!p0 $0xF7A, s2;
	p2 =	seq.s32 @!p0 s5, $0x0  }
0x1f: {  	s9 =	smul.u32 $0xF7A, s1;
	s8 =	simm.s32 @!p0 $0x1BF5;
	p2 =	por !p2, p0  }
0x20: {  	[sflag:s8] =	ssyncset.s32 @!p0 $0xFFFFF086;
	s6 =	sadd.s32 @!p0 s3, s7;
	s7 =	simm.s32 @!p0 $0x108  }
0x21: {  	s3 =	sadd.s32 s3, s9;
	s6 =	sadd.s32 @!p0 $0x88, s6;
	s7 =	simm.s32 @p2 $0x1082  }
0x22: {  	[simem:s7], [sflag:s8] =	dma.local @!p0 [hbm:s6], $0xF7A  }
0x23: {  	s9 =	sor.u32 $0xD0000000, s2;
	s6 =	simm.s32 $0x108;
	_ =	swait.ge @!p0 [sflag:s8], $0x0  }
0x24: {  	s3 =	sadd.s32 $0x88, s3;
	s6 =	simm.s32 @!p1 $0x1082;
	[sflag:s4] =	ssyncset.s32 $0xFFFFF086  }
0x25: {  	[simem:s6], [sflag:s4] =	dma.local [hbm:s3], $0xF7A  }
0x26: {  	[smem:$0x3F8E] =	sst s1;
	(tag) =	ssettag s2;
	_ =	strace s9  }
0x27: {  	s1 =	sld [smem:$0x3F9E]  }
0x28: {  	s2 =	sld [smem:$0x3F9F]  }
0x29: {  	s4 =	sld [smem:$0x3FA1]  }
0x2a: {  	p0 =	seq.s32 s5, $0x0;
	s5 =	sld [smem:$0x3FA2]  }
0x2b: {  	s6 =	sld [smem:$0x3FA3]  }
0x2c: {  	s7 =	sld [smem:$0x3FA4]  }
0x2d: {  	s3 =	simm.s32 $0x108;
	s8 =	sld [smem:$0x3FA5]  }
0x2e: {  	s3 =	simm.s32 @!p0 $0x1082;
	s9 =	sld [smem:$0x3FA6]  }
0x2f: {  	lr =	sadd.s32 s0, s3;
	s0 =	sld [smem:$0x3F9D]  }
0x30: {  	s3 =	sld [smem:$0x3FA0]  }
0x31: {  	[smem:$0x3FA9] =	sst s10  }
0x32: {  	s10 =	sld [smem:$0x3FA7];
	_ =	sdelay $0x3  }
0x33: {  	p0 =	seq.s32 s10, $0x1;
	s10 =	sld [smem:$0x3FA9];
	_ =	sdelay $0x3  }
0x34: {  	[smem:$0x3FA9] =	sst s10  }
0x35: {  	s10 =	sld [smem:$0x3FA8];
	_ =	sdelay $0x3  }
0x36: {  	p1 =	seq.s32 s10, $0x1;
	s10 =	sld [smem:$0x3FA9];
	_ =	sdelay $0x3  }
0x37: {  	[smem:$0x3FA9] =	sst s10  }
0x38: {  	s10 =	sld [smem:$0x3FAA]  }
0x39: {  	_ = 	snop;
	(pc) =	sbr.ind lr, $3  }
0x3a: {  	_ = 	snop  }
0x3b: {  	_ = 	snop  }
0x3c: {  	p2 =	seq.s32 s10, $0x1;
	s10 =	sld [smem:$0x3FA9]  }
0x3d: {  	_ =	shalt  }
0x3e: {  	_ =	shalt  }
0x3f: {  	_ =	shalt  }
0x40: {  	_ =	shalt  }
0x41: {  	_ =	shalt  }
0x42: {  	_ =	shalt  }
0x43: {  	_ =	shalt  }
0x44: {  	_ =	shalt  }
0x45: {  	_ =	shalt  }
0x46: {  	_ =	shalt  }
0x47: {  	_ =	shalt  }
0x48: {  	_ =	shalt  }
0x49: {  	_ =	shalt  }
0x4a: {  	_ =	shalt  }
0x4b: {  	_ =	shalt  }
0x4c: {  	_ =	shalt  }
0x4d: {  	_ =	shalt  }
0x4e: {  	_ =	shalt  }
0x4f: {  	_ =	shalt  }
0x50: {  	_ =	shalt  }
0x51: {  	_ =	shalt  }
0x52: {  	_ =	shalt  }
0x53: {  	_ =	shalt  }
0x54: {  	_ =	shalt  }
0x55: {  	_ =	shalt  }
0x56: {  	_ =	shalt  }
0x57: {  	_ =	shalt  }
0x58: {  	_ =	shalt  }
0x59: {  	_ =	shalt  }
0x5a: {  	_ =	shalt  }
0x5b: {  	_ =	shalt  }
0x5c: {  	_ =	shalt  }
0x5d: {  	_ =	shalt  }
0x5e: {  	_ =	shalt  }
0x5f: {  	_ =	shalt  }
0x60: {  	_ =	shalt  }
0x61: {  	_ =	shalt  }
0x62: {  	_ =	shalt  }
0x63: {  	_ =	shalt  }
0x64: {  	_ =	shalt  }
0x65: {  	_ =	shalt  }
0x66: {  	_ =	shalt  }
0x67: {  	_ =	shalt  }
0x68: {  	_ =	shalt  }
0x69: {  	_ =	shalt  }
0x6a: {  	_ =	shalt  }
0x6b: {  	_ =	shalt  }
0x6c: {  	_ =	shalt  }
0x6d: {  	_ =	shalt  }
0x6e: {  	_ =	shalt  }
0x6f: {  	_ =	shalt  }
0x70: {  	_ =	shalt  }
0x71: {  	_ =	shalt  }
0x72: {  	_ =	shalt  }
0x73: {  	_ =	shalt  }
0x74: {  	_ =	shalt  }
0x75: {  	_ =	shalt  }
0x76: {  	_ =	shalt  }
0x77: {  	_ =	shalt  }
0x78: {  	_ =	shalt  }
0x79: {  	_ =	shalt  }
0x7a: {  	_ =	shalt  }
0x7b: {  	_ =	shalt  }
0x7c: {  	_ =	shalt  }
0x7d: {  	_ =	shalt  }
0x7e: {  	_ =	shalt  }
0x7f: {  	_ =	shalt  }
0x80: {  	_ =	shalt  }
0x81: {  	_ =	shalt  }
0x82: {  	_ =	shalt  }
0x83: {  	_ =	shalt  }
0x84: {  	_ =	shalt  }
0x85: {  	_ =	shalt  }
0x86: {  	_ =	shalt  }
0x87: {  	_ =	shalt  }
.Lfunc_end0:
.L_simem_size_0:
called_computation.1_lowered:
.L_overlay_start_0:
0x88: {  	s2 =	sld [smem:$0x3FD9]  }
0x89: {  	s3 =	sld [smem:$0x3FFE];
	_ =	sdelay $0x1  }
0x8a: {  	s1 =	srdreg.scid  }
0x8b: {  	s0 =	sand.u32 $0x1, s1  }
0x8c: {  	s17 =	sshll.u32 s0, $0xA;
	s2 =	sadd.s32 s3, s2  }
0x8d: {  	s2 =	sadd.s32 s2, s17  }
0x8e: {  	[smem:$0x3FB5] =	sst s2  }
0x8f: {  	_ = 	snop  }
0x90: {  	s2 =	sld [smem:$0x3FD0];
	(tm) =	ssettm $0x1  }
0x91: {  	s18 =	sld [smem:$0x3FFB];
	_ =	sdelay $0x3  }
0x92: {  	_ =	strace s18  }
0x93: {  	s3 =	sld [smem:$0x3FFC];
	_ =	sdelay $0x3  }
0x94: {  	_ =	strace s3  }
0x95: {  	s3 =	sld [smem:$0x3FFD];
	_ =	sdelay $0x3  }
0x96: {  	_ =	strace s3  }
0x97: {  	_ =	strace $0x8FFFFFFF  }
0x98: {  	s19 =	sld [smem:$0x3FDB];
	_ =	sdelay $0x1  }
0x99: {  	s4 =	simm.s32 $_scs_section_size  }
0x9a: {  	s5 =	simm.s32 $_size__tile_overlayer_lowered;
	s6 =	simm.s32 $_tile_overlayer_lowered  }
0x9b: {  	s22 =	simm.s32 $0x1BFF;
	s21 =	sshll.u32 s6, $0x1;
	s3 =	sadd.s32 s4, s19  }
0x9c: {  	s7 =	simm.s32 $0x0;
	s20 =	sshll.u32 s5, $0x1;
	s5 =	sadd.s32 s21, s3  }
0x9d: {  	[timem:s7], [sflag:s22] =	dma.local [hbm:s5], s20  }
0x9e: {  	_ =	swait.ge [sflag:s22], s20  }
0x9f: {  	s4 =	ssub.s32 $0x0, s20;
	[sflag:s22] =	ssyncset.done $0x0  }
0xa0: {  	[sflag:s22] =	ssyncadd.s32 s4;
	_ =	sdelay $0x1  }
0xa1: {  	s23 =	simm.s32 $0x1B8B  }
0xa2: {  	_ =	swait.ge [sflag:s23], $0x1  }
0xa3: {  	[sflag:s23] =	ssyncset.done $0x0  }
0xa4: {  	s25 =	simm.s32 $0x1B8E;
	s24 =	sld [smem:$0x3FFE];
	[sflag:s23] =	ssyncadd.s32 $0xFFFFFFFF  }
0xa5: {  	s26 =	simm.s32 $execute0_lowered;
	[smem:$0x3FD2] =	sst s25  }
0xa6: {  	s5 =	sshll.u32 s26, $0x1;
	_ =	strace $0x80000049;
	[dreg:$0x1] =	wrdreg $0xFFFFFFFF  }
0xa7: {  	s28 =	simm.s32 $_size_execute0_lowered;
	s3 =	sadd.s32 s3, s5;
	[dreg:$0x0] =	wrdreg $0x0  }
0xa8: {  	s5 =	sshll.u32 s28, $0x1;
	[dreg:$0x2] =	wrdreg s3  }
0xa9: {  	[dreg:$0x3] =	wrdreg s5  }
0xaa: {  	[dreg:$0x4] =	wrdreg $0xC0  }
0xab: {  	_ =	task [dreg:s7], $0x5FFFF  }
0xac: {  	[dreg:$0x1] =	wrdreg $0xFFFFFFFF  }
0xad: {  	[dreg:$0x0] =	wrdreg $0x60  }
0xae: {  	[dreg:$0x2] =	wrdreg s2  }
0xaf: {  	[dreg:$0x3] =	wrdreg s24  }
0xb0: {  	[dreg:$0x4] =	wrdreg $0x139200  }
0xb1: {  	[dreg:$0x5] =	wrdreg $0x9  }
0xb2: {  	_ =	task.clear_ibuf [dreg:s7], $0x6FFFF;
	_ =	strace $0x90000049  }
0xb3: {  	s29 =	simm.s32 $0x9;
	_ =	strace $0x8000004B  }
0xb4: {  	_ =	swait.ge [sflag:s29], $0x1  }
0xb5: {  	[sflag:s29] =	ssyncadd.s32 $0xFFFFFFFF  }
0xb6: {  	_ =	strace $0x9000004B  }
0xb7: {  	_ =	sfence  }
0xb8: {  	s30 =	sld [smem:$0x0];
	_ =	sdelay $0x2  }
0xb9: {  	s31 =	sshll.u32 s1, $0xD;
	s1 =	sshrl.u32 s1, $0x2  }
0xba: {  	s3 =	sand.u32 $0x4000, s31;
	s1 =	sadd.s32 s1, s30  }
0xbb: {  	s0 =	sor.u32 s3, s0;
	s1 =	sshll.u32 s1, $0x11  }
0xbc: {  	s0 =	sor.u32 s1, s0  }
0xbd: {  	s0 =	sadd.s32 $0x8F2B, s0  }
0xbe: {  	[sflag:s0] =	ssyncadd.remote.s32 $0x1  }
0xbf: {  	_ =	sfence.sel $0xFFFF  }
0xc0: {  	[dreg:$0x0] =	wrdreg $0xFFFFFFFF;
	(pc) =	sbr.abs _section_cstart, $3  }
0xc1: {  	[dreg:$0x1] =	wrdreg $0xFFFFFFFF  }
0xc2: {  	_ =	task.clear_ibuf [dreg:s7], $0x2FFFF;
	_ =	strace $0x9FFFFFFF  }
0xc3: {  	(tm) =	ssettm $0x7FFFFFFF  }
tec
execute0_lowered:
.L_overlay_start_1:
0x0: {  	(tag) =	ssettag $0x1  }
0x1: {  	s0 =	srdreg.scid;
	s23 =	stileid.u32  }
0x2: {  	s0 =	sand.u32 $0x1, s0;
	s10 =	smul.u32 $0x320, s23  }
0x3: {  	s9 =	sor.u32 $0x10, s23;
	s8 =	smul.u32 $0x186A0, s0  }
0x4: {  	s2 =	rddreg [dreg:$0x0];
	s11 =	sor.u32 $0x20, s23;
	s12 =	smul.u32 $0x320, s9  }
0x5: {  	s7 =	rddreg [dreg:$0x1];
	s13 =	sor.u32 $0x30, s23;
	s14 =	smul.u32 $0x320, s11  }
0x6: {  	s3 =	rddreg [dreg:$0x2];
	s16 =	sor.u32 $0x40, s23;
	s15 =	smul.u32 $0x320, s13  }
0x7: {  	s5 =	simm.s32 $0x0;
	s18 =	sor.u32 $0x50, s23;
	s19 =	smul.u32 $0x320, s16  }
0x8: {  	s29 =	simm.s32 $0x12020;
	s21 =	sor.u32 $0x70, s23;
	s20 =	smul.u32 $0x320, s18  }
0x9: {  	s30 =	simm.s32 $0x9;
	s31 =	simm.s32 $0xA;
	s28 =	smul.u32 $0x320, s21  }
0xa: {  	[smem:$0x7FF] =	sst s5;
	s1 =	sshll.u32 s0, $0x4;
	s25 =	smul.u32 $0x6400, s9  }
0xb: {  	_ =	strace $0x8000004A;
	s0 =	ssub.s32 $0x2, s0;
	s9 =	smul.u32 $0x6400, s13  }
0xc: {  	s13 =	smul.u32 $0x6400, s18;
	p0 =	sgt.u32 s21, $0x7C;
	s17 =	sshrl.u32 s0, $0x1  }
0xd: {  	s18 =	smul.u32 $0x6400, s21;
	s8 =	sadd.s32 s8, s7;
	s0 =	ssub.s32 s0, s17  }
0xe: {  	s1 =	sor.u32 s23, s1;
	s8 =	sadd.s32 $0x3E600, s8;
	s0 =	smax.u32 s0, $0x1  }
0xf: {  	s6 =	smul.u32 $0x4E2, s1;
	s10 =	sadd.s32 s8, s10;
	[dreg:$0xf] =	wrdreg s0  }
0x10: {  	s4 =	smul.u32 $0x1388, s1;
	s26 =	sadd.s32 s8, s12;
	[dreg:$0x4] =	wrdreg s10  }
0x11: {  	s1 =	smul.u32 $0x13880, s1;
	s14 =	sadd.s32 s8, s14;
	[dreg:$0x5] =	wrdreg s26  }
0x12: {  	s17 =	sor.u32 $0x60, s23;
	s15 =	sadd.s32 s8, s15;
	[dreg:$0x6] =	wrdreg s14  }
0x13: {  	s22 =	smul.u32 $0x320, s17;
	s19 =	sadd.s32 s8, s19;
	[dreg:$0x7] =	wrdreg s15  }
0x14: {  	s17 =	smul.u32 $0x6400, s17;
	s20 =	sadd.s32 s8, s20;
	[dreg:$0x8] =	wrdreg s19  }
0x15: {  	s6 =	sadd.s32 s6, s7;
	[dreg:$0x9] =	wrdreg s20;
	s24 =	sadd.s32 s8, s22  }
0x16: {  	s8 =	sadd.s32 s8, s28;
	s14 =	sadd.s32 $0x17400, s7;
	s15 =	sadd.s32 $0x756800, s7  }
0x17: {  	s26 =	sadd.s32 $0xD600, s6;
	s28 =	smul.u32 $0x6400, s23;
	s6 =	sadd.s32 $0x3800, s6  }
0x18: {  	s10 =	sshrl.u32 s25, $0x2;
	s20 =	sshrl.u32 s13, $0x2;
	[dreg:$0xa] =	wrdreg s24  }
0x19: {  	s21 =	sshrl.u32 s17, $0x2;
	s13 =	simm.s32 $0x5;
	[dreg:$0xb] =	wrdreg s8  }
0x1a: {  	s17 =	simm.s32 $0x10720;
	[dreg:$0xd] =	wrdreg s6;
	s6 =	smul.u32 $0x6400, s11  }
0x1b: {  	v0 =	vimm.s32 $0x76543210;
	v1 =	vimm.s32 $0xFEDCBA98;
	[dreg:$0xc] =	wrdreg s26;
	s1 =	sadd.s32 s15, s1;
	s11 =	smul.u32 $0x6400, s16  }
0x1c: {  	v2 =	vimm.s32 $0xBA98FEDC;
	v3 =	vimm.s32 $0x32107654;
	v4 =	vimm.s32 $0xDCFE98BA;
	s23 =	sadd.s32 s10, s3;
	s16 =	sshrl.u32 s9, $0x2;
	s0 =	sadd.s32 s20, s3  }
0x1d: {  	v5 =	vimm.s32 $0x54761032;
	v6 =	vimm.s32 $0xEFCDAB89;
	v7 =	vimm.s32 $0x67452301;
	s26 =	sshrl.u32 s18, $0x2;
	s8 =	simm.s32 $0x1;
	s9 =	simm.s32 $0x2  }
0x1e: {  	v0 =	vunpack.c.l.s4.s8 v0;
	v1 =	vunpack.c.l.s4.s8 v1;
	v2 =	vunpack.c.l.s4.s8 v2;
	s10 =	simm.s32 $0x3;
	s18 =	simm.s32 $0x0;
	[dreg:$0xe] =	wrdreg s1  }
0x1f: {  	v3 =	vunpack.c.l.s4.s8 v3;
	v4 =	vunpack.c.l.s4.s8 v4;
	v5 =	vunpack.c.l.s4.s8 v5;
	s7 =	sshrl.u32 s28, $0x2;
	s25 =	sadd.s32 s16, s3;
	[dreg:$0x14] =	wrdreg s0  }
0x20: {  	v6 =	vunpack.c.l.s4.s8 v6;
	v7 =	vunpack.c.l.s4.s8 v7;
	v2 =	vunpack.c.0.s8.s32 v2;
	s0 =	sadd.s32 s21, s3;
	s28 =	sadd.s32 s26, s3;
	s1 =	simm.s32 $0x50  }
0x21: {  	v3 =	vunpack.c.0.s8.s32 v3;
	v4 =	vunpack.c.0.s8.s32 v4;
	v5 =	vunpack.c.0.s8.s32 v5;
	s16 =	simm.s32 $0x6;
	[dreg:$0x10] =	wrdreg s23;
	s22 =	sadd.s32 s7, s3  }
.Ltmp0:
0x22: {  	v1 =	vunpack.c.0.s8.s32 v1;
	v6 =	vunpack.c.0.s8.s32 v6;
	v7 =	vunpack.c.0.s8.s32 v7;
	s12 =	sshrl.u32 s6, $0x2;
	[dreg:$0x15] =	wrdreg s0;
	(pc) =	sbr.rel .LBB2_1-.Ltmp0, $4  }
0x23: {  	v2 =	vcombine.low v3, v2;
	v3 =	vcombine.low v5, v4;
	v4 =	vunpack.c.0.s8.s32 v0;
	s7 =	sshrl.u32 s11, $0x2;
	[dreg:$0x16] =	wrdreg s28;
	s0 =	simm.s32 $0x4E20  }
0x24: {  	vm0 =	vcmask $0x300;
	v5 =	vcombine.low v7, v6;
	v1 =	vand.u32 $0xF, v1;
	s6 =	simm.s32 $0x6220;
	[dreg:$0x12] =	wrdreg s25;
	s19 =	sadd.s32 s7, s3  }
0x25: {  	v0 =	vimm.f32 $0.0e+00;
	v1 =	vcombine.low v1, v4;
	v2 =	vand.u32 $0xF, v2;
	s11 =	simm.s32 $0xEE20;
	s24 =	sadd.s32 s12, s3;
	[dreg:$0x13] =	wrdreg s19  }
0x26: {  	v3 =	vand.u32 $0xF, v3;
	v4 =	vand.u32 $0xF, v5;
	v5 =	vsel vm0, $0x3F800000, v0;
	s7 =	simm.s32 $0x8A20;
	s12 =	simm.s32 $0x4;
	[dreg:$0x11] =	wrdreg s24  }
.LBB2_11:
0x27: {  	s19 =	simm.s32 $0x7  }
0x28: {  	_ =	swait.ge [sflag:s19], $0x1900  }
0x29: {  	[sflag:s19] =	ssyncset.done $0x0  }
0x2a: {  	s24 =	simm.s32 $0x8;
	[sflag:s19] =	ssyncadd.s32 $0xFFFFE700  }
0x2b: {  	_ =	swait.ge [sflag:s24], $0x1900  }
0x2c: {  	[sflag:s24] =	ssyncset.done $0x0  }
0x2d: {  	[sflag:s24] =	ssyncadd.s32 $0xFFFFE700  }
0x2e: {  	[bflag:$0x0] =	sbarrier.arrive $0xFFFF  }
0x2f: {  	[tilespmem:s29], [sflag:$0xA] =	stream.linear.gather [spmem:s28], $0x1900, $0x38;
	[tilespmem:$0x1FC70] =	vst v63  }
0x30: {  	_ =	swait.ge [sflag:s31], $0x1900  }
0x31: {  	[sflag:s31] =	ssyncset.done $0x0  }
0x32: {  	s25 =	rddreg [dreg:$0x4];
	[sflag:s31] =	ssyncadd.s32 $0xFFFFE700  }
0x33: {  	[hbm4b:s25+s5] =	stream.linear.scatter [tilespmem:s29], [sflag:$0x9], $0x1900, $0x38;
	[tilespmem:$0x1FC70] =	vst v63  }
0x34: {  	_ =	swait.ge [sflag:s30], $0x1900  }
0x35: {  	[sflag:s30] =	ssyncset.done $0x0  }
0x36: {  	s23 =	rddreg [dreg:$0x10];
	[sflag:s30] =	ssyncadd.s32 $0xFFFFE700  }
0x37: {  	[tilespmem:s29], [sflag:$0xA] =	stream.linear.gather [spmem:s23], $0x1900, $0x38;
	[tilespmem:$0x1FC70] =	vst v63  }
0x38: {  	_ =	swait.ge [sflag:s31], $0x1900  }
0x39: {  	[sflag:s31] =	ssyncset.done $0x0  }
0x3a: {  	s26 =	rddreg [dreg:$0x5];
	[sflag:s31] =	ssyncadd.s32 $0xFFFFE700  }
0x3b: {  	[hbm4b:s26+s5] =	stream.linear.scatter [tilespmem:s29], [sflag:$0x9], $0x1900, $0x38;
	[tilespmem:$0x1FC70] =	vst v63  }
0x3c: {  	_ =	swait.ge [sflag:s30], $0x1900  }
0x3d: {  	[sflag:s30] =	ssyncset.done $0x0  }
0x3e: {  	s24 =	rddreg [dreg:$0x11];
	[sflag:s30] =	ssyncadd.s32 $0xFFFFE700  }
0x3f: {  	[tilespmem:s29], [sflag:$0xA] =	stream.linear.gather [spmem:s24], $0x1900, $0x38;
	[tilespmem:$0x1FC70] =	vst v63  }
0x40: {  	_ =	swait.ge [sflag:s31], $0x1900  }
0x41: {  	[sflag:s31] =	ssyncset.done $0x0  }
0x42: {  	s22 =	smov.u32 s28;
	s28 =	rddreg [dreg:$0x6];
	[sflag:s31] =	ssyncadd.s32 $0xFFFFE700  }
0x43: {  	[hbm4b:s28+s5] =	stream.linear.scatter [tilespmem:s29], [sflag:$0x9], $0x1900, $0x38;
	[tilespmem:$0x1FC70] =	vst v63  }
0x44: {  	_ =	swait.ge [sflag:s30], $0x1900  }
0x45: {  	[sflag:s30] =	ssyncset.done $0x0  }
0x46: {  	s25 =	rddreg [dreg:$0x12];
	[sflag:s30] =	ssyncadd.s32 $0xFFFFE700  }
0x47: {  	[tilespmem:s29], [sflag:$0xA] =	stream.linear.gather [spmem:s25], $0x1900, $0x38;
	[tilespmem:$0x1FC70] =	vst v63  }
0x48: {  	_ =	swait.ge [sflag:s31], $0x1900  }
0x49: {  	[sflag:s31] =	ssyncset.done $0x0  }
0x4a: {  	s20 =	rddreg [dreg:$0x7];
	[sflag:s31] =	ssyncadd.s32 $0xFFFFE700  }
0x4b: {  	[hbm4b:s20+s5] =	stream.linear.scatter [tilespmem:s29], [sflag:$0x9], $0x1900, $0x38;
	[tilespmem:$0x1FC70] =	vst v63  }
0x4c: {  	_ =	swait.ge [sflag:s30], $0x1900  }
0x4d: {  	[sflag:s30] =	ssyncset.done $0x0  }
0x4e: {  	s21 =	rddreg [dreg:$0x13];
	[sflag:s30] =	ssyncadd.s32 $0xFFFFE700  }
0x4f: {  	[tilespmem:s29], [sflag:$0xA] =	stream.linear.gather [spmem:s21], $0x1900, $0x38;
	[tilespmem:$0x1FC70] =	vst v63  }
0x50: {  	_ =	swait.ge [sflag:s31], $0x1900  }
0x51: {  	[sflag:s31] =	ssyncset.done $0x0  }
0x52: {  	s26 =	rddreg [dreg:$0x8];
	[sflag:s31] =	ssyncadd.s32 $0xFFFFE700  }
0x53: {  	[hbm4b:s26+s5] =	stream.linear.scatter [tilespmem:s29], [sflag:$0x9], $0x1900, $0x38;
	[tilespmem:$0x1FC70] =	vst v63  }
0x54: {  	_ =	swait.ge [sflag:s30], $0x1900  }
0x55: {  	[sflag:s30] =	ssyncset.done $0x0  }
0x56: {  	s28 =	rddreg [dreg:$0x14];
	[sflag:s30] =	ssyncadd.s32 $0xFFFFE700  }
0x57: {  	[tilespmem:s29], [sflag:$0xA] =	stream.linear.gather [spmem:s28], $0x1900, $0x38;
	[tilespmem:$0x1FC70] =	vst v63  }
0x58: {  	_ =	swait.ge [sflag:s31], $0x1900  }
0x59: {  	[sflag:s31] =	ssyncset.done $0x0  }
0x5a: {  	s20 =	rddreg [dreg:$0x9];
	[sflag:s31] =	ssyncadd.s32 $0xFFFFE700  }
0x5b: {  	[hbm4b:s20+s5] =	stream.linear.scatter [tilespmem:s29], [sflag:$0x9], $0x1900, $0x38;
	[tilespmem:$0x1FC70] =	vst v63  }
0x5c: {  	_ =	swait.ge [sflag:s30], $0x1900  }
0x5d: {  	[sflag:s30] =	ssyncset.done $0x0  }
0x5e: {  	s21 =	rddreg [dreg:$0x15];
	[sflag:s30] =	ssyncadd.s32 $0xFFFFE700  }
0x5f: {  	[tilespmem:s29], [sflag:$0xA] =	stream.linear.gather [spmem:s21], $0x1900, $0x38;
	[tilespmem:$0x1FC70] =	vst v63  }
0x60: {  	_ =	swait.ge [sflag:s31], $0x1900  }
0x61: {  	[sflag:s31] =	ssyncset.done $0x0  }
0x62: {  	s26 =	rddreg [dreg:$0xa];
	[sflag:s31] =	ssyncadd.s32 $0xFFFFE700  }
0x63: {  	[hbm4b:s26+s5] =	stream.linear.scatter [tilespmem:s29], [sflag:$0x9], $0x1900, $0x38;
	[tilespmem:$0x1FC70] =	vst v63  }
0x64: {  	_ =	swait.ge [sflag:s30], $0x1900  }
0x65: {  	[sflag:s30] =	ssyncset.done $0x0  }
0x66: {  	s19 =	simm.s32 @!p0 $0x12020;
	s20 =	rddreg [dreg:$0x16];
	[sflag:s30] =	ssyncadd.s32 $0xFFFFE700  }
0x67: {  	[tilespmem:s19], [sflag:$0xA] =	stream.linear.gather @!p0 [spmem:s20], $0x1900, $0x38;
	[tilespmem:$0x1FC70] =	vst v63  }
0x68: {  	s20 =	simm.s32 @!p0 $0xA  }
0x69: {  	_ =	swait.ge @!p0 [sflag:s20], $0x1900  }
0x6a: {  	[sflag:s20] =	ssyncset.done @!p0 $0x0  }
0x6b: {  	s21 =	rddreg [dreg:$0xb];
	[sflag:s20] =	ssyncadd.s32 @!p0 $0xFFFFE700;
	s20 =	simm.s32 @!p0 $0x0  }
0x6c: {  	[hbm4b:s21+s20] =	stream.linear.scatter @!p0 [tilespmem:s19], [sflag:$0x9], $0x1900, $0x38;
	[tilespmem:$0x1FC70] =	vst v63  }
0x6d: {  	s19 =	simm.s32 @!p0 $0x9  }
0x6e: {  	_ =	swait.ge @!p0 [sflag:s19], $0x1900  }
0x6f: {  	s18 =	sadd.s32 $0x1, s18;
	s28 =	rddreg [dreg:$0xf]  }
0x70: {  	p1 =	sne.s32 s18, s28  }
.Ltmp1:
0x71: {  	_ = 	snop;
	(pc) =	sbr.rel @!p1 .LBB2_12-.Ltmp1, $3  }
0x72: {  	_ =	sdelay $0x1  }
0x73: {  	[sflag:s19] =	ssyncset.done @!p0 $0x0  }
0x74: {  	[sflag:s19] =	ssyncadd.s32 @!p0 $0xFFFFE700  }
.LBB2_1:
0x75: {  	s20 =	simm.s32 $0x140;
	s19 =	simm.s32 $0x0  }
.LBB2_2:
0x76: {  	p1 =	sne.s32 s20, $0x62C0;
	[tilespmem:s19+$0x12060] =	vst v0;
	s21 =	smov.u32 s20;
	s20 =	sadd.s32 $0x140, s20  }
.Ltmp2:
0x77: {  	[tilespmem:s19+$0x12050] =	vst v0;
	(pc) =	sbr.rel @p1 .LBB2_2-.Ltmp2, $4  }
0x78: {  	[tilespmem:s19+$0x12040] =	vst v0  }
0x79: {  	[tilespmem:s19+$0x12020] =	vst v0  }
0x7a: {  	[tilespmem:s19+$0x12030] =	vst v0  }
0x7b: {  	s19 =	sshra.s32 s21, $0x2  }
0x7c: {  	[tilespmem:s19+$0x12060] =	vst v0  }
0x7d: {  	[tilespmem:s19+$0x12050] =	vst v0  }
0x7e: {  	[tilespmem:s19+$0x12040] =	vst v0  }
0x7f: {  	[tilespmem:s19+$0x12020] =	vst v0  }
0x80: {  	[tilespmem:s19+$0x12030] =	vst v0  }
0x81: {  	[spmem:s22] =	stream.linear.scatter [tilespmem:s29], [sflag:$0x9], $0x1900, $0x38;
	[tilespmem:$0x1FC70] =	vst v63  }
0x82: {  	_ =	swait.ge [sflag:s30], $0x1900  }
0x83: {  	[sflag:s30] =	ssyncset.done $0x0  }
0x84: {  	[sflag:s30] =	ssyncadd.s32 $0xFFFFE700  }
0x85: {  	[spmem:s23] =	stream.linear.scatter [tilespmem:s29], [sflag:$0x9], $0x1900, $0x38;
	[tilespmem:$0x1FC70] =	vst v63  }
0x86: {  	_ =	swait.ge [sflag:s30], $0x1900  }
0x87: {  	[sflag:s30] =	ssyncset.done $0x0  }
0x88: {  	[sflag:s30] =	ssyncadd.s32 $0xFFFFE700  }
0x89: {  	[spmem:s24] =	stream.linear.scatter [tilespmem:s29], [sflag:$0x9], $0x1900, $0x38;
	[tilespmem:$0x1FC70] =	vst v63  }
0x8a: {  	_ =	swait.ge [sflag:s30], $0x1900  }
0x8b: {  	[sflag:s30] =	ssyncset.done $0x0  }
0x8c: {  	[sflag:s30] =	ssyncadd.s32 $0xFFFFE700  }
0x8d: {  	[spmem:s25] =	stream.linear.scatter [tilespmem:s29], [sflag:$0x9], $0x1900, $0x38;
	[tilespmem:$0x1FC70] =	vst v63  }
0x8e: {  	_ =	swait.ge [sflag:s30], $0x1900  }
0x8f: {  	[sflag:s30] =	ssyncset.done $0x0  }
0x90: {  	s21 =	rddreg [dreg:$0x13];
	[sflag:s30] =	ssyncadd.s32 $0xFFFFE700  }
0x91: {  	[spmem:s21] =	stream.linear.scatter [tilespmem:s29], [sflag:$0x9], $0x1900, $0x38;
	[tilespmem:$0x1FC70] =	vst v63  }
0x92: {  	_ =	swait.ge [sflag:s30], $0x1900  }
0x93: {  	[sflag:s30] =	ssyncset.done $0x0  }
0x94: {  	s28 =	smov.u32 s22;
	s22 =	rddreg [dreg:$0x14];
	[sflag:s30] =	ssyncadd.s32 $0xFFFFE700  }
0x95: {  	[spmem:s22] =	stream.linear.scatter [tilespmem:s29], [sflag:$0x9], $0x1900, $0x38;
	[tilespmem:$0x1FC70] =	vst v63  }
0x96: {  	_ =	swait.ge [sflag:s30], $0x1900  }
0x97: {  	[sflag:s30] =	ssyncset.done $0x0  }
0x98: {  	s23 =	rddreg [dreg:$0x15];
	[sflag:s30] =	ssyncadd.s32 $0xFFFFE700  }
0x99: {  	[spmem:s23] =	stream.linear.scatter [tilespmem:s29], [sflag:$0x9], $0x1900, $0x38;
	[tilespmem:$0x1FC70] =	vst v63  }
0x9a: {  	_ =	swait.ge [sflag:s30], $0x1900  }
0x9b: {  	[sflag:s30] =	ssyncset.done $0x0  }
0x9c: {  	s19 =	simm.s32 @!p0 $0x12020;
	s20 =	rddreg [dreg:$0x16];
	[sflag:s30] =	ssyncadd.s32 $0xFFFFE700  }
0x9d: {  	[spmem:s20] =	stream.linear.scatter @!p0 [tilespmem:s19], [sflag:$0x9], $0x1900, $0x38;
	[tilespmem:$0x1FC70] =	vst v63  }
0x9e: {  	s19 =	simm.s32 @!p0 $0x9  }
0x9f: {  	_ =	swait.ge @!p0 [sflag:s19], $0x1900  }
0xa0: {  	[sflag:s19] =	ssyncset.done @!p0 $0x0  }
0xa1: {  	s24 =	rddreg [dreg:$0xc];
	[sflag:s19] =	ssyncadd.s32 @!p0 $0xFFFFE700;
	s19 =	simm.s32 $0x0  }
0xa2: {  	[tilespmem:s19], [sflag:$0x9] =	stream.linear.gather [hbm4b:s24+s19], $0x2710, $0x38;
	[tilespmem:$0x1FC70] =	vst v63  }
0xa3: {  	_ =	swait.ge [sflag:s30], $0x2710  }
0xa4: {  	[sflag:s30] =	ssyncset.done $0x0  }
0xa5: {  	s21 =	simm.s32 $0x2710;
	s25 =	rddreg [dreg:$0xd];
	[sflag:s30] =	ssyncadd.s32 $0xFFFFD8F0  }
0xa6: {  	[tilespmem:s21], [sflag:$0x9] =	stream.linear.gather [hbm4b:s25+s19], $0x2710, $0x38;
	[tilespmem:$0x1FC70] =	vst v63  }
0xa7: {  	_ =	swait.ge [sflag:s30], $0x2710  }
0xa8: {  	[sflag:s30] =	ssyncset.done $0x0  }
0xa9: {  	[sflag:s30] =	ssyncadd.s32 $0xFFFFD8F0  }
0xaa: {  	[bflag:$0x0] =	sbarrier.arrive $0xFFFF  }
0xab: {  	[tilespmem:s0], [sflag:$0x1] =	stream.indirect.gather [hbm4b:s2+s1], $0x40, s21, s1, $0xb8;
	[tilespmem:$0x1FC70] =	vst v63  }
.Ltmp3:
0xac: {  	_ = 	snop;
	(pc) =	sbr.rel .LBB2_4-.Ltmp3, $4  }
0xad: {  	_ = 	snop  }
0xae: {  	[tilespmem:s6], [sflag:$0x2] =	stream.indirect.gather [hbm4b:s14+s1], $0x80, s19, s1, $0xb8;
	[tilespmem:$0x1FC70] =	vst v63  }
0xaf: {  	s26 =	rddreg [dreg:$0xe]  }
0xb0: {  	[tilespmem:s7], [sflag:$0x3] =	stream.linear.gather [hbm4b:s26+s19], $0x1400, $0x38;
	[tilespmem:$0x1FC70] =	vst v63  }
.LBB2_10:
0xb1: {  	s19 =	sadd.s32 $0x1, s19  }
0xb2: {  	p1 =	sne.s32 s19, $0x3F  }
.Ltmp4:
0xb3: {  	_ = 	snop;
	(pc) =	sbr.rel @!p1 .LBB2_11-.Ltmp4, $1  }
0xb4: {  	_ =	sdelay $0x3  }
.LBB2_4:
0xb5: {  	s20 =	sshllo.u32 s19, $0x1  }
0xb6: {  	p2 =	sgt.u32 s20, $0x7C  }
0xb7: {  	s21 =	smul.u32 @!p2 $0x50, s20;
	_ =	sdelay $0x1  }
0xb8: {  	s23 =	simm.s32 @!p2 $0x50;
	s24 =	simm.s32 @!p2 $0x9E20;
	s22 =	sadd.s32 @!p2 $0x2710, s21  }
0xb9: {  	[tilespmem:s24], [sflag:$0x4] =	stream.indirect.gather @!p2 [hbm4b:s2+s23], $0x40, s22, s23, $0xb8;
	[tilespmem:$0x1FC70] =	vst v63  }
0xba: {  	s22 =	simm.s32 @!p2 $0xB220;
	s24 =	smul.u32 @!p2 $0x28, s20  }
0xbb: {  	[tilespmem:s22], [sflag:$0x5] =	stream.indirect.gather @!p2 [hbm4b:s14+s23], $0x80, s21, s23, $0xb8;
	[tilespmem:$0x1FC70] =	vst v63  }
0xbc: {  	s21 =	sadd.s32 @!p2 s4, s24  }
0xbd: {  	s21 =	sshll.u32 @!p2 s21, $0x4  }
0xbe: {  	s21 =	sand.u32 @!p2 $0x1FFFFF80, s21  }
0xbf: {  	s22 =	simm.s32 @!p2 $0x0;
	s23 =	simm.s32 @!p2 $0xDA20;
	s21 =	sadd.s32 @!p2 s15, s21  }
0xc0: {  	[tilespmem:s23], [sflag:$0x6] =	stream.linear.gather @!p2 [hbm4b:s21+s22], $0x1400, $0x38;
	[tilespmem:$0x1FC70] =	vst v63  }
0xc1: {  	_ =	swait.ge [sflag:s8], $0x1400  }
0xc2: {  	[sflag:s8] =	ssyncset.done $0x0  }
0xc3: {  	[sflag:s8] =	ssyncadd.s32 $0xFFFFEC00  }
0xc4: {  	_ =	swait.ge [sflag:s9], $0x2800  }
0xc5: {  	[sflag:s9] =	ssyncset.done $0x0  }
0xc6: {  	[sflag:s9] =	ssyncadd.s32 $0xFFFFD800  }
0xc7: {  	_ =	swait.ge [sflag:s10], $0x1400  }
0xc8: {  	p1 =	seq.s32 s19, $0x0;
	[sflag:s10] =	ssyncset.done $0x0  }
0xc9: {  	s22 =	simm.s32 @!p1 $0x7;
	[sflag:s10] =	ssyncadd.s32 $0xFFFFEC00  }
0xca: {  	s25 =	simm.s32 $0x4EA0;
	s26 =	simm.s32 $0x6320;
	_ =	swait.ge @!p1 [sflag:s22], $0x1900  }
0xcb: {  	s24 =	simm.s32 $0x8AA0;
	s21 =	sshll.u32 s19, $0x1;
	[sflag:s22] =	ssyncset.done @!p1 $0x0  }
0xcc: {  	s23 =	simm.s32 $0xEEC0;
	[sflag:s22] =	ssyncadd.s32 @!p1 $0xFFFFE700;
	s22 =	simm.s32 $0xFFFFFFFE  }
.LBB2_5:
0xcd: {  	v6 =	vld [tilespmem:s24+$0xFFFFFF80]  }
0xce: {  	v7 =	vld [tilespmem:s24+$0xFFFFFF90]  }
0xcf: {  	v8 =	vld [tilespmem:s24+$0xFFFFFFA0]  }
0xd0: {  	v9 =	vld [tilespmem:s24+$0xFFFFFFB0]  }
0xd1: {  	v10 =	vld [tilespmem:s25+$0xFFFFFF80]  }
0xd2: {  	v11 =	vld [tilespmem:s26+$0xFFFFFF00]  }
0xd3: {  	v12 =	vld [tilespmem:s26+$0xFFFFFF10]  }
0xd4: {  	v13 =	vld [tilespmem:s25+$0xFFFFFF90]  }
0xd5: {  	v14 =	vld [tilespmem:s26+$0xFFFFFF20]  }
0xd6: {  	v15 =	vld [tilespmem:s25+$0xFFFFFFA0]  }
0xd7: {  	v16 =	vld [tilespmem:s26+$0xFFFFFF30]  }
0xd8: {  	v11 =	vadd.f32 v11, v6;
	v12 =	vadd.f32 v12, v7  }
0xd9: {  	v17 =	vld [tilespmem:s25+$0xFFFFFFB0]  }
0xda: {  	v51 =	vadd.f32 v14, v8;
	v10 =	vmul.f32 v11, v10;
	v50 =	vmul.f32 v12, v13;
	_ =	sdelay $0x1  }
0xdb: {  	v53 =	vadd.f32 v16, v9;
	v52 =	vmul.f32 v51, v15;
	v10 =	vadd.f32 v50, v10;
	_ =	sdelay $0x1  }
0xdc: {  	v54 =	vmul.f32 v53, v17;
	v10 =	vadd.f32 v52, v10;
	_ =	sdelay $0x1  }
0xdd: {  	v10 =	vadd.f32 v54, v10;
	_ =	sdelay $0x1  }
0xde: {  	v11 =	vperm.xlane v10, v1;
	_ =	sdelay $0x1  }
0xdf: {  	v10 =	vadd.f32 v10, v11;
	_ =	sdelay $0x1  }
0xe0: {  	v11 =	vperm.xlane v10, v2;
	_ =	sdelay $0x1  }
0xe1: {  	v10 =	vadd.f32 v10, v11;
	_ =	sdelay $0x1  }
0xe2: {  	v11 =	vperm.xlane v10, v3;
	_ =	sdelay $0x1  }
0xe3: {  	v10 =	vadd.f32 v10, v11;
	_ =	sdelay $0x1  }
0xe4: {  	v11 =	vperm.xlane v10, v4;
	_ =	sdelay $0x1  }
0xe5: {  	v10 =	vadd.f32 v10, v11;
	_ =	sdelay $0x1  }
0xe6: {  	v10 =	vmul.f32 $1.442695020e+00, v10;
	_ =	sdelay $0x1  }
0xe7: {  	(erf) = vpow2.f32 v10;
	_ =	sdelay $0x2  }
0xe8: {  	v55 =	vld [tilespmem:s26+$0xFFFFFF40];
	_ =	sdelay $0x4  }
0xe9: {  	v6 =	vadd.f32 v55, v6  }
0xea: {  	v56 =	vpop (erf)  }
0xeb: {  	v6 =	vmul.f32 v56, v6;
	_ =	sdelay $0x1  }
0xec: {  	[tilespmem:s23+$0xFFFFFF60] =	vst v6  }
0xed: {  	v6 =	vld [tilespmem:s26+$0xFFFFFF50];
	_ =	sdelay $0x4  }
0xee: {  	v6 =	vadd.f32 v6, v7;
	_ =	sdelay $0x1  }
0xef: {  	v6 =	vmul.f32 v56, v6;
	_ =	sdelay $0x1  }
0xf0: {  	[tilespmem:s23+$0xFFFFFF70] =	vst v6  }
0xf1: {  	v6 =	vld [tilespmem:s26+$0xFFFFFF60];
	_ =	sdelay $0x4  }
0xf2: {  	v6 =	vadd.f32 v6, v8;
	_ =	sdelay $0x1  }
0xf3: {  	v6 =	vmul.f32 v6, v56;
	_ =	sdelay $0x1  }
0xf4: {  	[tilespmem:s23+$0xFFFFFF80] =	vst v6  }
0xf5: {  	v6 =	vld [tilespmem:s26+$0xFFFFFF70];
	_ =	sdelay $0x4  }
0xf6: {  	v6 =	vadd.f32 v6, v9  }
0xf7: {  	v7 =	vmul.f32 v5, v56  }
0xf8: {  	v6 =	vmul.f32 v6, v56  }
0xf9: {  	[tilespmem:s23+$0xFFFFFFA0] =	vst v7  }
0xfa: {  	[tilespmem:s23+$0xFFFFFF90] =	vst v6  }
0xfb: {  	v6 =	vld [tilespmem:s24+$0xFFFFFFC0]  }
0xfc: {  	v7 =	vld [tilespmem:s24+$0xFFFFFFD0]  }
0xfd: {  	v57 =	vld [tilespmem:s24+$0xFFFFFFE0]  }
0xfe: {  	v58 =	vld [tilespmem:s24+$0xFFFFFFF0]  }
0xff: {  	v59 =	vld [tilespmem:s25+$0xFFFFFFC0]  }
0x100: {  	v60 =	vld [tilespmem:s26+$0xFFFFFF80]  }
0x101: {  	v61 =	vld [tilespmem:s26+$0xFFFFFF90]  }
0x102: {  	v62 =	vld [tilespmem:s25+$0xFFFFFFD0]  }
0x103: {  	v63 =	vld [tilespmem:s26+$0xFFFFFFA0]  }
0x104: {  	v20 =	vld [tilespmem:s25+$0xFFFFFFE0]  }
0x105: {  	v21 =	vld [tilespmem:s26+$0xFFFFFFB0]  }
0x106: {  	v11 =	vadd.f32 v60, v6;
	v12 =	vadd.f32 v61, v7  }
0x107: {  	v22 =	vld [tilespmem:s25+$0xFFFFFFF0]  }
0x108: {  	v24 =	vadd.f32 v63, v57;
	v10 =	vmul.f32 v11, v59;
	v23 =	vmul.f32 v12, v62;
	_ =	sdelay $0x1  }
0x109: {  	v26 =	vadd.f32 v21, v58;
	v25 =	vmul.f32 v24, v20;
	v10 =	vadd.f32 v23, v10;
	_ =	sdelay $0x1  }
0x10a: {  	v27 =	vmul.f32 v26, v22;
	v10 =	vadd.f32 v25, v10;
	_ =	sdelay $0x1  }
0x10b: {  	v10 =	vadd.f32 v27, v10;
	_ =	sdelay $0x1  }
0x10c: {  	v11 =	vperm.xlane v10, v1;
	_ =	sdelay $0x1  }
0x10d: {  	v10 =	vadd.f32 v10, v11;
	_ =	sdelay $0x1  }
0x10e: {  	v11 =	vperm.xlane v10, v2;
	_ =	sdelay $0x1  }
0x10f: {  	v10 =	vadd.f32 v10, v11;
	_ =	sdelay $0x1  }
0x110: {  	v11 =	vperm.xlane v10, v3;
	_ =	sdelay $0x1  }
0x111: {  	v10 =	vadd.f32 v10, v11;
	_ =	sdelay $0x1  }
0x112: {  	v11 =	vperm.xlane v10, v4;
	_ =	sdelay $0x1  }
0x113: {  	v10 =	vadd.f32 v10, v11;
	_ =	sdelay $0x1  }
0x114: {  	v10 =	vmul.f32 $1.442695020e+00, v10;
	_ =	sdelay $0x1  }
0x115: {  	(erf) = vpow2.f32 v10;
	_ =	sdelay $0x2  }
0x116: {  	v28 =	vld [tilespmem:s26+$0xFFFFFFC0];
	_ =	sdelay $0x4  }
0x117: {  	v6 =	vadd.f32 v28, v6  }
0x118: {  	v29 =	vpop (erf)  }
0x119: {  	v6 =	vmul.f32 v29, v6;
	_ =	sdelay $0x1  }
0x11a: {  	[tilespmem:s23+$0xFFFFFFB0] =	vst v6  }
0x11b: {  	v6 =	vld [tilespmem:s26+$0xFFFFFFD0];
	_ =	sdelay $0x4  }
0x11c: {  	v6 =	vadd.f32 v6, v7;
	_ =	sdelay $0x1  }
0x11d: {  	v6 =	vmul.f32 v29, v6;
	_ =	sdelay $0x1  }
0x11e: {  	[tilespmem:s23+$0xFFFFFFC0] =	vst v6  }
0x11f: {  	v6 =	vld [tilespmem:s26+$0xFFFFFFE0];
	_ =	sdelay $0x4  }
0x120: {  	v6 =	vadd.f32 v6, v57;
	_ =	sdelay $0x1  }
0x121: {  	v6 =	vmul.f32 v6, v29;
	_ =	sdelay $0x1  }
0x122: {  	[tilespmem:s23+$0xFFFFFFD0] =	vst v6  }
0x123: {  	v6 =	vld [tilespmem:s26+$0xFFFFFFF0];
	_ =	sdelay $0x4  }
0x124: {  	v6 =	vadd.f32 v6, v58  }
0x125: {  	v7 =	vmul.f32 v5, v29  }
0x126: {  	v6 =	vmul.f32 v6, v29  }
0x127: {  	[tilespmem:s23+$0xFFFFFFF0] =	vst v7  }
0x128: {  	[tilespmem:s23+$0xFFFFFFE0] =	vst v6  }
0x129: {  	v6 =	vld [tilespmem:s24+$0x0]  }
0x12a: {  	v7 =	vld [tilespmem:s24+$0x10]  }
0x12b: {  	v30 =	vld [tilespmem:s24+$0x20]  }
0x12c: {  	v31 =	vld [tilespmem:s24+$0x30]  }
0x12d: {  	v32 =	vld [tilespmem:s25+$0x0]  }
0x12e: {  	v33 =	vld [tilespmem:s26+$0x0]  }
0x12f: {  	v34 =	vld [tilespmem:s26+$0x10]  }
0x130: {  	v35 =	vld [tilespmem:s25+$0x10]  }
0x131: {  	v36 =	vld [tilespmem:s26+$0x20]  }
0x132: {  	v37 =	vld [tilespmem:s25+$0x20]  }
0x133: {  	v38 =	vld [tilespmem:s26+$0x30]  }
0x134: {  	v11 =	vadd.f32 v33, v6;
	v12 =	vadd.f32 v34, v7  }
0x135: {  	v39 =	vld [tilespmem:s25+$0x30]  }
0x136: {  	v41 =	vadd.f32 v36, v30;
	v10 =	vmul.f32 v11, v32;
	v40 =	vmul.f32 v12, v35;
	_ =	sdelay $0x1  }
0x137: {  	v43 =	vadd.f32 v38, v31;
	v42 =	vmul.f32 v41, v37;
	v10 =	vadd.f32 v40, v10;
	_ =	sdelay $0x1  }
0x138: {  	v44 =	vmul.f32 v43, v39;
	v10 =	vadd.f32 v42, v10;
	_ =	sdelay $0x1  }
0x139: {  	v10 =	vadd.f32 v44, v10;
	_ =	sdelay $0x1  }
0x13a: {  	v11 =	vperm.xlane v10, v1;
	_ =	sdelay $0x1  }
0x13b: {  	v10 =	vadd.f32 v10, v11;
	_ =	sdelay $0x1  }
0x13c: {  	v11 =	vperm.xlane v10, v2;
	_ =	sdelay $0x1  }
0x13d: {  	v10 =	vadd.f32 v10, v11;
	_ =	sdelay $0x1  }
0x13e: {  	v11 =	vperm.xlane v10, v3;
	_ =	sdelay $0x1  }
0x13f: {  	v10 =	vadd.f32 v10, v11;
	_ =	sdelay $0x1  }
0x140: {  	v11 =	vperm.xlane v10, v4;
	_ =	sdelay $0x1  }
0x141: {  	v10 =	vadd.f32 v10, v11;
	_ =	sdelay $0x1  }
0x142: {  	v10 =	vmul.f32 $1.442695020e+00, v10;
	_ =	sdelay $0x1  }
0x143: {  	(erf) = vpow2.f32 v10;
	_ =	sdelay $0x2  }
0x144: {  	v45 =	vld [tilespmem:s26+$0x40];
	_ =	sdelay $0x4  }
0x145: {  	v6 =	vadd.f32 v45, v6  }
0x146: {  	v46 =	vpop (erf)  }
0x147: {  	v6 =	vmul.f32 v46, v6;
	_ =	sdelay $0x1  }
0x148: {  	[tilespmem:s23+$0x0] =	vst v6  }
0x149: {  	v6 =	vld [tilespmem:s26+$0x50];
	_ =	sdelay $0x4  }
0x14a: {  	v6 =	vadd.f32 v6, v7;
	_ =	sdelay $0x1  }
0x14b: {  	v6 =	vmul.f32 v46, v6;
	_ =	sdelay $0x1  }
0x14c: {  	[tilespmem:s23+$0x10] =	vst v6  }
0x14d: {  	v6 =	vld [tilespmem:s26+$0x60];
	_ =	sdelay $0x4  }
0x14e: {  	v6 =	vadd.f32 v6, v30;
	_ =	sdelay $0x1  }
0x14f: {  	v6 =	vmul.f32 v6, v46;
	_ =	sdelay $0x1  }
0x150: {  	[tilespmem:s23+$0x20] =	vst v6  }
0x151: {  	v6 =	vld [tilespmem:s26+$0x70];
	_ =	sdelay $0x4  }
0x152: {  	v6 =	vadd.f32 v6, v31  }
0x153: {  	v7 =	vmul.f32 v5, v46  }
0x154: {  	v6 =	vmul.f32 v6, v46  }
0x155: {  	[tilespmem:s23+$0x40] =	vst v7  }
0x156: {  	[tilespmem:s23+$0x30] =	vst v6  }
0x157: {  	v6 =	vld [tilespmem:s24+$0x40]  }
0x158: {  	v7 =	vld [tilespmem:s24+$0x50]  }
0x159: {  	v47 =	vld [tilespmem:s24+$0x60]  }
0x15a: {  	v48 =	vld [tilespmem:s24+$0x70]  }
0x15b: {  	v49 =	vld [tilespmem:s25+$0x40]  }
0x15c: {  	v50 =	vld [tilespmem:s26+$0x80]  }
0x15d: {  	v51 =	vld [tilespmem:s26+$0x90]  }
0x15e: {  	v52 =	vld [tilespmem:s25+$0x50]  }
0x15f: {  	v53 =	vld [tilespmem:s26+$0xA0]  }
0x160: {  	v54 =	vld [tilespmem:s25+$0x60]  }
0x161: {  	v55 =	vld [tilespmem:s26+$0xB0]  }
0x162: {  	v11 =	vadd.f32 v50, v6;
	v12 =	vadd.f32 v51, v7  }
0x163: {  	v56 =	vld [tilespmem:s25+$0x70]  }
0x164: {  	v58 =	vadd.f32 v53, v47;
	v10 =	vmul.f32 v11, v49;
	v57 =	vmul.f32 v12, v52;
	_ =	sdelay $0x1  }
0x165: {  	v60 =	vadd.f32 v55, v48;
	v59 =	vmul.f32 v58, v54;
	v10 =	vadd.f32 v57, v10;
	_ =	sdelay $0x1  }
0x166: {  	v61 =	vmul.f32 v60, v56;
	v10 =	vadd.f32 v59, v10;
	_ =	sdelay $0x1  }
0x167: {  	v10 =	vadd.f32 v61, v10;
	_ =	sdelay $0x1  }
0x168: {  	v11 =	vperm.xlane v10, v1;
	_ =	sdelay $0x1  }
0x169: {  	v10 =	vadd.f32 v10, v11;
	_ =	sdelay $0x1  }
0x16a: {  	v11 =	vperm.xlane v10, v2;
	_ =	sdelay $0x1  }
0x16b: {  	v10 =	vadd.f32 v10, v11;
	_ =	sdelay $0x1  }
0x16c: {  	v11 =	vperm.xlane v10, v3;
	_ =	sdelay $0x1  }
0x16d: {  	v10 =	vadd.f32 v10, v11;
	_ =	sdelay $0x1  }
0x16e: {  	v11 =	vperm.xlane v10, v4;
	_ =	sdelay $0x1  }
0x16f: {  	v10 =	vadd.f32 v10, v11;
	_ =	sdelay $0x1  }
0x170: {  	v10 =	vmul.f32 $1.442695020e+00, v10;
	_ =	sdelay $0x1  }
0x171: {  	(erf) = vpow2.f32 v10;
	_ =	sdelay $0x2  }
0x172: {  	v62 =	vld [tilespmem:s26+$0xC0];
	_ =	sdelay $0x4  }
0x173: {  	v6 =	vadd.f32 v62, v6  }
0x174: {  	v63 =	vpop (erf)  }
0x175: {  	v6 =	vmul.f32 v63, v6;
	_ =	sdelay $0x1  }
0x176: {  	[tilespmem:s23+$0x50] =	vst v6  }
0x177: {  	v6 =	vld [tilespmem:s26+$0xD0];
	_ =	sdelay $0x4  }
0x178: {  	v6 =	vadd.f32 v6, v7;
	_ =	sdelay $0x1  }
0x179: {  	v6 =	vmul.f32 v63, v6;
	_ =	sdelay $0x1  }
0x17a: {  	[tilespmem:s23+$0x60] =	vst v6  }
0x17b: {  	v6 =	vld [tilespmem:s26+$0xE0];
	_ =	sdelay $0x4  }
0x17c: {  	v6 =	vadd.f32 v6, v47;
	_ =	sdelay $0x1  }
0x17d: {  	v6 =	vmul.f32 v6, v63;
	_ =	sdelay $0x1  }
0x17e: {  	[tilespmem:s23+$0x70] =	vst v6  }
0x17f: {  	v6 =	vld [tilespmem:s26+$0xF0];
	_ =	sdelay $0x2  }
0x180: {  	s22 =	sadd.s32 $0x2, s22  }
0x181: {  	p3 =	slt.u32 s22, $0x26  }
.Ltmp5:
0x182: {  	v6 =	vadd.f32 v6, v48;
	(pc) =	sbr.rel @p3 .LBB2_5-.Ltmp5, $4  }
0x183: {  	v7 =	vmul.f32 v5, v63  }
0x184: {  	v6 =	vmul.f32 v6, v63  }
0x185: {  	s24 =	sadd.s32 $0x100, s24;
	[tilespmem:s23+$0x90] =	vst v7  }
0x186: {  	s25 =	sadd.s32 $0x100, s25;
	s26 =	sadd.s32 $0x200, s26;
	[tilespmem:s23+$0x80] =	vst v6;
	s23 =	sadd.s32 $0x140, s23  }
0x187: {  	s22 =	smul.u32 $0x280, s19  }
.Ltmp6:
0x188: {  	_ = 	snop;
	(pc) =	sbr.rel @p2 .LBB2_10-.Ltmp6, $4  }
0x189: {  	_ = 	snop  }
0x18a: {  	s22 =	sshra.s32 s22, $0x2  }
0x18b: {  	s22 =	sadd.s32 $0x2710, s22  }
0x18c: {  	[spmem:s3] =	stream.indirect.scatter.add.f32 [tilespmem:s11], [sflag:$0x7], $0x50, s22, s1, $0xb8;
	[tilespmem:$0x1FC70] =	vst v63  }
0x18d: {  	s21 =	sadd.s32 $0x2, s21  }
0x18e: {  	s22 =	smul.u32 $0x50, s21  }
0x18f: {  	s21 =	smul.u32 $0x28, s21;
	_ =	sdelay $0x1  }
0x190: {  	s23 =	sadd.s32 $0x2710, s22;
	s21 =	sadd.s32 s4, s21  }
0x191: {  	[tilespmem:s0], [sflag:$0x1] =	stream.indirect.gather [hbm4b:s2+s1], $0x40, s23, s1, $0xb8;
	[tilespmem:$0x1FC70] =	vst v63  }
0x192: {  	s21 =	sshll.u32 s21, $0x4  }
0x193: {  	s21 =	sand.u32 $0x1FFFFF80, s21  }
0x194: {  	[tilespmem:s6], [sflag:$0x2] =	stream.indirect.gather [hbm4b:s14+s1], $0x80, s22, s1, $0xb8;
	[tilespmem:$0x1FC70] =	vst v63  }
0x195: {  	s21 =	sadd.s32 s15, s21  }
0x196: {  	[tilespmem:s7], [sflag:$0x3] =	stream.linear.gather [hbm4b:s21+s5], $0x1400, $0x38;
	[tilespmem:$0x1FC70] =	vst v63  }
0x197: {  	_ =	swait.ge [sflag:s12], $0x1400  }
0x198: {  	[sflag:s12] =	ssyncset.done $0x0  }
0x199: {  	[sflag:s12] =	ssyncadd.s32 $0xFFFFEC00  }
0x19a: {  	_ =	swait.ge [sflag:s13], $0x2800  }
0x19b: {  	[sflag:s13] =	ssyncset.done $0x0  }
0x19c: {  	[sflag:s13] =	ssyncadd.s32 $0xFFFFD800  }
0x19d: {  	_ =	swait.ge [sflag:s16], $0x1400  }
0x19e: {  	[sflag:s16] =	ssyncset.done $0x0  }
0x19f: {  	s21 =	simm.s32 @!p1 $0x8;
	[sflag:s16] =	ssyncadd.s32 $0xFFFFEC00  }
0x1a0: {  	s24 =	simm.s32 $0x9EA0;
	_ =	swait.ge @!p1 [sflag:s21], $0x1900  }
0x1a1: {  	s25 =	simm.s32 $0xB320;
	s23 =	simm.s32 $0xDAA0;
	[sflag:s21] =	ssyncset.done @!p1 $0x0  }
0x1a2: {  	s22 =	simm.s32 $0x107C0;
	[sflag:s21] =	ssyncadd.s32 @!p1 $0xFFFFE700;
	s21 =	simm.s32 $0xFFFFFFFE  }
.LBB2_8:
0x1a3: {  	v6 =	vld [tilespmem:s23+$0xFFFFFF80]  }
0x1a4: {  	v7 =	vld [tilespmem:s23+$0xFFFFFF90]  }
0x1a5: {  	v8 =	vld [tilespmem:s23+$0xFFFFFFA0]  }
0x1a6: {  	v9 =	vld [tilespmem:s23+$0xFFFFFFB0]  }
0x1a7: {  	v10 =	vld [tilespmem:s24+$0xFFFFFF80]  }
0x1a8: {  	v11 =	vld [tilespmem:s25+$0xFFFFFF00]  }
0x1a9: {  	v12 =	vld [tilespmem:s25+$0xFFFFFF10]  }
0x1aa: {  	v13 =	vld [tilespmem:s24+$0xFFFFFF90]  }
0x1ab: {  	v14 =	vld [tilespmem:s25+$0xFFFFFF20]  }
0x1ac: {  	v15 =	vld [tilespmem:s24+$0xFFFFFFA0]  }
0x1ad: {  	v16 =	vld [tilespmem:s25+$0xFFFFFF30]  }
0x1ae: {  	v11 =	vadd.f32 v11, v6;
	v12 =	vadd.f32 v12, v7  }
0x1af: {  	v17 =	vld [tilespmem:s24+$0xFFFFFFB0]  }
0x1b0: {  	v51 =	vadd.f32 v14, v8;
	v10 =	vmul.f32 v11, v10;
	v50 =	vmul.f32 v12, v13;
	_ =	sdelay $0x1  }
0x1b1: {  	v53 =	vadd.f32 v16, v9;
	v52 =	vmul.f32 v51, v15;
	v10 =	vadd.f32 v50, v10;
	_ =	sdelay $0x1  }
0x1b2: {  	v54 =	vmul.f32 v53, v17;
	v10 =	vadd.f32 v52, v10;
	_ =	sdelay $0x1  }
0x1b3: {  	v10 =	vadd.f32 v54, v10;
	_ =	sdelay $0x1  }
0x1b4: {  	v11 =	vperm.xlane v10, v1;
	_ =	sdelay $0x1  }
0x1b5: {  	v10 =	vadd.f32 v10, v11;
	_ =	sdelay $0x1  }
0x1b6: {  	v11 =	vperm.xlane v10, v2;
	_ =	sdelay $0x1  }
0x1b7: {  	v10 =	vadd.f32 v10, v11;
	_ =	sdelay $0x1  }
0x1b8: {  	v11 =	vperm.xlane v10, v3;
	_ =	sdelay $0x1  }
0x1b9: {  	v10 =	vadd.f32 v10, v11;
	_ =	sdelay $0x1  }
0x1ba: {  	v11 =	vperm.xlane v10, v4;
	_ =	sdelay $0x1  }
0x1bb: {  	v10 =	vadd.f32 v10, v11;
	_ =	sdelay $0x1  }
0x1bc: {  	v10 =	vmul.f32 $1.442695020e+00, v10;
	_ =	sdelay $0x1  }
0x1bd: {  	(erf) = vpow2.f32 v10;
	_ =	sdelay $0x2  }
0x1be: {  	v55 =	vld [tilespmem:s25+$0xFFFFFF40];
	_ =	sdelay $0x4  }
0x1bf: {  	v6 =	vadd.f32 v55, v6  }
0x1c0: {  	v56 =	vpop (erf)  }
0x1c1: {  	v6 =	vmul.f32 v56, v6;
	_ =	sdelay $0x1  }
0x1c2: {  	[tilespmem:s22+$0xFFFFFF60] =	vst v6  }
0x1c3: {  	v6 =	vld [tilespmem:s25+$0xFFFFFF50];
	_ =	sdelay $0x4  }
0x1c4: {  	v6 =	vadd.f32 v6, v7;
	_ =	sdelay $0x1  }
0x1c5: {  	v6 =	vmul.f32 v56, v6;
	_ =	sdelay $0x1  }
0x1c6: {  	[tilespmem:s22+$0xFFFFFF70] =	vst v6  }
0x1c7: {  	v6 =	vld [tilespmem:s25+$0xFFFFFF60];
	_ =	sdelay $0x4  }
0x1c8: {  	v6 =	vadd.f32 v6, v8;
	_ =	sdelay $0x1  }
0x1c9: {  	v6 =	vmul.f32 v6, v56;
	_ =	sdelay $0x1  }
0x1ca: {  	[tilespmem:s22+$0xFFFFFF80] =	vst v6  }
0x1cb: {  	v6 =	vld [tilespmem:s25+$0xFFFFFF70];
	_ =	sdelay $0x4  }
0x1cc: {  	v6 =	vadd.f32 v6, v9  }
0x1cd: {  	v7 =	vmul.f32 v5, v56  }
0x1ce: {  	v6 =	vmul.f32 v6, v56  }
0x1cf: {  	[tilespmem:s22+$0xFFFFFFA0] =	vst v7  }
0x1d0: {  	[tilespmem:s22+$0xFFFFFF90] =	vst v6  }
0x1d1: {  	v6 =	vld [tilespmem:s23+$0xFFFFFFC0]  }
0x1d2: {  	v7 =	vld [tilespmem:s23+$0xFFFFFFD0]  }
0x1d3: {  	v57 =	vld [tilespmem:s23+$0xFFFFFFE0]  }
0x1d4: {  	v58 =	vld [tilespmem:s23+$0xFFFFFFF0]  }
0x1d5: {  	v59 =	vld [tilespmem:s24+$0xFFFFFFC0]  }
0x1d6: {  	v60 =	vld [tilespmem:s25+$0xFFFFFF80]  }
0x1d7: {  	v61 =	vld [tilespmem:s25+$0xFFFFFF90]  }
0x1d8: {  	v62 =	vld [tilespmem:s24+$0xFFFFFFD0]  }
0x1d9: {  	v63 =	vld [tilespmem:s25+$0xFFFFFFA0]  }
0x1da: {  	v20 =	vld [tilespmem:s24+$0xFFFFFFE0]  }
0x1db: {  	v21 =	vld [tilespmem:s25+$0xFFFFFFB0]  }
0x1dc: {  	v11 =	vadd.f32 v60, v6;
	v12 =	vadd.f32 v61, v7  }
0x1dd: {  	v22 =	vld [tilespmem:s24+$0xFFFFFFF0]  }
0x1de: {  	v24 =	vadd.f32 v63, v57;
	v10 =	vmul.f32 v11, v59;
	v23 =	vmul.f32 v12, v62;
	_ =	sdelay $0x1  }
0x1df: {  	v26 =	vadd.f32 v21, v58;
	v25 =	vmul.f32 v24, v20;
	v10 =	vadd.f32 v23, v10;
	_ =	sdelay $0x1  }
0x1e0: {  	v27 =	vmul.f32 v26, v22;
	v10 =	vadd.f32 v25, v10;
	_ =	sdelay $0x1  }
0x1e1: {  	v10 =	vadd.f32 v27, v10;
	_ =	sdelay $0x1  }
0x1e2: {  	v11 =	vperm.xlane v10, v1;
	_ =	sdelay $0x1  }
0x1e3: {  	v10 =	vadd.f32 v10, v11;
	_ =	sdelay $0x1  }
0x1e4: {  	v11 =	vperm.xlane v10, v2;
	_ =	sdelay $0x1  }
0x1e5: {  	v10 =	vadd.f32 v10, v11;
	_ =	sdelay $0x1  }
0x1e6: {  	v11 =	vperm.xlane v10, v3;
	_ =	sdelay $0x1  }
0x1e7: {  	v10 =	vadd.f32 v10, v11;
	_ =	sdelay $0x1  }
0x1e8: {  	v11 =	vperm.xlane v10, v4;
	_ =	sdelay $0x1  }
0x1e9: {  	v10 =	vadd.f32 v10, v11;
	_ =	sdelay $0x1  }
0x1ea: {  	v10 =	vmul.f32 $1.442695020e+00, v10;
	_ =	sdelay $0x1  }
0x1eb: {  	(erf) = vpow2.f32 v10;
	_ =	sdelay $0x2  }
0x1ec: {  	v28 =	vld [tilespmem:s25+$0xFFFFFFC0];
	_ =	sdelay $0x4  }
0x1ed: {  	v6 =	vadd.f32 v28, v6  }
0x1ee: {  	v29 =	vpop (erf)  }
0x1ef: {  	v6 =	vmul.f32 v29, v6;
	_ =	sdelay $0x1  }
0x1f0: {  	[tilespmem:s22+$0xFFFFFFB0] =	vst v6  }
0x1f1: {  	v6 =	vld [tilespmem:s25+$0xFFFFFFD0];
	_ =	sdelay $0x4  }
0x1f2: {  	v6 =	vadd.f32 v6, v7;
	_ =	sdelay $0x1  }
0x1f3: {  	v6 =	vmul.f32 v29, v6;
	_ =	sdelay $0x1  }
0x1f4: {  	[tilespmem:s22+$0xFFFFFFC0] =	vst v6  }
0x1f5: {  	v6 =	vld [tilespmem:s25+$0xFFFFFFE0];
	_ =	sdelay $0x4  }
0x1f6: {  	v6 =	vadd.f32 v6, v57;
	_ =	sdelay $0x1  }
0x1f7: {  	v6 =	vmul.f32 v6, v29;
	_ =	sdelay $0x1  }
0x1f8: {  	[tilespmem:s22+$0xFFFFFFD0] =	vst v6  }
0x1f9: {  	v6 =	vld [tilespmem:s25+$0xFFFFFFF0];
	_ =	sdelay $0x4  }
0x1fa: {  	v6 =	vadd.f32 v6, v58  }
0x1fb: {  	v7 =	vmul.f32 v5, v29  }
0x1fc: {  	v6 =	vmul.f32 v6, v29  }
0x1fd: {  	[tilespmem:s22+$0xFFFFFFF0] =	vst v7  }
0x1fe: {  	[tilespmem:s22+$0xFFFFFFE0] =	vst v6  }
0x1ff: {  	v6 =	vld [tilespmem:s23+$0x0]  }
0x200: {  	v7 =	vld [tilespmem:s23+$0x10]  }
0x201: {  	v30 =	vld [tilespmem:s23+$0x20]  }
0x202: {  	v31 =	vld [tilespmem:s23+$0x30]  }
0x203: {  	v32 =	vld [tilespmem:s24+$0x0]  }
0x204: {  	v33 =	vld [tilespmem:s25+$0x0]  }
0x205: {  	v34 =	vld [tilespmem:s25+$0x10]  }
0x206: {  	v35 =	vld [tilespmem:s24+$0x10]  }
0x207: {  	v36 =	vld [tilespmem:s25+$0x20]  }
0x208: {  	v37 =	vld [tilespmem:s24+$0x20]  }
0x209: {  	v38 =	vld [tilespmem:s25+$0x30]  }
0x20a: {  	v11 =	vadd.f32 v33, v6;
	v12 =	vadd.f32 v34, v7  }
0x20b: {  	v39 =	vld [tilespmem:s24+$0x30]  }
0x20c: {  	v41 =	vadd.f32 v36, v30;
	v10 =	vmul.f32 v11, v32;
	v40 =	vmul.f32 v12, v35;
	_ =	sdelay $0x1  }
0x20d: {  	v43 =	vadd.f32 v38, v31;
	v42 =	vmul.f32 v41, v37;
	v10 =	vadd.f32 v40, v10;
	_ =	sdelay $0x1  }
0x20e: {  	v44 =	vmul.f32 v43, v39;
	v10 =	vadd.f32 v42, v10;
	_ =	sdelay $0x1  }
0x20f: {  	v10 =	vadd.f32 v44, v10;
	_ =	sdelay $0x1  }
0x210: {  	v11 =	vperm.xlane v10, v1;
	_ =	sdelay $0x1  }
0x211: {  	v10 =	vadd.f32 v10, v11;
	_ =	sdelay $0x1  }
0x212: {  	v11 =	vperm.xlane v10, v2;
	_ =	sdelay $0x1  }
0x213: {  	v10 =	vadd.f32 v10, v11;
	_ =	sdelay $0x1  }
0x214: {  	v11 =	vperm.xlane v10, v3;
	_ =	sdelay $0x1  }
0x215: {  	v10 =	vadd.f32 v10, v11;
	_ =	sdelay $0x1  }
0x216: {  	v11 =	vperm.xlane v10, v4;
	_ =	sdelay $0x1  }
0x217: {  	v10 =	vadd.f32 v10, v11;
	_ =	sdelay $0x1  }
0x218: {  	v10 =	vmul.f32 $1.442695020e+00, v10;
	_ =	sdelay $0x1  }
0x219: {  	(erf) = vpow2.f32 v10;
	_ =	sdelay $0x2  }
0x21a: {  	v45 =	vld [tilespmem:s25+$0x40];
	_ =	sdelay $0x4  }
0x21b: {  	v6 =	vadd.f32 v45, v6  }
0x21c: {  	v46 =	vpop (erf)  }
0x21d: {  	v6 =	vmul.f32 v46, v6;
	_ =	sdelay $0x1  }
0x21e: {  	[tilespmem:s22+$0x0] =	vst v6  }
0x21f: {  	v6 =	vld [tilespmem:s25+$0x50];
	_ =	sdelay $0x4  }
0x220: {  	v6 =	vadd.f32 v6, v7;
	_ =	sdelay $0x1  }
0x221: {  	v6 =	vmul.f32 v46, v6;
	_ =	sdelay $0x1  }
0x222: {  	[tilespmem:s22+$0x10] =	vst v6  }
0x223: {  	v6 =	vld [tilespmem:s25+$0x60];
	_ =	sdelay $0x4  }
0x224: {  	v6 =	vadd.f32 v6, v30;
	_ =	sdelay $0x1  }
0x225: {  	v6 =	vmul.f32 v6, v46;
	_ =	sdelay $0x1  }
0x226: {  	[tilespmem:s22+$0x20] =	vst v6  }
0x227: {  	v6 =	vld [tilespmem:s25+$0x70];
	_ =	sdelay $0x4  }
0x228: {  	v6 =	vadd.f32 v6, v31  }
0x229: {  	v7 =	vmul.f32 v5, v46  }
0x22a: {  	v6 =	vmul.f32 v6, v46  }
0x22b: {  	[tilespmem:s22+$0x40] =	vst v7  }
0x22c: {  	[tilespmem:s22+$0x30] =	vst v6  }
0x22d: {  	v6 =	vld [tilespmem:s23+$0x40]  }
0x22e: {  	v7 =	vld [tilespmem:s23+$0x50]  }
0x22f: {  	v47 =	vld [tilespmem:s23+$0x60]  }
0x230: {  	v48 =	vld [tilespmem:s23+$0x70]  }
0x231: {  	v49 =	vld [tilespmem:s24+$0x40]  }
0x232: {  	v50 =	vld [tilespmem:s25+$0x80]  }
0x233: {  	v51 =	vld [tilespmem:s25+$0x90]  }
0x234: {  	v52 =	vld [tilespmem:s24+$0x50]  }
0x235: {  	v53 =	vld [tilespmem:s25+$0xA0]  }
0x236: {  	v54 =	vld [tilespmem:s24+$0x60]  }
0x237: {  	v55 =	vld [tilespmem:s25+$0xB0]  }
0x238: {  	v11 =	vadd.f32 v50, v6;
	v12 =	vadd.f32 v51, v7  }
0x239: {  	v56 =	vld [tilespmem:s24+$0x70]  }
0x23a: {  	v58 =	vadd.f32 v53, v47;
	v10 =	vmul.f32 v11, v49;
	v57 =	vmul.f32 v12, v52;
	_ =	sdelay $0x1  }
0x23b: {  	v60 =	vadd.f32 v55, v48;
	v59 =	vmul.f32 v58, v54;
	v10 =	vadd.f32 v57, v10;
	_ =	sdelay $0x1  }
0x23c: {  	v61 =	vmul.f32 v60, v56;
	v10 =	vadd.f32 v59, v10;
	_ =	sdelay $0x1  }
0x23d: {  	v10 =	vadd.f32 v61, v10;
	_ =	sdelay $0x1  }
0x23e: {  	v11 =	vperm.xlane v10, v1;
	_ =	sdelay $0x1  }
0x23f: {  	v10 =	vadd.f32 v10, v11;
	_ =	sdelay $0x1  }
0x240: {  	v11 =	vperm.xlane v10, v2;
	_ =	sdelay $0x1  }
0x241: {  	v10 =	vadd.f32 v10, v11;
	_ =	sdelay $0x1  }
0x242: {  	v11 =	vperm.xlane v10, v3;
	_ =	sdelay $0x1  }
0x243: {  	v10 =	vadd.f32 v10, v11;
	_ =	sdelay $0x1  }
0x244: {  	v11 =	vperm.xlane v10, v4;
	_ =	sdelay $0x1  }
0x245: {  	v10 =	vadd.f32 v10, v11;
	_ =	sdelay $0x1  }
0x246: {  	v10 =	vmul.f32 $1.442695020e+00, v10;
	_ =	sdelay $0x1  }
0x247: {  	(erf) = vpow2.f32 v10;
	_ =	sdelay $0x2  }
0x248: {  	v62 =	vld [tilespmem:s25+$0xC0];
	_ =	sdelay $0x4  }
0x249: {  	v6 =	vadd.f32 v62, v6  }
0x24a: {  	v63 =	vpop (erf)  }
0x24b: {  	v6 =	vmul.f32 v63, v6;
	_ =	sdelay $0x1  }
0x24c: {  	[tilespmem:s22+$0x50] =	vst v6  }
0x24d: {  	v6 =	vld [tilespmem:s25+$0xD0];
	_ =	sdelay $0x4  }
0x24e: {  	v6 =	vadd.f32 v6, v7;
	_ =	sdelay $0x1  }
0x24f: {  	v6 =	vmul.f32 v63, v6;
	_ =	sdelay $0x1  }
0x250: {  	[tilespmem:s22+$0x60] =	vst v6  }
0x251: {  	v6 =	vld [tilespmem:s25+$0xE0];
	_ =	sdelay $0x4  }
0x252: {  	v6 =	vadd.f32 v6, v47;
	_ =	sdelay $0x1  }
0x253: {  	v6 =	vmul.f32 v6, v63;
	_ =	sdelay $0x1  }
0x254: {  	[tilespmem:s22+$0x70] =	vst v6  }
0x255: {  	v6 =	vld [tilespmem:s25+$0xF0];
	_ =	sdelay $0x2  }
0x256: {  	s21 =	sadd.s32 $0x2, s21  }
0x257: {  	p1 =	slt.u32 s21, $0x26  }
.Ltmp7:
0x258: {  	v6 =	vadd.f32 v6, v48;
	(pc) =	sbr.rel @p1 .LBB2_8-.Ltmp7, $4  }
0x259: {  	v7 =	vmul.f32 v5, v63  }
0x25a: {  	v6 =	vmul.f32 v6, v63  }
0x25b: {  	s23 =	sadd.s32 $0x100, s23;
	[tilespmem:s22+$0x90] =	vst v7  }
0x25c: {  	s24 =	sadd.s32 $0x100, s24;
	s25 =	sadd.s32 $0x200, s25;
	[tilespmem:s22+$0x80] =	vst v6;
	s22 =	sadd.s32 $0x140, s22  }
0x25d: {  	s20 =	smul.u32 $0x140, s20  }
.Ltmp8:
0x25e: {  	_ = 	snop;
	(pc) =	sbr.rel .LBB2_10-.Ltmp8, $4  }
0x25f: {  	_ = 	snop  }
0x260: {  	s20 =	sshra.s32 s20, $0x2  }
0x261: {  	s20 =	sadd.s32 $0x2710, s20  }
0x262: {  	[spmem:s3] =	stream.indirect.scatter.add.f32 [tilespmem:s17], [sflag:$0x8], $0x50, s20, s1, $0xb8;
	[tilespmem:$0x1FC70] =	vst v63  }
.LBB2_12:
0x263: {  	_ =	sfence.sel $0x180000  }
0x264: {  	[bflag:$0x0] =	sbarrier.arrive $0xFFFF  }
0x265: {  	_ =	strace $0x9000004A  }
0x266: {  	s0 =	stileid.u32;
	[bflag:$0x2] =	sbarrier.arrive $0xFFFF  }
0x267: {  	p0 =	sne.s32 s0, $0x0;
	s0 =	rddreg [dreg:$0x3]  }
0x268: {  	s0 =	sadd.s32 @!p0 $0x100000, s0  }
0x269: {  	[sflag:s0] =	ssyncadd.tile.s32 @!p0 $0x1;
	_ =	shalt  }
.Lfunc_end2:
_tile_overlayer_lowered:
.L_overlay_start_2:
0x26a: {  	(tag) =	ssettag $0x2  }
0x26b: {  	s0 =	rddreg [dreg:$0x0];
	s2 =	stileid.u32  }
0x26c: {  	s1 =	rddreg [dreg:$0x1];
	p0 =	sne.s32 s2, $0x0  }
0x26d: {  	s3 =	rddreg [dreg:$0x2];
	[bflag:$0x3] =	sbarrier.arrive $0xFFFF;
	s2 =	simm.s32 @!p0 $0x1C09  }
0x26e: {  	[timem:s3], [sflag:s2] =	dma.local @!p0 [hbm:s0], s1  }
0x26f: {  	s0 =	simm.s32 @!p0 $0x9  }
0x270: {  	_ =	swait.ge @!p0 [sflag:s0], s1  }
0x271: {  	s1 =	ssub.s32 @!p0 $0x0, s1;
	[sflag:s0] =	ssyncset.done @!p0 $0x0  }
0x272: {  	[sflag:s0] =	ssyncadd.s32 @!p0 s1  }
0x273: {  	[bflag:$0x3] =	sbarrier.arrive $0xFFFF  }
0x274: {  	_ =	shalt  }

// kernel: kernel.8.cloned.1.call-start
scs
__scs_entry_jumppad:
0x0: {  	(pc) =	sbr.rel $0x88, $3  }
0x1: {  	(tag) =	ssettag $0x0;
	lr =	simm.s32 $0x1  }
0x2: {  	[smem:$0x3F8E] =	sst lr;
	_ =	strace $0xD0000000  }
0x3: {  	_ = 	snop  }
0x4: {  	_ = 	snop  }
0x5: {  	_ = 	snop  }
0x6: {  	_ = 	snop  }
0x7: {  	_ = 	snop  }
__scs_overlays_trampoline_lowered:
0x8: {  	[smem:$0x3F9D] =	sst s0  }
0x9: {  	[smem:$0x3F9E] =	sst s1  }
0xa: {  	[smem:$0x3F9F] =	sst s2  }
0xb: {  	[smem:$0x3FA0] =	sst s3  }
0xc: {  	[smem:$0x3FA1] =	sst s4  }
0xd: {  	[smem:$0x3FA2] =	sst s5  }
0xe: {  	[smem:$0x3FA3] =	sst s6  }
0xf: {  	[smem:$0x3FA4] =	sst s7  }
0x10: {  	[smem:$0x3FA5] =	sst s8  }
0x11: {  	[smem:$0x3FA6] =	sst s9;
	s0 =	simm.s32 @!p0 $0x0  }
0x12: {  	s1 =	sld [smem:$0x3F8C];
	s0 =	simm.s32 @p0 $0x1  }
0x13: {  	[smem:$0x3FA7] =	sst s0;
	s0 =	simm.s32 @!p1 $0x0  }
0x14: {  	s2 =	sld [smem:$0x3F8B];
	s0 =	simm.s32 @p1 $0x1  }
0x15: {  	[smem:$0x3FA8] =	sst s0;
	s0 =	simm.s32 @!p2 $0x0  }
0x16: {  	s3 =	sld [smem:$0x3FDB];
	s0 =	simm.s32 @p2 $0x1  }
0x17: {  	s4 =	simm.s32 $0x1BF5;
	[smem:$0x3FAA] =	sst s0  }
0x18: {  	s0 =	sld [smem:$0x3F8D];
	_ =	swait.ge [sflag:s4], $0x0  }
0x19: {  	s7 =	sld [smem:$0x3F8E]  }
0x1a: {  	s8 =	sadd.s32 $0xFFFFE003, lr  }
0x1b: {  	s9 =	sadd.s32 $0xFFFFFEF7, lr;
	s5 =	simm.s32 $0xFFFFFFFF;
	p2 =	slt.u32 s8, $0xFFFFF086  }
0x1c: {  	p1 =	slt.u32 s9, $0xF7A;
	s5 =	simm.s32 @!p2 $0x0  }
0x1d: {  	s5 =	simm.s32 @p1 $0x1;
	p0 =	seq.s32 s7, s2  }
0x1e: {  	s7 =	smul.u32 @!p0 $0xF7A, s2;
	p2 =	seq.s32 @!p0 s5, $0x0  }
0x1f: {  	s9 =	smul.u32 $0xF7A, s1;
	s8 =	simm.s32 @!p0 $0x1BF5;
	p2 =	por !p2, p0  }
0x20: {  	[sflag:s8] =	ssyncset.s32 @!p0 $0xFFFFF086;
	s6 =	sadd.s32 @!p0 s3, s7;
	s7 =	simm.s32 @!p0 $0x108  }
0x21: {  	s3 =	sadd.s32 s3, s9;
	s6 =	sadd.s32 @!p0 $0x88, s6;
	s7 =	simm.s32 @p2 $0x1082  }
0x22: {  	[simem:s7], [sflag:s8] =	dma.local @!p0 [hbm:s6], $0xF7A  }
0x23: {  	s9 =	sor.u32 $0xD0000000, s2;
	s6 =	simm.s32 $0x108;
	_ =	swait.ge @!p0 [sflag:s8], $0x0  }
0x24: {  	s3 =	sadd.s32 $0x88, s3;
	s6 =	simm.s32 @!p1 $0x1082;
	[sflag:s4] =	ssyncset.s32 $0xFFFFF086  }
0x25: {  	[simem:s6], [sflag:s4] =	dma.local [hbm:s3], $0xF7A  }
0x26: {  	[smem:$0x3F8E] =	sst s1;
	(tag) =	ssettag s2;
	_ =	strace s9  }
0x27: {  	s1 =	sld [smem:$0x3F9E]  }
0x28: {  	s2 =	sld [smem:$0x3F9F]  }
0x29: {  	s4 =	sld [smem:$0x3FA1]  }
0x2a: {  	p0 =	seq.s32 s5, $0x0;
	s5 =	sld [smem:$0x3FA2]  }
0x2b: {  	s6 =	sld [smem:$0x3FA3]  }
0x2c: {  	s7 =	sld [smem:$0x3FA4]  }
0x2d: {  	s3 =	simm.s32 $0x108;
	s8 =	sld [smem:$0x3FA5]  }
0x2e: {  	s3 =	simm.s32 @!p0 $0x1082;
	s9 =	sld [smem:$0x3FA6]  }
0x2f: {  	lr =	sadd.s32 s0, s3;
	s0 =	sld [smem:$0x3F9D]  }
0x30: {  	s3 =	sld [smem:$0x3FA0]  }
0x31: {  	[smem:$0x3FA9] =	sst s10  }
0x32: {  	s10 =	sld [smem:$0x3FA7];
	_ =	sdelay $0x3  }
0x33: {  	p0 =	seq.s32 s10, $0x1;
	s10 =	sld [smem:$0x3FA9];
	_ =	sdelay $0x3  }
0x34: {  	[smem:$0x3FA9] =	sst s10  }
0x35: {  	s10 =	sld [smem:$0x3FA8];
	_ =	sdelay $0x3  }
0x36: {  	p1 =	seq.s32 s10, $0x1;
	s10 =	sld [smem:$0x3FA9];
	_ =	sdelay $0x3  }
0x37: {  	[smem:$0x3FA9] =	sst s10  }
0x38: {  	s10 =	sld [smem:$0x3FAA]  }
0x39: {  	_ = 	snop;
	(pc) =	sbr.ind lr, $3  }
0x3a: {  	_ = 	snop  }
0x3b: {  	_ = 	snop  }
0x3c: {  	p2 =	seq.s32 s10, $0x1;
	s10 =	sld [smem:$0x3FA9]  }
0x3d: {  	_ =	shalt  }
0x3e: {  	_ =	shalt  }
0x3f: {  	_ =	shalt  }
0x40: {  	_ =	shalt  }
0x41: {  	_ =	shalt  }
0x42: {  	_ =	shalt  }
0x43: {  	_ =	shalt  }
0x44: {  	_ =	shalt  }
0x45: {  	_ =	shalt  }
0x46: {  	_ =	shalt  }
0x47: {  	_ =	shalt  }
0x48: {  	_ =	shalt  }
0x49: {  	_ =	shalt  }
0x4a: {  	_ =	shalt  }
0x4b: {  	_ =	shalt  }
0x4c: {  	_ =	shalt  }
0x4d: {  	_ =	shalt  }
0x4e: {  	_ =	shalt  }
0x4f: {  	_ =	shalt  }
0x50: {  	_ =	shalt  }
0x51: {  	_ =	shalt  }
0x52: {  	_ =	shalt  }
0x53: {  	_ =	shalt  }
0x54: {  	_ =	shalt  }
0x55: {  	_ =	shalt  }
0x56: {  	_ =	shalt  }
0x57: {  	_ =	shalt  }
0x58: {  	_ =	shalt  }
0x59: {  	_ =	shalt  }
0x5a: {  	_ =	shalt  }
0x5b: {  	_ =	shalt  }
0x5c: {  	_ =	shalt  }
0x5d: {  	_ =	shalt  }
0x5e: {  	_ =	shalt  }
0x5f: {  	_ =	shalt  }
0x60: {  	_ =	shalt  }
0x61: {  	_ =	shalt  }
0x62: {  	_ =	shalt  }
0x63: {  	_ =	shalt  }
0x64: {  	_ =	shalt  }
0x65: {  	_ =	shalt  }
0x66: {  	_ =	shalt  }
0x67: {  	_ =	shalt  }
0x68: {  	_ =	shalt  }
0x69: {  	_ =	shalt  }
0x6a: {  	_ =	shalt  }
0x6b: {  	_ =	shalt  }
0x6c: {  	_ =	shalt  }
0x6d: {  	_ =	shalt  }
0x6e: {  	_ =	shalt  }
0x6f: {  	_ =	shalt  }
0x70: {  	_ =	shalt  }
0x71: {  	_ =	shalt  }
0x72: {  	_ =	shalt  }
0x73: {  	_ =	shalt  }
0x74: {  	_ =	shalt  }
0x75: {  	_ =	shalt  }
0x76: {  	_ =	shalt  }
0x77: {  	_ =	shalt  }
0x78: {  	_ =	shalt  }
0x79: {  	_ =	shalt  }
0x7a: {  	_ =	shalt  }
0x7b: {  	_ =	shalt  }
0x7c: {  	_ =	shalt  }
0x7d: {  	_ =	shalt  }
0x7e: {  	_ =	shalt  }
0x7f: {  	_ =	shalt  }
0x80: {  	_ =	shalt  }
0x81: {  	_ =	shalt  }
0x82: {  	_ =	shalt  }
0x83: {  	_ =	shalt  }
0x84: {  	_ =	shalt  }
0x85: {  	_ =	shalt  }
0x86: {  	_ =	shalt  }
0x87: {  	_ =	shalt  }
.Lfunc_end0:
.L_simem_size_0:
called_computation_lowered:
.L_overlay_start_0:
0x88: {  	s2 =	sld [smem:$0x3FD9]  }
0x89: {  	s3 =	sld [smem:$0x3FFE];
	_ =	sdelay $0x1  }
0x8a: {  	s1 =	srdreg.scid  }
0x8b: {  	s0 =	sand.u32 $0x1, s1  }
0x8c: {  	s17 =	sshll.u32 s0, $0xA;
	s2 =	sadd.s32 s3, s2  }
0x8d: {  	s2 =	sadd.s32 s2, s17  }
0x8e: {  	[smem:$0x3FB5] =	sst s2  }
0x8f: {  	_ = 	snop  }
0x90: {  	s2 =	sld [smem:$0x3FD0];
	(tm) =	ssettm $0x1  }
0x91: {  	s18 =	sld [smem:$0x3FFB];
	_ =	sdelay $0x3  }
0x92: {  	_ =	strace s18  }
0x93: {  	s3 =	sld [smem:$0x3FFC];
	_ =	sdelay $0x3  }
0x94: {  	_ =	strace s3  }
0x95: {  	s3 =	sld [smem:$0x3FFD];
	_ =	sdelay $0x3  }
0x96: {  	_ =	strace s3  }
0x97: {  	_ =	strace $0x8FFFFFFF  }
0x98: {  	s19 =	sld [smem:$0x3FDB];
	_ =	sdelay $0x1  }
0x99: {  	s4 =	simm.s32 $_scs_section_size  }
0x9a: {  	s5 =	simm.s32 $_size__tile_overlayer_lowered;
	s6 =	simm.s32 $_tile_overlayer_lowered  }
0x9b: {  	s22 =	simm.s32 $0x1BFF;
	s21 =	sshll.u32 s6, $0x1;
	s3 =	sadd.s32 s4, s19  }
0x9c: {  	s7 =	simm.s32 $0x0;
	s20 =	sshll.u32 s5, $0x1;
	s5 =	sadd.s32 s21, s3  }
0x9d: {  	[timem:s7], [sflag:s22] =	dma.local [hbm:s5], s20  }
0x9e: {  	_ =	swait.ge [sflag:s22], s20  }
0x9f: {  	s4 =	ssub.s32 $0x0, s20;
	[sflag:s22] =	ssyncset.done $0x0  }
0xa0: {  	[sflag:s22] =	ssyncadd.s32 s4;
	_ =	sdelay $0x1  }
0xa1: {  	s23 =	simm.s32 $0x1B8B  }
0xa2: {  	_ =	swait.ge [sflag:s23], $0x1  }
0xa3: {  	[sflag:s23] =	ssyncset.done $0x0  }
0xa4: {  	s25 =	simm.s32 $0x1B8E;
	s24 =	sld [smem:$0x3FFE];
	[sflag:s23] =	ssyncadd.s32 $0xFFFFFFFF  }
0xa5: {  	s26 =	simm.s32 $execute0_lowered;
	[smem:$0x3FD2] =	sst s25  }
0xa6: {  	s5 =	sshll.u32 s26, $0x1;
	_ =	strace $0x80000046;
	[dreg:$0x1] =	wrdreg $0xFFFFFFFF  }
0xa7: {  	s28 =	simm.s32 $_size_execute0_lowered;
	s3 =	sadd.s32 s3, s5;
	[dreg:$0x0] =	wrdreg $0x0  }
0xa8: {  	s5 =	sshll.u32 s28, $0x1;
	[dreg:$0x2] =	wrdreg s3  }
0xa9: {  	[dreg:$0x3] =	wrdreg s5  }
0xaa: {  	[dreg:$0x4] =	wrdreg $0xC0  }
0xab: {  	_ =	task [dreg:s7], $0x5FFFF  }
0xac: {  	[dreg:$0x1] =	wrdreg $0xFFFFFFFF  }
0xad: {  	[dreg:$0x0] =	wrdreg $0x60  }
0xae: {  	[dreg:$0x2] =	wrdreg s2  }
0xaf: {  	[dreg:$0x3] =	wrdreg s24  }
0xb0: {  	[dreg:$0x4] =	wrdreg $0x139200  }
0xb1: {  	[dreg:$0x5] =	wrdreg $0x9  }
0xb2: {  	_ =	task.clear_ibuf [dreg:s7], $0x6FFFF;
	_ =	strace $0x90000046  }
0xb3: {  	s29 =	simm.s32 $0x9;
	_ =	strace $0x80000048  }
0xb4: {  	_ =	swait.ge [sflag:s29], $0x1  }
0xb5: {  	[sflag:s29] =	ssyncadd.s32 $0xFFFFFFFF  }
0xb6: {  	_ =	strace $0x90000048  }
0xb7: {  	_ =	sfence  }
0xb8: {  	s30 =	sld [smem:$0x0];
	_ =	sdelay $0x2  }
0xb9: {  	s31 =	sshll.u32 s1, $0xD;
	s1 =	sshrl.u32 s1, $0x2  }
0xba: {  	s3 =	sand.u32 $0x4000, s31;
	s1 =	sadd.s32 s1, s30  }
0xbb: {  	s0 =	sor.u32 s3, s0;
	s1 =	sshll.u32 s1, $0x11  }
0xbc: {  	s0 =	sor.u32 s1, s0  }
0xbd: {  	s0 =	sadd.s32 $0x8F2B, s0  }
0xbe: {  	[sflag:s0] =	ssyncadd.remote.s32 $0x1  }
0xbf: {  	_ =	sfence.sel $0xFFFF  }
0xc0: {  	[dreg:$0x0] =	wrdreg $0xFFFFFFFF;
	(pc) =	sbr.abs _section_cstart, $3  }
0xc1: {  	[dreg:$0x1] =	wrdreg $0xFFFFFFFF  }
0xc2: {  	_ =	task.clear_ibuf [dreg:s7], $0x2FFFF;
	_ =	strace $0x9FFFFFFF  }
0xc3: {  	(tm) =	ssettm $0x7FFFFFFF  }
tec
execute0_lowered:
.L_overlay_start_1:
0x0: {  	(tag) =	ssettag $0x1  }
0x1: {  	s0 =	srdreg.scid;
	s23 =	stileid.u32  }
0x2: {  	s0 =	sand.u32 $0x1, s0;
	s10 =	smul.u32 $0x320, s23  }
0x3: {  	s9 =	sor.u32 $0x10, s23;
	s8 =	smul.u32 $0x186A0, s0  }
0x4: {  	s2 =	rddreg [dreg:$0x0];
	s11 =	sor.u32 $0x20, s23;
	s12 =	smul.u32 $0x320, s9  }
0x5: {  	s7 =	rddreg [dreg:$0x1];
	s13 =	sor.u32 $0x30, s23;
	s14 =	smul.u32 $0x320, s11  }
0x6: {  	s3 =	rddreg [dreg:$0x2];
	s16 =	sor.u32 $0x40, s23;
	s15 =	smul.u32 $0x320, s13  }
0x7: {  	s5 =	simm.s32 $0x0;
	s18 =	sor.u32 $0x50, s23;
	s19 =	smul.u32 $0x320, s16  }
0x8: {  	s29 =	simm.s32 $0x12020;
	s21 =	sor.u32 $0x70, s23;
	s20 =	smul.u32 $0x320, s18  }
0x9: {  	s30 =	simm.s32 $0x9;
	s31 =	simm.s32 $0xA;
	s28 =	smul.u32 $0x320, s21  }
0xa: {  	[smem:$0x7FF] =	sst s5;
	s1 =	sshll.u32 s0, $0x4;
	s25 =	smul.u32 $0x6400, s9  }
0xb: {  	_ =	strace $0x80000047;
	s0 =	ssub.s32 $0x2, s0;
	s9 =	smul.u32 $0x6400, s13  }
0xc: {  	s13 =	smul.u32 $0x6400, s18;
	p0 =	sgt.u32 s21, $0x7C;
	s17 =	sshrl.u32 s0, $0x1  }
0xd: {  	s18 =	smul.u32 $0x6400, s21;
	s8 =	sadd.s32 s8, s7;
	s0 =	ssub.s32 s0, s17  }
0xe: {  	s1 =	sor.u32 s23, s1;
	s8 =	sadd.s32 $0x2AF600, s8;
	s0 =	smax.u32 s0, $0x1  }
0xf: {  	s6 =	smul.u32 $0x4E2, s1;
	s10 =	sadd.s32 s8, s10;
	[dreg:$0xf] =	wrdreg s0  }
0x10: {  	s4 =	smul.u32 $0x1388, s1;
	s26 =	sadd.s32 s8, s12;
	[dreg:$0x4] =	wrdreg s10  }
0x11: {  	s1 =	smul.u32 $0x13880, s1;
	s14 =	sadd.s32 s8, s14;
	[dreg:$0x5] =	wrdreg s26  }
0x12: {  	s17 =	sor.u32 $0x60, s23;
	s15 =	sadd.s32 s8, s15;
	[dreg:$0x6] =	wrdreg s14  }
0x13: {  	s22 =	smul.u32 $0x320, s17;
	s19 =	sadd.s32 s8, s19;
	[dreg:$0x7] =	wrdreg s15  }
0x14: {  	s17 =	smul.u32 $0x6400, s17;
	s20 =	sadd.s32 s8, s20;
	[dreg:$0x8] =	wrdreg s19  }
0x15: {  	s6 =	sadd.s32 s6, s7;
	[dreg:$0x9] =	wrdreg s20;
	s24 =	sadd.s32 s8, s22  }
0x16: {  	s8 =	sadd.s32 s8, s28;
	s14 =	sadd.s32 $0x17400, s7;
	s15 =	sadd.s32 $0x3E600, s7  }
0x17: {  	s26 =	sadd.s32 $0xD600, s6;
	s28 =	smul.u32 $0x6400, s23;
	s6 =	sadd.s32 $0x3800, s6  }
0x18: {  	s10 =	sshrl.u32 s25, $0x2;
	s20 =	sshrl.u32 s13, $0x2;
	[dreg:$0xa] =	wrdreg s24  }
0x19: {  	s21 =	sshrl.u32 s17, $0x2;
	s13 =	simm.s32 $0x5;
	[dreg:$0xb] =	wrdreg s8  }
0x1a: {  	s17 =	simm.s32 $0x10720;
	[dreg:$0xd] =	wrdreg s6;
	s6 =	smul.u32 $0x6400, s11  }
0x1b: {  	v0 =	vimm.s32 $0x76543210;
	v1 =	vimm.s32 $0xFEDCBA98;
	[dreg:$0xc] =	wrdreg s26;
	s1 =	sadd.s32 s15, s1;
	s11 =	smul.u32 $0x6400, s16  }
0x1c: {  	v2 =	vimm.s32 $0xBA98FEDC;
	v3 =	vimm.s32 $0x32107654;
	v4 =	vimm.s32 $0xDCFE98BA;
	s23 =	sadd.s32 s10, s3;
	s16 =	sshrl.u32 s9, $0x2;
	s0 =	sadd.s32 s20, s3  }
0x1d: {  	v5 =	vimm.s32 $0x54761032;
	v6 =	vimm.s32 $0xEFCDAB89;
	v7 =	vimm.s32 $0x67452301;
	s26 =	sshrl.u32 s18, $0x2;
	s8 =	simm.s32 $0x1;
	s9 =	simm.s32 $0x2  }
0x1e: {  	v0 =	vunpack.c.l.s4.s8 v0;
	v1 =	vunpack.c.l.s4.s8 v1;
	v2 =	vunpack.c.l.s4.s8 v2;
	s10 =	simm.s32 $0x3;
	s18 =	simm.s32 $0x0;
	[dreg:$0xe] =	wrdreg s1  }
0x1f: {  	v3 =	vunpack.c.l.s4.s8 v3;
	v4 =	vunpack.c.l.s4.s8 v4;
	v5 =	vunpack.c.l.s4.s8 v5;
	s7 =	sshrl.u32 s28, $0x2;
	s25 =	sadd.s32 s16, s3;
	[dreg:$0x14] =	wrdreg s0  }
0x20: {  	v6 =	vunpack.c.l.s4.s8 v6;
	v7 =	vunpack.c.l.s4.s8 v7;
	v2 =	vunpack.c.0.s8.s32 v2;
	s0 =	sadd.s32 s21, s3;
	s28 =	sadd.s32 s26, s3;
	s1 =	simm.s32 $0x50  }
0x21: {  	v3 =	vunpack.c.0.s8.s32 v3;
	v4 =	vunpack.c.0.s8.s32 v4;
	v5 =	vunpack.c.0.s8.s32 v5;
	s16 =	simm.s32 $0x6;
	[dreg:$0x10] =	wrdreg s23;
	s22 =	sadd.s32 s7, s3  }
.Ltmp0:
0x22: {  	v1 =	vunpack.c.0.s8.s32 v1;
	v6 =	vunpack.c.0.s8.s32 v6;
	v7 =	vunpack.c.0.s8.s32 v7;
	s12 =	sshrl.u32 s6, $0x2;
	[dreg:$0x15] =	wrdreg s0;
	(pc) =	sbr.rel .LBB2_1-.Ltmp0, $4  }
0x23: {  	v2 =	vcombine.low v3, v2;
	v3 =	vcombine.low v5, v4;
	v4 =	vunpack.c.0.s8.s32 v0;
	s7 =	sshrl.u32 s11, $0x2;
	[dreg:$0x16] =	wrdreg s28;
	s0 =	simm.s32 $0x4E20  }
0x24: {  	vm0 =	vcmask $0x300;
	v5 =	vcombine.low v7, v6;
	v1 =	vand.u32 $0xF, v1;
	s6 =	simm.s32 $0x6220;
	[dreg:$0x12] =	wrdreg s25;
	s19 =	sadd.s32 s7, s3  }
0x25: {  	v0 =	vimm.f32 $0.0e+00;
	v1 =	vcombine.low v1, v4;
	v2 =	vand.u32 $0xF, v2;
	s11 =	simm.s32 $0xEE20;
	s24 =	sadd.s32 s12, s3;
	[dreg:$0x13] =	wrdreg s19  }
0x26: {  	v3 =	vand.u32 $0xF, v3;
	v4 =	vand.u32 $0xF, v5;
	v5 =	vsel vm0, $0x3F800000, v0;
	s7 =	simm.s32 $0x8A20;
	s12 =	simm.s32 $0x4;
	[dreg:$0x11] =	wrdreg s24  }
.LBB2_11:
0x27: {  	s19 =	simm.s32 $0x7  }
0x28: {  	_ =	swait.ge [sflag:s19], $0x1900  }
0x29: {  	[sflag:s19] =	ssyncset.done $0x0  }
0x2a: {  	s24 =	simm.s32 $0x8;
	[sflag:s19] =	ssyncadd.s32 $0xFFFFE700  }
0x2b: {  	_ =	swait.ge [sflag:s24], $0x1900  }
0x2c: {  	[sflag:s24] =	ssyncset.done $0x0  }
0x2d: {  	[sflag:s24] =	ssyncadd.s32 $0xFFFFE700  }
0x2e: {  	[bflag:$0x0] =	sbarrier.arrive $0xFFFF  }
0x2f: {  	[tilespmem:s29], [sflag:$0xA] =	stream.linear.gather [spmem:s28], $0x1900, $0x38;
	[tilespmem:$0x1FC70] =	vst v63  }
0x30: {  	_ =	swait.ge [sflag:s31], $0x1900  }
0x31: {  	[sflag:s31] =	ssyncset.done $0x0  }
0x32: {  	s25 =	rddreg [dreg:$0x4];
	[sflag:s31] =	ssyncadd.s32 $0xFFFFE700  }
0x33: {  	[hbm4b:s25+s5] =	stream.linear.scatter [tilespmem:s29], [sflag:$0x9], $0x1900, $0x38;
	[tilespmem:$0x1FC70] =	vst v63  }
0x34: {  	_ =	swait.ge [sflag:s30], $0x1900  }
0x35: {  	[sflag:s30] =	ssyncset.done $0x0  }
0x36: {  	s23 =	rddreg [dreg:$0x10];
	[sflag:s30] =	ssyncadd.s32 $0xFFFFE700  }
0x37: {  	[tilespmem:s29], [sflag:$0xA] =	stream.linear.gather [spmem:s23], $0x1900, $0x38;
	[tilespmem:$0x1FC70] =	vst v63  }
0x38: {  	_ =	swait.ge [sflag:s31], $0x1900  }
0x39: {  	[sflag:s31] =	ssyncset.done $0x0  }
0x3a: {  	s26 =	rddreg [dreg:$0x5];
	[sflag:s31] =	ssyncadd.s32 $0xFFFFE700  }
0x3b: {  	[hbm4b:s26+s5] =	stream.linear.scatter [tilespmem:s29], [sflag:$0x9], $0x1900, $0x38;
	[tilespmem:$0x1FC70] =	vst v63  }
0x3c: {  	_ =	swait.ge [sflag:s30], $0x1900  }
0x3d: {  	[sflag:s30] =	ssyncset.done $0x0  }
0x3e: {  	s24 =	rddreg [dreg:$0x11];
	[sflag:s30] =	ssyncadd.s32 $0xFFFFE700  }
0x3f: {  	[tilespmem:s29], [sflag:$0xA] =	stream.linear.gather [spmem:s24], $0x1900, $0x38;
	[tilespmem:$0x1FC70] =	vst v63  }
0x40: {  	_ =	swait.ge [sflag:s31], $0x1900  }
0x41: {  	[sflag:s31] =	ssyncset.done $0x0  }
0x42: {  	s22 =	smov.u32 s28;
	s28 =	rddreg [dreg:$0x6];
	[sflag:s31] =	ssyncadd.s32 $0xFFFFE700  }
0x43: {  	[hbm4b:s28+s5] =	stream.linear.scatter [tilespmem:s29], [sflag:$0x9], $0x1900, $0x38;
	[tilespmem:$0x1FC70] =	vst v63  }
0x44: {  	_ =	swait.ge [sflag:s30], $0x1900  }
0x45: {  	[sflag:s30] =	ssyncset.done $0x0  }
0x46: {  	s25 =	rddreg [dreg:$0x12];
	[sflag:s30] =	ssyncadd.s32 $0xFFFFE700  }
0x47: {  	[tilespmem:s29], [sflag:$0xA] =	stream.linear.gather [spmem:s25], $0x1900, $0x38;
	[tilespmem:$0x1FC70] =	vst v63  }
0x48: {  	_ =	swait.ge [sflag:s31], $0x1900  }
0x49: {  	[sflag:s31] =	ssyncset.done $0x0  }
0x4a: {  	s20 =	rddreg [dreg:$0x7];
	[sflag:s31] =	ssyncadd.s32 $0xFFFFE700  }
0x4b: {  	[hbm4b:s20+s5] =	stream.linear.scatter [tilespmem:s29], [sflag:$0x9], $0x1900, $0x38;
	[tilespmem:$0x1FC70] =	vst v63  }
0x4c: {  	_ =	swait.ge [sflag:s30], $0x1900  }
0x4d: {  	[sflag:s30] =	ssyncset.done $0x0  }
0x4e: {  	s21 =	rddreg [dreg:$0x13];
	[sflag:s30] =	ssyncadd.s32 $0xFFFFE700  }
0x4f: {  	[tilespmem:s29], [sflag:$0xA] =	stream.linear.gather [spmem:s21], $0x1900, $0x38;
	[tilespmem:$0x1FC70] =	vst v63  }
0x50: {  	_ =	swait.ge [sflag:s31], $0x1900  }
0x51: {  	[sflag:s31] =	ssyncset.done $0x0  }
0x52: {  	s26 =	rddreg [dreg:$0x8];
	[sflag:s31] =	ssyncadd.s32 $0xFFFFE700  }
0x53: {  	[hbm4b:s26+s5] =	stream.linear.scatter [tilespmem:s29], [sflag:$0x9], $0x1900, $0x38;
	[tilespmem:$0x1FC70] =	vst v63  }
0x54: {  	_ =	swait.ge [sflag:s30], $0x1900  }
0x55: {  	[sflag:s30] =	ssyncset.done $0x0  }
0x56: {  	s28 =	rddreg [dreg:$0x14];
	[sflag:s30] =	ssyncadd.s32 $0xFFFFE700  }
0x57: {  	[tilespmem:s29], [sflag:$0xA] =	stream.linear.gather [spmem:s28], $0x1900, $0x38;
	[tilespmem:$0x1FC70] =	vst v63  }
0x58: {  	_ =	swait.ge [sflag:s31], $0x1900  }
0x59: {  	[sflag:s31] =	ssyncset.done $0x0  }
0x5a: {  	s20 =	rddreg [dreg:$0x9];
	[sflag:s31] =	ssyncadd.s32 $0xFFFFE700  }
0x5b: {  	[hbm4b:s20+s5] =	stream.linear.scatter [tilespmem:s29], [sflag:$0x9], $0x1900, $0x38;
	[tilespmem:$0x1FC70] =	vst v63  }
0x5c: {  	_ =	swait.ge [sflag:s30], $0x1900  }
0x5d: {  	[sflag:s30] =	ssyncset.done $0x0  }
0x5e: {  	s21 =	rddreg [dreg:$0x15];
	[sflag:s30] =	ssyncadd.s32 $0xFFFFE700  }
0x5f: {  	[tilespmem:s29], [sflag:$0xA] =	stream.linear.gather [spmem:s21], $0x1900, $0x38;
	[tilespmem:$0x1FC70] =	vst v63  }
0x60: {  	_ =	swait.ge [sflag:s31], $0x1900  }
0x61: {  	[sflag:s31] =	ssyncset.done $0x0  }
0x62: {  	s26 =	rddreg [dreg:$0xa];
	[sflag:s31] =	ssyncadd.s32 $0xFFFFE700  }
0x63: {  	[hbm4b:s26+s5] =	stream.linear.scatter [tilespmem:s29], [sflag:$0x9], $0x1900, $0x38;
	[tilespmem:$0x1FC70] =	vst v63  }
0x64: {  	_ =	swait.ge [sflag:s30], $0x1900  }
0x65: {  	[sflag:s30] =	ssyncset.done $0x0  }
0x66: {  	s19 =	simm.s32 @!p0 $0x12020;
	s20 =	rddreg [dreg:$0x16];
	[sflag:s30] =	ssyncadd.s32 $0xFFFFE700  }
0x67: {  	[tilespmem:s19], [sflag:$0xA] =	stream.linear.gather @!p0 [spmem:s20], $0x1900, $0x38;
	[tilespmem:$0x1FC70] =	vst v63  }
0x68: {  	s20 =	simm.s32 @!p0 $0xA  }
0x69: {  	_ =	swait.ge @!p0 [sflag:s20], $0x1900  }
0x6a: {  	[sflag:s20] =	ssyncset.done @!p0 $0x0  }
0x6b: {  	s21 =	rddreg [dreg:$0xb];
	[sflag:s20] =	ssyncadd.s32 @!p0 $0xFFFFE700;
	s20 =	simm.s32 @!p0 $0x0  }
0x6c: {  	[hbm4b:s21+s20] =	stream.linear.scatter @!p0 [tilespmem:s19], [sflag:$0x9], $0x1900, $0x38;
	[tilespmem:$0x1FC70] =	vst v63  }
0x6d: {  	s19 =	simm.s32 @!p0 $0x9  }
0x6e: {  	_ =	swait.ge @!p0 [sflag:s19], $0x1900  }
0x6f: {  	s18 =	sadd.s32 $0x1, s18;
	s28 =	rddreg [dreg:$0xf]  }
0x70: {  	p1 =	sne.s32 s18, s28  }
.Ltmp1:
0x71: {  	_ = 	snop;
	(pc) =	sbr.rel @!p1 .LBB2_12-.Ltmp1, $3  }
0x72: {  	_ =	sdelay $0x1  }
0x73: {  	[sflag:s19] =	ssyncset.done @!p0 $0x0  }
0x74: {  	[sflag:s19] =	ssyncadd.s32 @!p0 $0xFFFFE700  }
.LBB2_1:
0x75: {  	s20 =	simm.s32 $0x140;
	s19 =	simm.s32 $0x0  }
.LBB2_2:
0x76: {  	p1 =	sne.s32 s20, $0x62C0;
	[tilespmem:s19+$0x12060] =	vst v0;
	s21 =	smov.u32 s20;
	s20 =	sadd.s32 $0x140, s20  }
.Ltmp2:
0x77: {  	[tilespmem:s19+$0x12050] =	vst v0;
	(pc) =	sbr.rel @p1 .LBB2_2-.Ltmp2, $4  }
0x78: {  	[tilespmem:s19+$0x12040] =	vst v0  }
0x79: {  	[tilespmem:s19+$0x12020] =	vst v0  }
0x7a: {  	[tilespmem:s19+$0x12030] =	vst v0  }
0x7b: {  	s19 =	sshra.s32 s21, $0x2  }
0x7c: {  	[tilespmem:s19+$0x12060] =	vst v0  }
0x7d: {  	[tilespmem:s19+$0x12050] =	vst v0  }
0x7e: {  	[tilespmem:s19+$0x12040] =	vst v0  }
0x7f: {  	[tilespmem:s19+$0x12020] =	vst v0  }
0x80: {  	[tilespmem:s19+$0x12030] =	vst v0  }
0x81: {  	[spmem:s22] =	stream.linear.scatter [tilespmem:s29], [sflag:$0x9], $0x1900, $0x38;
	[tilespmem:$0x1FC70] =	vst v63  }
0x82: {  	_ =	swait.ge [sflag:s30], $0x1900  }
0x83: {  	[sflag:s30] =	ssyncset.done $0x0  }
0x84: {  	[sflag:s30] =	ssyncadd.s32 $0xFFFFE700  }
0x85: {  	[spmem:s23] =	stream.linear.scatter [tilespmem:s29], [sflag:$0x9], $0x1900, $0x38;
	[tilespmem:$0x1FC70] =	vst v63  }
0x86: {  	_ =	swait.ge [sflag:s30], $0x1900  }
0x87: {  	[sflag:s30] =	ssyncset.done $0x0  }
0x88: {  	[sflag:s30] =	ssyncadd.s32 $0xFFFFE700  }
0x89: {  	[spmem:s24] =	stream.linear.scatter [tilespmem:s29], [sflag:$0x9], $0x1900, $0x38;
	[tilespmem:$0x1FC70] =	vst v63  }
0x8a: {  	_ =	swait.ge [sflag:s30], $0x1900  }
0x8b: {  	[sflag:s30] =	ssyncset.done $0x0  }
0x8c: {  	[sflag:s30] =	ssyncadd.s32 $0xFFFFE700  }
0x8d: {  	[spmem:s25] =	stream.linear.scatter [tilespmem:s29], [sflag:$0x9], $0x1900, $0x38;
	[tilespmem:$0x1FC70] =	vst v63  }
0x8e: {  	_ =	swait.ge [sflag:s30], $0x1900  }
0x8f: {  	[sflag:s30] =	ssyncset.done $0x0  }
0x90: {  	s21 =	rddreg [dreg:$0x13];
	[sflag:s30] =	ssyncadd.s32 $0xFFFFE700  }
0x91: {  	[spmem:s21] =	stream.linear.scatter [tilespmem:s29], [sflag:$0x9], $0x1900, $0x38;
	[tilespmem:$0x1FC70] =	vst v63  }
0x92: {  	_ =	swait.ge [sflag:s30], $0x1900  }
0x93: {  	[sflag:s30] =	ssyncset.done $0x0  }
0x94: {  	s28 =	smov.u32 s22;
	s22 =	rddreg [dreg:$0x14];
	[sflag:s30] =	ssyncadd.s32 $0xFFFFE700  }
0x95: {  	[spmem:s22] =	stream.linear.scatter [tilespmem:s29], [sflag:$0x9], $0x1900, $0x38;
	[tilespmem:$0x1FC70] =	vst v63  }
0x96: {  	_ =	swait.ge [sflag:s30], $0x1900  }
0x97: {  	[sflag:s30] =	ssyncset.done $0x0  }
0x98: {  	s23 =	rddreg [dreg:$0x15];
	[sflag:s30] =	ssyncadd.s32 $0xFFFFE700  }
0x99: {  	[spmem:s23] =	stream.linear.scatter [tilespmem:s29], [sflag:$0x9], $0x1900, $0x38;
	[tilespmem:$0x1FC70] =	vst v63  }
0x9a: {  	_ =	swait.ge [sflag:s30], $0x1900  }
0x9b: {  	[sflag:s30] =	ssyncset.done $0x0  }
0x9c: {  	s19 =	simm.s32 @!p0 $0x12020;
	s20 =	rddreg [dreg:$0x16];
	[sflag:s30] =	ssyncadd.s32 $0xFFFFE700  }
0x9d: {  	[spmem:s20] =	stream.linear.scatter @!p0 [tilespmem:s19], [sflag:$0x9], $0x1900, $0x38;
	[tilespmem:$0x1FC70] =	vst v63  }
0x9e: {  	s19 =	simm.s32 @!p0 $0x9  }
0x9f: {  	_ =	swait.ge @!p0 [sflag:s19], $0x1900  }
0xa0: {  	[sflag:s19] =	ssyncset.done @!p0 $0x0  }
0xa1: {  	s24 =	rddreg [dreg:$0xc];
	[sflag:s19] =	ssyncadd.s32 @!p0 $0xFFFFE700;
	s19 =	simm.s32 $0x0  }
0xa2: {  	[tilespmem:s19], [sflag:$0x9] =	stream.linear.gather [hbm4b:s24+s19], $0x2710, $0x38;
	[tilespmem:$0x1FC70] =	vst v63  }
0xa3: {  	_ =	swait.ge [sflag:s30], $0x2710  }
0xa4: {  	[sflag:s30] =	ssyncset.done $0x0  }
0xa5: {  	s21 =	simm.s32 $0x2710;
	s25 =	rddreg [dreg:$0xd];
	[sflag:s30] =	ssyncadd.s32 $0xFFFFD8F0  }
0xa6: {  	[tilespmem:s21], [sflag:$0x9] =	stream.linear.gather [hbm4b:s25+s19], $0x2710, $0x38;
	[tilespmem:$0x1FC70] =	vst v63  }
0xa7: {  	_ =	swait.ge [sflag:s30], $0x2710  }
0xa8: {  	[sflag:s30] =	ssyncset.done $0x0  }
0xa9: {  	[sflag:s30] =	ssyncadd.s32 $0xFFFFD8F0  }
0xaa: {  	[bflag:$0x0] =	sbarrier.arrive $0xFFFF  }
0xab: {  	[tilespmem:s0], [sflag:$0x1] =	stream.indirect.gather [hbm4b:s2+s1], $0x40, s21, s1, $0xb8;
	[tilespmem:$0x1FC70] =	vst v63  }
.Ltmp3:
0xac: {  	_ = 	snop;
	(pc) =	sbr.rel .LBB2_4-.Ltmp3, $4  }
0xad: {  	_ = 	snop  }
0xae: {  	[tilespmem:s6], [sflag:$0x2] =	stream.indirect.gather [hbm4b:s14+s1], $0x80, s19, s1, $0xb8;
	[tilespmem:$0x1FC70] =	vst v63  }
0xaf: {  	s26 =	rddreg [dreg:$0xe]  }
0xb0: {  	[tilespmem:s7], [sflag:$0x3] =	stream.linear.gather [hbm4b:s26+s19], $0x1400, $0x38;
	[tilespmem:$0x1FC70] =	vst v63  }
.LBB2_10:
0xb1: {  	s19 =	sadd.s32 $0x1, s19  }
0xb2: {  	p1 =	sne.s32 s19, $0x3F  }
.Ltmp4:
0xb3: {  	_ = 	snop;
	(pc) =	sbr.rel @!p1 .LBB2_11-.Ltmp4, $1  }
0xb4: {  	_ =	sdelay $0x3  }
.LBB2_4:
0xb5: {  	s20 =	sshllo.u32 s19, $0x1  }
0xb6: {  	p2 =	sgt.u32 s20, $0x7C  }
0xb7: {  	s21 =	smul.u32 @!p2 $0x50, s20;
	_ =	sdelay $0x1  }
0xb8: {  	s23 =	simm.s32 @!p2 $0x50;
	s24 =	simm.s32 @!p2 $0x9E20;
	s22 =	sadd.s32 @!p2 $0x2710, s21  }
0xb9: {  	[tilespmem:s24], [sflag:$0x4] =	stream.indirect.gather @!p2 [hbm4b:s2+s23], $0x40, s22, s23, $0xb8;
	[tilespmem:$0x1FC70] =	vst v63  }
0xba: {  	s22 =	simm.s32 @!p2 $0xB220;
	s24 =	smul.u32 @!p2 $0x28, s20  }
0xbb: {  	[tilespmem:s22], [sflag:$0x5] =	stream.indirect.gather @!p2 [hbm4b:s14+s23], $0x80, s21, s23, $0xb8;
	[tilespmem:$0x1FC70] =	vst v63  }
0xbc: {  	s21 =	sadd.s32 @!p2 s4, s24  }
0xbd: {  	s21 =	sshll.u32 @!p2 s21, $0x4  }
0xbe: {  	s21 =	sand.u32 @!p2 $0x1FFFFF80, s21  }
0xbf: {  	s22 =	simm.s32 @!p2 $0x0;
	s23 =	simm.s32 @!p2 $0xDA20;
	s21 =	sadd.s32 @!p2 s15, s21  }
0xc0: {  	[tilespmem:s23], [sflag:$0x6] =	stream.linear.gather @!p2 [hbm4b:s21+s22], $0x1400, $0x38;
	[tilespmem:$0x1FC70] =	vst v63  }
0xc1: {  	_ =	swait.ge [sflag:s8], $0x1400  }
0xc2: {  	[sflag:s8] =	ssyncset.done $0x0  }
0xc3: {  	[sflag:s8] =	ssyncadd.s32 $0xFFFFEC00  }
0xc4: {  	_ =	swait.ge [sflag:s9], $0x2800  }
0xc5: {  	[sflag:s9] =	ssyncset.done $0x0  }
0xc6: {  	[sflag:s9] =	ssyncadd.s32 $0xFFFFD800  }
0xc7: {  	_ =	swait.ge [sflag:s10], $0x1400  }
0xc8: {  	p1 =	seq.s32 s19, $0x0;
	[sflag:s10] =	ssyncset.done $0x0  }
0xc9: {  	s22 =	simm.s32 @!p1 $0x7;
	[sflag:s10] =	ssyncadd.s32 $0xFFFFEC00  }
0xca: {  	s25 =	simm.s32 $0x4EA0;
	s26 =	simm.s32 $0x6320;
	_ =	swait.ge @!p1 [sflag:s22], $0x1900  }
0xcb: {  	s24 =	simm.s32 $0x8AA0;
	s21 =	sshll.u32 s19, $0x1;
	[sflag:s22] =	ssyncset.done @!p1 $0x0  }
0xcc: {  	s23 =	simm.s32 $0xEEC0;
	[sflag:s22] =	ssyncadd.s32 @!p1 $0xFFFFE700;
	s22 =	simm.s32 $0xFFFFFFFE  }
.LBB2_5:
0xcd: {  	v6 =	vld [tilespmem:s24+$0xFFFFFF80]  }
0xce: {  	v7 =	vld [tilespmem:s24+$0xFFFFFF90]  }
0xcf: {  	v8 =	vld [tilespmem:s24+$0xFFFFFFA0]  }
0xd0: {  	v9 =	vld [tilespmem:s24+$0xFFFFFFB0]  }
0xd1: {  	v10 =	vld [tilespmem:s25+$0xFFFFFF80]  }
0xd2: {  	v11 =	vld [tilespmem:s26+$0xFFFFFF00]  }
0xd3: {  	v12 =	vld [tilespmem:s26+$0xFFFFFF10]  }
0xd4: {  	v13 =	vld [tilespmem:s25+$0xFFFFFF90]  }
0xd5: {  	v14 =	vld [tilespmem:s26+$0xFFFFFF20]  }
0xd6: {  	v15 =	vld [tilespmem:s25+$0xFFFFFFA0]  }
0xd7: {  	v16 =	vld [tilespmem:s26+$0xFFFFFF30]  }
0xd8: {  	v11 =	vadd.f32 v11, v6;
	v12 =	vadd.f32 v12, v7  }
0xd9: {  	v17 =	vld [tilespmem:s25+$0xFFFFFFB0]  }
0xda: {  	v51 =	vadd.f32 v14, v8;
	v10 =	vmul.f32 v11, v10;
	v50 =	vmul.f32 v12, v13;
	_ =	sdelay $0x1  }
0xdb: {  	v53 =	vadd.f32 v16, v9;
	v52 =	vmul.f32 v51, v15;
	v10 =	vadd.f32 v50, v10;
	_ =	sdelay $0x1  }
0xdc: {  	v54 =	vmul.f32 v53, v17;
	v10 =	vadd.f32 v52, v10;
	_ =	sdelay $0x1  }
0xdd: {  	v10 =	vadd.f32 v54, v10;
	_ =	sdelay $0x1  }
0xde: {  	v11 =	vperm.xlane v10, v1;
	_ =	sdelay $0x1  }
0xdf: {  	v10 =	vadd.f32 v10, v11;
	_ =	sdelay $0x1  }
0xe0: {  	v11 =	vperm.xlane v10, v2;
	_ =	sdelay $0x1  }
0xe1: {  	v10 =	vadd.f32 v10, v11;
	_ =	sdelay $0x1  }
0xe2: {  	v11 =	vperm.xlane v10, v3;
	_ =	sdelay $0x1  }
0xe3: {  	v10 =	vadd.f32 v10, v11;
	_ =	sdelay $0x1  }
0xe4: {  	v11 =	vperm.xlane v10, v4;
	_ =	sdelay $0x1  }
0xe5: {  	v10 =	vadd.f32 v10, v11;
	_ =	sdelay $0x1  }
0xe6: {  	v10 =	vmul.f32 $1.442695020e+00, v10;
	_ =	sdelay $0x1  }
0xe7: {  	(erf) = vpow2.f32 v10;
	_ =	sdelay $0x2  }
0xe8: {  	v55 =	vld [tilespmem:s26+$0xFFFFFF40];
	_ =	sdelay $0x4  }
0xe9: {  	v6 =	vadd.f32 v55, v6  }
0xea: {  	v56 =	vpop (erf)  }
0xeb: {  	v6 =	vmul.f32 v56, v6;
	_ =	sdelay $0x1  }
0xec: {  	[tilespmem:s23+$0xFFFFFF60] =	vst v6  }
0xed: {  	v6 =	vld [tilespmem:s26+$0xFFFFFF50];
	_ =	sdelay $0x4  }
0xee: {  	v6 =	vadd.f32 v6, v7;
	_ =	sdelay $0x1  }
0xef: {  	v6 =	vmul.f32 v56, v6;
	_ =	sdelay $0x1  }
0xf0: {  	[tilespmem:s23+$0xFFFFFF70] =	vst v6  }
0xf1: {  	v6 =	vld [tilespmem:s26+$0xFFFFFF60];
	_ =	sdelay $0x4  }
0xf2: {  	v6 =	vadd.f32 v6, v8;
	_ =	sdelay $0x1  }
0xf3: {  	v6 =	vmul.f32 v6, v56;
	_ =	sdelay $0x1  }
0xf4: {  	[tilespmem:s23+$0xFFFFFF80] =	vst v6  }
0xf5: {  	v6 =	vld [tilespmem:s26+$0xFFFFFF70];
	_ =	sdelay $0x4  }
0xf6: {  	v6 =	vadd.f32 v6, v9  }
0xf7: {  	v7 =	vmul.f32 v5, v56  }
0xf8: {  	v6 =	vmul.f32 v6, v56  }
0xf9: {  	[tilespmem:s23+$0xFFFFFFA0] =	vst v7  }
0xfa: {  	[tilespmem:s23+$0xFFFFFF90] =	vst v6  }
0xfb: {  	v6 =	vld [tilespmem:s24+$0xFFFFFFC0]  }
0xfc: {  	v7 =	vld [tilespmem:s24+$0xFFFFFFD0]  }
0xfd: {  	v57 =	vld [tilespmem:s24+$0xFFFFFFE0]  }
0xfe: {  	v58 =	vld [tilespmem:s24+$0xFFFFFFF0]  }
0xff: {  	v59 =	vld [tilespmem:s25+$0xFFFFFFC0]  }
0x100: {  	v60 =	vld [tilespmem:s26+$0xFFFFFF80]  }
0x101: {  	v61 =	vld [tilespmem:s26+$0xFFFFFF90]  }
0x102: {  	v62 =	vld [tilespmem:s25+$0xFFFFFFD0]  }
0x103: {  	v63 =	vld [tilespmem:s26+$0xFFFFFFA0]  }
0x104: {  	v20 =	vld [tilespmem:s25+$0xFFFFFFE0]  }
0x105: {  	v21 =	vld [tilespmem:s26+$0xFFFFFFB0]  }
0x106: {  	v11 =	vadd.f32 v60, v6;
	v12 =	vadd.f32 v61, v7  }
0x107: {  	v22 =	vld [tilespmem:s25+$0xFFFFFFF0]  }
0x108: {  	v24 =	vadd.f32 v63, v57;
	v10 =	vmul.f32 v11, v59;
	v23 =	vmul.f32 v12, v62;
	_ =	sdelay $0x1  }
0x109: {  	v26 =	vadd.f32 v21, v58;
	v25 =	vmul.f32 v24, v20;
	v10 =	vadd.f32 v23, v10;
	_ =	sdelay $0x1  }
0x10a: {  	v27 =	vmul.f32 v26, v22;
	v10 =	vadd.f32 v25, v10;
	_ =	sdelay $0x1  }
0x10b: {  	v10 =	vadd.f32 v27, v10;
	_ =	sdelay $0x1  }
0x10c: {  	v11 =	vperm.xlane v10, v1;
	_ =	sdelay $0x1  }
0x10d: {  	v10 =	vadd.f32 v10, v11;
	_ =	sdelay $0x1  }
0x10e: {  	v11 =	vperm.xlane v10, v2;
	_ =	sdelay $0x1  }
0x10f: {  	v10 =	vadd.f32 v10, v11;
	_ =	sdelay $0x1  }
0x110: {  	v11 =	vperm.xlane v10, v3;
	_ =	sdelay $0x1  }
0x111: {  	v10 =	vadd.f32 v10, v11;
	_ =	sdelay $0x1  }
0x112: {  	v11 =	vperm.xlane v10, v4;
	_ =	sdelay $0x1  }
0x113: {  	v10 =	vadd.f32 v10, v11;
	_ =	sdelay $0x1  }
0x114: {  	v10 =	vmul.f32 $1.442695020e+00, v10;
	_ =	sdelay $0x1  }
0x115: {  	(erf) = vpow2.f32 v10;
	_ =	sdelay $0x2  }
0x116: {  	v28 =	vld [tilespmem:s26+$0xFFFFFFC0];
	_ =	sdelay $0x4  }
0x117: {  	v6 =	vadd.f32 v28, v6  }
0x118: {  	v29 =	vpop (erf)  }
0x119: {  	v6 =	vmul.f32 v29, v6;
	_ =	sdelay $0x1  }
0x11a: {  	[tilespmem:s23+$0xFFFFFFB0] =	vst v6  }
0x11b: {  	v6 =	vld [tilespmem:s26+$0xFFFFFFD0];
	_ =	sdelay $0x4  }
0x11c: {  	v6 =	vadd.f32 v6, v7;
	_ =	sdelay $0x1  }
0x11d: {  	v6 =	vmul.f32 v29, v6;
	_ =	sdelay $0x1  }
0x11e: {  	[tilespmem:s23+$0xFFFFFFC0] =	vst v6  }
0x11f: {  	v6 =	vld [tilespmem:s26+$0xFFFFFFE0];
	_ =	sdelay $0x4  }
0x120: {  	v6 =	vadd.f32 v6, v57;
	_ =	sdelay $0x1  }
0x121: {  	v6 =	vmul.f32 v6, v29;
	_ =	sdelay $0x1  }
0x122: {  	[tilespmem:s23+$0xFFFFFFD0] =	vst v6  }
0x123: {  	v6 =	vld [tilespmem:s26+$0xFFFFFFF0];
	_ =	sdelay $0x4  }
0x124: {  	v6 =	vadd.f32 v6, v58  }
0x125: {  	v7 =	vmul.f32 v5, v29  }
0x126: {  	v6 =	vmul.f32 v6, v29  }
0x127: {  	[tilespmem:s23+$0xFFFFFFF0] =	vst v7  }
0x128: {  	[tilespmem:s23+$0xFFFFFFE0] =	vst v6  }
0x129: {  	v6 =	vld [tilespmem:s24+$0x0]  }
0x12a: {  	v7 =	vld [tilespmem:s24+$0x10]  }
0x12b: {  	v30 =	vld [tilespmem:s24+$0x20]  }
0x12c: {  	v31 =	vld [tilespmem:s24+$0x30]  }
0x12d: {  	v32 =	vld [tilespmem:s25+$0x0]  }
0x12e: {  	v33 =	vld [tilespmem:s26+$0x0]  }
0x12f: {  	v34 =	vld [tilespmem:s26+$0x10]  }
0x130: {  	v35 =	vld [tilespmem:s25+$0x10]  }
0x131: {  	v36 =	vld [tilespmem:s26+$0x20]  }
0x132: {  	v37 =	vld [tilespmem:s25+$0x20]  }
0x133: {  	v38 =	vld [tilespmem:s26+$0x30]  }
0x134: {  	v11 =	vadd.f32 v33, v6;
	v12 =	vadd.f32 v34, v7  }
0x135: {  	v39 =	vld [tilespmem:s25+$0x30]  }
0x136: {  	v41 =	vadd.f32 v36, v30;
	v10 =	vmul.f32 v11, v32;
	v40 =	vmul.f32 v12, v35;
	_ =	sdelay $0x1  }
0x137: {  	v43 =	vadd.f32 v38, v31;
	v42 =	vmul.f32 v41, v37;
	v10 =	vadd.f32 v40, v10;
	_ =	sdelay $0x1  }
0x138: {  	v44 =	vmul.f32 v43, v39;
	v10 =	vadd.f32 v42, v10;
	_ =	sdelay $0x1  }
0x139: {  	v10 =	vadd.f32 v44, v10;
	_ =	sdelay $0x1  }
0x13a: {  	v11 =	vperm.xlane v10, v1;
	_ =	sdelay $0x1  }
0x13b: {  	v10 =	vadd.f32 v10, v11;
	_ =	sdelay $0x1  }
0x13c: {  	v11 =	vperm.xlane v10, v2;
	_ =	sdelay $0x1  }
0x13d: {  	v10 =	vadd.f32 v10, v11;
	_ =	sdelay $0x1  }
0x13e: {  	v11 =	vperm.xlane v10, v3;
	_ =	sdelay $0x1  }
0x13f: {  	v10 =	vadd.f32 v10, v11;
	_ =	sdelay $0x1  }
0x140: {  	v11 =	vperm.xlane v10, v4;
	_ =	sdelay $0x1  }
0x141: {  	v10 =	vadd.f32 v10, v11;
	_ =	sdelay $0x1  }
0x142: {  	v10 =	vmul.f32 $1.442695020e+00, v10;
	_ =	sdelay $0x1  }
0x143: {  	(erf) = vpow2.f32 v10;
	_ =	sdelay $0x2  }
0x144: {  	v45 =	vld [tilespmem:s26+$0x40];
	_ =	sdelay $0x4  }
0x145: {  	v6 =	vadd.f32 v45, v6  }
0x146: {  	v46 =	vpop (erf)  }
0x147: {  	v6 =	vmul.f32 v46, v6;
	_ =	sdelay $0x1  }
0x148: {  	[tilespmem:s23+$0x0] =	vst v6  }
0x149: {  	v6 =	vld [tilespmem:s26+$0x50];
	_ =	sdelay $0x4  }
0x14a: {  	v6 =	vadd.f32 v6, v7;
	_ =	sdelay $0x1  }
0x14b: {  	v6 =	vmul.f32 v46, v6;
	_ =	sdelay $0x1  }
0x14c: {  	[tilespmem:s23+$0x10] =	vst v6  }
0x14d: {  	v6 =	vld [tilespmem:s26+$0x60];
	_ =	sdelay $0x4  }
0x14e: {  	v6 =	vadd.f32 v6, v30;
	_ =	sdelay $0x1  }
0x14f: {  	v6 =	vmul.f32 v6, v46;
	_ =	sdelay $0x1  }
0x150: {  	[tilespmem:s23+$0x20] =	vst v6  }
0x151: {  	v6 =	vld [tilespmem:s26+$0x70];
	_ =	sdelay $0x4  }
0x152: {  	v6 =	vadd.f32 v6, v31  }
0x153: {  	v7 =	vmul.f32 v5, v46  }
0x154: {  	v6 =	vmul.f32 v6, v46  }
0x155: {  	[tilespmem:s23+$0x40] =	vst v7  }
0x156: {  	[tilespmem:s23+$0x30] =	vst v6  }
0x157: {  	v6 =	vld [tilespmem:s24+$0x40]  }
0x158: {  	v7 =	vld [tilespmem:s24+$0x50]  }
0x159: {  	v47 =	vld [tilespmem:s24+$0x60]  }
0x15a: {  	v48 =	vld [tilespmem:s24+$0x70]  }
0x15b: {  	v49 =	vld [tilespmem:s25+$0x40]  }
0x15c: {  	v50 =	vld [tilespmem:s26+$0x80]  }
0x15d: {  	v51 =	vld [tilespmem:s26+$0x90]  }
0x15e: {  	v52 =	vld [tilespmem:s25+$0x50]  }
0x15f: {  	v53 =	vld [tilespmem:s26+$0xA0]  }
0x160: {  	v54 =	vld [tilespmem:s25+$0x60]  }
0x161: {  	v55 =	vld [tilespmem:s26+$0xB0]  }
0x162: {  	v11 =	vadd.f32 v50, v6;
	v12 =	vadd.f32 v51, v7  }
0x163: {  	v56 =	vld [tilespmem:s25+$0x70]  }
0x164: {  	v58 =	vadd.f32 v53, v47;
	v10 =	vmul.f32 v11, v49;
	v57 =	vmul.f32 v12, v52;
	_ =	sdelay $0x1  }
0x165: {  	v60 =	vadd.f32 v55, v48;
	v59 =	vmul.f32 v58, v54;
	v10 =	vadd.f32 v57, v10;
	_ =	sdelay $0x1  }
0x166: {  	v61 =	vmul.f32 v60, v56;
	v10 =	vadd.f32 v59, v10;
	_ =	sdelay $0x1  }
0x167: {  	v10 =	vadd.f32 v61, v10;
	_ =	sdelay $0x1  }
0x168: {  	v11 =	vperm.xlane v10, v1;
	_ =	sdelay $0x1  }
0x169: {  	v10 =	vadd.f32 v10, v11;
	_ =	sdelay $0x1  }
0x16a: {  	v11 =	vperm.xlane v10, v2;
	_ =	sdelay $0x1  }
0x16b: {  	v10 =	vadd.f32 v10, v11;
	_ =	sdelay $0x1  }
0x16c: {  	v11 =	vperm.xlane v10, v3;
	_ =	sdelay $0x1  }
0x16d: {  	v10 =	vadd.f32 v10, v11;
	_ =	sdelay $0x1  }
0x16e: {  	v11 =	vperm.xlane v10, v4;
	_ =	sdelay $0x1  }
0x16f: {  	v10 =	vadd.f32 v10, v11;
	_ =	sdelay $0x1  }
0x170: {  	v10 =	vmul.f32 $1.442695020e+00, v10;
	_ =	sdelay $0x1  }
0x171: {  	(erf) = vpow2.f32 v10;
	_ =	sdelay $0x2  }
0x172: {  	v62 =	vld [tilespmem:s26+$0xC0];
	_ =	sdelay $0x4  }
0x173: {  	v6 =	vadd.f32 v62, v6  }
0x174: {  	v63 =	vpop (erf)  }
0x175: {  	v6 =	vmul.f32 v63, v6;
	_ =	sdelay $0x1  }
0x176: {  	[tilespmem:s23+$0x50] =	vst v6  }
0x177: {  	v6 =	vld [tilespmem:s26+$0xD0];
	_ =	sdelay $0x4  }
0x178: {  	v6 =	vadd.f32 v6, v7;
	_ =	sdelay $0x1  }
0x179: {  	v6 =	vmul.f32 v63, v6;
	_ =	sdelay $0x1  }
0x17a: {  	[tilespmem:s23+$0x60] =	vst v6  }
0x17b: {  	v6 =	vld [tilespmem:s26+$0xE0];
	_ =	sdelay $0x4  }
0x17c: {  	v6 =	vadd.f32 v6, v47;
	_ =	sdelay $0x1  }
0x17d: {  	v6 =	vmul.f32 v6, v63;
	_ =	sdelay $0x1  }
0x17e: {  	[tilespmem:s23+$0x70] =	vst v6  }
0x17f: {  	v6 =	vld [tilespmem:s26+$0xF0];
	_ =	sdelay $0x2  }
0x180: {  	s22 =	sadd.s32 $0x2, s22  }
0x181: {  	p3 =	slt.u32 s22, $0x26  }
.Ltmp5:
0x182: {  	v6 =	vadd.f32 v6, v48;
	(pc) =	sbr.rel @p3 .LBB2_5-.Ltmp5, $4  }
0x183: {  	v7 =	vmul.f32 v5, v63  }
0x184: {  	v6 =	vmul.f32 v6, v63  }
0x185: {  	s24 =	sadd.s32 $0x100, s24;
	[tilespmem:s23+$0x90] =	vst v7  }
0x186: {  	s25 =	sadd.s32 $0x100, s25;
	s26 =	sadd.s32 $0x200, s26;
	[tilespmem:s23+$0x80] =	vst v6;
	s23 =	sadd.s32 $0x140, s23  }
0x187: {  	s22 =	smul.u32 $0x280, s19  }
.Ltmp6:
0x188: {  	_ = 	snop;
	(pc) =	sbr.rel @p2 .LBB2_10-.Ltmp6, $4  }
0x189: {  	_ = 	snop  }
0x18a: {  	s22 =	sshra.s32 s22, $0x2  }
0x18b: {  	s22 =	sadd.s32 $0x2710, s22  }
0x18c: {  	[spmem:s3] =	stream.indirect.scatter.add.f32 [tilespmem:s11], [sflag:$0x7], $0x50, s22, s1, $0xb8;
	[tilespmem:$0x1FC70] =	vst v63  }
0x18d: {  	s21 =	sadd.s32 $0x2, s21  }
0x18e: {  	s22 =	smul.u32 $0x50, s21  }
0x18f: {  	s21 =	smul.u32 $0x28, s21;
	_ =	sdelay $0x1  }
0x190: {  	s23 =	sadd.s32 $0x2710, s22;
	s21 =	sadd.s32 s4, s21  }
0x191: {  	[tilespmem:s0], [sflag:$0x1] =	stream.indirect.gather [hbm4b:s2+s1], $0x40, s23, s1, $0xb8;
	[tilespmem:$0x1FC70] =	vst v63  }
0x192: {  	s21 =	sshll.u32 s21, $0x4  }
0x193: {  	s21 =	sand.u32 $0x1FFFFF80, s21  }
0x194: {  	[tilespmem:s6], [sflag:$0x2] =	stream.indirect.gather [hbm4b:s14+s1], $0x80, s22, s1, $0xb8;
	[tilespmem:$0x1FC70] =	vst v63  }
0x195: {  	s21 =	sadd.s32 s15, s21  }
0x196: {  	[tilespmem:s7], [sflag:$0x3] =	stream.linear.gather [hbm4b:s21+s5], $0x1400, $0x38;
	[tilespmem:$0x1FC70] =	vst v63  }
0x197: {  	_ =	swait.ge [sflag:s12], $0x1400  }
0x198: {  	[sflag:s12] =	ssyncset.done $0x0  }
0x199: {  	[sflag:s12] =	ssyncadd.s32 $0xFFFFEC00  }
0x19a: {  	_ =	swait.ge [sflag:s13], $0x2800  }
0x19b: {  	[sflag:s13] =	ssyncset.done $0x0  }
0x19c: {  	[sflag:s13] =	ssyncadd.s32 $0xFFFFD800  }
0x19d: {  	_ =	swait.ge [sflag:s16], $0x1400  }
0x19e: {  	[sflag:s16] =	ssyncset.done $0x0  }
0x19f: {  	s21 =	simm.s32 @!p1 $0x8;
	[sflag:s16] =	ssyncadd.s32 $0xFFFFEC00  }
0x1a0: {  	s24 =	simm.s32 $0x9EA0;
	_ =	swait.ge @!p1 [sflag:s21], $0x1900  }
0x1a1: {  	s25 =	simm.s32 $0xB320;
	s23 =	simm.s32 $0xDAA0;
	[sflag:s21] =	ssyncset.done @!p1 $0x0  }
0x1a2: {  	s22 =	simm.s32 $0x107C0;
	[sflag:s21] =	ssyncadd.s32 @!p1 $0xFFFFE700;
	s21 =	simm.s32 $0xFFFFFFFE  }
.LBB2_8:
0x1a3: {  	v6 =	vld [tilespmem:s23+$0xFFFFFF80]  }
0x1a4: {  	v7 =	vld [tilespmem:s23+$0xFFFFFF90]  }
0x1a5: {  	v8 =	vld [tilespmem:s23+$0xFFFFFFA0]  }
0x1a6: {  	v9 =	vld [tilespmem:s23+$0xFFFFFFB0]  }
0x1a7: {  	v10 =	vld [tilespmem:s24+$0xFFFFFF80]  }
0x1a8: {  	v11 =	vld [tilespmem:s25+$0xFFFFFF00]  }
0x1a9: {  	v12 =	vld [tilespmem:s25+$0xFFFFFF10]  }
0x1aa: {  	v13 =	vld [tilespmem:s24+$0xFFFFFF90]  }
0x1ab: {  	v14 =	vld [tilespmem:s25+$0xFFFFFF20]  }
0x1ac: {  	v15 =	vld [tilespmem:s24+$0xFFFFFFA0]  }
0x1ad: {  	v16 =	vld [tilespmem:s25+$0xFFFFFF30]  }
0x1ae: {  	v11 =	vadd.f32 v11, v6;
	v12 =	vadd.f32 v12, v7  }
0x1af: {  	v17 =	vld [tilespmem:s24+$0xFFFFFFB0]  }
0x1b0: {  	v51 =	vadd.f32 v14, v8;
	v10 =	vmul.f32 v11, v10;
	v50 =	vmul.f32 v12, v13;
	_ =	sdelay $0x1  }
0x1b1: {  	v53 =	vadd.f32 v16, v9;
	v52 =	vmul.f32 v51, v15;
	v10 =	vadd.f32 v50, v10;
	_ =	sdelay $0x1  }
0x1b2: {  	v54 =	vmul.f32 v53, v17;
	v10 =	vadd.f32 v52, v10;
	_ =	sdelay $0x1  }
0x1b3: {  	v10 =	vadd.f32 v54, v10;
	_ =	sdelay $0x1  }
0x1b4: {  	v11 =	vperm.xlane v10, v1;
	_ =	sdelay $0x1  }
0x1b5: {  	v10 =	vadd.f32 v10, v11;
	_ =	sdelay $0x1  }
0x1b6: {  	v11 =	vperm.xlane v10, v2;
	_ =	sdelay $0x1  }
0x1b7: {  	v10 =	vadd.f32 v10, v11;
	_ =	sdelay $0x1  }
0x1b8: {  	v11 =	vperm.xlane v10, v3;
	_ =	sdelay $0x1  }
0x1b9: {  	v10 =	vadd.f32 v10, v11;
	_ =	sdelay $0x1  }
0x1ba: {  	v11 =	vperm.xlane v10, v4;
	_ =	sdelay $0x1  }
0x1bb: {  	v10 =	vadd.f32 v10, v11;
	_ =	sdelay $0x1  }
0x1bc: {  	v10 =	vmul.f32 $1.442695020e+00, v10;
	_ =	sdelay $0x1  }
0x1bd: {  	(erf) = vpow2.f32 v10;
	_ =	sdelay $0x2  }
0x1be: {  	v55 =	vld [tilespmem:s25+$0xFFFFFF40];
	_ =	sdelay $0x4  }
0x1bf: {  	v6 =	vadd.f32 v55, v6  }
0x1c0: {  	v56 =	vpop (erf)  }
0x1c1: {  	v6 =	vmul.f32 v56, v6;
	_ =	sdelay $0x1  }
0x1c2: {  	[tilespmem:s22+$0xFFFFFF60] =	vst v6  }
0x1c3: {  	v6 =	vld [tilespmem:s25+$0xFFFFFF50];
	_ =	sdelay $0x4  }
0x1c4: {  	v6 =	vadd.f32 v6, v7;
	_ =	sdelay $0x1  }
0x1c5: {  	v6 =	vmul.f32 v56, v6;
	_ =	sdelay $0x1  }
0x1c6: {  	[tilespmem:s22+$0xFFFFFF70] =	vst v6  }
0x1c7: {  	v6 =	vld [tilespmem:s25+$0xFFFFFF60];
	_ =	sdelay $0x4  }
0x1c8: {  	v6 =	vadd.f32 v6, v8;
	_ =	sdelay $0x1  }
0x1c9: {  	v6 =	vmul.f32 v6, v56;
	_ =	sdelay $0x1  }
0x1ca: {  	[tilespmem:s22+$0xFFFFFF80] =	vst v6  }
0x1cb: {  	v6 =	vld [tilespmem:s25+$0xFFFFFF70];
	_ =	sdelay $0x4  }
0x1cc: {  	v6 =	vadd.f32 v6, v9  }
0x1cd: {  	v7 =	vmul.f32 v5, v56  }
0x1ce: {  	v6 =	vmul.f32 v6, v56  }
0x1cf: {  	[tilespmem:s22+$0xFFFFFFA0] =	vst v7  }
0x1d0: {  	[tilespmem:s22+$0xFFFFFF90] =	vst v6  }
0x1d1: {  	v6 =	vld [tilespmem:s23+$0xFFFFFFC0]  }
0x1d2: {  	v7 =	vld [tilespmem:s23+$0xFFFFFFD0]  }
0x1d3: {  	v57 =	vld [tilespmem:s23+$0xFFFFFFE0]  }
0x1d4: {  	v58 =	vld [tilespmem:s23+$0xFFFFFFF0]  }
0x1d5: {  	v59 =	vld [tilespmem:s24+$0xFFFFFFC0]  }
0x1d6: {  	v60 =	vld [tilespmem:s25+$0xFFFFFF80]  }
0x1d7: {  	v61 =	vld [tilespmem:s25+$0xFFFFFF90]  }
0x1d8: {  	v62 =	vld [tilespmem:s24+$0xFFFFFFD0]  }
0x1d9: {  	v63 =	vld [tilespmem:s25+$0xFFFFFFA0]  }
0x1da: {  	v20 =	vld [tilespmem:s24+$0xFFFFFFE0]  }
0x1db: {  	v21 =	vld [tilespmem:s25+$0xFFFFFFB0]  }
0x1dc: {  	v11 =	vadd.f32 v60, v6;
	v12 =	vadd.f32 v61, v7  }
0x1dd: {  	v22 =	vld [tilespmem:s24+$0xFFFFFFF0]  }
0x1de: {  	v24 =	vadd.f32 v63, v57;
	v10 =	vmul.f32 v11, v59;
	v23 =	vmul.f32 v12, v62;
	_ =	sdelay $0x1  }
0x1df: {  	v26 =	vadd.f32 v21, v58;
	v25 =	vmul.f32 v24, v20;
	v10 =	vadd.f32 v23, v10;
	_ =	sdelay $0x1  }
0x1e0: {  	v27 =	vmul.f32 v26, v22;
	v10 =	vadd.f32 v25, v10;
	_ =	sdelay $0x1  }
0x1e1: {  	v10 =	vadd.f32 v27, v10;
	_ =	sdelay $0x1  }
0x1e2: {  	v11 =	vperm.xlane v10, v1;
	_ =	sdelay $0x1  }
0x1e3: {  	v10 =	vadd.f32 v10, v11;
	_ =	sdelay $0x1  }
0x1e4: {  	v11 =	vperm.xlane v10, v2;
	_ =	sdelay $0x1  }
0x1e5: {  	v10 =	vadd.f32 v10, v11;
	_ =	sdelay $0x1  }
0x1e6: {  	v11 =	vperm.xlane v10, v3;
	_ =	sdelay $0x1  }
0x1e7: {  	v10 =	vadd.f32 v10, v11;
	_ =	sdelay $0x1  }
0x1e8: {  	v11 =	vperm.xlane v10, v4;
	_ =	sdelay $0x1  }
0x1e9: {  	v10 =	vadd.f32 v10, v11;
	_ =	sdelay $0x1  }
0x1ea: {  	v10 =	vmul.f32 $1.442695020e+00, v10;
	_ =	sdelay $0x1  }
0x1eb: {  	(erf) = vpow2.f32 v10;
	_ =	sdelay $0x2  }
0x1ec: {  	v28 =	vld [tilespmem:s25+$0xFFFFFFC0];
	_ =	sdelay $0x4  }
0x1ed: {  	v6 =	vadd.f32 v28, v6  }
0x1ee: {  	v29 =	vpop (erf)  }
0x1ef: {  	v6 =	vmul.f32 v29, v6;
	_ =	sdelay $0x1  }
0x1f0: {  	[tilespmem:s22+$0xFFFFFFB0] =	vst v6  }
0x1f1: {  	v6 =	vld [tilespmem:s25+$0xFFFFFFD0];
	_ =	sdelay $0x4  }
0x1f2: {  	v6 =	vadd.f32 v6, v7;
	_ =	sdelay $0x1  }
0x1f3: {  	v6 =	vmul.f32 v29, v6;
	_ =	sdelay $0x1  }
0x1f4: {  	[tilespmem:s22+$0xFFFFFFC0] =	vst v6  }
0x1f5: {  	v6 =	vld [tilespmem:s25+$0xFFFFFFE0];
	_ =	sdelay $0x4  }
0x1f6: {  	v6 =	vadd.f32 v6, v57;
	_ =	sdelay $0x1  }
0x1f7: {  	v6 =	vmul.f32 v6, v29;
	_ =	sdelay $0x1  }
0x1f8: {  	[tilespmem:s22+$0xFFFFFFD0] =	vst v6  }
0x1f9: {  	v6 =	vld [tilespmem:s25+$0xFFFFFFF0];
	_ =	sdelay $0x4  }
0x1fa: {  	v6 =	vadd.f32 v6, v58  }
0x1fb: {  	v7 =	vmul.f32 v5, v29  }
0x1fc: {  	v6 =	vmul.f32 v6, v29  }
0x1fd: {  	[tilespmem:s22+$0xFFFFFFF0] =	vst v7  }
0x1fe: {  	[tilespmem:s22+$0xFFFFFFE0] =	vst v6  }
0x1ff: {  	v6 =	vld [tilespmem:s23+$0x0]  }
0x200: {  	v7 =	vld [tilespmem:s23+$0x10]  }
0x201: {  	v30 =	vld [tilespmem:s23+$0x20]  }
0x202: {  	v31 =	vld [tilespmem:s23+$0x30]  }
0x203: {  	v32 =	vld [tilespmem:s24+$0x0]  }
0x204: {  	v33 =	vld [tilespmem:s25+$0x0]  }
0x205: {  	v34 =	vld [tilespmem:s25+$0x10]  }
0x206: {  	v35 =	vld [tilespmem:s24+$0x10]  }
0x207: {  	v36 =	vld [tilespmem:s25+$0x20]  }
0x208: {  	v37 =	vld [tilespmem:s24+$0x20]  }
0x209: {  	v38 =	vld [tilespmem:s25+$0x30]  }
0x20a: {  	v11 =	vadd.f32 v33, v6;
	v12 =	vadd.f32 v34, v7  }
0x20b: {  	v39 =	vld [tilespmem:s24+$0x30]  }
0x20c: {  	v41 =	vadd.f32 v36, v30;
	v10 =	vmul.f32 v11, v32;
	v40 =	vmul.f32 v12, v35;
	_ =	sdelay $0x1  }
0x20d: {  	v43 =	vadd.f32 v38, v31;
	v42 =	vmul.f32 v41, v37;
	v10 =	vadd.f32 v40, v10;
	_ =	sdelay $0x1  }
0x20e: {  	v44 =	vmul.f32 v43, v39;
	v10 =	vadd.f32 v42, v10;
	_ =	sdelay $0x1  }
0x20f: {  	v10 =	vadd.f32 v44, v10;
	_ =	sdelay $0x1  }
0x210: {  	v11 =	vperm.xlane v10, v1;
	_ =	sdelay $0x1  }
0x211: {  	v10 =	vadd.f32 v10, v11;
	_ =	sdelay $0x1  }
0x212: {  	v11 =	vperm.xlane v10, v2;
	_ =	sdelay $0x1  }
0x213: {  	v10 =	vadd.f32 v10, v11;
	_ =	sdelay $0x1  }
0x214: {  	v11 =	vperm.xlane v10, v3;
	_ =	sdelay $0x1  }
0x215: {  	v10 =	vadd.f32 v10, v11;
	_ =	sdelay $0x1  }
0x216: {  	v11 =	vperm.xlane v10, v4;
	_ =	sdelay $0x1  }
0x217: {  	v10 =	vadd.f32 v10, v11;
	_ =	sdelay $0x1  }
0x218: {  	v10 =	vmul.f32 $1.442695020e+00, v10;
	_ =	sdelay $0x1  }
0x219: {  	(erf) = vpow2.f32 v10;
	_ =	sdelay $0x2  }
0x21a: {  	v45 =	vld [tilespmem:s25+$0x40];
	_ =	sdelay $0x4  }
0x21b: {  	v6 =	vadd.f32 v45, v6  }
0x21c: {  	v46 =	vpop (erf)  }
0x21d: {  	v6 =	vmul.f32 v46, v6;
	_ =	sdelay $0x1  }
0x21e: {  	[tilespmem:s22+$0x0] =	vst v6  }
0x21f: {  	v6 =	vld [tilespmem:s25+$0x50];
	_ =	sdelay $0x4  }
0x220: {  	v6 =	vadd.f32 v6, v7;
	_ =	sdelay $0x1  }
0x221: {  	v6 =	vmul.f32 v46, v6;
	_ =	sdelay $0x1  }
0x222: {  	[tilespmem:s22+$0x10] =	vst v6  }
0x223: {  	v6 =	vld [tilespmem:s25+$0x60];
	_ =	sdelay $0x4  }
0x224: {  	v6 =	vadd.f32 v6, v30;
	_ =	sdelay $0x1  }
0x225: {  	v6 =	vmul.f32 v6, v46;
	_ =	sdelay $0x1  }
0x226: {  	[tilespmem:s22+$0x20] =	vst v6  }
0x227: {  	v6 =	vld [tilespmem:s25+$0x70];
	_ =	sdelay $0x4  }
0x228: {  	v6 =	vadd.f32 v6, v31  }
0x229: {  	v7 =	vmul.f32 v5, v46  }
0x22a: {  	v6 =	vmul.f32 v6, v46  }
0x22b: {  	[tilespmem:s22+$0x40] =	vst v7  }
0x22c: {  	[tilespmem:s22+$0x30] =	vst v6  }
0x22d: {  	v6 =	vld [tilespmem:s23+$0x40]  }
0x22e: {  	v7 =	vld [tilespmem:s23+$0x50]  }
0x22f: {  	v47 =	vld [tilespmem:s23+$0x60]  }
0x230: {  	v48 =	vld [tilespmem:s23+$0x70]  }
0x231: {  	v49 =	vld [tilespmem:s24+$0x40]  }
0x232: {  	v50 =	vld [tilespmem:s25+$0x80]  }
0x233: {  	v51 =	vld [tilespmem:s25+$0x90]  }
0x234: {  	v52 =	vld [tilespmem:s24+$0x50]  }
0x235: {  	v53 =	vld [tilespmem:s25+$0xA0]  }
0x236: {  	v54 =	vld [tilespmem:s24+$0x60]  }
0x237: {  	v55 =	vld [tilespmem:s25+$0xB0]  }
0x238: {  	v11 =	vadd.f32 v50, v6;
	v12 =	vadd.f32 v51, v7  }
0x239: {  	v56 =	vld [tilespmem:s24+$0x70]  }
0x23a: {  	v58 =	vadd.f32 v53, v47;
	v10 =	vmul.f32 v11, v49;
	v57 =	vmul.f32 v12, v52;
	_ =	sdelay $0x1  }
0x23b: {  	v60 =	vadd.f32 v55, v48;
	v59 =	vmul.f32 v58, v54;
	v10 =	vadd.f32 v57, v10;
	_ =	sdelay $0x1  }
0x23c: {  	v61 =	vmul.f32 v60, v56;
	v10 =	vadd.f32 v59, v10;
	_ =	sdelay $0x1  }
0x23d: {  	v10 =	vadd.f32 v61, v10;
	_ =	sdelay $0x1  }
0x23e: {  	v11 =	vperm.xlane v10, v1;
	_ =	sdelay $0x1  }
0x23f: {  	v10 =	vadd.f32 v10, v11;
	_ =	sdelay $0x1  }
0x240: {  	v11 =	vperm.xlane v10, v2;
	_ =	sdelay $0x1  }
0x241: {  	v10 =	vadd.f32 v10, v11;
	_ =	sdelay $0x1  }
0x242: {  	v11 =	vperm.xlane v10, v3;
	_ =	sdelay $0x1  }
0x243: {  	v10 =	vadd.f32 v10, v11;
	_ =	sdelay $0x1  }
0x244: {  	v11 =	vperm.xlane v10, v4;
	_ =	sdelay $0x1  }
0x245: {  	v10 =	vadd.f32 v10, v11;
	_ =	sdelay $0x1  }
0x246: {  	v10 =	vmul.f32 $1.442695020e+00, v10;
	_ =	sdelay $0x1  }
0x247: {  	(erf) = vpow2.f32 v10;
	_ =	sdelay $0x2  }
0x248: {  	v62 =	vld [tilespmem:s25+$0xC0];
	_ =	sdelay $0x4  }
0x249: {  	v6 =	vadd.f32 v62, v6  }
0x24a: {  	v63 =	vpop (erf)  }
0x24b: {  	v6 =	vmul.f32 v63, v6;
	_ =	sdelay $0x1  }
0x24c: {  	[tilespmem:s22+$0x50] =	vst v6  }
0x24d: {  	v6 =	vld [tilespmem:s25+$0xD0];
	_ =	sdelay $0x4  }
0x24e: {  	v6 =	vadd.f32 v6, v7;
	_ =	sdelay $0x1  }
0x24f: {  	v6 =	vmul.f32 v63, v6;
	_ =	sdelay $0x1  }
0x250: {  	[tilespmem:s22+$0x60] =	vst v6  }
0x251: {  	v6 =	vld [tilespmem:s25+$0xE0];
	_ =	sdelay $0x4  }
0x252: {  	v6 =	vadd.f32 v6, v47;
	_ =	sdelay $0x1  }
0x253: {  	v6 =	vmul.f32 v6, v63;
	_ =	sdelay $0x1  }
0x254: {  	[tilespmem:s22+$0x70] =	vst v6  }
0x255: {  	v6 =	vld [tilespmem:s25+$0xF0];
	_ =	sdelay $0x2  }
0x256: {  	s21 =	sadd.s32 $0x2, s21  }
0x257: {  	p1 =	slt.u32 s21, $0x26  }
.Ltmp7:
0x258: {  	v6 =	vadd.f32 v6, v48;
	(pc) =	sbr.rel @p1 .LBB2_8-.Ltmp7, $4  }
0x259: {  	v7 =	vmul.f32 v5, v63  }
0x25a: {  	v6 =	vmul.f32 v6, v63  }
0x25b: {  	s23 =	sadd.s32 $0x100, s23;
	[tilespmem:s22+$0x90] =	vst v7  }
0x25c: {  	s24 =	sadd.s32 $0x100, s24;
	s25 =	sadd.s32 $0x200, s25;
	[tilespmem:s22+$0x80] =	vst v6;
	s22 =	sadd.s32 $0x140, s22  }
0x25d: {  	s20 =	smul.u32 $0x140, s20  }
.Ltmp8:
0x25e: {  	_ = 	snop;
	(pc) =	sbr.rel .LBB2_10-.Ltmp8, $4  }
0x25f: {  	_ = 	snop  }
0x260: {  	s20 =	sshra.s32 s20, $0x2  }
0x261: {  	s20 =	sadd.s32 $0x2710, s20  }
0x262: {  	[spmem:s3] =	stream.indirect.scatter.add.f32 [tilespmem:s17], [sflag:$0x8], $0x50, s20, s1, $0xb8;
	[tilespmem:$0x1FC70] =	vst v63  }
.LBB2_12:
0x263: {  	_ =	sfence.sel $0x180000  }
0x264: {  	[bflag:$0x0] =	sbarrier.arrive $0xFFFF  }
0x265: {  	_ =	strace $0x90000047  }
0x266: {  	s0 =	stileid.u32;
	[bflag:$0x2] =	sbarrier.arrive $0xFFFF  }
0x267: {  	p0 =	sne.s32 s0, $0x0;
	s0 =	rddreg [dreg:$0x3]  }
0x268: {  	s0 =	sadd.s32 @!p0 $0x100000, s0  }
0x269: {  	[sflag:s0] =	ssyncadd.tile.s32 @!p0 $0x1;
	_ =	shalt  }
.Lfunc_end2:
_tile_overlayer_lowered:
.L_overlay_start_2:
0x26a: {  	(tag) =	ssettag $0x2  }
0x26b: {  	s0 =	rddreg [dreg:$0x0];
	s2 =	stileid.u32  }
0x26c: {  	s1 =	rddreg [dreg:$0x1];
	p0 =	sne.s32 s2, $0x0  }
0x26d: {  	s3 =	rddreg [dreg:$0x2];
	[bflag:$0x3] =	sbarrier.arrive $0xFFFF;
	s2 =	simm.s32 @!p0 $0x1C09  }
0x26e: {  	[timem:s3], [sflag:s2] =	dma.local @!p0 [hbm:s0], s1  }
0x26f: {  	s0 =	simm.s32 @!p0 $0x9  }
0x270: {  	_ =	swait.ge @!p0 [sflag:s0], s1  }
0x271: {  	s1 =	ssub.s32 @!p0 $0x0, s1;
	[sflag:s0] =	ssyncset.done @!p0 $0x0  }
0x272: {  	[sflag:s0] =	ssyncadd.s32 @!p0 s1  }
0x273: {  	[bflag:$0x3] =	sbarrier.arrive $0xFFFF  }
0x274: {  	_ =	shalt  }

</sc_bundles>
